<compile_context>
chip_gen: v7x
topology: tpu7x:2x2x1
jax: 0.10.2.dev20260603
libtpu: 0.0.44.dev20260713+nightly
codegen_flags: <defaults>
</compile_context>

<pallas_src>
import functools

import jax
import jax.numpy as jnp
from jax import lax
from jax.experimental import pallas as pl
from jax.experimental.pallas import tpu as pltpu
from jax.experimental.pallas import tpu_sc as plsc

_NC = 2
_NS = 16
_NW = _NC * _NS
_L = 16

_B = 16384
_D = 64
_SUP = 256
_NBLK = 3906
_TAIL_OFF = 999936
_RPT = 123
_NVEC = _B // _L
_K = 8
_ORING = 32
_PSH = 14


@functools.partial(
    pl.kernel,
    out_type=jax.ShapeDtypeStruct((_B, _D), jnp.float32),
    mesh=plsc.VectorSubcoreMesh(core_axis_name="c", subcore_axis_name="s"),
    scratch_types=[
        pltpu.VMEM((_B + _L,), jnp.int32),
        pltpu.VMEM((_B + _L,), jnp.int32),
        pltpu.VMEM((5, _D, _SUP), jnp.float32),
        pltpu.VMEM((_D, 128), jnp.float32),
        pltpu.VMEM((_ORING, _D), jnp.float32),
        pltpu.VMEM((_L,), jnp.int32),
        pltpu.VMEM((_L,), jnp.int32),
        pltpu.SemaphoreType.DMA,
        pltpu.SemaphoreType.DMA,
        pltpu.SemaphoreType.DMA,
        pltpu.SemaphoreType.DMA,
        pltpu.SemaphoreType.DMA,
        pltpu.SemaphoreType.DMA,
    ],
    compiler_params=pltpu.CompilerParams(needs_layout_passes=False),
)
def _embed_lookup(labels_hbm, table_t_hbm, out_hbm, lab_v, pk1_v,
                  blk_v, tail_v, outb_v, ocnt_v, starts_v,
                  sem0, sem1, sem2, sem3, sem4, sem_o):
    bsems = (sem0, sem1, sem2, sem3, sem4)
    wid = lax.axis_index("s") * _NC + lax.axis_index("c")
    lanes = lax.broadcasted_iota(jnp.int32, (_L,), 0)
    zeros = jnp.zeros((_L,), jnp.int32)
    lane0 = lanes == 0
    rows = [lanes + q * _L for q in range(_D // _L)]

    ocnt_v[pl.ds(0, _L)] = zeros
    starts_v[pl.ds(0, _L)] = zeros
    pltpu.sync_copy(labels_hbm, lab_v.at[pl.ds(0, _B)])

    start = wid * _RPT
    base_row = start * _SUP

    wid_v = jnp.full((_L,), wid, jnp.int32)

    def dist_body(v, off):
        vec0 = lab_v[pl.ds(v * 2 * _L, _L)]
        vec1 = lab_v[pl.ds((v * 2 + 1) * _L, _L)]
        m0 = vec0 // (_SUP * _RPT) == wid_v
        m1 = vec1 // (_SUP * _RPT) == wid_v
        p0 = ((vec0 - base_row) << _PSH) | (lanes + v * 2 * _L)
        p1 = ((vec1 - base_row) << _PSH) | (lanes + (v * 2 + 1) * _L)
        c0 = plsc.all_reduce_population_count(m0)[0]
        c1 = plsc.all_reduce_population_count(m1)[0]
        plsc.store_compressed(pk1_v.at[pl.ds(off, _L)], p0, mask=m0)
        plsc.store_compressed(pk1_v.at[pl.ds(off + c0, _L)], p1, mask=m1)
        return off + c0 + c1

    n_mine = lax.fori_loop(0, _NVEC // 2, dist_body, 0)
    nvec_mine = (n_mine + _L - 1) // _L
    n_mine_v = jnp.full((_L,), n_mine, jnp.int32)

    def part_one(s):
        s_v = jnp.full((_L,), s, jnp.int32)

        def body(v, off):
            pv = pk1_v[pl.ds(v * _L, _L)]
            valid = (lanes + v * _L) < n_mine_v
            m = ((pv >> (_PSH + 12)) == s_v) & valid
            plsc.store_compressed(lab_v.at[pl.ds(off, _L)], pv, mask=m)
            return off + plsc.all_reduce_population_count(m)[0]

        return body

    off2 = 0
    for s in range(_K):
        off2 = lax.fori_loop(0, nvec_mine, part_one(s), off2)
        plsc.store_scatter(
            starts_v, [jnp.full((_L,), s + 1, jnp.int32)],
            jnp.full((_L,), off2, jnp.int32), mask=lane0)

    def drain_one():
        pltpu.make_async_copy(
            out_hbm.at[pl.ds(0, 1), :], outb_v.at[pl.ds(0, 1), :], sem_o
        ).wait()

    def process_hits(bb, block):
        s = bb // 16
        st = plsc.load_gather(starts_v, [jnp.full((_L,), s, jnp.int32)])
        en = plsc.load_gather(starts_v, [jnp.full((_L,), s + 1, jnp.int32)])
        bb_v = jnp.full((_L,), bb, jnp.int32)

        def scan_list(v, carry):
            pv = lab_v[pl.ds(v * _L, _L)]
            gidx = lanes + v * _L
            valid = (gidx >= st) & (gidx < en)
            hm = ((pv >> (_PSH + 8)) == bb_v) & valid
            nh = plsc.all_reduce_population_count(hm)[0]

            def hit_body(j, hm):
                l_v = plsc.all_reduce_ffs(hm)
                l_v = jnp.broadcast_to(l_v, (_L,)).astype(jnp.int32)
                pk = plsc.load_gather(lab_v, [l_v + v * _L])
                lane_v = (pk >> _PSH) & (_SUP - 1)
                pos = (pk & ((1 << _PSH) - 1))[0]
                no = plsc.load_gather(ocnt_v, [zeros])[0]

                @pl.when(no >= _ORING)
                def _():
                    drain_one()

                slot = no % _ORING
                for q in range(_D // _L):
                    vals = plsc.load_gather(block, [rows[q], lane_v])
                    outb_v[slot, pl.ds(q * _L, _L)] = vals
                pltpu.async_copy(
                    outb_v.at[pl.ds(slot, 1), :],
                    out_hbm.at[pl.ds(pos, 1), :],
                    sem_o,
                )
                plsc.store_scatter(ocnt_v, [zeros], jnp.full(
                    (_L,), no + 1, jnp.int32), mask=lane0)
                return hm & (lanes != l_v)

            lax.fori_loop(0, nh, hit_body, hm)
            return carry

        lax.fori_loop(st[0] // _L, (en[0] + _L - 1) // _L, scan_list, 0)

    nb = jnp.minimum(_RPT, _NBLK - start)

    def fetch_blk(bb, buf, sem):
        off = pl.multiple_of((start + bb) * _SUP, 128)
        pltpu.async_copy(table_t_hbm.at[:, pl.ds(off, _SUP)],
                         blk_v.at[buf], sem)

    for k in range(4):
        fetch_blk(k, k, bsems[k])

    def ring_body(p, carry):
        for r5 in range(5):
            bb = p * 5 + r5

            @pl.when(bb < nb)
            def _():
                @pl.when(bb + 4 < nb)
                def _():
                    fetch_blk(bb + 4, (r5 + 4) % 5, bsems[(r5 + 4) % 5])

                pltpu.make_async_copy(
                    table_t_hbm.at[:, pl.ds(0, _SUP)], blk_v.at[r5],
                    bsems[r5]
                ).wait()
                process_hits(bb, blk_v.at[r5])
        return carry

    lax.fori_loop(0, (_RPT + 4) // 5, ring_body, 0)

    @pl.when(wid == _NW - 1)
    def _():
        off = pl.multiple_of(_TAIL_OFF, 128)
        pltpu.async_copy(table_t_hbm.at[:, pl.ds(off, 128)], tail_v, sem0)
        pltpu.make_async_copy(
            table_t_hbm.at[:, pl.ds(0, 128)], tail_v, sem0
        ).wait()
        process_hits(_NBLK - start, tail_v)

    n_out = plsc.load_gather(ocnt_v, [zeros])[0]

    def drain_body(j, carry):
        drain_one()
        return carry

    lax.fori_loop(0, jnp.minimum(n_out, _ORING), drain_body, 0)


def kernel(labels, table):
    return _embed_lookup(labels.astype(jnp.int32), table.T)

# --- scband reference (transcript-rebuilt; emitter-appended) ---
"""Pipeline reference for scband-class-embedder-6098853560852 (READ-ONLY COPY).

The authoritative reference and input builder live on the scoring server;
editing this copy changes nothing except your own understanding.
"""

import jax, jax.numpy as jnp
import numpy as np

NUM_CLASSES = 1000000
HIDDEN_SIZE = 64
DROPOUT_PROB = 0.1  # > 0 -> table has an extra null-class row
BATCH = 16384


def setup_inputs(seed: int = 0) -> dict:
    key = jax.random.key(seed)
    k_lab, k_tab = jax.random.split(key)
    labels = jax.random.randint(k_lab, (BATCH,), 0, NUM_CLASSES, dtype=jnp.int64 if jax.config.jax_enable_x64 else jnp.int32)
    # embedding table sized per init_kwargs: num_classes + take_null_class rows
    table = jax.random.normal(k_tab, (NUM_CLASSES + 1, HIDDEN_SIZE), dtype=jnp.float32) * 0.02
    return {"labels": labels, "table": table}


def reference(labels, table):
    # Evaluation mode (train=False): token_drop is a no-op, so forward is a
    # plain embedding lookup: jnp.take(table, labels, axis=0), matching nnx.Embed.
    return jnp.take(table, labels, axis=0)

if __name__ == "__main__":
    import jax
    _d = setup_inputs()
    print(jax.jit(kernel)(*tuple(_d.values())))

</pallas_src>

<mosaic_0001>
#map = affine_map<(d0, d1) -> (0)>
#map1 = affine_map<(d0, d1) -> (0, 0)>
module attributes {stable_mosaic.version = 14 : i64} {
  func.func @_embed_lookup(%arg0: i32, %arg1: i32, %arg2: memref<16384xi32, #tpu.memory_space<hbm>>, %arg3: memref<64x1000001xf32, #tpu.memory_space<hbm>>, %arg4: memref<16384x64xf32, #tpu.memory_space<hbm>>, %arg5: memref<16400xi32, #tpu.memory_space<vmem>>, %arg6: memref<16400xi32, #tpu.memory_space<vmem>>, %arg7: memref<5x64x256xf32, #tpu.memory_space<vmem>>, %arg8: memref<64x128xf32, #tpu.memory_space<vmem>>, %arg9: memref<32x64xf32, #tpu.memory_space<vmem>>, %arg10: memref<16xi32, #tpu.memory_space<vmem>>, %arg11: memref<16xi32, #tpu.memory_space<vmem>>, %arg12: memref<!tpu.dma_semaphore, #tpu.memory_space<semaphore_mem>>, %arg13: memref<!tpu.dma_semaphore, #tpu.memory_space<semaphore_mem>>, %arg14: memref<!tpu.dma_semaphore, #tpu.memory_space<semaphore_mem>>, %arg15: memref<!tpu.dma_semaphore, #tpu.memory_space<semaphore_mem>>, %arg16: memref<!tpu.dma_semaphore, #tpu.memory_space<semaphore_mem>>, %arg17: memref<!tpu.dma_semaphore, #tpu.memory_space<semaphore_mem>>) attributes {dimension_semantics = [#tpu.dimension_semantics<core_parallel>, #tpu.dimension_semantics<subcore_parallel>], iteration_bounds = array<i64: 2, 16>, scalar_prefetch = 0 : i64, scratch_operands = 13 : i64, tpu.core_type = #tpu.core_type<sc_vector_subcore>, window_params = [{transform_indices = #map}, {transform_indices = #map1}, {transform_indices = #map1}]} {
    %mul3A = arith.constant 2 : i32
    %mul3A_0 = arith.muli %arg1, %mul3A : i32
    %add3A = arith.addi %mul3A_0, %arg0 : i32
    %iota3A = tpu.iota {dimensions = array<i32: 0>} : vector<16xi32>
    %broadcast_in_dim3A = arith.constant 0 : i32
    %broadcast_in_dim3A_1 = vector.broadcast %broadcast_in_dim3A : i32 to vector<16xi32>
    %eq3A = arith.constant 0 : i32
    %eq3A_2 = vector.broadcast %eq3A : i32 to vector<16xi32>
    %eq3A_3 = arith.cmpi eq, %iota3A, %eq3A_2 : vector<16xi32>
    %add3A_4 = arith.constant 0 : i32
    %add3A_5 = vector.broadcast %add3A_4 : i32 to vector<16xi32>
    %add3A_6 = arith.addi %iota3A, %add3A_5 : vector<16xi32>
    %add3A_7 = arith.constant 16 : i32
    %add3A_8 = vector.broadcast %add3A_7 : i32 to vector<16xi32>
    %add3A_9 = arith.addi %iota3A, %add3A_8 : vector<16xi32>
    %add3A_10 = arith.constant 32 : i32
    %add3A_11 = vector.broadcast %add3A_10 : i32 to vector<16xi32>
    %add3A_12 = arith.addi %iota3A, %add3A_11 : vector<16xi32>
    %add3A_13 = arith.constant 48 : i32
    %add3A_14 = vector.broadcast %add3A_13 : i32 to vector<16xi32>
    %add3A_15 = arith.addi %iota3A, %add3A_14 : vector<16xi32>
    %swap3A = arith.constant 0 : index
    %swap3A_16 = tpu.vector_load %arg10[%swap3A] {strides = array<i32>} : memref<16xi32, #tpu.memory_space<vmem>>, vector<16xi32>,
    tpu.vector_store %arg10[%swap3A], %broadcast_in_dim3A_1 {strides = array<i32>} : memref<16xi32, #tpu.memory_space<vmem>>, vector<16xi32>,
    %swap3A_17 = arith.constant 0 : index
    %swap3A_18 = tpu.vector_load %arg11[%swap3A_17] {strides = array<i32>} : memref<16xi32, #tpu.memory_space<vmem>>, vector<16xi32>,
    tpu.vector_store %arg11[%swap3A_17], %broadcast_in_dim3A_1 {strides = array<i32>} : memref<16xi32, #tpu.memory_space<vmem>>, vector<16xi32>,
    "tpu.region"() ({
      %run_scoped3A = tpu.sem_alloc : memref<!tpu.dma_semaphore, #tpu.memory_space<semaphore_mem>>
      %dma_start3A_273 = arith.constant 0 : i32
      %dma_start3A_274 = tpu.memref_slice %arg5[%dma_start3A_273] : memref<16400xi32, #tpu.memory_space<vmem>> -> memref<16384xi32, #tpu.memory_space<vmem>>
      %dma_start3A_275 = arith.constant 0 : i32
      %dma_start3A_276 = tpu.memref_slice %arg5[%dma_start3A_275] : memref<16400xi32, #tpu.memory_space<vmem>> -> memref<16384xi32, #tpu.memory_space<vmem>>
      tpu.enqueue_dma source(%arg2 : memref<16384xi32, #tpu.memory_space<hbm>>) target(%dma_start3A_276 : memref<16384xi32, #tpu.memory_space<vmem>>) target_semaphore(%run_scoped3A : memref<!tpu.dma_semaphore, #tpu.memory_space<semaphore_mem>>)
      %dma_wait3A = arith.constant 0 : i32
      %dma_wait3A_277 = tpu.memref_slice %arg5[%dma_wait3A] : memref<16400xi32, #tpu.memory_space<vmem>> -> memref<16384xi32, #tpu.memory_space<vmem>>
      %dma_wait3A_278 = arith.constant 0 : i32
      %dma_wait3A_279 = tpu.memref_slice %arg5[%dma_wait3A_278] : memref<16400xi32, #tpu.memory_space<vmem>> -> memref<16384xi32, #tpu.memory_space<vmem>>
      tpu.wait_dma2 semaphore(%run_scoped3A : memref<!tpu.dma_semaphore, #tpu.memory_space<semaphore_mem>>) src(%arg2 : memref<16384xi32, #tpu.memory_space<hbm>>) dst(%dma_wait3A_279 : memref<16384xi32, #tpu.memory_space<vmem>>)
      tpu.yield
    }) : () -> ()
    %mul3A_19 = arith.constant 123 : i32
    %mul3A_20 = arith.muli %add3A, %mul3A_19 : i32
    %mul3A_21 = arith.constant 256 : i32
    %mul3A_22 = arith.muli %mul3A_20, %mul3A_21 : i32
    %broadcast_in_dim3A_23 = vector.broadcast %add3A : i32 to vector<16xi32>
    %scan3A = arith.constant 0 : i32
    %scan3A_24 = arith.constant 0 : i32
    %scan3A_25 = arith.constant 512 : i32
    %scan3A_26 = arith.addi %scan3A_24, %scan3A_25 : i32
    %scan3A_27 = arith.constant 1 : i32
    %scan3A_28 = scf.for %scan3A_273 = %scan3A_24 to %scan3A_26 step %scan3A_27 iter_args(%scan3A_274 = %scan3A) -> (i32)  : i32 {
      %mul3A_275 = arith.constant 2 : i32
      %mul3A_276 = arith.muli %scan3A_273, %mul3A_275 : i32
      %mul3A_277 = arith.constant 16 : i32
      %mul3A_278 = arith.muli %mul3A_276, %mul3A_277 : i32
      %get3A = arith.index_cast %mul3A_278 : i32 to index
      %get3A_279 = tpu.vector_load %arg5[%get3A] {strides = array<i32>} : memref<16400xi32, #tpu.memory_space<vmem>>, vector<16xi32>,
      %mul3A_280 = arith.constant 2 : i32
      %mul3A_281 = arith.muli %scan3A_273, %mul3A_280 : i32
      %add3A_282 = arith.constant 1 : i32
      %add3A_283 = arith.addi %mul3A_281, %add3A_282 : i32
      %mul3A_284 = arith.constant 16 : i32
      %mul3A_285 = arith.muli %add3A_283, %mul3A_284 : i32
      %get3A_286 = arith.index_cast %mul3A_285 : i32 to index
      %get3A_287 = tpu.vector_load %arg5[%get3A_286] {strides = array<i32>} : memref<16400xi32, #tpu.memory_space<vmem>>, vector<16xi32>,
      %jit3A_288 = arith.constant 31488 : i32
      %div3A_289 = vector.broadcast %jit3A_288 : i32 to vector<16xi32>
      %div3A_290 = arith.divsi %get3A_279, %div3A_289 : vector<16xi32>
      %sign3A_291 = arith.constant 0 : i32
      %sign3A_292 = vector.broadcast %sign3A_291 : i32 to vector<16xi32>
      %sign3A_293 = arith.cmpi sgt, %get3A_279, %sign3A_292 : vector<16xi32>
      %sign3A_294 = arith.extui %sign3A_293 : vector<16xi1> to vector<16xi32>
      %sign3A_295 = arith.constant 0 : i32
      %sign3A_296 = vector.broadcast %sign3A_295 : i32 to vector<16xi32>
      %sign3A_297 = arith.cmpi slt, %get3A_279, %sign3A_296 : vector<16xi32>
      %sign3A_298 = arith.extui %sign3A_297 : vector<16xi1> to vector<16xi32>
      %sign3A_299 = arith.subi %sign3A_294, %sign3A_298 : vector<16xi32>
      %sign3A_300 = arith.constant 0 : i32
      %sign3A_301 = arith.cmpi sgt, %jit3A_288, %sign3A_300 : i32
      %sign3A_302 = arith.extui %sign3A_301 : i1 to i32
      %sign3A_303 = arith.constant 0 : i32
      %sign3A_304 = arith.cmpi slt, %jit3A_288, %sign3A_303 : i32
      %sign3A_305 = arith.extui %sign3A_304 : i1 to i32
      %sign3A_306 = arith.subi %sign3A_302, %sign3A_305 : i32
      %ne3A_307 = vector.broadcast %sign3A_306 : i32 to vector<16xi32>
      %ne3A_308 = arith.cmpi ne, %sign3A_299, %ne3A_307 : vector<16xi32>
      %rem3A_309 = vector.broadcast %jit3A_288 : i32 to vector<16xi32>
      %rem3A_310 = arith.remsi %get3A_279, %rem3A_309 : vector<16xi32>
      %ne3A_311 = arith.constant 0 : i32
      %ne3A_312 = vector.broadcast %ne3A_311 : i32 to vector<16xi32>
      %ne3A_313 = arith.cmpi ne, %rem3A_310, %ne3A_312 : vector<16xi32>
      %and3A_314 = arith.andi %ne3A_308, %ne3A_313 : vector<16xi1>
      %sub3A_315 = arith.constant 1 : i32
      %sub3A_316 = vector.broadcast %sub3A_315 : i32 to vector<16xi32>
      %sub3A_317 = arith.subi %div3A_290, %sub3A_316 : vector<16xi32>
      %select_n3A_318 = arith.select %and3A_314, %sub3A_317, %div3A_290 : vector<16xi1>, vector<16xi32>
      %eq3A_319 = arith.cmpi eq, %select_n3A_318, %broadcast_in_dim3A_23 : vector<16xi32>
      %jit3A_320 = arith.constant 31488 : i32
      %div3A_321 = vector.broadcast %jit3A_320 : i32 to vector<16xi32>
      %div3A_322 = arith.divsi %get3A_287, %div3A_321 : vector<16xi32>
      %sign3A_323 = arith.constant 0 : i32
      %sign3A_324 = vector.broadcast %sign3A_323 : i32 to vector<16xi32>
      %sign3A_325 = arith.cmpi sgt, %get3A_287, %sign3A_324 : vector<16xi32>
      %sign3A_326 = arith.extui %sign3A_325 : vector<16xi1> to vector<16xi32>
      %sign3A_327 = arith.constant 0 : i32
      %sign3A_328 = vector.broadcast %sign3A_327 : i32 to vector<16xi32>
      %sign3A_329 = arith.cmpi slt, %get3A_287, %sign3A_328 : vector<16xi32>
      %sign3A_330 = arith.extui %sign3A_329 : vector<16xi1> to vector<16xi32>
      %sign3A_331 = arith.subi %sign3A_326, %sign3A_330 : vector<16xi32>
      %sign3A_332 = arith.constant 0 : i32
      %sign3A_333 = arith.cmpi sgt, %jit3A_320, %sign3A_332 : i32
      %sign3A_334 = arith.extui %sign3A_333 : i1 to i32
      %sign3A_335 = arith.constant 0 : i32
      %sign3A_336 = arith.cmpi slt, %jit3A_320, %sign3A_335 : i32
      %sign3A_337 = arith.extui %sign3A_336 : i1 to i32
      %sign3A_338 = arith.subi %sign3A_334, %sign3A_337 : i32
      %ne3A_339 = vector.broadcast %sign3A_338 : i32 to vector<16xi32>
      %ne3A_340 = arith.cmpi ne, %sign3A_331, %ne3A_339 : vector<16xi32>
      %rem3A_341 = vector.broadcast %jit3A_320 : i32 to vector<16xi32>
      %rem3A_342 = arith.remsi %get3A_287, %rem3A_341 : vector<16xi32>
      %ne3A_343 = arith.constant 0 : i32
      %ne3A_344 = vector.broadcast %ne3A_343 : i32 to vector<16xi32>
      %ne3A_345 = arith.cmpi ne, %rem3A_342, %ne3A_344 : vector<16xi32>
      %and3A_346 = arith.andi %ne3A_340, %ne3A_345 : vector<16xi1>
      %sub3A_347 = arith.constant 1 : i32
      %sub3A_348 = vector.broadcast %sub3A_347 : i32 to vector<16xi32>
      %sub3A_349 = arith.subi %div3A_322, %sub3A_348 : vector<16xi32>
      %select_n3A_350 = arith.select %and3A_346, %sub3A_349, %div3A_322 : vector<16xi1>, vector<16xi32>
      %eq3A_351 = arith.cmpi eq, %select_n3A_350, %broadcast_in_dim3A_23 : vector<16xi32>
      %sub3A_352 = vector.broadcast %mul3A_22 : i32 to vector<16xi32>
      %sub3A_353 = arith.subi %get3A_279, %sub3A_352 : vector<16xi32>
      %shift_left3A = arith.constant 14 : i32
      %shift_left3A_354 = vector.broadcast %shift_left3A : i32 to vector<16xi32>
      %shift_left3A_355 = arith.shli %sub3A_353, %shift_left3A_354 : vector<16xi32>
      %mul3A_356 = arith.constant 2 : i32
      %mul3A_357 = arith.muli %scan3A_273, %mul3A_356 : i32
      %mul3A_358 = arith.constant 16 : i32
      %mul3A_359 = arith.muli %mul3A_357, %mul3A_358 : i32
      %add3A_360 = vector.broadcast %mul3A_359 : i32 to vector<16xi32>
      %add3A_361 = arith.addi %iota3A, %add3A_360 : vector<16xi32>
      %or3A = arith.ori %shift_left3A_355, %add3A_361 : vector<16xi32>
      %sub3A_362 = vector.broadcast %mul3A_22 : i32 to vector<16xi32>
      %sub3A_363 = arith.subi %get3A_287, %sub3A_362 : vector<16xi32>
      %shift_left3A_364 = arith.constant 14 : i32
      %shift_left3A_365 = vector.broadcast %shift_left3A_364 : i32 to vector<16xi32>
      %shift_left3A_366 = arith.shli %sub3A_363, %shift_left3A_365 : vector<16xi32>
      %mul3A_367 = arith.constant 2 : i32
      %mul3A_368 = arith.muli %scan3A_273, %mul3A_367 : i32
      %add3A_369 = arith.constant 1 : i32
      %add3A_370 = arith.addi %mul3A_368, %add3A_369 : i32
      %mul3A_371 = arith.constant 16 : i32
      %mul3A_372 = arith.muli %add3A_370, %mul3A_371 : i32
      %add3A_373 = vector.broadcast %mul3A_372 : i32 to vector<16xi32>
      %add3A_374 = arith.addi %iota3A, %add3A_373 : vector<16xi32>
      %or3A_375 = arith.ori %shift_left3A_366, %add3A_374 : vector<16xi32>
      %all_reduce_population_count3A = tpu.all_reduce %eq3A_319 {dim = 0 : i64, kind = #tpu.reduction_kind<sum>} : vector<16xi1> -> vector<16xi32>
      %slice3A_376 = vector.extract_strided_slice %all_reduce_population_count3A {offsets = [0], sizes = [1], strides = [1]} : vector<16xi32> to vector<1xi32>
      %squeeze3A_377 = vector.extract %slice3A_376[0] : i32 from vector<1xi32>
      %all_reduce_population_count3A_378 = tpu.all_reduce %eq3A_351 {dim = 0 : i64, kind = #tpu.reduction_kind<sum>} : vector<16xi1> -> vector<16xi32>
      %slice3A_379 = vector.extract_strided_slice %all_reduce_population_count3A_378 {offsets = [0], sizes = [1], strides = [1]} : vector<16xi32> to vector<1xi32>
      %squeeze3A_380 = vector.extract %slice3A_379[0] : i32 from vector<1xi32>
      %swap3A_381 = arith.index_cast %scan3A_274 : i32 to index
      %swap3A_382 = tpu.vector_load %arg6[%swap3A_381] masked %eq3A_319 {strides = array<i32>} : memref<16400xi32, #tpu.memory_space<vmem>>, vector<16xi32>, vector<16xi1>
      tpu.vector_store %arg6[%swap3A_381], %or3A masked %eq3A_319 {strides = array<i32>} : memref<16400xi32, #tpu.memory_space<vmem>>, vector<16xi32>, vector<16xi1>
      %add3A_383 = arith.addi %scan3A_274, %squeeze3A_377 : i32
      %swap3A_384 = arith.index_cast %add3A_383 : i32 to index
      %swap3A_385 = tpu.vector_load %arg6[%swap3A_384] masked %eq3A_351 {strides = array<i32>} : memref<16400xi32, #tpu.memory_space<vmem>>, vector<16xi32>, vector<16xi1>
      tpu.vector_store %arg6[%swap3A_384], %or3A_375 masked %eq3A_351 {strides = array<i32>} : memref<16400xi32, #tpu.memory_space<vmem>>, vector<16xi32>, vector<16xi1>
      %add3A_386 = arith.addi %scan3A_274, %squeeze3A_377 : i32
      %add3A_387 = arith.addi %add3A_386, %squeeze3A_380 : i32
      scf.yield %add3A_387 : i32
    }
    %scan3A_29 = arith.constant 512 : i32
    %add3A_30 = arith.constant 16 : i32
    %add3A_31 = arith.addi %scan3A_28, %add3A_30 : i32
    %sub3A = arith.constant 1 : i32
    %sub3A_32 = arith.subi %add3A_31, %sub3A : i32
    %jit3A = arith.constant 16 : i32
    %div3A = arith.divsi %sub3A_32, %jit3A : i32
    %sign3A = arith.constant 0 : i32
    %sign3A_33 = arith.cmpi sgt, %sub3A_32, %sign3A : i32
    %sign3A_34 = arith.extui %sign3A_33 : i1 to i32
    %sign3A_35 = arith.constant 0 : i32
    %sign3A_36 = arith.cmpi slt, %sub3A_32, %sign3A_35 : i32
    %sign3A_37 = arith.extui %sign3A_36 : i1 to i32
    %sign3A_38 = arith.subi %sign3A_34, %sign3A_37 : i32
    %sign3A_39 = arith.constant 0 : i32
    %sign3A_40 = arith.cmpi sgt, %jit3A, %sign3A_39 : i32
    %sign3A_41 = arith.extui %sign3A_40 : i1 to i32
    %sign3A_42 = arith.constant 0 : i32
    %sign3A_43 = arith.cmpi slt, %jit3A, %sign3A_42 : i32
    %sign3A_44 = arith.extui %sign3A_43 : i1 to i32
    %sign3A_45 = arith.subi %sign3A_41, %sign3A_44 : i32
    %ne3A = arith.cmpi ne, %sign3A_38, %sign3A_45 : i32
    %rem3A = arith.remsi %sub3A_32, %jit3A : i32
    %ne3A_46 = arith.constant 0 : i32
    %ne3A_47 = arith.cmpi ne, %rem3A, %ne3A_46 : i32
    %and3A = arith.andi %ne3A, %ne3A_47 : i1
    %sub3A_48 = arith.constant 1 : i32
    %sub3A_49 = arith.subi %div3A, %sub3A_48 : i32
    %select_n3A = arith.select %and3A, %sub3A_49, %div3A : i32
    %broadcast_in_dim3A_50 = vector.broadcast %scan3A_28 : i32 to vector<16xi32>
    %broadcast_in_dim3A_51 = arith.constant 0 : i32
    %broadcast_in_dim3A_52 = vector.broadcast %broadcast_in_dim3A_51 : i32 to vector<16xi32>
    %while3A = arith.constant 0 : i32
    %while3A_53 = arith.constant 0 : i32
    %while3A_54 = arith.subi %select_n3A, %while3A : i32
    %while3A_55 = arith.addi %while3A, %while3A_54 : i32
    %while3A_56 = arith.constant 1 : i32
    %while3A_57 = arith.divsi %while3A_54, %while3A_56 : i32
    %while3A_58 = arith.muli %while3A_57, %while3A_56 : i32
    %while3A_59 = arith.addi %while3A, %while3A_58 : i32
    %while3A_60 = arith.constant 1 : i32
    %while3A_61 = scf.for %while3A_273 = %while3A to %while3A_59 step %while3A_60 iter_args(%while3A_274 = %while3A_53) -> (i32)  : i32 {
      %mul3A_275 = arith.constant 16 : i32
      %mul3A_276 = arith.muli %while3A_273, %mul3A_275 : i32
      %get3A = arith.index_cast %mul3A_276 : i32 to index
      %get3A_277 = tpu.vector_load %arg6[%get3A] {strides = array<i32>} : memref<16400xi32, #tpu.memory_space<vmem>>, vector<16xi32>,
      %mul3A_278 = arith.constant 16 : i32
      %mul3A_279 = arith.muli %while3A_273, %mul3A_278 : i32
      %add3A_280 = vector.broadcast %mul3A_279 : i32 to vector<16xi32>
      %add3A_281 = arith.addi %iota3A, %add3A_280 : vector<16xi32>
      %lt3A = arith.cmpi slt, %add3A_281, %broadcast_in_dim3A_50 : vector<16xi32>
      %shift_right_arithmetic3A = arith.constant 26 : i32
      %shift_right_arithmetic3A_282 = vector.broadcast %shift_right_arithmetic3A : i32 to vector<16xi32>
      %shift_right_arithmetic3A_283 = arith.shrsi %get3A_277, %shift_right_arithmetic3A_282 : vector<16xi32>
      %eq3A_284 = arith.cmpi eq, %shift_right_arithmetic3A_283, %broadcast_in_dim3A_52 : vector<16xi32>
      %and3A_285 = arith.andi %eq3A_284, %lt3A : vector<16xi1>
      %swap3A_286 = arith.index_cast %while3A_274 : i32 to index
      %swap3A_287 = tpu.vector_load %arg5[%swap3A_286] masked %and3A_285 {strides = array<i32>} : memref<16400xi32, #tpu.memory_space<vmem>>, vector<16xi32>, vector<16xi1>
      tpu.vector_store %arg5[%swap3A_286], %get3A_277 masked %and3A_285 {strides = array<i32>} : memref<16400xi32, #tpu.memory_space<vmem>>, vector<16xi32>, vector<16xi1>
      %all_reduce_population_count3A = tpu.all_reduce %and3A_285 {dim = 0 : i64, kind = #tpu.reduction_kind<sum>} : vector<16xi1> -> vector<16xi32>
      %slice3A_288 = vector.extract_strided_slice %all_reduce_population_count3A {offsets = [0], sizes = [1], strides = [1]} : vector<16xi32> to vector<1xi32>
      %squeeze3A_289 = vector.extract %slice3A_288[0] : i32 from vector<1xi32>
      %add3A_290 = arith.addi %while3A_274, %squeeze3A_289 : i32
      scf.yield %add3A_290 : i32
    }
    %while3A_62 = arith.constant 1 : i32
    %while3A_63 = scf.for %while3A_273 = %while3A_59 to %while3A_55 step %while3A_62 iter_args(%while3A_274 = %while3A_61) -> (i32)  : i32 {
      %mul3A_275 = arith.constant 16 : i32
      %mul3A_276 = arith.muli %while3A_273, %mul3A_275 : i32
      %get3A = arith.index_cast %mul3A_276 : i32 to index
      %get3A_277 = tpu.vector_load %arg6[%get3A] {strides = array<i32>} : memref<16400xi32, #tpu.memory_space<vmem>>, vector<16xi32>,
      %mul3A_278 = arith.constant 16 : i32
      %mul3A_279 = arith.muli %while3A_273, %mul3A_278 : i32
      %add3A_280 = vector.broadcast %mul3A_279 : i32 to vector<16xi32>
      %add3A_281 = arith.addi %iota3A, %add3A_280 : vector<16xi32>
      %lt3A = arith.cmpi slt, %add3A_281, %broadcast_in_dim3A_50 : vector<16xi32>
      %shift_right_arithmetic3A = arith.constant 26 : i32
      %shift_right_arithmetic3A_282 = vector.broadcast %shift_right_arithmetic3A : i32 to vector<16xi32>
      %shift_right_arithmetic3A_283 = arith.shrsi %get3A_277, %shift_right_arithmetic3A_282 : vector<16xi32>
      %eq3A_284 = arith.cmpi eq, %shift_right_arithmetic3A_283, %broadcast_in_dim3A_52 : vector<16xi32>
      %and3A_285 = arith.andi %eq3A_284, %lt3A : vector<16xi1>
      %swap3A_286 = arith.index_cast %while3A_274 : i32 to index
      %swap3A_287 = tpu.vector_load %arg5[%swap3A_286] masked %and3A_285 {strides = array<i32>} : memref<16400xi32, #tpu.memory_space<vmem>>, vector<16xi32>, vector<16xi1>
      tpu.vector_store %arg5[%swap3A_286], %get3A_277 masked %and3A_285 {strides = array<i32>} : memref<16400xi32, #tpu.memory_space<vmem>>, vector<16xi32>, vector<16xi1>
      %all_reduce_population_count3A = tpu.all_reduce %and3A_285 {dim = 0 : i64, kind = #tpu.reduction_kind<sum>} : vector<16xi1> -> vector<16xi32>
      %slice3A_288 = vector.extract_strided_slice %all_reduce_population_count3A {offsets = [0], sizes = [1], strides = [1]} : vector<16xi32> to vector<1xi32>
      %squeeze3A_289 = vector.extract %slice3A_288[0] : i32 from vector<1xi32>
      %add3A_290 = arith.addi %while3A_274, %squeeze3A_289 : i32
      scf.yield %add3A_290 : i32
    }
    %broadcast_in_dim3A_64 = arith.constant 1 : i32
    %broadcast_in_dim3A_65 = vector.broadcast %broadcast_in_dim3A_64 : i32 to vector<16xi32>
    %broadcast_in_dim3A_66 = vector.broadcast %while3A_63 : i32 to vector<16xi32>
    tpu.vector_store_idx %arg11[%broadcast_in_dim3A_65], %broadcast_in_dim3A_66 masked %eq3A_3 : memref<16xi32, #tpu.memory_space<vmem>>[vector<16xi32>], vector<16xi32>, vector<16xi1>
    %broadcast_in_dim3A_67 = arith.constant 1 : i32
    %broadcast_in_dim3A_68 = vector.broadcast %broadcast_in_dim3A_67 : i32 to vector<16xi32>
    %while3A_69 = arith.constant 0 : i32
    %while3A_70 = arith.subi %select_n3A, %while3A_69 : i32
    %while3A_71 = arith.addi %while3A_69, %while3A_70 : i32
    %while3A_72 = arith.constant 1 : i32
    %while3A_73 = arith.divsi %while3A_70, %while3A_72 : i32
    %while3A_74 = arith.muli %while3A_73, %while3A_72 : i32
    %while3A_75 = arith.addi %while3A_69, %while3A_74 : i32
    %while3A_76 = arith.constant 1 : i32
    %while3A_77 = scf.for %while3A_273 = %while3A_69 to %while3A_75 step %while3A_76 iter_args(%while3A_274 = %while3A_63) -> (i32)  : i32 {
      %mul3A_275 = arith.constant 16 : i32
      %mul3A_276 = arith.muli %while3A_273, %mul3A_275 : i32
      %get3A = arith.index_cast %mul3A_276 : i32 to index
      %get3A_277 = tpu.vector_load %arg6[%get3A] {strides = array<i32>} : memref<16400xi32, #tpu.memory_space<vmem>>, vector<16xi32>,
      %mul3A_278 = arith.constant 16 : i32
      %mul3A_279 = arith.muli %while3A_273, %mul3A_278 : i32
      %add3A_280 = vector.broadcast %mul3A_279 : i32 to vector<16xi32>
      %add3A_281 = arith.addi %iota3A, %add3A_280 : vector<16xi32>
      %lt3A = arith.cmpi slt, %add3A_281, %broadcast_in_dim3A_50 : vector<16xi32>
      %shift_right_arithmetic3A = arith.constant 26 : i32
      %shift_right_arithmetic3A_282 = vector.broadcast %shift_right_arithmetic3A : i32 to vector<16xi32>
      %shift_right_arithmetic3A_283 = arith.shrsi %get3A_277, %shift_right_arithmetic3A_282 : vector<16xi32>
      %eq3A_284 = arith.cmpi eq, %shift_right_arithmetic3A_283, %broadcast_in_dim3A_68 : vector<16xi32>
      %and3A_285 = arith.andi %eq3A_284, %lt3A : vector<16xi1>
      %swap3A_286 = arith.index_cast %while3A_274 : i32 to index
      %swap3A_287 = tpu.vector_load %arg5[%swap3A_286] masked %and3A_285 {strides = array<i32>} : memref<16400xi32, #tpu.memory_space<vmem>>, vector<16xi32>, vector<16xi1>
      tpu.vector_store %arg5[%swap3A_286], %get3A_277 masked %and3A_285 {strides = array<i32>} : memref<16400xi32, #tpu.memory_space<vmem>>, vector<16xi32>, vector<16xi1>
      %all_reduce_population_count3A = tpu.all_reduce %and3A_285 {dim = 0 : i64, kind = #tpu.reduction_kind<sum>} : vector<16xi1> -> vector<16xi32>
      %slice3A_288 = vector.extract_strided_slice %all_reduce_population_count3A {offsets = [0], sizes = [1], strides = [1]} : vector<16xi32> to vector<1xi32>
      %squeeze3A_289 = vector.extract %slice3A_288[0] : i32 from vector<1xi32>
      %add3A_290 = arith.addi %while3A_274, %squeeze3A_289 : i32
      scf.yield %add3A_290 : i32
    }
    %while3A_78 = arith.constant 1 : i32
    %while3A_79 = scf.for %while3A_273 = %while3A_75 to %while3A_71 step %while3A_78 iter_args(%while3A_274 = %while3A_77) -> (i32)  : i32 {
      %mul3A_275 = arith.constant 16 : i32
      %mul3A_276 = arith.muli %while3A_273, %mul3A_275 : i32
      %get3A = arith.index_cast %mul3A_276 : i32 to index
      %get3A_277 = tpu.vector_load %arg6[%get3A] {strides = array<i32>} : memref<16400xi32, #tpu.memory_space<vmem>>, vector<16xi32>,
      %mul3A_278 = arith.constant 16 : i32
      %mul3A_279 = arith.muli %while3A_273, %mul3A_278 : i32
      %add3A_280 = vector.broadcast %mul3A_279 : i32 to vector<16xi32>
      %add3A_281 = arith.addi %iota3A, %add3A_280 : vector<16xi32>
      %lt3A = arith.cmpi slt, %add3A_281, %broadcast_in_dim3A_50 : vector<16xi32>
      %shift_right_arithmetic3A = arith.constant 26 : i32
      %shift_right_arithmetic3A_282 = vector.broadcast %shift_right_arithmetic3A : i32 to vector<16xi32>
      %shift_right_arithmetic3A_283 = arith.shrsi %get3A_277, %shift_right_arithmetic3A_282 : vector<16xi32>
      %eq3A_284 = arith.cmpi eq, %shift_right_arithmetic3A_283, %broadcast_in_dim3A_68 : vector<16xi32>
      %and3A_285 = arith.andi %eq3A_284, %lt3A : vector<16xi1>
      %swap3A_286 = arith.index_cast %while3A_274 : i32 to index
      %swap3A_287 = tpu.vector_load %arg5[%swap3A_286] masked %and3A_285 {strides = array<i32>} : memref<16400xi32, #tpu.memory_space<vmem>>, vector<16xi32>, vector<16xi1>
      tpu.vector_store %arg5[%swap3A_286], %get3A_277 masked %and3A_285 {strides = array<i32>} : memref<16400xi32, #tpu.memory_space<vmem>>, vector<16xi32>, vector<16xi1>
      %all_reduce_population_count3A = tpu.all_reduce %and3A_285 {dim = 0 : i64, kind = #tpu.reduction_kind<sum>} : vector<16xi1> -> vector<16xi32>
      %slice3A_288 = vector.extract_strided_slice %all_reduce_population_count3A {offsets = [0], sizes = [1], strides = [1]} : vector<16xi32> to vector<1xi32>
      %squeeze3A_289 = vector.extract %slice3A_288[0] : i32 from vector<1xi32>
      %add3A_290 = arith.addi %while3A_274, %squeeze3A_289 : i32
      scf.yield %add3A_290 : i32
    }
    %broadcast_in_dim3A_80 = arith.constant 2 : i32
    %broadcast_in_dim3A_81 = vector.broadcast %broadcast_in_dim3A_80 : i32 to vector<16xi32>
    %broadcast_in_dim3A_82 = vector.broadcast %while3A_79 : i32 to vector<16xi32>
    tpu.vector_store_idx %arg11[%broadcast_in_dim3A_81], %broadcast_in_dim3A_82 masked %eq3A_3 : memref<16xi32, #tpu.memory_space<vmem>>[vector<16xi32>], vector<16xi32>, vector<16xi1>
    %broadcast_in_dim3A_83 = arith.constant 2 : i32
    %broadcast_in_dim3A_84 = vector.broadcast %broadcast_in_dim3A_83 : i32 to vector<16xi32>
    %while3A_85 = arith.constant 0 : i32
    %while3A_86 = arith.subi %select_n3A, %while3A_85 : i32
    %while3A_87 = arith.addi %while3A_85, %while3A_86 : i32
    %while3A_88 = arith.constant 1 : i32
    %while3A_89 = arith.divsi %while3A_86, %while3A_88 : i32
    %while3A_90 = arith.muli %while3A_89, %while3A_88 : i32
    %while3A_91 = arith.addi %while3A_85, %while3A_90 : i32
    %while3A_92 = arith.constant 1 : i32
    %while3A_93 = scf.for %while3A_273 = %while3A_85 to %while3A_91 step %while3A_92 iter_args(%while3A_274 = %while3A_79) -> (i32)  : i32 {
      %mul3A_275 = arith.constant 16 : i32
      %mul3A_276 = arith.muli %while3A_273, %mul3A_275 : i32
      %get3A = arith.index_cast %mul3A_276 : i32 to index
      %get3A_277 = tpu.vector_load %arg6[%get3A] {strides = array<i32>} : memref<16400xi32, #tpu.memory_space<vmem>>, vector<16xi32>,
      %mul3A_278 = arith.constant 16 : i32
      %mul3A_279 = arith.muli %while3A_273, %mul3A_278 : i32
      %add3A_280 = vector.broadcast %mul3A_279 : i32 to vector<16xi32>
      %add3A_281 = arith.addi %iota3A, %add3A_280 : vector<16xi32>
      %lt3A = arith.cmpi slt, %add3A_281, %broadcast_in_dim3A_50 : vector<16xi32>
      %shift_right_arithmetic3A = arith.constant 26 : i32
      %shift_right_arithmetic3A_282 = vector.broadcast %shift_right_arithmetic3A : i32 to vector<16xi32>
      %shift_right_arithmetic3A_283 = arith.shrsi %get3A_277, %shift_right_arithmetic3A_282 : vector<16xi32>
      %eq3A_284 = arith.cmpi eq, %shift_right_arithmetic3A_283, %broadcast_in_dim3A_84 : vector<16xi32>
      %and3A_285 = arith.andi %eq3A_284, %lt3A : vector<16xi1>
      %swap3A_286 = arith.index_cast %while3A_274 : i32 to index
      %swap3A_287 = tpu.vector_load %arg5[%swap3A_286] masked %and3A_285 {strides = array<i32>} : memref<16400xi32, #tpu.memory_space<vmem>>, vector<16xi32>, vector<16xi1>
      tpu.vector_store %arg5[%swap3A_286], %get3A_277 masked %and3A_285 {strides = array<i32>} : memref<16400xi32, #tpu.memory_space<vmem>>, vector<16xi32>, vector<16xi1>
      %all_reduce_population_count3A = tpu.all_reduce %and3A_285 {dim = 0 : i64, kind = #tpu.reduction_kind<sum>} : vector<16xi1> -> vector<16xi32>
      %slice3A_288 = vector.extract_strided_slice %all_reduce_population_count3A {offsets = [0], sizes = [1], strides = [1]} : vector<16xi32> to vector<1xi32>
      %squeeze3A_289 = vector.extract %slice3A_288[0] : i32 from vector<1xi32>
      %add3A_290 = arith.addi %while3A_274, %squeeze3A_289 : i32
      scf.yield %add3A_290 : i32
    }
    %while3A_94 = arith.constant 1 : i32
    %while3A_95 = scf.for %while3A_273 = %while3A_91 to %while3A_87 step %while3A_94 iter_args(%while3A_274 = %while3A_93) -> (i32)  : i32 {
      %mul3A_275 = arith.constant 16 : i32
      %mul3A_276 = arith.muli %while3A_273, %mul3A_275 : i32
      %get3A = arith.index_cast %mul3A_276 : i32 to index
      %get3A_277 = tpu.vector_load %arg6[%get3A] {strides = array<i32>} : memref<16400xi32, #tpu.memory_space<vmem>>, vector<16xi32>,
      %mul3A_278 = arith.constant 16 : i32
      %mul3A_279 = arith.muli %while3A_273, %mul3A_278 : i32
      %add3A_280 = vector.broadcast %mul3A_279 : i32 to vector<16xi32>
      %add3A_281 = arith.addi %iota3A, %add3A_280 : vector<16xi32>
      %lt3A = arith.cmpi slt, %add3A_281, %broadcast_in_dim3A_50 : vector<16xi32>
      %shift_right_arithmetic3A = arith.constant 26 : i32
      %shift_right_arithmetic3A_282 = vector.broadcast %shift_right_arithmetic3A : i32 to vector<16xi32>
      %shift_right_arithmetic3A_283 = arith.shrsi %get3A_277, %shift_right_arithmetic3A_282 : vector<16xi32>
      %eq3A_284 = arith.cmpi eq, %shift_right_arithmetic3A_283, %broadcast_in_dim3A_84 : vector<16xi32>
      %and3A_285 = arith.andi %eq3A_284, %lt3A : vector<16xi1>
      %swap3A_286 = arith.index_cast %while3A_274 : i32 to index
      %swap3A_287 = tpu.vector_load %arg5[%swap3A_286] masked %and3A_285 {strides = array<i32>} : memref<16400xi32, #tpu.memory_space<vmem>>, vector<16xi32>, vector<16xi1>
      tpu.vector_store %arg5[%swap3A_286], %get3A_277 masked %and3A_285 {strides = array<i32>} : memref<16400xi32, #tpu.memory_space<vmem>>, vector<16xi32>, vector<16xi1>
      %all_reduce_population_count3A = tpu.all_reduce %and3A_285 {dim = 0 : i64, kind = #tpu.reduction_kind<sum>} : vector<16xi1> -> vector<16xi32>
      %slice3A_288 = vector.extract_strided_slice %all_reduce_population_count3A {offsets = [0], sizes = [1], strides = [1]} : vector<16xi32> to vector<1xi32>
      %squeeze3A_289 = vector.extract %slice3A_288[0] : i32 from vector<1xi32>
      %add3A_290 = arith.addi %while3A_274, %squeeze3A_289 : i32
      scf.yield %add3A_290 : i32
    }
    %broadcast_in_dim3A_96 = arith.constant 3 : i32
    %broadcast_in_dim3A_97 = vector.broadcast %broadcast_in_dim3A_96 : i32 to vector<16xi32>
    %broadcast_in_dim3A_98 = vector.broadcast %while3A_95 : i32 to vector<16xi32>
    tpu.vector_store_idx %arg11[%broadcast_in_dim3A_97], %broadcast_in_dim3A_98 masked %eq3A_3 : memref<16xi32, #tpu.memory_space<vmem>>[vector<16xi32>], vector<16xi32>, vector<16xi1>
    %broadcast_in_dim3A_99 = arith.constant 3 : i32
    %broadcast_in_dim3A_100 = vector.broadcast %broadcast_in_dim3A_99 : i32 to vector<16xi32>
    %while3A_101 = arith.constant 0 : i32
    %while3A_102 = arith.subi %select_n3A, %while3A_101 : i32
    %while3A_103 = arith.addi %while3A_101, %while3A_102 : i32
    %while3A_104 = arith.constant 1 : i32
    %while3A_105 = arith.divsi %while3A_102, %while3A_104 : i32
    %while3A_106 = arith.muli %while3A_105, %while3A_104 : i32
    %while3A_107 = arith.addi %while3A_101, %while3A_106 : i32
    %while3A_108 = arith.constant 1 : i32
    %while3A_109 = scf.for %while3A_273 = %while3A_101 to %while3A_107 step %while3A_108 iter_args(%while3A_274 = %while3A_95) -> (i32)  : i32 {
      %mul3A_275 = arith.constant 16 : i32
      %mul3A_276 = arith.muli %while3A_273, %mul3A_275 : i32
      %get3A = arith.index_cast %mul3A_276 : i32 to index
      %get3A_277 = tpu.vector_load %arg6[%get3A] {strides = array<i32>} : memref<16400xi32, #tpu.memory_space<vmem>>, vector<16xi32>,
      %mul3A_278 = arith.constant 16 : i32
      %mul3A_279 = arith.muli %while3A_273, %mul3A_278 : i32
      %add3A_280 = vector.broadcast %mul3A_279 : i32 to vector<16xi32>
      %add3A_281 = arith.addi %iota3A, %add3A_280 : vector<16xi32>
      %lt3A = arith.cmpi slt, %add3A_281, %broadcast_in_dim3A_50 : vector<16xi32>
      %shift_right_arithmetic3A = arith.constant 26 : i32
      %shift_right_arithmetic3A_282 = vector.broadcast %shift_right_arithmetic3A : i32 to vector<16xi32>
      %shift_right_arithmetic3A_283 = arith.shrsi %get3A_277, %shift_right_arithmetic3A_282 : vector<16xi32>
      %eq3A_284 = arith.cmpi eq, %shift_right_arithmetic3A_283, %broadcast_in_dim3A_100 : vector<16xi32>
      %and3A_285 = arith.andi %eq3A_284, %lt3A : vector<16xi1>
      %swap3A_286 = arith.index_cast %while3A_274 : i32 to index
      %swap3A_287 = tpu.vector_load %arg5[%swap3A_286] masked %and3A_285 {strides = array<i32>} : memref<16400xi32, #tpu.memory_space<vmem>>, vector<16xi32>, vector<16xi1>
      tpu.vector_store %arg5[%swap3A_286], %get3A_277 masked %and3A_285 {strides = array<i32>} : memref<16400xi32, #tpu.memory_space<vmem>>, vector<16xi32>, vector<16xi1>
      %all_reduce_population_count3A = tpu.all_reduce %and3A_285 {dim = 0 : i64, kind = #tpu.reduction_kind<sum>} : vector<16xi1> -> vector<16xi32>
      %slice3A_288 = vector.extract_strided_slice %all_reduce_population_count3A {offsets = [0], sizes = [1], strides = [1]} : vector<16xi32> to vector<1xi32>
      %squeeze3A_289 = vector.extract %slice3A_288[0] : i32 from vector<1xi32>
      %add3A_290 = arith.addi %while3A_274, %squeeze3A_289 : i32
      scf.yield %add3A_290 : i32
    }
    %while3A_110 = arith.constant 1 : i32
    %while3A_111 = scf.for %while3A_273 = %while3A_107 to %while3A_103 step %while3A_110 iter_args(%while3A_274 = %while3A_109) -> (i32)  : i32 {
      %mul3A_275 = arith.constant 16 : i32
      %mul3A_276 = arith.muli %while3A_273, %mul3A_275 : i32
      %get3A = arith.index_cast %mul3A_276 : i32 to index
      %get3A_277 = tpu.vector_load %arg6[%get3A] {strides = array<i32>} : memref<16400xi32, #tpu.memory_space<vmem>>, vector<16xi32>,
      %mul3A_278 = arith.constant 16 : i32
      %mul3A_279 = arith.muli %while3A_273, %mul3A_278 : i32
      %add3A_280 = vector.broadcast %mul3A_279 : i32 to vector<16xi32>
      %add3A_281 = arith.addi %iota3A, %add3A_280 : vector<16xi32>
      %lt3A = arith.cmpi slt, %add3A_281, %broadcast_in_dim3A_50 : vector<16xi32>
      %shift_right_arithmetic3A = arith.constant 26 : i32
      %shift_right_arithmetic3A_282 = vector.broadcast %shift_right_arithmetic3A : i32 to vector<16xi32>
      %shift_right_arithmetic3A_283 = arith.shrsi %get3A_277, %shift_right_arithmetic3A_282 : vector<16xi32>
      %eq3A_284 = arith.cmpi eq, %shift_right_arithmetic3A_283, %broadcast_in_dim3A_100 : vector<16xi32>
      %and3A_285 = arith.andi %eq3A_284, %lt3A : vector<16xi1>
      %swap3A_286 = arith.index_cast %while3A_274 : i32 to index
      %swap3A_287 = tpu.vector_load %arg5[%swap3A_286] masked %and3A_285 {strides = array<i32>} : memref<16400xi32, #tpu.memory_space<vmem>>, vector<16xi32>, vector<16xi1>
      tpu.vector_store %arg5[%swap3A_286], %get3A_277 masked %and3A_285 {strides = array<i32>} : memref<16400xi32, #tpu.memory_space<vmem>>, vector<16xi32>, vector<16xi1>
      %all_reduce_population_count3A = tpu.all_reduce %and3A_285 {dim = 0 : i64, kind = #tpu.reduction_kind<sum>} : vector<16xi1> -> vector<16xi32>
      %slice3A_288 = vector.extract_strided_slice %all_reduce_population_count3A {offsets = [0], sizes = [1], strides = [1]} : vector<16xi32> to vector<1xi32>
      %squeeze3A_289 = vector.extract %slice3A_288[0] : i32 from vector<1xi32>
      %add3A_290 = arith.addi %while3A_274, %squeeze3A_289 : i32
      scf.yield %add3A_290 : i32
    }
    %broadcast_in_dim3A_112 = arith.constant 4 : i32
    %broadcast_in_dim3A_113 = vector.broadcast %broadcast_in_dim3A_112 : i32 to vector<16xi32>
    %broadcast_in_dim3A_114 = vector.broadcast %while3A_111 : i32 to vector<16xi32>
    tpu.vector_store_idx %arg11[%broadcast_in_dim3A_113], %broadcast_in_dim3A_114 masked %eq3A_3 : memref<16xi32, #tpu.memory_space<vmem>>[vector<16xi32>], vector<16xi32>, vector<16xi1>
    %broadcast_in_dim3A_115 = arith.constant 4 : i32
    %broadcast_in_dim3A_116 = vector.broadcast %broadcast_in_dim3A_115 : i32 to vector<16xi32>
    %while3A_117 = arith.constant 0 : i32
    %while3A_118 = arith.subi %select_n3A, %while3A_117 : i32
    %while3A_119 = arith.addi %while3A_117, %while3A_118 : i32
    %while3A_120 = arith.constant 1 : i32
    %while3A_121 = arith.divsi %while3A_118, %while3A_120 : i32
    %while3A_122 = arith.muli %while3A_121, %while3A_120 : i32
    %while3A_123 = arith.addi %while3A_117, %while3A_122 : i32
    %while3A_124 = arith.constant 1 : i32
    %while3A_125 = scf.for %while3A_273 = %while3A_117 to %while3A_123 step %while3A_124 iter_args(%while3A_274 = %while3A_111) -> (i32)  : i32 {
      %mul3A_275 = arith.constant 16 : i32
      %mul3A_276 = arith.muli %while3A_273, %mul3A_275 : i32
      %get3A = arith.index_cast %mul3A_276 : i32 to index
      %get3A_277 = tpu.vector_load %arg6[%get3A] {strides = array<i32>} : memref<16400xi32, #tpu.memory_space<vmem>>, vector<16xi32>,
      %mul3A_278 = arith.constant 16 : i32
      %mul3A_279 = arith.muli %while3A_273, %mul3A_278 : i32
      %add3A_280 = vector.broadcast %mul3A_279 : i32 to vector<16xi32>
      %add3A_281 = arith.addi %iota3A, %add3A_280 : vector<16xi32>
      %lt3A = arith.cmpi slt, %add3A_281, %broadcast_in_dim3A_50 : vector<16xi32>
      %shift_right_arithmetic3A = arith.constant 26 : i32
      %shift_right_arithmetic3A_282 = vector.broadcast %shift_right_arithmetic3A : i32 to vector<16xi32>
      %shift_right_arithmetic3A_283 = arith.shrsi %get3A_277, %shift_right_arithmetic3A_282 : vector<16xi32>
      %eq3A_284 = arith.cmpi eq, %shift_right_arithmetic3A_283, %broadcast_in_dim3A_116 : vector<16xi32>
      %and3A_285 = arith.andi %eq3A_284, %lt3A : vector<16xi1>
      %swap3A_286 = arith.index_cast %while3A_274 : i32 to index
      %swap3A_287 = tpu.vector_load %arg5[%swap3A_286] masked %and3A_285 {strides = array<i32>} : memref<16400xi32, #tpu.memory_space<vmem>>, vector<16xi32>, vector<16xi1>
      tpu.vector_store %arg5[%swap3A_286], %get3A_277 masked %and3A_285 {strides = array<i32>} : memref<16400xi32, #tpu.memory_space<vmem>>, vector<16xi32>, vector<16xi1>
      %all_reduce_population_count3A = tpu.all_reduce %and3A_285 {dim = 0 : i64, kind = #tpu.reduction_kind<sum>} : vector<16xi1> -> vector<16xi32>
      %slice3A_288 = vector.extract_strided_slice %all_reduce_population_count3A {offsets = [0], sizes = [1], strides = [1]} : vector<16xi32> to vector<1xi32>
      %squeeze3A_289 = vector.extract %slice3A_288[0] : i32 from vector<1xi32>
      %add3A_290 = arith.addi %while3A_274, %squeeze3A_289 : i32
      scf.yield %add3A_290 : i32
    }
    %while3A_126 = arith.constant 1 : i32
    %while3A_127 = scf.for %while3A_273 = %while3A_123 to %while3A_119 step %while3A_126 iter_args(%while3A_274 = %while3A_125) -> (i32)  : i32 {
      %mul3A_275 = arith.constant 16 : i32
      %mul3A_276 = arith.muli %while3A_273, %mul3A_275 : i32
      %get3A = arith.index_cast %mul3A_276 : i32 to index
      %get3A_277 = tpu.vector_load %arg6[%get3A] {strides = array<i32>} : memref<16400xi32, #tpu.memory_space<vmem>>, vector<16xi32>,
      %mul3A_278 = arith.constant 16 : i32
      %mul3A_279 = arith.muli %while3A_273, %mul3A_278 : i32
      %add3A_280 = vector.broadcast %mul3A_279 : i32 to vector<16xi32>
      %add3A_281 = arith.addi %iota3A, %add3A_280 : vector<16xi32>
      %lt3A = arith.cmpi slt, %add3A_281, %broadcast_in_dim3A_50 : vector<16xi32>
      %shift_right_arithmetic3A = arith.constant 26 : i32
      %shift_right_arithmetic3A_282 = vector.broadcast %shift_right_arithmetic3A : i32 to vector<16xi32>
      %shift_right_arithmetic3A_283 = arith.shrsi %get3A_277, %shift_right_arithmetic3A_282 : vector<16xi32>
      %eq3A_284 = arith.cmpi eq, %shift_right_arithmetic3A_283, %broadcast_in_dim3A_116 : vector<16xi32>
      %and3A_285 = arith.andi %eq3A_284, %lt3A : vector<16xi1>
      %swap3A_286 = arith.index_cast %while3A_274 : i32 to index
      %swap3A_287 = tpu.vector_load %arg5[%swap3A_286] masked %and3A_285 {strides = array<i32>} : memref<16400xi32, #tpu.memory_space<vmem>>, vector<16xi32>, vector<16xi1>
      tpu.vector_store %arg5[%swap3A_286], %get3A_277 masked %and3A_285 {strides = array<i32>} : memref<16400xi32, #tpu.memory_space<vmem>>, vector<16xi32>, vector<16xi1>
      %all_reduce_population_count3A = tpu.all_reduce %and3A_285 {dim = 0 : i64, kind = #tpu.reduction_kind<sum>} : vector<16xi1> -> vector<16xi32>
      %slice3A_288 = vector.extract_strided_slice %all_reduce_population_count3A {offsets = [0], sizes = [1], strides = [1]} : vector<16xi32> to vector<1xi32>
      %squeeze3A_289 = vector.extract %slice3A_288[0] : i32 from vector<1xi32>
      %add3A_290 = arith.addi %while3A_274, %squeeze3A_289 : i32
      scf.yield %add3A_290 : i32
    }
    %broadcast_in_dim3A_128 = arith.constant 5 : i32
    %broadcast_in_dim3A_129 = vector.broadcast %broadcast_in_dim3A_128 : i32 to vector<16xi32>
    %broadcast_in_dim3A_130 = vector.broadcast %while3A_127 : i32 to vector<16xi32>
    tpu.vector_store_idx %arg11[%broadcast_in_dim3A_129], %broadcast_in_dim3A_130 masked %eq3A_3 : memref<16xi32, #tpu.memory_space<vmem>>[vector<16xi32>], vector<16xi32>, vector<16xi1>
    %broadcast_in_dim3A_131 = arith.constant 5 : i32
    %broadcast_in_dim3A_132 = vector.broadcast %broadcast_in_dim3A_131 : i32 to vector<16xi32>
    %while3A_133 = arith.constant 0 : i32
    %while3A_134 = arith.subi %select_n3A, %while3A_133 : i32
    %while3A_135 = arith.addi %while3A_133, %while3A_134 : i32
    %while3A_136 = arith.constant 1 : i32
    %while3A_137 = arith.divsi %while3A_134, %while3A_136 : i32
    %while3A_138 = arith.muli %while3A_137, %while3A_136 : i32
    %while3A_139 = arith.addi %while3A_133, %while3A_138 : i32
    %while3A_140 = arith.constant 1 : i32
    %while3A_141 = scf.for %while3A_273 = %while3A_133 to %while3A_139 step %while3A_140 iter_args(%while3A_274 = %while3A_127) -> (i32)  : i32 {
      %mul3A_275 = arith.constant 16 : i32
      %mul3A_276 = arith.muli %while3A_273, %mul3A_275 : i32
      %get3A = arith.index_cast %mul3A_276 : i32 to index
      %get3A_277 = tpu.vector_load %arg6[%get3A] {strides = array<i32>} : memref<16400xi32, #tpu.memory_space<vmem>>, vector<16xi32>,
      %mul3A_278 = arith.constant 16 : i32
      %mul3A_279 = arith.muli %while3A_273, %mul3A_278 : i32
      %add3A_280 = vector.broadcast %mul3A_279 : i32 to vector<16xi32>
      %add3A_281 = arith.addi %iota3A, %add3A_280 : vector<16xi32>
      %lt3A = arith.cmpi slt, %add3A_281, %broadcast_in_dim3A_50 : vector<16xi32>
      %shift_right_arithmetic3A = arith.constant 26 : i32
      %shift_right_arithmetic3A_282 = vector.broadcast %shift_right_arithmetic3A : i32 to vector<16xi32>
      %shift_right_arithmetic3A_283 = arith.shrsi %get3A_277, %shift_right_arithmetic3A_282 : vector<16xi32>
      %eq3A_284 = arith.cmpi eq, %shift_right_arithmetic3A_283, %broadcast_in_dim3A_132 : vector<16xi32>
      %and3A_285 = arith.andi %eq3A_284, %lt3A : vector<16xi1>
      %swap3A_286 = arith.index_cast %while3A_274 : i32 to index
      %swap3A_287 = tpu.vector_load %arg5[%swap3A_286] masked %and3A_285 {strides = array<i32>} : memref<16400xi32, #tpu.memory_space<vmem>>, vector<16xi32>, vector<16xi1>
      tpu.vector_store %arg5[%swap3A_286], %get3A_277 masked %and3A_285 {strides = array<i32>} : memref<16400xi32, #tpu.memory_space<vmem>>, vector<16xi32>, vector<16xi1>
      %all_reduce_population_count3A = tpu.all_reduce %and3A_285 {dim = 0 : i64, kind = #tpu.reduction_kind<sum>} : vector<16xi1> -> vector<16xi32>
      %slice3A_288 = vector.extract_strided_slice %all_reduce_population_count3A {offsets = [0], sizes = [1], strides = [1]} : vector<16xi32> to vector<1xi32>
      %squeeze3A_289 = vector.extract %slice3A_288[0] : i32 from vector<1xi32>
      %add3A_290 = arith.addi %while3A_274, %squeeze3A_289 : i32
      scf.yield %add3A_290 : i32
    }
    %while3A_142 = arith.constant 1 : i32
    %while3A_143 = scf.for %while3A_273 = %while3A_139 to %while3A_135 step %while3A_142 iter_args(%while3A_274 = %while3A_141) -> (i32)  : i32 {
      %mul3A_275 = arith.constant 16 : i32
      %mul3A_276 = arith.muli %while3A_273, %mul3A_275 : i32
      %get3A = arith.index_cast %mul3A_276 : i32 to index
      %get3A_277 = tpu.vector_load %arg6[%get3A] {strides = array<i32>} : memref<16400xi32, #tpu.memory_space<vmem>>, vector<16xi32>,
      %mul3A_278 = arith.constant 16 : i32
      %mul3A_279 = arith.muli %while3A_273, %mul3A_278 : i32
      %add3A_280 = vector.broadcast %mul3A_279 : i32 to vector<16xi32>
      %add3A_281 = arith.addi %iota3A, %add3A_280 : vector<16xi32>
      %lt3A = arith.cmpi slt, %add3A_281, %broadcast_in_dim3A_50 : vector<16xi32>
      %shift_right_arithmetic3A = arith.constant 26 : i32
      %shift_right_arithmetic3A_282 = vector.broadcast %shift_right_arithmetic3A : i32 to vector<16xi32>
      %shift_right_arithmetic3A_283 = arith.shrsi %get3A_277, %shift_right_arithmetic3A_282 : vector<16xi32>
      %eq3A_284 = arith.cmpi eq, %shift_right_arithmetic3A_283, %broadcast_in_dim3A_132 : vector<16xi32>
      %and3A_285 = arith.andi %eq3A_284, %lt3A : vector<16xi1>
      %swap3A_286 = arith.index_cast %while3A_274 : i32 to index
      %swap3A_287 = tpu.vector_load %arg5[%swap3A_286] masked %and3A_285 {strides = array<i32>} : memref<16400xi32, #tpu.memory_space<vmem>>, vector<16xi32>, vector<16xi1>
      tpu.vector_store %arg5[%swap3A_286], %get3A_277 masked %and3A_285 {strides = array<i32>} : memref<16400xi32, #tpu.memory_space<vmem>>, vector<16xi32>, vector<16xi1>
      %all_reduce_population_count3A = tpu.all_reduce %and3A_285 {dim = 0 : i64, kind = #tpu.reduction_kind<sum>} : vector<16xi1> -> vector<16xi32>
      %slice3A_288 = vector.extract_strided_slice %all_reduce_population_count3A {offsets = [0], sizes = [1], strides = [1]} : vector<16xi32> to vector<1xi32>
      %squeeze3A_289 = vector.extract %slice3A_288[0] : i32 from vector<1xi32>
      %add3A_290 = arith.addi %while3A_274, %squeeze3A_289 : i32
      scf.yield %add3A_290 : i32
    }
    %broadcast_in_dim3A_144 = arith.constant 6 : i32
    %broadcast_in_dim3A_145 = vector.broadcast %broadcast_in_dim3A_144 : i32 to vector<16xi32>
    %broadcast_in_dim3A_146 = vector.broadcast %while3A_143 : i32 to vector<16xi32>
    tpu.vector_store_idx %arg11[%broadcast_in_dim3A_145], %broadcast_in_dim3A_146 masked %eq3A_3 : memref<16xi32, #tpu.memory_space<vmem>>[vector<16xi32>], vector<16xi32>, vector<16xi1>
    %broadcast_in_dim3A_147 = arith.constant 6 : i32
    %broadcast_in_dim3A_148 = vector.broadcast %broadcast_in_dim3A_147 : i32 to vector<16xi32>
    %while3A_149 = arith.constant 0 : i32
    %while3A_150 = arith.subi %select_n3A, %while3A_149 : i32
    %while3A_151 = arith.addi %while3A_149, %while3A_150 : i32
    %while3A_152 = arith.constant 1 : i32
    %while3A_153 = arith.divsi %while3A_150, %while3A_152 : i32
    %while3A_154 = arith.muli %while3A_153, %while3A_152 : i32
    %while3A_155 = arith.addi %while3A_149, %while3A_154 : i32
    %while3A_156 = arith.constant 1 : i32
    %while3A_157 = scf.for %while3A_273 = %while3A_149 to %while3A_155 step %while3A_156 iter_args(%while3A_274 = %while3A_143) -> (i32)  : i32 {
      %mul3A_275 = arith.constant 16 : i32
      %mul3A_276 = arith.muli %while3A_273, %mul3A_275 : i32
      %get3A = arith.index_cast %mul3A_276 : i32 to index
      %get3A_277 = tpu.vector_load %arg6[%get3A] {strides = array<i32>} : memref<16400xi32, #tpu.memory_space<vmem>>, vector<16xi32>,
      %mul3A_278 = arith.constant 16 : i32
      %mul3A_279 = arith.muli %while3A_273, %mul3A_278 : i32
      %add3A_280 = vector.broadcast %mul3A_279 : i32 to vector<16xi32>
      %add3A_281 = arith.addi %iota3A, %add3A_280 : vector<16xi32>
      %lt3A = arith.cmpi slt, %add3A_281, %broadcast_in_dim3A_50 : vector<16xi32>
      %shift_right_arithmetic3A = arith.constant 26 : i32
      %shift_right_arithmetic3A_282 = vector.broadcast %shift_right_arithmetic3A : i32 to vector<16xi32>
      %shift_right_arithmetic3A_283 = arith.shrsi %get3A_277, %shift_right_arithmetic3A_282 : vector<16xi32>
      %eq3A_284 = arith.cmpi eq, %shift_right_arithmetic3A_283, %broadcast_in_dim3A_148 : vector<16xi32>
      %and3A_285 = arith.andi %eq3A_284, %lt3A : vector<16xi1>
      %swap3A_286 = arith.index_cast %while3A_274 : i32 to index
      %swap3A_287 = tpu.vector_load %arg5[%swap3A_286] masked %and3A_285 {strides = array<i32>} : memref<16400xi32, #tpu.memory_space<vmem>>, vector<16xi32>, vector<16xi1>
      tpu.vector_store %arg5[%swap3A_286], %get3A_277 masked %and3A_285 {strides = array<i32>} : memref<16400xi32, #tpu.memory_space<vmem>>, vector<16xi32>, vector<16xi1>
      %all_reduce_population_count3A = tpu.all_reduce %and3A_285 {dim = 0 : i64, kind = #tpu.reduction_kind<sum>} : vector<16xi1> -> vector<16xi32>
      %slice3A_288 = vector.extract_strided_slice %all_reduce_population_count3A {offsets = [0], sizes = [1], strides = [1]} : vector<16xi32> to vector<1xi32>
      %squeeze3A_289 = vector.extract %slice3A_288[0] : i32 from vector<1xi32>
      %add3A_290 = arith.addi %while3A_274, %squeeze3A_289 : i32
      scf.yield %add3A_290 : i32
    }
    %while3A_158 = arith.constant 1 : i32
    %while3A_159 = scf.for %while3A_273 = %while3A_155 to %while3A_151 step %while3A_158 iter_args(%while3A_274 = %while3A_157) -> (i32)  : i32 {
      %mul3A_275 = arith.constant 16 : i32
      %mul3A_276 = arith.muli %while3A_273, %mul3A_275 : i32
      %get3A = arith.index_cast %mul3A_276 : i32 to index
      %get3A_277 = tpu.vector_load %arg6[%get3A] {strides = array<i32>} : memref<16400xi32, #tpu.memory_space<vmem>>, vector<16xi32>,
      %mul3A_278 = arith.constant 16 : i32
      %mul3A_279 = arith.muli %while3A_273, %mul3A_278 : i32
      %add3A_280 = vector.broadcast %mul3A_279 : i32 to vector<16xi32>
      %add3A_281 = arith.addi %iota3A, %add3A_280 : vector<16xi32>
      %lt3A = arith.cmpi slt, %add3A_281, %broadcast_in_dim3A_50 : vector<16xi32>
      %shift_right_arithmetic3A = arith.constant 26 : i32
      %shift_right_arithmetic3A_282 = vector.broadcast %shift_right_arithmetic3A : i32 to vector<16xi32>
      %shift_right_arithmetic3A_283 = arith.shrsi %get3A_277, %shift_right_arithmetic3A_282 : vector<16xi32>
      %eq3A_284 = arith.cmpi eq, %shift_right_arithmetic3A_283, %broadcast_in_dim3A_148 : vector<16xi32>
      %and3A_285 = arith.andi %eq3A_284, %lt3A : vector<16xi1>
      %swap3A_286 = arith.index_cast %while3A_274 : i32 to index
      %swap3A_287 = tpu.vector_load %arg5[%swap3A_286] masked %and3A_285 {strides = array<i32>} : memref<16400xi32, #tpu.memory_space<vmem>>, vector<16xi32>, vector<16xi1>
      tpu.vector_store %arg5[%swap3A_286], %get3A_277 masked %and3A_285 {strides = array<i32>} : memref<16400xi32, #tpu.memory_space<vmem>>, vector<16xi32>, vector<16xi1>
      %all_reduce_population_count3A = tpu.all_reduce %and3A_285 {dim = 0 : i64, kind = #tpu.reduction_kind<sum>} : vector<16xi1> -> vector<16xi32>
      %slice3A_288 = vector.extract_strided_slice %all_reduce_population_count3A {offsets = [0], sizes = [1], strides = [1]} : vector<16xi32> to vector<1xi32>
      %squeeze3A_289 = vector.extract %slice3A_288[0] : i32 from vector<1xi32>
      %add3A_290 = arith.addi %while3A_274, %squeeze3A_289 : i32
      scf.yield %add3A_290 : i32
    }
    %broadcast_in_dim3A_160 = arith.constant 7 : i32
    %broadcast_in_dim3A_161 = vector.broadcast %broadcast_in_dim3A_160 : i32 to vector<16xi32>
    %broadcast_in_dim3A_162 = vector.broadcast %while3A_159 : i32 to vector<16xi32>
    tpu.vector_store_idx %arg11[%broadcast_in_dim3A_161], %broadcast_in_dim3A_162 masked %eq3A_3 : memref<16xi32, #tpu.memory_space<vmem>>[vector<16xi32>], vector<16xi32>, vector<16xi1>
    %broadcast_in_dim3A_163 = arith.constant 7 : i32
    %broadcast_in_dim3A_164 = vector.broadcast %broadcast_in_dim3A_163 : i32 to vector<16xi32>
    %while3A_165 = arith.constant 0 : i32
    %while3A_166 = arith.subi %select_n3A, %while3A_165 : i32
    %while3A_167 = arith.addi %while3A_165, %while3A_166 : i32
    %while3A_168 = arith.constant 1 : i32
    %while3A_169 = arith.divsi %while3A_166, %while3A_168 : i32
    %while3A_170 = arith.muli %while3A_169, %while3A_168 : i32
    %while3A_171 = arith.addi %while3A_165, %while3A_170 : i32
    %while3A_172 = arith.constant 1 : i32
    %while3A_173 = scf.for %while3A_273 = %while3A_165 to %while3A_171 step %while3A_172 iter_args(%while3A_274 = %while3A_159) -> (i32)  : i32 {
      %mul3A_275 = arith.constant 16 : i32
      %mul3A_276 = arith.muli %while3A_273, %mul3A_275 : i32
      %get3A = arith.index_cast %mul3A_276 : i32 to index
      %get3A_277 = tpu.vector_load %arg6[%get3A] {strides = array<i32>} : memref<16400xi32, #tpu.memory_space<vmem>>, vector<16xi32>,
      %mul3A_278 = arith.constant 16 : i32
      %mul3A_279 = arith.muli %while3A_273, %mul3A_278 : i32
      %add3A_280 = vector.broadcast %mul3A_279 : i32 to vector<16xi32>
      %add3A_281 = arith.addi %iota3A, %add3A_280 : vector<16xi32>
      %lt3A = arith.cmpi slt, %add3A_281, %broadcast_in_dim3A_50 : vector<16xi32>
      %shift_right_arithmetic3A = arith.constant 26 : i32
      %shift_right_arithmetic3A_282 = vector.broadcast %shift_right_arithmetic3A : i32 to vector<16xi32>
      %shift_right_arithmetic3A_283 = arith.shrsi %get3A_277, %shift_right_arithmetic3A_282 : vector<16xi32>
      %eq3A_284 = arith.cmpi eq, %shift_right_arithmetic3A_283, %broadcast_in_dim3A_164 : vector<16xi32>
      %and3A_285 = arith.andi %eq3A_284, %lt3A : vector<16xi1>
      %swap3A_286 = arith.index_cast %while3A_274 : i32 to index
      %swap3A_287 = tpu.vector_load %arg5[%swap3A_286] masked %and3A_285 {strides = array<i32>} : memref<16400xi32, #tpu.memory_space<vmem>>, vector<16xi32>, vector<16xi1>
      tpu.vector_store %arg5[%swap3A_286], %get3A_277 masked %and3A_285 {strides = array<i32>} : memref<16400xi32, #tpu.memory_space<vmem>>, vector<16xi32>, vector<16xi1>
      %all_reduce_population_count3A = tpu.all_reduce %and3A_285 {dim = 0 : i64, kind = #tpu.reduction_kind<sum>} : vector<16xi1> -> vector<16xi32>
      %slice3A_288 = vector.extract_strided_slice %all_reduce_population_count3A {offsets = [0], sizes = [1], strides = [1]} : vector<16xi32> to vector<1xi32>
      %squeeze3A_289 = vector.extract %slice3A_288[0] : i32 from vector<1xi32>
      %add3A_290 = arith.addi %while3A_274, %squeeze3A_289 : i32
      scf.yield %add3A_290 : i32
    }
    %while3A_174 = arith.constant 1 : i32
    %while3A_175 = scf.for %while3A_273 = %while3A_171 to %while3A_167 step %while3A_174 iter_args(%while3A_274 = %while3A_173) -> (i32)  : i32 {
      %mul3A_275 = arith.constant 16 : i32
      %mul3A_276 = arith.muli %while3A_273, %mul3A_275 : i32
      %get3A = arith.index_cast %mul3A_276 : i32 to index
      %get3A_277 = tpu.vector_load %arg6[%get3A] {strides = array<i32>} : memref<16400xi32, #tpu.memory_space<vmem>>, vector<16xi32>,
      %mul3A_278 = arith.constant 16 : i32
      %mul3A_279 = arith.muli %while3A_273, %mul3A_278 : i32
      %add3A_280 = vector.broadcast %mul3A_279 : i32 to vector<16xi32>
      %add3A_281 = arith.addi %iota3A, %add3A_280 : vector<16xi32>
      %lt3A = arith.cmpi slt, %add3A_281, %broadcast_in_dim3A_50 : vector<16xi32>
      %shift_right_arithmetic3A = arith.constant 26 : i32
      %shift_right_arithmetic3A_282 = vector.broadcast %shift_right_arithmetic3A : i32 to vector<16xi32>
      %shift_right_arithmetic3A_283 = arith.shrsi %get3A_277, %shift_right_arithmetic3A_282 : vector<16xi32>
      %eq3A_284 = arith.cmpi eq, %shift_right_arithmetic3A_283, %broadcast_in_dim3A_164 : vector<16xi32>
      %and3A_285 = arith.andi %eq3A_284, %lt3A : vector<16xi1>
      %swap3A_286 = arith.index_cast %while3A_274 : i32 to index
      %swap3A_287 = tpu.vector_load %arg5[%swap3A_286] masked %and3A_285 {strides = array<i32>} : memref<16400xi32, #tpu.memory_space<vmem>>, vector<16xi32>, vector<16xi1>
      tpu.vector_store %arg5[%swap3A_286], %get3A_277 masked %and3A_285 {strides = array<i32>} : memref<16400xi32, #tpu.memory_space<vmem>>, vector<16xi32>, vector<16xi1>
      %all_reduce_population_count3A = tpu.all_reduce %and3A_285 {dim = 0 : i64, kind = #tpu.reduction_kind<sum>} : vector<16xi1> -> vector<16xi32>
      %slice3A_288 = vector.extract_strided_slice %all_reduce_population_count3A {offsets = [0], sizes = [1], strides = [1]} : vector<16xi32> to vector<1xi32>
      %squeeze3A_289 = vector.extract %slice3A_288[0] : i32 from vector<1xi32>
      %add3A_290 = arith.addi %while3A_274, %squeeze3A_289 : i32
      scf.yield %add3A_290 : i32
    }
    %broadcast_in_dim3A_176 = arith.constant 8 : i32
    %broadcast_in_dim3A_177 = vector.broadcast %broadcast_in_dim3A_176 : i32 to vector<16xi32>
    %broadcast_in_dim3A_178 = vector.broadcast %while3A_175 : i32 to vector<16xi32>
    tpu.vector_store_idx %arg11[%broadcast_in_dim3A_177], %broadcast_in_dim3A_178 masked %eq3A_3 : memref<16xi32, #tpu.memory_space<vmem>>[vector<16xi32>], vector<16xi32>, vector<16xi1>
    %sub3A_179 = arith.constant 3906 : i32
    %sub3A_180 = arith.subi %sub3A_179, %mul3A_20 : i32
    %min3A = arith.constant 123 : i32
    %min3A_181 = arith.minsi %min3A, %sub3A_180 : i32
    %add3A_182 = arith.constant 0 : i32
    %add3A_183 = arith.addi %mul3A_20, %add3A_182 : i32
    %mul3A_184 = arith.constant 256 : i32
    %mul3A_185 = arith.muli %add3A_183, %mul3A_184 : i32
    %multiple_of3A = tpu.assume_multiple %mul3A_185, 128 : i32
    %dma_start3A = arith.constant 0 : i32
    %dma_start3A_186 = arith.constant 0 : i32
    %dma_start3A_187 = arith.constant 0 : i32
    %dma_start3A_188 = tpu.memref_slice %arg7[%dma_start3A, %dma_start3A_186, %dma_start3A_187] : memref<5x64x256xf32, #tpu.memory_space<vmem>> -> memref<1x64x256xf32, #tpu.memory_space<vmem>>
    %dma_start3A_189 = tpu.memref_squeeze %dma_start3A_188 : memref<1x64x256xf32, #tpu.memory_space<vmem>> -> memref<64x256xf32, #tpu.memory_space<vmem>>
    %dma_start3A_190 = arith.constant 0 : i32
    %dma_start3A_191 = tpu.memref_slice %arg3[%dma_start3A_190, %multiple_of3A] : memref<64x1000001xf32, #tpu.memory_space<hbm>> -> memref<64x256xf32, #tpu.memory_space<hbm>>
    %dma_start3A_192 = arith.constant 0 : i32
    %dma_start3A_193 = arith.constant 0 : i32
    %dma_start3A_194 = tpu.memref_slice %arg7[%dma_start3A, %dma_start3A_192, %dma_start3A_193] : memref<5x64x256xf32, #tpu.memory_space<vmem>> -> memref<1x64x256xf32, #tpu.memory_space<vmem>>
    %dma_start3A_195 = tpu.memref_squeeze %dma_start3A_194 : memref<1x64x256xf32, #tpu.memory_space<vmem>> -> memref<64x256xf32, #tpu.memory_space<vmem>>
    %dma_start3A_196 = arith.constant 0 : i32
    %dma_start3A_197 = tpu.memref_slice %arg3[%dma_start3A_196, %multiple_of3A] : memref<64x1000001xf32, #tpu.memory_space<hbm>> -> memref<64x256xf32, #tpu.memory_space<hbm>>
    tpu.enqueue_dma source(%dma_start3A_197 : memref<64x256xf32, #tpu.memory_space<hbm>>) target(%dma_start3A_195 : memref<64x256xf32, #tpu.memory_space<vmem>>) target_semaphore(%arg12 : memref<!tpu.dma_semaphore, #tpu.memory_space<semaphore_mem>>)
    %add3A_198 = arith.constant 1 : i32
    %add3A_199 = arith.addi %mul3A_20, %add3A_198 : i32
    %mul3A_200 = arith.constant 256 : i32
    %mul3A_201 = arith.muli %add3A_199, %mul3A_200 : i32
    %multiple_of3A_202 = tpu.assume_multiple %mul3A_201, 128 : i32
    %dma_start3A_203 = arith.constant 1 : i32
    %dma_start3A_204 = arith.constant 0 : i32
    %dma_start3A_205 = arith.constant 0 : i32
    %dma_start3A_206 = tpu.memref_slice %arg7[%dma_start3A_203, %dma_start3A_204, %dma_start3A_205] : memref<5x64x256xf32, #tpu.memory_space<vmem>> -> memref<1x64x256xf32, #tpu.memory_space<vmem>>
    %dma_start3A_207 = tpu.memref_squeeze %dma_start3A_206 : memref<1x64x256xf32, #tpu.memory_space<vmem>> -> memref<64x256xf32, #tpu.memory_space<vmem>>
    %dma_start3A_208 = arith.constant 0 : i32
    %dma_start3A_209 = tpu.memref_slice %arg3[%dma_start3A_208, %multiple_of3A_202] : memref<64x1000001xf32, #tpu.memory_space<hbm>> -> memref<64x256xf32, #tpu.memory_space<hbm>>
    %dma_start3A_210 = arith.constant 0 : i32
    %dma_start3A_211 = arith.constant 0 : i32
    %dma_start3A_212 = tpu.memref_slice %arg7[%dma_start3A_203, %dma_start3A_210, %dma_start3A_211] : memref<5x64x256xf32, #tpu.memory_space<vmem>> -> memref<1x64x256xf32, #tpu.memory_space<vmem>>
    %dma_start3A_213 = tpu.memref_squeeze %dma_start3A_212 : memref<1x64x256xf32, #tpu.memory_space<vmem>> -> memref<64x256xf32, #tpu.memory_space<vmem>>
    %dma_start3A_214 = arith.constant 0 : i32
    %dma_start3A_215 = tpu.memref_slice %arg3[%dma_start3A_214, %multiple_of3A_202] : memref<64x1000001xf32, #tpu.memory_space<hbm>> -> memref<64x256xf32, #tpu.memory_space<hbm>>
    tpu.enqueue_dma source(%dma_start3A_215 : memref<64x256xf32, #tpu.memory_space<hbm>>) target(%dma_start3A_213 : memref<64x256xf32, #tpu.memory_space<vmem>>) target_semaphore(%arg13 : memref<!tpu.dma_semaphore, #tpu.memory_space<semaphore_mem>>)
    %add3A_216 = arith.constant 2 : i32
    %add3A_217 = arith.addi %mul3A_20, %add3A_216 : i32
    %mul3A_218 = arith.constant 256 : i32
    %mul3A_219 = arith.muli %add3A_217, %mul3A_218 : i32
    %multiple_of3A_220 = tpu.assume_multiple %mul3A_219, 128 : i32
    %dma_start3A_221 = arith.constant 2 : i32
    %dma_start3A_222 = arith.constant 0 : i32
    %dma_start3A_223 = arith.constant 0 : i32
    %dma_start3A_224 = tpu.memref_slice %arg7[%dma_start3A_221, %dma_start3A_222, %dma_start3A_223] : memref<5x64x256xf32, #tpu.memory_space<vmem>> -> memref<1x64x256xf32, #tpu.memory_space<vmem>>
    %dma_start3A_225 = tpu.memref_squeeze %dma_start3A_224 : memref<1x64x256xf32, #tpu.memory_space<vmem>> -> memref<64x256xf32, #tpu.memory_space<vmem>>
    %dma_start3A_226 = arith.constant 0 : i32
    %dma_start3A_227 = tpu.memref_slice %arg3[%dma_start3A_226, %multiple_of3A_220] : memref<64x1000001xf32, #tpu.memory_space<hbm>> -> memref<64x256xf32, #tpu.memory_space<hbm>>
    %dma_start3A_228 = arith.constant 0 : i32
    %dma_start3A_229 = arith.constant 0 : i32
    %dma_start3A_230 = tpu.memref_slice %arg7[%dma_start3A_221, %dma_start3A_228, %dma_start3A_229] : memref<5x64x256xf32, #tpu.memory_space<vmem>> -> memref<1x64x256xf32, #tpu.memory_space<vmem>>
    %dma_start3A_231 = tpu.memref_squeeze %dma_start3A_230 : memref<1x64x256xf32, #tpu.memory_space<vmem>> -> memref<64x256xf32, #tpu.memory_space<vmem>>
    %dma_start3A_232 = arith.constant 0 : i32
    %dma_start3A_233 = tpu.memref_slice %arg3[%dma_start3A_232, %multiple_of3A_220] : memref<64x1000001xf32, #tpu.memory_space<hbm>> -> memref<64x256xf32, #tpu.memory_space<hbm>>
    tpu.enqueue_dma source(%dma_start3A_233 : memref<64x256xf32, #tpu.memory_space<hbm>>) target(%dma_start3A_231 : memref<64x256xf32, #tpu.memory_space<vmem>>) target_semaphore(%arg14 : memref<!tpu.dma_semaphore, #tpu.memory_space<semaphore_mem>>)
    %add3A_234 = arith.constant 3 : i32
    %add3A_235 = arith.addi %mul3A_20, %add3A_234 : i32
    %mul3A_236 = arith.constant 256 : i32
    %mul3A_237 = arith.muli %add3A_235, %mul3A_236 : i32
    %multiple_of3A_238 = tpu.assume_multiple %mul3A_237, 128 : i32
    %dma_start3A_239 = arith.constant 3 : i32
    %dma_start3A_240 = arith.constant 0 : i32
    %dma_start3A_241 = arith.constant 0 : i32
    %dma_start3A_242 = tpu.memref_slice %arg7[%dma_start3A_239, %dma_start3A_240, %dma_start3A_241] : memref<5x64x256xf32, #tpu.memory_space<vmem>> -> memref<1x64x256xf32, #tpu.memory_space<vmem>>
    %dma_start3A_243 = tpu.memref_squeeze %dma_start3A_242 : memref<1x64x256xf32, #tpu.memory_space<vmem>> -> memref<64x256xf32, #tpu.memory_space<vmem>>
    %dma_start3A_244 = arith.constant 0 : i32
    %dma_start3A_245 = tpu.memref_slice %arg3[%dma_start3A_244, %multiple_of3A_238] : memref<64x1000001xf32, #tpu.memory_space<hbm>> -> memref<64x256xf32, #tpu.memory_space<hbm>>
    %dma_start3A_246 = arith.constant 0 : i32
    %dma_start3A_247 = arith.constant 0 : i32
    %dma_start3A_248 = tpu.memref_slice %arg7[%dma_start3A_239, %dma_start3A_246, %dma_start3A_247] : memref<5x64x256xf32, #tpu.memory_space<vmem>> -> memref<1x64x256xf32, #tpu.memory_space<vmem>>
    %dma_start3A_249 = tpu.memref_squeeze %dma_start3A_248 : memref<1x64x256xf32, #tpu.memory_space<vmem>> -> memref<64x256xf32, #tpu.memory_space<vmem>>
    %dma_start3A_250 = arith.constant 0 : i32
    %dma_start3A_251 = tpu.memref_slice %arg3[%dma_start3A_250, %multiple_of3A_238] : memref<64x1000001xf32, #tpu.memory_space<hbm>> -> memref<64x256xf32, #tpu.memory_space<hbm>>
    tpu.enqueue_dma source(%dma_start3A_251 : memref<64x256xf32, #tpu.memory_space<hbm>>) target(%dma_start3A_249 : memref<64x256xf32, #tpu.memory_space<vmem>>) target_semaphore(%arg15 : memref<!tpu.dma_semaphore, #tpu.memory_space<semaphore_mem>>)
    %scan3A_252 = arith.constant 0 : i32
    %scan3A_253 = arith.constant 0 : i32
    %scan3A_254 = arith.constant 25 : i32
    %scan3A_255 = arith.addi %scan3A_253, %scan3A_254 : i32
    %scan3A_256 = arith.constant 1 : i32
    scf.for %scan3A_273 = %scan3A_253 to %scan3A_255 step %scan3A_256  : i32 {
      %mul3A_274 = arith.constant 5 : i32
      %mul3A_275 = arith.muli %scan3A_273, %mul3A_274 : i32
      %add3A_276 = arith.constant 0 : i32
      %add3A_277 = arith.addi %mul3A_275, %add3A_276 : i32
      %lt3A = arith.cmpi slt, %add3A_277, %min3A_181 : i32
      %convert_element_type3A_278 = arith.extui %lt3A : i1 to i32
      %cond3A_279 = arith.constant 0 : i32
      %cond3A_280 = arith.cmpi ne, %convert_element_type3A_278, %cond3A_279 : i32
      scf.if %cond3A_280 {
        %add3A_313 = arith.constant 4 : i32
        %add3A_314 = arith.addi %add3A_277, %add3A_313 : i32
        %lt3A_315 = arith.cmpi slt, %add3A_314, %min3A_181 : i32
        %convert_element_type3A_316 = arith.extui %lt3A_315 : i1 to i32
        %cond3A_317 = arith.constant 0 : i32
        %cond3A_318 = arith.cmpi ne, %convert_element_type3A_316, %cond3A_317 : i32
        scf.if %cond3A_318 {
          %add3A_430 = arith.constant 4 : i32
          %add3A_431 = arith.addi %add3A_277, %add3A_430 : i32
          %add3A_432 = arith.addi %mul3A_20, %add3A_431 : i32
          %mul3A_433 = arith.constant 256 : i32
          %mul3A_434 = arith.muli %add3A_432, %mul3A_433 : i32
          %multiple_of3A_435 = tpu.assume_multiple %mul3A_434, 128 : i32
          %dma_start3A_436 = arith.constant 4 : i32
          %dma_start3A_437 = arith.constant 0 : i32
          %dma_start3A_438 = arith.constant 0 : i32
          %dma_start3A_439 = tpu.memref_slice %arg7[%dma_start3A_436, %dma_start3A_437, %dma_start3A_438] : memref<5x64x256xf32, #tpu.memory_space<vmem>> -> memref<1x64x256xf32, #tpu.memory_space<vmem>>
          %dma_start3A_440 = tpu.memref_squeeze %dma_start3A_439 : memref<1x64x256xf32, #tpu.memory_space<vmem>> -> memref<64x256xf32, #tpu.memory_space<vmem>>
          %dma_start3A_441 = arith.constant 0 : i32
          %dma_start3A_442 = tpu.memref_slice %arg3[%dma_start3A_441, %multiple_of3A_435] : memref<64x1000001xf32, #tpu.memory_space<hbm>> -> memref<64x256xf32, #tpu.memory_space<hbm>>
          %dma_start3A_443 = arith.constant 0 : i32
          %dma_start3A_444 = arith.constant 0 : i32
          %dma_start3A_445 = tpu.memref_slice %arg7[%dma_start3A_436, %dma_start3A_443, %dma_start3A_444] : memref<5x64x256xf32, #tpu.memory_space<vmem>> -> memref<1x64x256xf32, #tpu.memory_space<vmem>>
          %dma_start3A_446 = tpu.memref_squeeze %dma_start3A_445 : memref<1x64x256xf32, #tpu.memory_space<vmem>> -> memref<64x256xf32, #tpu.memory_space<vmem>>
          %dma_start3A_447 = arith.constant 0 : i32
          %dma_start3A_448 = tpu.memref_slice %arg3[%dma_start3A_447, %multiple_of3A_435] : memref<64x1000001xf32, #tpu.memory_space<hbm>> -> memref<64x256xf32, #tpu.memory_space<hbm>>
          tpu.enqueue_dma source(%dma_start3A_448 : memref<64x256xf32, #tpu.memory_space<hbm>>) target(%dma_start3A_446 : memref<64x256xf32, #tpu.memory_space<vmem>>) target_semaphore(%arg16 : memref<!tpu.dma_semaphore, #tpu.memory_space<semaphore_mem>>)
        } else {
        }
        %dma_wait3A = arith.constant 0 : i32
        %dma_wait3A_319 = arith.constant 0 : i32
        %dma_wait3A_320 = arith.constant 0 : i32
        %dma_wait3A_321 = tpu.memref_slice %arg7[%dma_wait3A, %dma_wait3A_319, %dma_wait3A_320] : memref<5x64x256xf32, #tpu.memory_space<vmem>> -> memref<1x64x256xf32, #tpu.memory_space<vmem>>
        %dma_wait3A_322 = tpu.memref_squeeze %dma_wait3A_321 : memref<1x64x256xf32, #tpu.memory_space<vmem>> -> memref<64x256xf32, #tpu.memory_space<vmem>>
        %dma_wait3A_323 = arith.constant 0 : i32
        %dma_wait3A_324 = arith.constant 0 : i32
        %dma_wait3A_325 = tpu.memref_slice %arg3[%dma_wait3A_323, %dma_wait3A_324] : memref<64x1000001xf32, #tpu.memory_space<hbm>> -> memref<64x256xf32, #tpu.memory_space<hbm>>
        %dma_wait3A_326 = arith.constant 0 : i32
        %dma_wait3A_327 = arith.constant 0 : i32
        %dma_wait3A_328 = tpu.memref_slice %arg7[%dma_wait3A, %dma_wait3A_326, %dma_wait3A_327] : memref<5x64x256xf32, #tpu.memory_space<vmem>> -> memref<1x64x256xf32, #tpu.memory_space<vmem>>
        %dma_wait3A_329 = tpu.memref_squeeze %dma_wait3A_328 : memref<1x64x256xf32, #tpu.memory_space<vmem>> -> memref<64x256xf32, #tpu.memory_space<vmem>>
        %dma_wait3A_330 = arith.constant 0 : i32
        %dma_wait3A_331 = arith.constant 0 : i32
        %dma_wait3A_332 = tpu.memref_slice %arg3[%dma_wait3A_330, %dma_wait3A_331] : memref<64x1000001xf32, #tpu.memory_space<hbm>> -> memref<64x256xf32, #tpu.memory_space<hbm>>
        tpu.wait_dma2 semaphore(%arg12 : memref<!tpu.dma_semaphore, #tpu.memory_space<semaphore_mem>>) src(%dma_wait3A_332 : memref<64x256xf32, #tpu.memory_space<hbm>>) dst(%dma_wait3A_329 : memref<64x256xf32, #tpu.memory_space<vmem>>)
        %jit3A_333 = arith.constant 16 : i32
        %div3A_334 = arith.divsi %add3A_277, %jit3A_333 : i32
        %sign3A_335 = arith.constant 0 : i32
        %sign3A_336 = arith.cmpi sgt, %add3A_277, %sign3A_335 : i32
        %sign3A_337 = arith.extui %sign3A_336 : i1 to i32
        %sign3A_338 = arith.constant 0 : i32
        %sign3A_339 = arith.cmpi slt, %add3A_277, %sign3A_338 : i32
        %sign3A_340 = arith.extui %sign3A_339 : i1 to i32
        %sign3A_341 = arith.subi %sign3A_337, %sign3A_340 : i32
        %sign3A_342 = arith.constant 0 : i32
        %sign3A_343 = arith.cmpi sgt, %jit3A_333, %sign3A_342 : i32
        %sign3A_344 = arith.extui %sign3A_343 : i1 to i32
        %sign3A_345 = arith.constant 0 : i32
        %sign3A_346 = arith.cmpi slt, %jit3A_333, %sign3A_345 : i32
        %sign3A_347 = arith.extui %sign3A_346 : i1 to i32
        %sign3A_348 = arith.subi %sign3A_344, %sign3A_347 : i32
        %ne3A_349 = arith.cmpi ne, %sign3A_341, %sign3A_348 : i32
        %rem3A_350 = arith.remsi %add3A_277, %jit3A_333 : i32
        %ne3A_351 = arith.constant 0 : i32
        %ne3A_352 = arith.cmpi ne, %rem3A_350, %ne3A_351 : i32
        %and3A_353 = arith.andi %ne3A_349, %ne3A_352 : i1
        %sub3A_354 = arith.constant 1 : i32
        %sub3A_355 = arith.subi %div3A_334, %sub3A_354 : i32
        %select_n3A_356 = arith.select %and3A_353, %sub3A_355, %div3A_334 : i32
        %broadcast_in_dim3A_357 = vector.broadcast %select_n3A_356 : i32 to vector<16xi32>
        %gather3A_358 = tpu.vector_load_idx %arg11[%broadcast_in_dim3A_357] : memref<16xi32, #tpu.memory_space<vmem>>[vector<16xi32>], vector<16xi32>,
        %add3A_359 = arith.constant 1 : i32
        %add3A_360 = arith.addi %select_n3A_356, %add3A_359 : i32
        %broadcast_in_dim3A_361 = vector.broadcast %add3A_360 : i32 to vector<16xi32>
        %gather3A_362 = tpu.vector_load_idx %arg11[%broadcast_in_dim3A_361] : memref<16xi32, #tpu.memory_space<vmem>>[vector<16xi32>], vector<16xi32>,
        %broadcast_in_dim3A_363 = vector.broadcast %add3A_277 : i32 to vector<16xi32>
        %slice3A_364 = vector.extract_strided_slice %gather3A_358 {offsets = [0], sizes = [1], strides = [1]} : vector<16xi32> to vector<1xi32>
        %squeeze3A_365 = vector.extract %slice3A_364[0] : i32 from vector<1xi32>
        %jit3A_366 = arith.constant 16 : i32
        %div3A_367 = arith.divsi %squeeze3A_365, %jit3A_366 : i32
        %sign3A_368 = arith.constant 0 : i32
        %sign3A_369 = arith.cmpi sgt, %squeeze3A_365, %sign3A_368 : i32
        %sign3A_370 = arith.extui %sign3A_369 : i1 to i32
        %sign3A_371 = arith.constant 0 : i32
        %sign3A_372 = arith.cmpi slt, %squeeze3A_365, %sign3A_371 : i32
        %sign3A_373 = arith.extui %sign3A_372 : i1 to i32
        %sign3A_374 = arith.subi %sign3A_370, %sign3A_373 : i32
        %sign3A_375 = arith.constant 0 : i32
        %sign3A_376 = arith.cmpi sgt, %jit3A_366, %sign3A_375 : i32
        %sign3A_377 = arith.extui %sign3A_376 : i1 to i32
        %sign3A_378 = arith.constant 0 : i32
        %sign3A_379 = arith.cmpi slt, %jit3A_366, %sign3A_378 : i32
        %sign3A_380 = arith.extui %sign3A_379 : i1 to i32
        %sign3A_381 = arith.subi %sign3A_377, %sign3A_380 : i32
        %ne3A_382 = arith.cmpi ne, %sign3A_374, %sign3A_381 : i32
        %rem3A_383 = arith.remsi %squeeze3A_365, %jit3A_366 : i32
        %ne3A_384 = arith.constant 0 : i32
        %ne3A_385 = arith.cmpi ne, %rem3A_383, %ne3A_384 : i32
        %and3A_386 = arith.andi %ne3A_382, %ne3A_385 : i1
        %sub3A_387 = arith.constant 1 : i32
        %sub3A_388 = arith.subi %div3A_367, %sub3A_387 : i32
        %select_n3A_389 = arith.select %and3A_386, %sub3A_388, %div3A_367 : i32
        %slice3A_390 = vector.extract_strided_slice %gather3A_362 {offsets = [0], sizes = [1], strides = [1]} : vector<16xi32> to vector<1xi32>
        %squeeze3A_391 = vector.extract %slice3A_390[0] : i32 from vector<1xi32>
        %add3A_392 = arith.constant 16 : i32
        %add3A_393 = arith.addi %squeeze3A_391, %add3A_392 : i32
        %sub3A_394 = arith.constant 1 : i32
        %sub3A_395 = arith.subi %add3A_393, %sub3A_394 : i32
        %jit3A_396 = arith.constant 16 : i32
        %div3A_397 = arith.divsi %sub3A_395, %jit3A_396 : i32
        %sign3A_398 = arith.constant 0 : i32
        %sign3A_399 = arith.cmpi sgt, %sub3A_395, %sign3A_398 : i32
        %sign3A_400 = arith.extui %sign3A_399 : i1 to i32
        %sign3A_401 = arith.constant 0 : i32
        %sign3A_402 = arith.cmpi slt, %sub3A_395, %sign3A_401 : i32
        %sign3A_403 = arith.extui %sign3A_402 : i1 to i32
        %sign3A_404 = arith.subi %sign3A_400, %sign3A_403 : i32
        %sign3A_405 = arith.constant 0 : i32
        %sign3A_406 = arith.cmpi sgt, %jit3A_396, %sign3A_405 : i32
        %sign3A_407 = arith.extui %sign3A_406 : i1 to i32
        %sign3A_408 = arith.constant 0 : i32
        %sign3A_409 = arith.cmpi slt, %jit3A_396, %sign3A_408 : i32
        %sign3A_410 = arith.extui %sign3A_409 : i1 to i32
        %sign3A_411 = arith.subi %sign3A_407, %sign3A_410 : i32
        %ne3A_412 = arith.cmpi ne, %sign3A_404, %sign3A_411 : i32
        %rem3A_413 = arith.remsi %sub3A_395, %jit3A_396 : i32
        %ne3A_414 = arith.constant 0 : i32
        %ne3A_415 = arith.cmpi ne, %rem3A_413, %ne3A_414 : i32
        %and3A_416 = arith.andi %ne3A_412, %ne3A_415 : i1
        %sub3A_417 = arith.constant 1 : i32
        %sub3A_418 = arith.subi %div3A_397, %sub3A_417 : i32
        %select_n3A_419 = arith.select %and3A_416, %sub3A_418, %div3A_397 : i32
        %while3A_420 = arith.constant 0 : i32
        %while3A_421 = arith.constant 0 : i32
        %while3A_422 = arith.subi %select_n3A_419, %select_n3A_389 : i32
        %while3A_423 = arith.addi %select_n3A_389, %while3A_422 : i32
        %while3A_424 = arith.constant 1 : i32
        %while3A_425 = arith.divsi %while3A_422, %while3A_424 : i32
        %while3A_426 = arith.muli %while3A_425, %while3A_424 : i32
        %while3A_427 = arith.addi %select_n3A_389, %while3A_426 : i32
        %while3A_428 = arith.constant 1 : i32
        scf.for %while3A_430 = %select_n3A_389 to %while3A_427 step %while3A_428  : i32 {
          %mul3A_431 = arith.constant 16 : i32
          %mul3A_432 = arith.muli %while3A_430, %mul3A_431 : i32
          %get3A = arith.index_cast %mul3A_432 : i32 to index
          %get3A_433 = tpu.vector_load %arg5[%get3A] {strides = array<i32>} : memref<16400xi32, #tpu.memory_space<vmem>>, vector<16xi32>,
          %mul3A_434 = arith.constant 16 : i32
          %mul3A_435 = arith.muli %while3A_430, %mul3A_434 : i32
          %add3A_436 = vector.broadcast %mul3A_435 : i32 to vector<16xi32>
          %add3A_437 = arith.addi %iota3A, %add3A_436 : vector<16xi32>
          %ge3A = arith.cmpi sge, %add3A_437, %gather3A_358 : vector<16xi32>
          %lt3A_438 = arith.cmpi slt, %add3A_437, %gather3A_362 : vector<16xi32>
          %and3A_439 = arith.andi %ge3A, %lt3A_438 : vector<16xi1>
          %shift_right_arithmetic3A = arith.constant 22 : i32
          %shift_right_arithmetic3A_440 = vector.broadcast %shift_right_arithmetic3A : i32 to vector<16xi32>
          %shift_right_arithmetic3A_441 = arith.shrsi %get3A_433, %shift_right_arithmetic3A_440 : vector<16xi32>
          %eq3A_442 = arith.cmpi eq, %shift_right_arithmetic3A_441, %broadcast_in_dim3A_363 : vector<16xi32>
          %and3A_443 = arith.andi %eq3A_442, %and3A_439 : vector<16xi1>
          %all_reduce_population_count3A = tpu.all_reduce %and3A_443 {dim = 0 : i64, kind = #tpu.reduction_kind<sum>} : vector<16xi1> -> vector<16xi32>
          %slice3A_444 = vector.extract_strided_slice %all_reduce_population_count3A {offsets = [0], sizes = [1], strides = [1]} : vector<16xi32> to vector<1xi32>
          %squeeze3A_445 = vector.extract %slice3A_444[0] : i32 from vector<1xi32>
          %while3A_446 = arith.constant 0 : i32
          %while3A_447 = arith.subi %squeeze3A_445, %while3A_446 : i32
          %while3A_448 = arith.addi %while3A_446, %while3A_447 : i32
          %while3A_449 = arith.constant 1 : i32
          %while3A_450 = arith.divsi %while3A_447, %while3A_449 : i32
          %while3A_451 = arith.muli %while3A_450, %while3A_449 : i32
          %while3A_452 = arith.addi %while3A_446, %while3A_451 : i32
          %while3A_453 = arith.constant 1 : i32
          %while3A_454 = scf.for %while3A_457 = %while3A_446 to %while3A_452 step %while3A_453 iter_args(%while3A_458 = %and3A_443) -> (vector<16xi1>)  : i32 {
            %all_reduce_ffs3A = tpu.all_reduce %while3A_458 {dim = 0 : i64, kind = #tpu.reduction_kind<find_first_set>} : vector<16xi1> -> vector<16xi32>
            %mul3A_459 = arith.constant 16 : i32
            %mul3A_460 = arith.muli %while3A_430, %mul3A_459 : i32
            %add3A_461 = vector.broadcast %mul3A_460 : i32 to vector<16xi32>
            %add3A_462 = arith.addi %all_reduce_ffs3A, %add3A_461 : vector<16xi32>
            %gather3A_463 = tpu.vector_load_idx %arg5[%add3A_462] : memref<16400xi32, #tpu.memory_space<vmem>>[vector<16xi32>], vector<16xi32>,
            %shift_right_arithmetic3A_464 = arith.constant 14 : i32
            %shift_right_arithmetic3A_465 = vector.broadcast %shift_right_arithmetic3A_464 : i32 to vector<16xi32>
            %shift_right_arithmetic3A_466 = arith.shrsi %gather3A_463, %shift_right_arithmetic3A_465 : vector<16xi32>
            %and3A_467 = arith.constant 255 : i32
            %and3A_468 = vector.broadcast %and3A_467 : i32 to vector<16xi32>
            %and3A_469 = arith.andi %shift_right_arithmetic3A_466, %and3A_468 : vector<16xi32>
            %and3A_470 = arith.constant 16383 : i32
            %and3A_471 = vector.broadcast %and3A_470 : i32 to vector<16xi32>
            %and3A_472 = arith.andi %gather3A_463, %and3A_471 : vector<16xi32>
            %slice3A_473 = vector.extract_strided_slice %and3A_472 {offsets = [0], sizes = [1], strides = [1]} : vector<16xi32> to vector<1xi32>
            %squeeze3A_474 = vector.extract %slice3A_473[0] : i32 from vector<1xi32>
            %gather3A_475 = tpu.vector_load_idx %arg10[%broadcast_in_dim3A_1] : memref<16xi32, #tpu.memory_space<vmem>>[vector<16xi32>], vector<16xi32>,
            %slice3A_476 = vector.extract_strided_slice %gather3A_475 {offsets = [0], sizes = [1], strides = [1]} : vector<16xi32> to vector<1xi32>
            %squeeze3A_477 = vector.extract %slice3A_476[0] : i32 from vector<1xi32>
            %ge3A_478 = arith.constant 32 : i32
            %ge3A_479 = arith.cmpi sge, %squeeze3A_477, %ge3A_478 : i32
            %convert_element_type3A_480 = arith.extui %ge3A_479 : i1 to i32
            %cond3A_481 = arith.constant 0 : i32
            %cond3A_482 = arith.cmpi ne, %convert_element_type3A_480, %cond3A_481 : i32
            scf.if %cond3A_482 {
              %dma_wait3A_544 = arith.constant 0 : i32
              %dma_wait3A_545 = arith.constant 0 : i32
              %dma_wait3A_546 = tpu.memref_slice %arg9[%dma_wait3A_544, %dma_wait3A_545] : memref<32x64xf32, #tpu.memory_space<vmem>> -> memref<1x64xf32, #tpu.memory_space<vmem>>
              %dma_wait3A_547 = arith.constant 0 : i32
              %dma_wait3A_548 = arith.constant 0 : i32
              %dma_wait3A_549 = tpu.memref_slice %arg4[%dma_wait3A_547, %dma_wait3A_548] : memref<16384x64xf32, #tpu.memory_space<hbm>> -> memref<1x64xf32, #tpu.memory_space<hbm>>
              %dma_wait3A_550 = arith.constant 0 : i32
              %dma_wait3A_551 = arith.constant 0 : i32
              %dma_wait3A_552 = tpu.memref_slice %arg9[%dma_wait3A_550, %dma_wait3A_551] : memref<32x64xf32, #tpu.memory_space<vmem>> -> memref<1x64xf32, #tpu.memory_space<vmem>>
              %dma_wait3A_553 = arith.constant 0 : i32
              %dma_wait3A_554 = arith.constant 0 : i32
              %dma_wait3A_555 = tpu.memref_slice %arg4[%dma_wait3A_553, %dma_wait3A_554] : memref<16384x64xf32, #tpu.memory_space<hbm>> -> memref<1x64xf32, #tpu.memory_space<hbm>>
              tpu.wait_dma2 semaphore(%arg17 : memref<!tpu.dma_semaphore, #tpu.memory_space<semaphore_mem>>) src(%dma_wait3A_555 : memref<1x64xf32, #tpu.memory_space<hbm>>) dst(%dma_wait3A_552 : memref<1x64xf32, #tpu.memory_space<vmem>>)
            } else {
            }
            %jit3A_483 = arith.constant 32 : i32
            %eq3A_484 = arith.constant 0 : i32
            %eq3A_485 = arith.cmpi eq, %jit3A_483, %eq3A_484 : i32
            %jit3A_486 = arith.constant 1 : i32
            %select_n3A_487 = arith.select %eq3A_485, %jit3A_486, %jit3A_483 : i32
            %rem3A_488 = arith.remsi %squeeze3A_477, %select_n3A_487 : i32
            %ne3A_489 = arith.constant 0 : i32
            %ne3A_490 = arith.cmpi ne, %rem3A_488, %ne3A_489 : i32
            %lt3A_491 = arith.constant 0 : i32
            %lt3A_492 = arith.cmpi slt, %rem3A_488, %lt3A_491 : i32
            %lt3A_493 = arith.constant 0 : i32
            %lt3A_494 = arith.cmpi slt, %select_n3A_487, %lt3A_493 : i32
            %ne3A_495 = arith.xori %lt3A_492, %lt3A_494 : i1
            %and3A_496 = arith.andi %ne3A_495, %ne3A_490 : i1
            %add3A_497 = arith.addi %rem3A_488, %select_n3A_487 : i32
            %select_n3A_498 = arith.select %and3A_496, %add3A_497, %rem3A_488 : i32
            %gather3A_499 = arith.constant 0 : i32
            %gather3A_500 = arith.constant 0 : i32
            %gather3A_501 = tpu.memref_slice %arg7[%while3A_421, %gather3A_499, %gather3A_500] : memref<5x64x256xf32, #tpu.memory_space<vmem>> -> memref<1x64x256xf32, #tpu.memory_space<vmem>>
            %gather3A_502 = tpu.memref_squeeze %gather3A_501 : memref<1x64x256xf32, #tpu.memory_space<vmem>> -> memref<64x256xf32, #tpu.memory_space<vmem>>
            %gather3A_503 = tpu.vector_load_idx %gather3A_502[%add3A_6, %and3A_469] : memref<64x256xf32, #tpu.memory_space<vmem>>[vector<16xi32>, vector<16xi32>], vector<16xf32>,
            %swap3A_504 = arith.index_cast %select_n3A_498 : i32 to index
            %swap3A_505 = arith.constant 0 : index
            %swap3A_506 = tpu.vector_load %arg9[%swap3A_504, %swap3A_505] {strides = array<i32>} : memref<32x64xf32, #tpu.memory_space<vmem>>, vector<16xf32>,
            tpu.vector_store %arg9[%swap3A_504, %swap3A_505], %gather3A_503 {strides = array<i32>} : memref<32x64xf32, #tpu.memory_space<vmem>>, vector<16xf32>,
            %gather3A_507 = arith.constant 0 : i32
            %gather3A_508 = arith.constant 0 : i32
            %gather3A_509 = tpu.memref_slice %arg7[%while3A_421, %gather3A_507, %gather3A_508] : memref<5x64x256xf32, #tpu.memory_space<vmem>> -> memref<1x64x256xf32, #tpu.memory_space<vmem>>
            %gather3A_510 = tpu.memref_squeeze %gather3A_509 : memref<1x64x256xf32, #tpu.memory_space<vmem>> -> memref<64x256xf32, #tpu.memory_space<vmem>>
            %gather3A_511 = tpu.vector_load_idx %gather3A_510[%add3A_9, %and3A_469] : memref<64x256xf32, #tpu.memory_space<vmem>>[vector<16xi32>, vector<16xi32>], vector<16xf32>,
            %swap3A_512 = arith.index_cast %select_n3A_498 : i32 to index
            %swap3A_513 = arith.constant 16 : index
            %swap3A_514 = tpu.vector_load %arg9[%swap3A_512, %swap3A_513] {strides = array<i32>} : memref<32x64xf32, #tpu.memory_space<vmem>>, vector<16xf32>,
            tpu.vector_store %arg9[%swap3A_512, %swap3A_513], %gather3A_511 {strides = array<i32>} : memref<32x64xf32, #tpu.memory_space<vmem>>, vector<16xf32>,
            %gather3A_515 = arith.constant 0 : i32
            %gather3A_516 = arith.constant 0 : i32
            %gather3A_517 = tpu.memref_slice %arg7[%while3A_421, %gather3A_515, %gather3A_516] : memref<5x64x256xf32, #tpu.memory_space<vmem>> -> memref<1x64x256xf32, #tpu.memory_space<vmem>>
            %gather3A_518 = tpu.memref_squeeze %gather3A_517 : memref<1x64x256xf32, #tpu.memory_space<vmem>> -> memref<64x256xf32, #tpu.memory_space<vmem>>
            %gather3A_519 = tpu.vector_load_idx %gather3A_518[%add3A_12, %and3A_469] : memref<64x256xf32, #tpu.memory_space<vmem>>[vector<16xi32>, vector<16xi32>], vector<16xf32>,
            %swap3A_520 = arith.index_cast %select_n3A_498 : i32 to index
            %swap3A_521 = arith.constant 32 : index
            %swap3A_522 = tpu.vector_load %arg9[%swap3A_520, %swap3A_521] {strides = array<i32>} : memref<32x64xf32, #tpu.memory_space<vmem>>, vector<16xf32>,
            tpu.vector_store %arg9[%swap3A_520, %swap3A_521], %gather3A_519 {strides = array<i32>} : memref<32x64xf32, #tpu.memory_space<vmem>>, vector<16xf32>,
            %gather3A_523 = arith.constant 0 : i32
            %gather3A_524 = arith.constant 0 : i32
            %gather3A_525 = tpu.memref_slice %arg7[%while3A_421, %gather3A_523, %gather3A_524] : memref<5x64x256xf32, #tpu.memory_space<vmem>> -> memref<1x64x256xf32, #tpu.memory_space<vmem>>
            %gather3A_526 = tpu.memref_squeeze %gather3A_525 : memref<1x64x256xf32, #tpu.memory_space<vmem>> -> memref<64x256xf32, #tpu.memory_space<vmem>>
            %gather3A_527 = tpu.vector_load_idx %gather3A_526[%add3A_15, %and3A_469] : memref<64x256xf32, #tpu.memory_space<vmem>>[vector<16xi32>, vector<16xi32>], vector<16xf32>,
            %swap3A_528 = arith.index_cast %select_n3A_498 : i32 to index
            %swap3A_529 = arith.constant 48 : index
            %swap3A_530 = tpu.vector_load %arg9[%swap3A_528, %swap3A_529] {strides = array<i32>} : memref<32x64xf32, #tpu.memory_space<vmem>>, vector<16xf32>,
            tpu.vector_store %arg9[%swap3A_528, %swap3A_529], %gather3A_527 {strides = array<i32>} : memref<32x64xf32, #tpu.memory_space<vmem>>, vector<16xf32>,
            %dma_start3A_531 = arith.constant 0 : i32
            %dma_start3A_532 = tpu.memref_slice %arg9[%select_n3A_498, %dma_start3A_531] : memref<32x64xf32, #tpu.memory_space<vmem>> -> memref<1x64xf32, #tpu.memory_space<vmem>>
            %dma_start3A_533 = arith.constant 0 : i32
            %dma_start3A_534 = tpu.memref_slice %arg4[%squeeze3A_474, %dma_start3A_533] : memref<16384x64xf32, #tpu.memory_space<hbm>> -> memref<1x64xf32, #tpu.memory_space<hbm>>
            %dma_start3A_535 = arith.constant 0 : i32
            %dma_start3A_536 = tpu.memref_slice %arg4[%squeeze3A_474, %dma_start3A_535] : memref<16384x64xf32, #tpu.memory_space<hbm>> -> memref<1x64xf32, #tpu.memory_space<hbm>>
            %dma_start3A_537 = arith.constant 0 : i32
            %dma_start3A_538 = tpu.memref_slice %arg9[%select_n3A_498, %dma_start3A_537] : memref<32x64xf32, #tpu.memory_space<vmem>> -> memref<1x64xf32, #tpu.memory_space<vmem>>
            tpu.enqueue_dma source(%dma_start3A_538 : memref<1x64xf32, #tpu.memory_space<vmem>>) target(%dma_start3A_536 : memref<1x64xf32, #tpu.memory_space<hbm>>) target_semaphore(%arg17 : memref<!tpu.dma_semaphore, #tpu.memory_space<semaphore_mem>>)
            %add3A_539 = arith.constant 1 : i32
            %add3A_540 = arith.addi %squeeze3A_477, %add3A_539 : i32
            %broadcast_in_dim3A_541 = vector.broadcast %add3A_540 : i32 to vector<16xi32>
            tpu.vector_store_idx %arg10[%broadcast_in_dim3A_1], %broadcast_in_dim3A_541 masked %eq3A_3 : memref<16xi32, #tpu.memory_space<vmem>>[vector<16xi32>], vector<16xi32>, vector<16xi1>
            %ne3A_542 = arith.cmpi ne, %iota3A, %all_reduce_ffs3A : vector<16xi32>
            %and3A_543 = arith.andi %while3A_458, %ne3A_542 : vector<16xi1>
            scf.yield %and3A_543 : vector<16xi1>
          }
          %while3A_455 = arith.constant 1 : i32
          %while3A_456 = scf.for %while3A_457 = %while3A_452 to %while3A_448 step %while3A_455 iter_args(%while3A_458 = %while3A_454) -> (vector<16xi1>)  : i32 {
            %all_reduce_ffs3A = tpu.all_reduce %while3A_458 {dim = 0 : i64, kind = #tpu.reduction_kind<find_first_set>} : vector<16xi1> -> vector<16xi32>
            %mul3A_459 = arith.constant 16 : i32
            %mul3A_460 = arith.muli %while3A_430, %mul3A_459 : i32
            %add3A_461 = vector.broadcast %mul3A_460 : i32 to vector<16xi32>
            %add3A_462 = arith.addi %all_reduce_ffs3A, %add3A_461 : vector<16xi32>
            %gather3A_463 = tpu.vector_load_idx %arg5[%add3A_462] : memref<16400xi32, #tpu.memory_space<vmem>>[vector<16xi32>], vector<16xi32>,
            %shift_right_arithmetic3A_464 = arith.constant 14 : i32
            %shift_right_arithmetic3A_465 = vector.broadcast %shift_right_arithmetic3A_464 : i32 to vector<16xi32>
            %shift_right_arithmetic3A_466 = arith.shrsi %gather3A_463, %shift_right_arithmetic3A_465 : vector<16xi32>
            %and3A_467 = arith.constant 255 : i32
            %and3A_468 = vector.broadcast %and3A_467 : i32 to vector<16xi32>
            %and3A_469 = arith.andi %shift_right_arithmetic3A_466, %and3A_468 : vector<16xi32>
            %and3A_470 = arith.constant 16383 : i32
            %and3A_471 = vector.broadcast %and3A_470 : i32 to vector<16xi32>
            %and3A_472 = arith.andi %gather3A_463, %and3A_471 : vector<16xi32>
            %slice3A_473 = vector.extract_strided_slice %and3A_472 {offsets = [0], sizes = [1], strides = [1]} : vector<16xi32> to vector<1xi32>
            %squeeze3A_474 = vector.extract %slice3A_473[0] : i32 from vector<1xi32>
            %gather3A_475 = tpu.vector_load_idx %arg10[%broadcast_in_dim3A_1] : memref<16xi32, #tpu.memory_space<vmem>>[vector<16xi32>], vector<16xi32>,
            %slice3A_476 = vector.extract_strided_slice %gather3A_475 {offsets = [0], sizes = [1], strides = [1]} : vector<16xi32> to vector<1xi32>
            %squeeze3A_477 = vector.extract %slice3A_476[0] : i32 from vector<1xi32>
            %ge3A_478 = arith.constant 32 : i32
            %ge3A_479 = arith.cmpi sge, %squeeze3A_477, %ge3A_478 : i32
            %convert_element_type3A_480 = arith.extui %ge3A_479 : i1 to i32
            %cond3A_481 = arith.constant 0 : i32
            %cond3A_482 = arith.cmpi ne, %convert_element_type3A_480, %cond3A_481 : i32
            scf.if %cond3A_482 {
              %dma_wait3A_544 = arith.constant 0 : i32
              %dma_wait3A_545 = arith.constant 0 : i32
              %dma_wait3A_546 = tpu.memref_slice %arg9[%dma_wait3A_544, %dma_wait3A_545] : memref<32x64xf32, #tpu.memory_space<vmem>> -> memref<1x64xf32, #tpu.memory_space<vmem>>
              %dma_wait3A_547 = arith.constant 0 : i32
              %dma_wait3A_548 = arith.constant 0 : i32
              %dma_wait3A_549 = tpu.memref_slice %arg4[%dma_wait3A_547, %dma_wait3A_548] : memref<16384x64xf32, #tpu.memory_space<hbm>> -> memref<1x64xf32, #tpu.memory_space<hbm>>
              %dma_wait3A_550 = arith.constant 0 : i32
              %dma_wait3A_551 = arith.constant 0 : i32
              %dma_wait3A_552 = tpu.memref_slice %arg9[%dma_wait3A_550, %dma_wait3A_551] : memref<32x64xf32, #tpu.memory_space<vmem>> -> memref<1x64xf32, #tpu.memory_space<vmem>>
              %dma_wait3A_553 = arith.constant 0 : i32
              %dma_wait3A_554 = arith.constant 0 : i32
              %dma_wait3A_555 = tpu.memref_slice %arg4[%dma_wait3A_553, %dma_wait3A_554] : memref<16384x64xf32, #tpu.memory_space<hbm>> -> memref<1x64xf32, #tpu.memory_space<hbm>>
              tpu.wait_dma2 semaphore(%arg17 : memref<!tpu.dma_semaphore, #tpu.memory_space<semaphore_mem>>) src(%dma_wait3A_555 : memref<1x64xf32, #tpu.memory_space<hbm>>) dst(%dma_wait3A_552 : memref<1x64xf32, #tpu.memory_space<vmem>>)
            } else {
            }
            %jit3A_483 = arith.constant 32 : i32
            %eq3A_484 = arith.constant 0 : i32
            %eq3A_485 = arith.cmpi eq, %jit3A_483, %eq3A_484 : i32
            %jit3A_486 = arith.constant 1 : i32
            %select_n3A_487 = arith.select %eq3A_485, %jit3A_486, %jit3A_483 : i32
            %rem3A_488 = arith.remsi %squeeze3A_477, %select_n3A_487 : i32
            %ne3A_489 = arith.constant 0 : i32
            %ne3A_490 = arith.cmpi ne, %rem3A_488, %ne3A_489 : i32
            %lt3A_491 = arith.constant 0 : i32
            %lt3A_492 = arith.cmpi slt, %rem3A_488, %lt3A_491 : i32
            %lt3A_493 = arith.constant 0 : i32
            %lt3A_494 = arith.cmpi slt, %select_n3A_487, %lt3A_493 : i32
            %ne3A_495 = arith.xori %lt3A_492, %lt3A_494 : i1
            %and3A_496 = arith.andi %ne3A_495, %ne3A_490 : i1
            %add3A_497 = arith.addi %rem3A_488, %select_n3A_487 : i32
            %select_n3A_498 = arith.select %and3A_496, %add3A_497, %rem3A_488 : i32
            %gather3A_499 = arith.constant 0 : i32
            %gather3A_500 = arith.constant 0 : i32
            %gather3A_501 = tpu.memref_slice %arg7[%while3A_421, %gather3A_499, %gather3A_500] : memref<5x64x256xf32, #tpu.memory_space<vmem>> -> memref<1x64x256xf32, #tpu.memory_space<vmem>>
            %gather3A_502 = tpu.memref_squeeze %gather3A_501 : memref<1x64x256xf32, #tpu.memory_space<vmem>> -> memref<64x256xf32, #tpu.memory_space<vmem>>
            %gather3A_503 = tpu.vector_load_idx %gather3A_502[%add3A_6, %and3A_469] : memref<64x256xf32, #tpu.memory_space<vmem>>[vector<16xi32>, vector<16xi32>], vector<16xf32>,
            %swap3A_504 = arith.index_cast %select_n3A_498 : i32 to index
            %swap3A_505 = arith.constant 0 : index
            %swap3A_506 = tpu.vector_load %arg9[%swap3A_504, %swap3A_505] {strides = array<i32>} : memref<32x64xf32, #tpu.memory_space<vmem>>, vector<16xf32>,
            tpu.vector_store %arg9[%swap3A_504, %swap3A_505], %gather3A_503 {strides = array<i32>} : memref<32x64xf32, #tpu.memory_space<vmem>>, vector<16xf32>,
            %gather3A_507 = arith.constant 0 : i32
            %gather3A_508 = arith.constant 0 : i32
            %gather3A_509 = tpu.memref_slice %arg7[%while3A_421, %gather3A_507, %gather3A_508] : memref<5x64x256xf32, #tpu.memory_space<vmem>> -> memref<1x64x256xf32, #tpu.memory_space<vmem>>
            %gather3A_510 = tpu.memref_squeeze %gather3A_509 : memref<1x64x256xf32, #tpu.memory_space<vmem>> -> memref<64x256xf32, #tpu.memory_space<vmem>>
            %gather3A_511 = tpu.vector_load_idx %gather3A_510[%add3A_9, %and3A_469] : memref<64x256xf32, #tpu.memory_space<vmem>>[vector<16xi32>, vector<16xi32>], vector<16xf32>,
            %swap3A_512 = arith.index_cast %select_n3A_498 : i32 to index
            %swap3A_513 = arith.constant 16 : index
            %swap3A_514 = tpu.vector_load %arg9[%swap3A_512, %swap3A_513] {strides = array<i32>} : memref<32x64xf32, #tpu.memory_space<vmem>>, vector<16xf32>,
            tpu.vector_store %arg9[%swap3A_512, %swap3A_513], %gather3A_511 {strides = array<i32>} : memref<32x64xf32, #tpu.memory_space<vmem>>, vector<16xf32>,
            %gather3A_515 = arith.constant 0 : i32
            %gather3A_516 = arith.constant 0 : i32
            %gather3A_517 = tpu.memref_slice %arg7[%while3A_421, %gather3A_515, %gather3A_516] : memref<5x64x256xf32, #tpu.memory_space<vmem>> -> memref<1x64x256xf32, #tpu.memory_space<vmem>>
            %gather3A_518 = tpu.memref_squeeze %gather3A_517 : memref<1x64x256xf32, #tpu.memory_space<vmem>> -> memref<64x256xf32, #tpu.memory_space<vmem>>
            %gather3A_519 = tpu.vector_load_idx %gather3A_518[%add3A_12, %and3A_469] : memref<64x256xf32, #tpu.memory_space<vmem>>[vector<16xi32>, vector<16xi32>], vector<16xf32>,
            %swap3A_520 = arith.index_cast %select_n3A_498 : i32 to index
            %swap3A_521 = arith.constant 32 : index
            %swap3A_522 = tpu.vector_load %arg9[%swap3A_520, %swap3A_521] {strides = array<i32>} : memref<32x64xf32, #tpu.memory_space<vmem>>, vector<16xf32>,
            tpu.vector_store %arg9[%swap3A_520, %swap3A_521], %gather3A_519 {strides = array<i32>} : memref<32x64xf32, #tpu.memory_space<vmem>>, vector<16xf32>,
            %gather3A_523 = arith.constant 0 : i32
            %gather3A_524 = arith.constant 0 : i32
            %gather3A_525 = tpu.memref_slice %arg7[%while3A_421, %gather3A_523, %gather3A_524] : memref<5x64x256xf32, #tpu.memory_space<vmem>> -> memref<1x64x256xf32, #tpu.memory_space<vmem>>
            %gather3A_526 = tpu.memref_squeeze %gather3A_525 : memref<1x64x256xf32, #tpu.memory_space<vmem>> -> memref<64x256xf32, #tpu.memory_space<vmem>>
            %gather3A_527 = tpu.vector_load_idx %gather3A_526[%add3A_15, %and3A_469] : memref<64x256xf32, #tpu.memory_space<vmem>>[vector<16xi32>, vector<16xi32>], vector<16xf32>,
            %swap3A_528 = arith.index_cast %select_n3A_498 : i32 to index
            %swap3A_529 = arith.constant 48 : index
            %swap3A_530 = tpu.vector_load %arg9[%swap3A_528, %swap3A_529] {strides = array<i32>} : memref<32x64xf32, #tpu.memory_space<vmem>>, vector<16xf32>,
            tpu.vector_store %arg9[%swap3A_528, %swap3A_529], %gather3A_527 {strides = array<i32>} : memref<32x64xf32, #tpu.memory_space<vmem>>, vector<16xf32>,
            %dma_start3A_531 = arith.constant 0 : i32
            %dma_start3A_532 = tpu.memref_slice %arg9[%select_n3A_498, %dma_start3A_531] : memref<32x64xf32, #tpu.memory_space<vmem>> -> memref<1x64xf32, #tpu.memory_space<vmem>>
            %dma_start3A_533 = arith.constant 0 : i32
            %dma_start3A_534 = tpu.memref_slice %arg4[%squeeze3A_474, %dma_start3A_533] : memref<16384x64xf32, #tpu.memory_space<hbm>> -> memref<1x64xf32, #tpu.memory_space<hbm>>
            %dma_start3A_535 = arith.constant 0 : i32
            %dma_start3A_536 = tpu.memref_slice %arg4[%squeeze3A_474, %dma_start3A_535] : memref<16384x64xf32, #tpu.memory_space<hbm>> -> memref<1x64xf32, #tpu.memory_space<hbm>>
            %dma_start3A_537 = arith.constant 0 : i32
            %dma_start3A_538 = tpu.memref_slice %arg9[%select_n3A_498, %dma_start3A_537] : memref<32x64xf32, #tpu.memory_space<vmem>> -> memref<1x64xf32, #tpu.memory_space<vmem>>
            tpu.enqueue_dma source(%dma_start3A_538 : memref<1x64xf32, #tpu.memory_space<vmem>>) target(%dma_start3A_536 : memref<1x64xf32, #tpu.memory_space<hbm>>) target_semaphore(%arg17 : memref<!tpu.dma_semaphore, #tpu.memory_space<semaphore_mem>>)
            %add3A_539 = arith.constant 1 : i32
            %add3A_540 = arith.addi %squeeze3A_477, %add3A_539 : i32
            %broadcast_in_dim3A_541 = vector.broadcast %add3A_540 : i32 to vector<16xi32>
            tpu.vector_store_idx %arg10[%broadcast_in_dim3A_1], %broadcast_in_dim3A_541 masked %eq3A_3 : memref<16xi32, #tpu.memory_space<vmem>>[vector<16xi32>], vector<16xi32>, vector<16xi1>
            %ne3A_542 = arith.cmpi ne, %iota3A, %all_reduce_ffs3A : vector<16xi32>
            %and3A_543 = arith.andi %while3A_458, %ne3A_542 : vector<16xi1>
            scf.yield %and3A_543 : vector<16xi1>
          }
        }
        %while3A_429 = arith.constant 1 : i32
        scf.for %while3A_430 = %while3A_427 to %while3A_423 step %while3A_429  : i32 {
          %mul3A_431 = arith.constant 16 : i32
          %mul3A_432 = arith.muli %while3A_430, %mul3A_431 : i32
          %get3A = arith.index_cast %mul3A_432 : i32 to index
          %get3A_433 = tpu.vector_load %arg5[%get3A] {strides = array<i32>} : memref<16400xi32, #tpu.memory_space<vmem>>, vector<16xi32>,
          %mul3A_434 = arith.constant 16 : i32
          %mul3A_435 = arith.muli %while3A_430, %mul3A_434 : i32
          %add3A_436 = vector.broadcast %mul3A_435 : i32 to vector<16xi32>
          %add3A_437 = arith.addi %iota3A, %add3A_436 : vector<16xi32>
          %ge3A = arith.cmpi sge, %add3A_437, %gather3A_358 : vector<16xi32>
          %lt3A_438 = arith.cmpi slt, %add3A_437, %gather3A_362 : vector<16xi32>
          %and3A_439 = arith.andi %ge3A, %lt3A_438 : vector<16xi1>
          %shift_right_arithmetic3A = arith.constant 22 : i32
          %shift_right_arithmetic3A_440 = vector.broadcast %shift_right_arithmetic3A : i32 to vector<16xi32>
          %shift_right_arithmetic3A_441 = arith.shrsi %get3A_433, %shift_right_arithmetic3A_440 : vector<16xi32>
          %eq3A_442 = arith.cmpi eq, %shift_right_arithmetic3A_441, %broadcast_in_dim3A_363 : vector<16xi32>
          %and3A_443 = arith.andi %eq3A_442, %and3A_439 : vector<16xi1>
          %all_reduce_population_count3A = tpu.all_reduce %and3A_443 {dim = 0 : i64, kind = #tpu.reduction_kind<sum>} : vector<16xi1> -> vector<16xi32>
          %slice3A_444 = vector.extract_strided_slice %all_reduce_population_count3A {offsets = [0], sizes = [1], strides = [1]} : vector<16xi32> to vector<1xi32>
          %squeeze3A_445 = vector.extract %slice3A_444[0] : i32 from vector<1xi32>
          %while3A_446 = arith.constant 0 : i32
          %while3A_447 = arith.subi %squeeze3A_445, %while3A_446 : i32
          %while3A_448 = arith.addi %while3A_446, %while3A_447 : i32
          %while3A_449 = arith.constant 1 : i32
          %while3A_450 = arith.divsi %while3A_447, %while3A_449 : i32
          %while3A_451 = arith.muli %while3A_450, %while3A_449 : i32
          %while3A_452 = arith.addi %while3A_446, %while3A_451 : i32
          %while3A_453 = arith.constant 1 : i32
          %while3A_454 = scf.for %while3A_457 = %while3A_446 to %while3A_452 step %while3A_453 iter_args(%while3A_458 = %and3A_443) -> (vector<16xi1>)  : i32 {
            %all_reduce_ffs3A = tpu.all_reduce %while3A_458 {dim = 0 : i64, kind = #tpu.reduction_kind<find_first_set>} : vector<16xi1> -> vector<16xi32>
            %mul3A_459 = arith.constant 16 : i32
            %mul3A_460 = arith.muli %while3A_430, %mul3A_459 : i32
            %add3A_461 = vector.broadcast %mul3A_460 : i32 to vector<16xi32>
            %add3A_462 = arith.addi %all_reduce_ffs3A, %add3A_461 : vector<16xi32>
            %gather3A_463 = tpu.vector_load_idx %arg5[%add3A_462] : memref<16400xi32, #tpu.memory_space<vmem>>[vector<16xi32>], vector<16xi32>,
            %shift_right_arithmetic3A_464 = arith.constant 14 : i32
            %shift_right_arithmetic3A_465 = vector.broadcast %shift_right_arithmetic3A_464 : i32 to vector<16xi32>
            %shift_right_arithmetic3A_466 = arith.shrsi %gather3A_463, %shift_right_arithmetic3A_465 : vector<16xi32>
            %and3A_467 = arith.constant 255 : i32
            %and3A_468 = vector.broadcast %and3A_467 : i32 to vector<16xi32>
            %and3A_469 = arith.andi %shift_right_arithmetic3A_466, %and3A_468 : vector<16xi32>
            %and3A_470 = arith.constant 16383 : i32
            %and3A_471 = vector.broadcast %and3A_470 : i32 to vector<16xi32>
            %and3A_472 = arith.andi %gather3A_463, %and3A_471 : vector<16xi32>
            %slice3A_473 = vector.extract_strided_slice %and3A_472 {offsets = [0], sizes = [1], strides = [1]} : vector<16xi32> to vector<1xi32>
            %squeeze3A_474 = vector.extract %slice3A_473[0] : i32 from vector<1xi32>
            %gather3A_475 = tpu.vector_load_idx %arg10[%broadcast_in_dim3A_1] : memref<16xi32, #tpu.memory_space<vmem>>[vector<16xi32>], vector<16xi32>,
            %slice3A_476 = vector.extract_strided_slice %gather3A_475 {offsets = [0], sizes = [1], strides = [1]} : vector<16xi32> to vector<1xi32>
            %squeeze3A_477 = vector.extract %slice3A_476[0] : i32 from vector<1xi32>
            %ge3A_478 = arith.constant 32 : i32
            %ge3A_479 = arith.cmpi sge, %squeeze3A_477, %ge3A_478 : i32
            %convert_element_type3A_480 = arith.extui %ge3A_479 : i1 to i32
            %cond3A_481 = arith.constant 0 : i32
            %cond3A_482 = arith.cmpi ne, %convert_element_type3A_480, %cond3A_481 : i32
            scf.if %cond3A_482 {
              %dma_wait3A_544 = arith.constant 0 : i32
              %dma_wait3A_545 = arith.constant 0 : i32
              %dma_wait3A_546 = tpu.memref_slice %arg9[%dma_wait3A_544, %dma_wait3A_545] : memref<32x64xf32, #tpu.memory_space<vmem>> -> memref<1x64xf32, #tpu.memory_space<vmem>>
              %dma_wait3A_547 = arith.constant 0 : i32
              %dma_wait3A_548 = arith.constant 0 : i32
              %dma_wait3A_549 = tpu.memref_slice %arg4[%dma_wait3A_547, %dma_wait3A_548] : memref<16384x64xf32, #tpu.memory_space<hbm>> -> memref<1x64xf32, #tpu.memory_space<hbm>>
              %dma_wait3A_550 = arith.constant 0 : i32
              %dma_wait3A_551 = arith.constant 0 : i32
              %dma_wait3A_552 = tpu.memref_slice %arg9[%dma_wait3A_550, %dma_wait3A_551] : memref<32x64xf32, #tpu.memory_space<vmem>> -> memref<1x64xf32, #tpu.memory_space<vmem>>
              %dma_wait3A_553 = arith.constant 0 : i32
              %dma_wait3A_554 = arith.constant 0 : i32
              %dma_wait3A_555 = tpu.memref_slice %arg4[%dma_wait3A_553, %dma_wait3A_554] : memref<16384x64xf32, #tpu.memory_space<hbm>> -> memref<1x64xf32, #tpu.memory_space<hbm>>
              tpu.wait_dma2 semaphore(%arg17 : memref<!tpu.dma_semaphore, #tpu.memory_space<semaphore_mem>>) src(%dma_wait3A_555 : memref<1x64xf32, #tpu.memory_space<hbm>>) dst(%dma_wait3A_552 : memref<1x64xf32, #tpu.memory_space<vmem>>)
            } else {
            }
            %jit3A_483 = arith.constant 32 : i32
            %eq3A_484 = arith.constant 0 : i32
            %eq3A_485 = arith.cmpi eq, %jit3A_483, %eq3A_484 : i32
            %jit3A_486 = arith.constant 1 : i32
            %select_n3A_487 = arith.select %eq3A_485, %jit3A_486, %jit3A_483 : i32
            %rem3A_488 = arith.remsi %squeeze3A_477, %select_n3A_487 : i32
            %ne3A_489 = arith.constant 0 : i32
            %ne3A_490 = arith.cmpi ne, %rem3A_488, %ne3A_489 : i32
            %lt3A_491 = arith.constant 0 : i32
            %lt3A_492 = arith.cmpi slt, %rem3A_488, %lt3A_491 : i32
            %lt3A_493 = arith.constant 0 : i32
            %lt3A_494 = arith.cmpi slt, %select_n3A_487, %lt3A_493 : i32
            %ne3A_495 = arith.xori %lt3A_492, %lt3A_494 : i1
            %and3A_496 = arith.andi %ne3A_495, %ne3A_490 : i1
            %add3A_497 = arith.addi %rem3A_488, %select_n3A_487 : i32
            %select_n3A_498 = arith.select %and3A_496, %add3A_497, %rem3A_488 : i32
            %gather3A_499 = arith.constant 0 : i32
            %gather3A_500 = arith.constant 0 : i32
            %gather3A_501 = tpu.memref_slice %arg7[%while3A_421, %gather3A_499, %gather3A_500] : memref<5x64x256xf32, #tpu.memory_space<vmem>> -> memref<1x64x256xf32, #tpu.memory_space<vmem>>
            %gather3A_502 = tpu.memref_squeeze %gather3A_501 : memref<1x64x256xf32, #tpu.memory_space<vmem>> -> memref<64x256xf32, #tpu.memory_space<vmem>>
            %gather3A_503 = tpu.vector_load_idx %gather3A_502[%add3A_6, %and3A_469] : memref<64x256xf32, #tpu.memory_space<vmem>>[vector<16xi32>, vector<16xi32>], vector<16xf32>,
            %swap3A_504 = arith.index_cast %select_n3A_498 : i32 to index
            %swap3A_505 = arith.constant 0 : index
            %swap3A_506 = tpu.vector_load %arg9[%swap3A_504, %swap3A_505] {strides = array<i32>} : memref<32x64xf32, #tpu.memory_space<vmem>>, vector<16xf32>,
            tpu.vector_store %arg9[%swap3A_504, %swap3A_505], %gather3A_503 {strides = array<i32>} : memref<32x64xf32, #tpu.memory_space<vmem>>, vector<16xf32>,
            %gather3A_507 = arith.constant 0 : i32
            %gather3A_508 = arith.constant 0 : i32
            %gather3A_509 = tpu.memref_slice %arg7[%while3A_421, %gather3A_507, %gather3A_508] : memref<5x64x256xf32, #tpu.memory_space<vmem>> -> memref<1x64x256xf32, #tpu.memory_space<vmem>>
            %gather3A_510 = tpu.memref_squeeze %gather3A_509 : memref<1x64x256xf32, #tpu.memory_space<vmem>> -> memref<64x256xf32, #tpu.memory_space<vmem>>
            %gather3A_511 = tpu.vector_load_idx %gather3A_510[%add3A_9, %and3A_469] : memref<64x256xf32, #tpu.memory_space<vmem>>[vector<16xi32>, vector<16xi32>], vector<16xf32>,
            %swap3A_512 = arith.index_cast %select_n3A_498 : i32 to index
            %swap3A_513 = arith.constant 16 : index
            %swap3A_514 = tpu.vector_load %arg9[%swap3A_512, %swap3A_513] {strides = array<i32>} : memref<32x64xf32, #tpu.memory_space<vmem>>, vector<16xf32>,
            tpu.vector_store %arg9[%swap3A_512, %swap3A_513], %gather3A_511 {strides = array<i32>} : memref<32x64xf32, #tpu.memory_space<vmem>>, vector<16xf32>,
            %gather3A_515 = arith.constant 0 : i32
            %gather3A_516 = arith.constant 0 : i32
            %gather3A_517 = tpu.memref_slice %arg7[%while3A_421, %gather3A_515, %gather3A_516] : memref<5x64x256xf32, #tpu.memory_space<vmem>> -> memref<1x64x256xf32, #tpu.memory_space<vmem>>
            %gather3A_518 = tpu.memref_squeeze %gather3A_517 : memref<1x64x256xf32, #tpu.memory_space<vmem>> -> memref<64x256xf32, #tpu.memory_space<vmem>>
            %gather3A_519 = tpu.vector_load_idx %gather3A_518[%add3A_12, %and3A_469] : memref<64x256xf32, #tpu.memory_space<vmem>>[vector<16xi32>, vector<16xi32>], vector<16xf32>,
            %swap3A_520 = arith.index_cast %select_n3A_498 : i32 to index
            %swap3A_521 = arith.constant 32 : index
            %swap3A_522 = tpu.vector_load %arg9[%swap3A_520, %swap3A_521] {strides = array<i32>} : memref<32x64xf32, #tpu.memory_space<vmem>>, vector<16xf32>,
            tpu.vector_store %arg9[%swap3A_520, %swap3A_521], %gather3A_519 {strides = array<i32>} : memref<32x64xf32, #tpu.memory_space<vmem>>, vector<16xf32>,
            %gather3A_523 = arith.constant 0 : i32
            %gather3A_524 = arith.constant 0 : i32
            %gather3A_525 = tpu.memref_slice %arg7[%while3A_421, %gather3A_523, %gather3A_524] : memref<5x64x256xf32, #tpu.memory_space<vmem>> -> memref<1x64x256xf32, #tpu.memory_space<vmem>>
            %gather3A_526 = tpu.memref_squeeze %gather3A_525 : memref<1x64x256xf32, #tpu.memory_space<vmem>> -> memref<64x256xf32, #tpu.memory_space<vmem>>
            %gather3A_527 = tpu.vector_load_idx %gather3A_526[%add3A_15, %and3A_469] : memref<64x256xf32, #tpu.memory_space<vmem>>[vector<16xi32>, vector<16xi32>], vector<16xf32>,
            %swap3A_528 = arith.index_cast %select_n3A_498 : i32 to index
            %swap3A_529 = arith.constant 48 : index
            %swap3A_530 = tpu.vector_load %arg9[%swap3A_528, %swap3A_529] {strides = array<i32>} : memref<32x64xf32, #tpu.memory_space<vmem>>, vector<16xf32>,
            tpu.vector_store %arg9[%swap3A_528, %swap3A_529], %gather3A_527 {strides = array<i32>} : memref<32x64xf32, #tpu.memory_space<vmem>>, vector<16xf32>,
            %dma_start3A_531 = arith.constant 0 : i32
            %dma_start3A_532 = tpu.memref_slice %arg9[%select_n3A_498, %dma_start3A_531] : memref<32x64xf32, #tpu.memory_space<vmem>> -> memref<1x64xf32, #tpu.memory_space<vmem>>
            %dma_start3A_533 = arith.constant 0 : i32
            %dma_start3A_534 = tpu.memref_slice %arg4[%squeeze3A_474, %dma_start3A_533] : memref<16384x64xf32, #tpu.memory_space<hbm>> -> memref<1x64xf32, #tpu.memory_space<hbm>>
            %dma_start3A_535 = arith.constant 0 : i32
            %dma_start3A_536 = tpu.memref_slice %arg4[%squeeze3A_474, %dma_start3A_535] : memref<16384x64xf32, #tpu.memory_space<hbm>> -> memref<1x64xf32, #tpu.memory_space<hbm>>
            %dma_start3A_537 = arith.constant 0 : i32
            %dma_start3A_538 = tpu.memref_slice %arg9[%select_n3A_498, %dma_start3A_537] : memref<32x64xf32, #tpu.memory_space<vmem>> -> memref<1x64xf32, #tpu.memory_space<vmem>>
            tpu.enqueue_dma source(%dma_start3A_538 : memref<1x64xf32, #tpu.memory_space<vmem>>) target(%dma_start3A_536 : memref<1x64xf32, #tpu.memory_space<hbm>>) target_semaphore(%arg17 : memref<!tpu.dma_semaphore, #tpu.memory_space<semaphore_mem>>)
            %add3A_539 = arith.constant 1 : i32
            %add3A_540 = arith.addi %squeeze3A_477, %add3A_539 : i32
            %broadcast_in_dim3A_541 = vector.broadcast %add3A_540 : i32 to vector<16xi32>
            tpu.vector_store_idx %arg10[%broadcast_in_dim3A_1], %broadcast_in_dim3A_541 masked %eq3A_3 : memref<16xi32, #tpu.memory_space<vmem>>[vector<16xi32>], vector<16xi32>, vector<16xi1>
            %ne3A_542 = arith.cmpi ne, %iota3A, %all_reduce_ffs3A : vector<16xi32>
            %and3A_543 = arith.andi %while3A_458, %ne3A_542 : vector<16xi1>
            scf.yield %and3A_543 : vector<16xi1>
          }
          %while3A_455 = arith.constant 1 : i32
          %while3A_456 = scf.for %while3A_457 = %while3A_452 to %while3A_448 step %while3A_455 iter_args(%while3A_458 = %while3A_454) -> (vector<16xi1>)  : i32 {
            %all_reduce_ffs3A = tpu.all_reduce %while3A_458 {dim = 0 : i64, kind = #tpu.reduction_kind<find_first_set>} : vector<16xi1> -> vector<16xi32>
            %mul3A_459 = arith.constant 16 : i32
            %mul3A_460 = arith.muli %while3A_430, %mul3A_459 : i32
            %add3A_461 = vector.broadcast %mul3A_460 : i32 to vector<16xi32>
            %add3A_462 = arith.addi %all_reduce_ffs3A, %add3A_461 : vector<16xi32>
            %gather3A_463 = tpu.vector_load_idx %arg5[%add3A_462] : memref<16400xi32, #tpu.memory_space<vmem>>[vector<16xi32>], vector<16xi32>,
            %shift_right_arithmetic3A_464 = arith.constant 14 : i32
            %shift_right_arithmetic3A_465 = vector.broadcast %shift_right_arithmetic3A_464 : i32 to vector<16xi32>
            %shift_right_arithmetic3A_466 = arith.shrsi %gather3A_463, %shift_right_arithmetic3A_465 : vector<16xi32>
            %and3A_467 = arith.constant 255 : i32
            %and3A_468 = vector.broadcast %and3A_467 : i32 to vector<16xi32>
            %and3A_469 = arith.andi %shift_right_arithmetic3A_466, %and3A_468 : vector<16xi32>
            %and3A_470 = arith.constant 16383 : i32
            %and3A_471 = vector.broadcast %and3A_470 : i32 to vector<16xi32>
            %and3A_472 = arith.andi %gather3A_463, %and3A_471 : vector<16xi32>
            %slice3A_473 = vector.extract_strided_slice %and3A_472 {offsets = [0], sizes = [1], strides = [1]} : vector<16xi32> to vector<1xi32>
            %squeeze3A_474 = vector.extract %slice3A_473[0] : i32 from vector<1xi32>
            %gather3A_475 = tpu.vector_load_idx %arg10[%broadcast_in_dim3A_1] : memref<16xi32, #tpu.memory_space<vmem>>[vector<16xi32>], vector<16xi32>,
            %slice3A_476 = vector.extract_strided_slice %gather3A_475 {offsets = [0], sizes = [1], strides = [1]} : vector<16xi32> to vector<1xi32>
            %squeeze3A_477 = vector.extract %slice3A_476[0] : i32 from vector<1xi32>
            %ge3A_478 = arith.constant 32 : i32
            %ge3A_479 = arith.cmpi sge, %squeeze3A_477, %ge3A_478 : i32
            %convert_element_type3A_480 = arith.extui %ge3A_479 : i1 to i32
            %cond3A_481 = arith.constant 0 : i32
            %cond3A_482 = arith.cmpi ne, %convert_element_type3A_480, %cond3A_481 : i32
            scf.if %cond3A_482 {
              %dma_wait3A_544 = arith.constant 0 : i32
              %dma_wait3A_545 = arith.constant 0 : i32
              %dma_wait3A_546 = tpu.memref_slice %arg9[%dma_wait3A_544, %dma_wait3A_545] : memref<32x64xf32, #tpu.memory_space<vmem>> -> memref<1x64xf32, #tpu.memory_space<vmem>>
              %dma_wait3A_547 = arith.constant 0 : i32
              %dma_wait3A_548 = arith.constant 0 : i32
              %dma_wait3A_549 = tpu.memref_slice %arg4[%dma_wait3A_547, %dma_wait3A_548] : memref<16384x64xf32, #tpu.memory_space<hbm>> -> memref<1x64xf32, #tpu.memory_space<hbm>>
              %dma_wait3A_550 = arith.constant 0 : i32
              %dma_wait3A_551 = arith.constant 0 : i32
              %dma_wait3A_552 = tpu.memref_slice %arg9[%dma_wait3A_550, %dma_wait3A_551] : memref<32x64xf32, #tpu.memory_space<vmem>> -> memref<1x64xf32, #tpu.memory_space<vmem>>
              %dma_wait3A_553 = arith.constant 0 : i32
              %dma_wait3A_554 = arith.constant 0 : i32
              %dma_wait3A_555 = tpu.memref_slice %arg4[%dma_wait3A_553, %dma_wait3A_554] : memref<16384x64xf32, #tpu.memory_space<hbm>> -> memref<1x64xf32, #tpu.memory_space<hbm>>
              tpu.wait_dma2 semaphore(%arg17 : memref<!tpu.dma_semaphore, #tpu.memory_space<semaphore_mem>>) src(%dma_wait3A_555 : memref<1x64xf32, #tpu.memory_space<hbm>>) dst(%dma_wait3A_552 : memref<1x64xf32, #tpu.memory_space<vmem>>)
            } else {
            }
            %jit3A_483 = arith.constant 32 : i32
            %eq3A_484 = arith.constant 0 : i32
            %eq3A_485 = arith.cmpi eq, %jit3A_483, %eq3A_484 : i32
            %jit3A_486 = arith.constant 1 : i32
            %select_n3A_487 = arith.select %eq3A_485, %jit3A_486, %jit3A_483 : i32
            %rem3A_488 = arith.remsi %squeeze3A_477, %select_n3A_487 : i32
            %ne3A_489 = arith.constant 0 : i32
            %ne3A_490 = arith.cmpi ne, %rem3A_488, %ne3A_489 : i32
            %lt3A_491 = arith.constant 0 : i32
            %lt3A_492 = arith.cmpi slt, %rem3A_488, %lt3A_491 : i32
            %lt3A_493 = arith.constant 0 : i32
            %lt3A_494 = arith.cmpi slt, %select_n3A_487, %lt3A_493 : i32
            %ne3A_495 = arith.xori %lt3A_492, %lt3A_494 : i1
            %and3A_496 = arith.andi %ne3A_495, %ne3A_490 : i1
            %add3A_497 = arith.addi %rem3A_488, %select_n3A_487 : i32
            %select_n3A_498 = arith.select %and3A_496, %add3A_497, %rem3A_488 : i32
            %gather3A_499 = arith.constant 0 : i32
            %gather3A_500 = arith.constant 0 : i32
            %gather3A_501 = tpu.memref_slice %arg7[%while3A_421, %gather3A_499, %gather3A_500] : memref<5x64x256xf32, #tpu.memory_space<vmem>> -> memref<1x64x256xf32, #tpu.memory_space<vmem>>
            %gather3A_502 = tpu.memref_squeeze %gather3A_501 : memref<1x64x256xf32, #tpu.memory_space<vmem>> -> memref<64x256xf32, #tpu.memory_space<vmem>>
            %gather3A_503 = tpu.vector_load_idx %gather3A_502[%add3A_6, %and3A_469] : memref<64x256xf32, #tpu.memory_space<vmem>>[vector<16xi32>, vector<16xi32>], vector<16xf32>,
            %swap3A_504 = arith.index_cast %select_n3A_498 : i32 to index
            %swap3A_505 = arith.constant 0 : index
            %swap3A_506 = tpu.vector_load %arg9[%swap3A_504, %swap3A_505] {strides = array<i32>} : memref<32x64xf32, #tpu.memory_space<vmem>>, vector<16xf32>,
            tpu.vector_store %arg9[%swap3A_504, %swap3A_505], %gather3A_503 {strides = array<i32>} : memref<32x64xf32, #tpu.memory_space<vmem>>, vector<16xf32>,
            %gather3A_507 = arith.constant 0 : i32
            %gather3A_508 = arith.constant 0 : i32
            %gather3A_509 = tpu.memref_slice %arg7[%while3A_421, %gather3A_507, %gather3A_508] : memref<5x64x256xf32, #tpu.memory_space<vmem>> -> memref<1x64x256xf32, #tpu.memory_space<vmem>>
            %gather3A_510 = tpu.memref_squeeze %gather3A_509 : memref<1x64x256xf32, #tpu.memory_space<vmem>> -> memref<64x256xf32, #tpu.memory_space<vmem>>
            %gather3A_511 = tpu.vector_load_idx %gather3A_510[%add3A_9, %and3A_469] : memref<64x256xf32, #tpu.memory_space<vmem>>[vector<16xi32>, vector<16xi32>], vector<16xf32>,
            %swap3A_512 = arith.index_cast %select_n3A_498 : i32 to index
            %swap3A_513 = arith.constant 16 : index
            %swap3A_514 = tpu.vector_load %arg9[%swap3A_512, %swap3A_513] {strides = array<i32>} : memref<32x64xf32, #tpu.memory_space<vmem>>, vector<16xf32>,
            tpu.vector_store %arg9[%swap3A_512, %swap3A_513], %gather3A_511 {strides = array<i32>} : memref<32x64xf32, #tpu.memory_space<vmem>>, vector<16xf32>,
            %gather3A_515 = arith.constant 0 : i32
            %gather3A_516 = arith.constant 0 : i32
            %gather3A_517 = tpu.memref_slice %arg7[%while3A_421, %gather3A_515, %gather3A_516] : memref<5x64x256xf32, #tpu.memory_space<vmem>> -> memref<1x64x256xf32, #tpu.memory_space<vmem>>
            %gather3A_518 = tpu.memref_squeeze %gather3A_517 : memref<1x64x256xf32, #tpu.memory_space<vmem>> -> memref<64x256xf32, #tpu.memory_space<vmem>>
            %gather3A_519 = tpu.vector_load_idx %gather3A_518[%add3A_12, %and3A_469] : memref<64x256xf32, #tpu.memory_space<vmem>>[vector<16xi32>, vector<16xi32>], vector<16xf32>,
            %swap3A_520 = arith.index_cast %select_n3A_498 : i32 to index
            %swap3A_521 = arith.constant 32 : index
            %swap3A_522 = tpu.vector_load %arg9[%swap3A_520, %swap3A_521] {strides = array<i32>} : memref<32x64xf32, #tpu.memory_space<vmem>>, vector<16xf32>,
            tpu.vector_store %arg9[%swap3A_520, %swap3A_521], %gather3A_519 {strides = array<i32>} : memref<32x64xf32, #tpu.memory_space<vmem>>, vector<16xf32>,
            %gather3A_523 = arith.constant 0 : i32
            %gather3A_524 = arith.constant 0 : i32
            %gather3A_525 = tpu.memref_slice %arg7[%while3A_421, %gather3A_523, %gather3A_524] : memref<5x64x256xf32, #tpu.memory_space<vmem>> -> memref<1x64x256xf32, #tpu.memory_space<vmem>>
            %gather3A_526 = tpu.memref_squeeze %gather3A_525 : memref<1x64x256xf32, #tpu.memory_space<vmem>> -> memref<64x256xf32, #tpu.memory_space<vmem>>
            %gather3A_527 = tpu.vector_load_idx %gather3A_526[%add3A_15, %and3A_469] : memref<64x256xf32, #tpu.memory_space<vmem>>[vector<16xi32>, vector<16xi32>], vector<16xf32>,
            %swap3A_528 = arith.index_cast %select_n3A_498 : i32 to index
            %swap3A_529 = arith.constant 48 : index
            %swap3A_530 = tpu.vector_load %arg9[%swap3A_528, %swap3A_529] {strides = array<i32>} : memref<32x64xf32, #tpu.memory_space<vmem>>, vector<16xf32>,
            tpu.vector_store %arg9[%swap3A_528, %swap3A_529], %gather3A_527 {strides = array<i32>} : memref<32x64xf32, #tpu.memory_space<vmem>>, vector<16xf32>,
            %dma_start3A_531 = arith.constant 0 : i32
            %dma_start3A_532 = tpu.memref_slice %arg9[%select_n3A_498, %dma_start3A_531] : memref<32x64xf32, #tpu.memory_space<vmem>> -> memref<1x64xf32, #tpu.memory_space<vmem>>
            %dma_start3A_533 = arith.constant 0 : i32
            %dma_start3A_534 = tpu.memref_slice %arg4[%squeeze3A_474, %dma_start3A_533] : memref<16384x64xf32, #tpu.memory_space<hbm>> -> memref<1x64xf32, #tpu.memory_space<hbm>>
            %dma_start3A_535 = arith.constant 0 : i32
            %dma_start3A_536 = tpu.memref_slice %arg4[%squeeze3A_474, %dma_start3A_535] : memref<16384x64xf32, #tpu.memory_space<hbm>> -> memref<1x64xf32, #tpu.memory_space<hbm>>
            %dma_start3A_537 = arith.constant 0 : i32
            %dma_start3A_538 = tpu.memref_slice %arg9[%select_n3A_498, %dma_start3A_537] : memref<32x64xf32, #tpu.memory_space<vmem>> -> memref<1x64xf32, #tpu.memory_space<vmem>>
            tpu.enqueue_dma source(%dma_start3A_538 : memref<1x64xf32, #tpu.memory_space<vmem>>) target(%dma_start3A_536 : memref<1x64xf32, #tpu.memory_space<hbm>>) target_semaphore(%arg17 : memref<!tpu.dma_semaphore, #tpu.memory_space<semaphore_mem>>)
            %add3A_539 = arith.constant 1 : i32
            %add3A_540 = arith.addi %squeeze3A_477, %add3A_539 : i32
            %broadcast_in_dim3A_541 = vector.broadcast %add3A_540 : i32 to vector<16xi32>
            tpu.vector_store_idx %arg10[%broadcast_in_dim3A_1], %broadcast_in_dim3A_541 masked %eq3A_3 : memref<16xi32, #tpu.memory_space<vmem>>[vector<16xi32>], vector<16xi32>, vector<16xi1>
            %ne3A_542 = arith.cmpi ne, %iota3A, %all_reduce_ffs3A : vector<16xi32>
            %and3A_543 = arith.andi %while3A_458, %ne3A_542 : vector<16xi1>
            scf.yield %and3A_543 : vector<16xi1>
          }
        }
      } else {
      }
      %mul3A_281 = arith.constant 5 : i32
      %mul3A_282 = arith.muli %scan3A_273, %mul3A_281 : i32
      %add3A_283 = arith.constant 1 : i32
      %add3A_284 = arith.addi %mul3A_282, %add3A_283 : i32
      %lt3A_285 = arith.cmpi slt, %add3A_284, %min3A_181 : i32
      %convert_element_type3A_286 = arith.extui %lt3A_285 : i1 to i32
      %cond3A_287 = arith.constant 0 : i32
      %cond3A_288 = arith.cmpi ne, %convert_element_type3A_286, %cond3A_287 : i32
      scf.if %cond3A_288 {
        %add3A_313 = arith.constant 4 : i32
        %add3A_314 = arith.addi %add3A_284, %add3A_313 : i32
        %lt3A_315 = arith.cmpi slt, %add3A_314, %min3A_181 : i32
        %convert_element_type3A_316 = arith.extui %lt3A_315 : i1 to i32
        %cond3A_317 = arith.constant 0 : i32
        %cond3A_318 = arith.cmpi ne, %convert_element_type3A_316, %cond3A_317 : i32
        scf.if %cond3A_318 {
          %add3A_430 = arith.constant 4 : i32
          %add3A_431 = arith.addi %add3A_284, %add3A_430 : i32
          %add3A_432 = arith.addi %mul3A_20, %add3A_431 : i32
          %mul3A_433 = arith.constant 256 : i32
          %mul3A_434 = arith.muli %add3A_432, %mul3A_433 : i32
          %multiple_of3A_435 = tpu.assume_multiple %mul3A_434, 128 : i32
          %dma_start3A_436 = arith.constant 0 : i32
          %dma_start3A_437 = arith.constant 0 : i32
          %dma_start3A_438 = arith.constant 0 : i32
          %dma_start3A_439 = tpu.memref_slice %arg7[%dma_start3A_436, %dma_start3A_437, %dma_start3A_438] : memref<5x64x256xf32, #tpu.memory_space<vmem>> -> memref<1x64x256xf32, #tpu.memory_space<vmem>>
          %dma_start3A_440 = tpu.memref_squeeze %dma_start3A_439 : memref<1x64x256xf32, #tpu.memory_space<vmem>> -> memref<64x256xf32, #tpu.memory_space<vmem>>
          %dma_start3A_441 = arith.constant 0 : i32
          %dma_start3A_442 = tpu.memref_slice %arg3[%dma_start3A_441, %multiple_of3A_435] : memref<64x1000001xf32, #tpu.memory_space<hbm>> -> memref<64x256xf32, #tpu.memory_space<hbm>>
          %dma_start3A_443 = arith.constant 0 : i32
          %dma_start3A_444 = arith.constant 0 : i32
          %dma_start3A_445 = tpu.memref_slice %arg7[%dma_start3A_436, %dma_start3A_443, %dma_start3A_444] : memref<5x64x256xf32, #tpu.memory_space<vmem>> -> memref<1x64x256xf32, #tpu.memory_space<vmem>>
          %dma_start3A_446 = tpu.memref_squeeze %dma_start3A_445 : memref<1x64x256xf32, #tpu.memory_space<vmem>> -> memref<64x256xf32, #tpu.memory_space<vmem>>
          %dma_start3A_447 = arith.constant 0 : i32
          %dma_start3A_448 = tpu.memref_slice %arg3[%dma_start3A_447, %multiple_of3A_435] : memref<64x1000001xf32, #tpu.memory_space<hbm>> -> memref<64x256xf32, #tpu.memory_space<hbm>>
          tpu.enqueue_dma source(%dma_start3A_448 : memref<64x256xf32, #tpu.memory_space<hbm>>) target(%dma_start3A_446 : memref<64x256xf32, #tpu.memory_space<vmem>>) target_semaphore(%arg12 : memref<!tpu.dma_semaphore, #tpu.memory_space<semaphore_mem>>)
        } else {
        }
        %dma_wait3A = arith.constant 1 : i32
        %dma_wait3A_319 = arith.constant 0 : i32
        %dma_wait3A_320 = arith.constant 0 : i32
        %dma_wait3A_321 = tpu.memref_slice %arg7[%dma_wait3A, %dma_wait3A_319, %dma_wait3A_320] : memref<5x64x256xf32, #tpu.memory_space<vmem>> -> memref<1x64x256xf32, #tpu.memory_space<vmem>>
        %dma_wait3A_322 = tpu.memref_squeeze %dma_wait3A_321 : memref<1x64x256xf32, #tpu.memory_space<vmem>> -> memref<64x256xf32, #tpu.memory_space<vmem>>
        %dma_wait3A_323 = arith.constant 0 : i32
        %dma_wait3A_324 = arith.constant 0 : i32
        %dma_wait3A_325 = tpu.memref_slice %arg3[%dma_wait3A_323, %dma_wait3A_324] : memref<64x1000001xf32, #tpu.memory_space<hbm>> -> memref<64x256xf32, #tpu.memory_space<hbm>>
        %dma_wait3A_326 = arith.constant 0 : i32
        %dma_wait3A_327 = arith.constant 0 : i32
        %dma_wait3A_328 = tpu.memref_slice %arg7[%dma_wait3A, %dma_wait3A_326, %dma_wait3A_327] : memref<5x64x256xf32, #tpu.memory_space<vmem>> -> memref<1x64x256xf32, #tpu.memory_space<vmem>>
        %dma_wait3A_329 = tpu.memref_squeeze %dma_wait3A_328 : memref<1x64x256xf32, #tpu.memory_space<vmem>> -> memref<64x256xf32, #tpu.memory_space<vmem>>
        %dma_wait3A_330 = arith.constant 0 : i32
        %dma_wait3A_331 = arith.constant 0 : i32
        %dma_wait3A_332 = tpu.memref_slice %arg3[%dma_wait3A_330, %dma_wait3A_331] : memref<64x1000001xf32, #tpu.memory_space<hbm>> -> memref<64x256xf32, #tpu.memory_space<hbm>>
        tpu.wait_dma2 semaphore(%arg13 : memref<!tpu.dma_semaphore, #tpu.memory_space<semaphore_mem>>) src(%dma_wait3A_332 : memref<64x256xf32, #tpu.memory_space<hbm>>) dst(%dma_wait3A_329 : memref<64x256xf32, #tpu.memory_space<vmem>>)
        %jit3A_333 = arith.constant 16 : i32
        %div3A_334 = arith.divsi %add3A_284, %jit3A_333 : i32
        %sign3A_335 = arith.constant 0 : i32
        %sign3A_336 = arith.cmpi sgt, %add3A_284, %sign3A_335 : i32
        %sign3A_337 = arith.extui %sign3A_336 : i1 to i32
        %sign3A_338 = arith.constant 0 : i32
        %sign3A_339 = arith.cmpi slt, %add3A_284, %sign3A_338 : i32
        %sign3A_340 = arith.extui %sign3A_339 : i1 to i32
        %sign3A_341 = arith.subi %sign3A_337, %sign3A_340 : i32
        %sign3A_342 = arith.constant 0 : i32
        %sign3A_343 = arith.cmpi sgt, %jit3A_333, %sign3A_342 : i32
        %sign3A_344 = arith.extui %sign3A_343 : i1 to i32
        %sign3A_345 = arith.constant 0 : i32
        %sign3A_346 = arith.cmpi slt, %jit3A_333, %sign3A_345 : i32
        %sign3A_347 = arith.extui %sign3A_346 : i1 to i32
        %sign3A_348 = arith.subi %sign3A_344, %sign3A_347 : i32
        %ne3A_349 = arith.cmpi ne, %sign3A_341, %sign3A_348 : i32
        %rem3A_350 = arith.remsi %add3A_284, %jit3A_333 : i32
        %ne3A_351 = arith.constant 0 : i32
        %ne3A_352 = arith.cmpi ne, %rem3A_350, %ne3A_351 : i32
        %and3A_353 = arith.andi %ne3A_349, %ne3A_352 : i1
        %sub3A_354 = arith.constant 1 : i32
        %sub3A_355 = arith.subi %div3A_334, %sub3A_354 : i32
        %select_n3A_356 = arith.select %and3A_353, %sub3A_355, %div3A_334 : i32
        %broadcast_in_dim3A_357 = vector.broadcast %select_n3A_356 : i32 to vector<16xi32>
        %gather3A_358 = tpu.vector_load_idx %arg11[%broadcast_in_dim3A_357] : memref<16xi32, #tpu.memory_space<vmem>>[vector<16xi32>], vector<16xi32>,
        %add3A_359 = arith.constant 1 : i32
        %add3A_360 = arith.addi %select_n3A_356, %add3A_359 : i32
        %broadcast_in_dim3A_361 = vector.broadcast %add3A_360 : i32 to vector<16xi32>
        %gather3A_362 = tpu.vector_load_idx %arg11[%broadcast_in_dim3A_361] : memref<16xi32, #tpu.memory_space<vmem>>[vector<16xi32>], vector<16xi32>,
        %broadcast_in_dim3A_363 = vector.broadcast %add3A_284 : i32 to vector<16xi32>
        %slice3A_364 = vector.extract_strided_slice %gather3A_358 {offsets = [0], sizes = [1], strides = [1]} : vector<16xi32> to vector<1xi32>
        %squeeze3A_365 = vector.extract %slice3A_364[0] : i32 from vector<1xi32>
        %jit3A_366 = arith.constant 16 : i32
        %div3A_367 = arith.divsi %squeeze3A_365, %jit3A_366 : i32
        %sign3A_368 = arith.constant 0 : i32
        %sign3A_369 = arith.cmpi sgt, %squeeze3A_365, %sign3A_368 : i32
        %sign3A_370 = arith.extui %sign3A_369 : i1 to i32
        %sign3A_371 = arith.constant 0 : i32
        %sign3A_372 = arith.cmpi slt, %squeeze3A_365, %sign3A_371 : i32
        %sign3A_373 = arith.extui %sign3A_372 : i1 to i32
        %sign3A_374 = arith.subi %sign3A_370, %sign3A_373 : i32
        %sign3A_375 = arith.constant 0 : i32
        %sign3A_376 = arith.cmpi sgt, %jit3A_366, %sign3A_375 : i32
        %sign3A_377 = arith.extui %sign3A_376 : i1 to i32
        %sign3A_378 = arith.constant 0 : i32
        %sign3A_379 = arith.cmpi slt, %jit3A_366, %sign3A_378 : i32
        %sign3A_380 = arith.extui %sign3A_379 : i1 to i32
        %sign3A_381 = arith.subi %sign3A_377, %sign3A_380 : i32
        %ne3A_382 = arith.cmpi ne, %sign3A_374, %sign3A_381 : i32
        %rem3A_383 = arith.remsi %squeeze3A_365, %jit3A_366 : i32
        %ne3A_384 = arith.constant 0 : i32
        %ne3A_385 = arith.cmpi ne, %rem3A_383, %ne3A_384 : i32
        %and3A_386 = arith.andi %ne3A_382, %ne3A_385 : i1
        %sub3A_387 = arith.constant 1 : i32
        %sub3A_388 = arith.subi %div3A_367, %sub3A_387 : i32
        %select_n3A_389 = arith.select %and3A_386, %sub3A_388, %div3A_367 : i32
        %slice3A_390 = vector.extract_strided_slice %gather3A_362 {offsets = [0], sizes = [1], strides = [1]} : vector<16xi32> to vector<1xi32>
        %squeeze3A_391 = vector.extract %slice3A_390[0] : i32 from vector<1xi32>
        %add3A_392 = arith.constant 16 : i32
        %add3A_393 = arith.addi %squeeze3A_391, %add3A_392 : i32
        %sub3A_394 = arith.constant 1 : i32
        %sub3A_395 = arith.subi %add3A_393, %sub3A_394 : i32
        %jit3A_396 = arith.constant 16 : i32
        %div3A_397 = arith.divsi %sub3A_395, %jit3A_396 : i32
        %sign3A_398 = arith.constant 0 : i32
        %sign3A_399 = arith.cmpi sgt, %sub3A_395, %sign3A_398 : i32
        %sign3A_400 = arith.extui %sign3A_399 : i1 to i32
        %sign3A_401 = arith.constant 0 : i32
        %sign3A_402 = arith.cmpi slt, %sub3A_395, %sign3A_401 : i32
        %sign3A_403 = arith.extui %sign3A_402 : i1 to i32
        %sign3A_404 = arith.subi %sign3A_400, %sign3A_403 : i32
        %sign3A_405 = arith.constant 0 : i32
        %sign3A_406 = arith.cmpi sgt, %jit3A_396, %sign3A_405 : i32
        %sign3A_407 = arith.extui %sign3A_406 : i1 to i32
        %sign3A_408 = arith.constant 0 : i32
        %sign3A_409 = arith.cmpi slt, %jit3A_396, %sign3A_408 : i32
        %sign3A_410 = arith.extui %sign3A_409 : i1 to i32
        %sign3A_411 = arith.subi %sign3A_407, %sign3A_410 : i32
        %ne3A_412 = arith.cmpi ne, %sign3A_404, %sign3A_411 : i32
        %rem3A_413 = arith.remsi %sub3A_395, %jit3A_396 : i32
        %ne3A_414 = arith.constant 0 : i32
        %ne3A_415 = arith.cmpi ne, %rem3A_413, %ne3A_414 : i32
        %and3A_416 = arith.andi %ne3A_412, %ne3A_415 : i1
        %sub3A_417 = arith.constant 1 : i32
        %sub3A_418 = arith.subi %div3A_397, %sub3A_417 : i32
        %select_n3A_419 = arith.select %and3A_416, %sub3A_418, %div3A_397 : i32
        %while3A_420 = arith.constant 0 : i32
        %while3A_421 = arith.constant 1 : i32
        %while3A_422 = arith.subi %select_n3A_419, %select_n3A_389 : i32
        %while3A_423 = arith.addi %select_n3A_389, %while3A_422 : i32
        %while3A_424 = arith.constant 1 : i32
        %while3A_425 = arith.divsi %while3A_422, %while3A_424 : i32
        %while3A_426 = arith.muli %while3A_425, %while3A_424 : i32
        %while3A_427 = arith.addi %select_n3A_389, %while3A_426 : i32
        %while3A_428 = arith.constant 1 : i32
        scf.for %while3A_430 = %select_n3A_389 to %while3A_427 step %while3A_428  : i32 {
          %mul3A_431 = arith.constant 16 : i32
          %mul3A_432 = arith.muli %while3A_430, %mul3A_431 : i32
          %get3A = arith.index_cast %mul3A_432 : i32 to index
          %get3A_433 = tpu.vector_load %arg5[%get3A] {strides = array<i32>} : memref<16400xi32, #tpu.memory_space<vmem>>, vector<16xi32>,
          %mul3A_434 = arith.constant 16 : i32
          %mul3A_435 = arith.muli %while3A_430, %mul3A_434 : i32
          %add3A_436 = vector.broadcast %mul3A_435 : i32 to vector<16xi32>
          %add3A_437 = arith.addi %iota3A, %add3A_436 : vector<16xi32>
          %ge3A = arith.cmpi sge, %add3A_437, %gather3A_358 : vector<16xi32>
          %lt3A_438 = arith.cmpi slt, %add3A_437, %gather3A_362 : vector<16xi32>
          %and3A_439 = arith.andi %ge3A, %lt3A_438 : vector<16xi1>
          %shift_right_arithmetic3A = arith.constant 22 : i32
          %shift_right_arithmetic3A_440 = vector.broadcast %shift_right_arithmetic3A : i32 to vector<16xi32>
          %shift_right_arithmetic3A_441 = arith.shrsi %get3A_433, %shift_right_arithmetic3A_440 : vector<16xi32>
          %eq3A_442 = arith.cmpi eq, %shift_right_arithmetic3A_441, %broadcast_in_dim3A_363 : vector<16xi32>
          %and3A_443 = arith.andi %eq3A_442, %and3A_439 : vector<16xi1>
          %all_reduce_population_count3A = tpu.all_reduce %and3A_443 {dim = 0 : i64, kind = #tpu.reduction_kind<sum>} : vector<16xi1> -> vector<16xi32>
          %slice3A_444 = vector.extract_strided_slice %all_reduce_population_count3A {offsets = [0], sizes = [1], strides = [1]} : vector<16xi32> to vector<1xi32>
          %squeeze3A_445 = vector.extract %slice3A_444[0] : i32 from vector<1xi32>
          %while3A_446 = arith.constant 0 : i32
          %while3A_447 = arith.subi %squeeze3A_445, %while3A_446 : i32
          %while3A_448 = arith.addi %while3A_446, %while3A_447 : i32
          %while3A_449 = arith.constant 1 : i32
          %while3A_450 = arith.divsi %while3A_447, %while3A_449 : i32
          %while3A_451 = arith.muli %while3A_450, %while3A_449 : i32
          %while3A_452 = arith.addi %while3A_446, %while3A_451 : i32
          %while3A_453 = arith.constant 1 : i32
          %while3A_454 = scf.for %while3A_457 = %while3A_446 to %while3A_452 step %while3A_453 iter_args(%while3A_458 = %and3A_443) -> (vector<16xi1>)  : i32 {
            %all_reduce_ffs3A = tpu.all_reduce %while3A_458 {dim = 0 : i64, kind = #tpu.reduction_kind<find_first_set>} : vector<16xi1> -> vector<16xi32>
            %mul3A_459 = arith.constant 16 : i32
            %mul3A_460 = arith.muli %while3A_430, %mul3A_459 : i32
            %add3A_461 = vector.broadcast %mul3A_460 : i32 to vector<16xi32>
            %add3A_462 = arith.addi %all_reduce_ffs3A, %add3A_461 : vector<16xi32>
            %gather3A_463 = tpu.vector_load_idx %arg5[%add3A_462] : memref<16400xi32, #tpu.memory_space<vmem>>[vector<16xi32>], vector<16xi32>,
            %shift_right_arithmetic3A_464 = arith.constant 14 : i32
            %shift_right_arithmetic3A_465 = vector.broadcast %shift_right_arithmetic3A_464 : i32 to vector<16xi32>
            %shift_right_arithmetic3A_466 = arith.shrsi %gather3A_463, %shift_right_arithmetic3A_465 : vector<16xi32>
            %and3A_467 = arith.constant 255 : i32
            %and3A_468 = vector.broadcast %and3A_467 : i32 to vector<16xi32>
            %and3A_469 = arith.andi %shift_right_arithmetic3A_466, %and3A_468 : vector<16xi32>
            %and3A_470 = arith.constant 16383 : i32
            %and3A_471 = vector.broadcast %and3A_470 : i32 to vector<16xi32>
            %and3A_472 = arith.andi %gather3A_463, %and3A_471 : vector<16xi32>
            %slice3A_473 = vector.extract_strided_slice %and3A_472 {offsets = [0], sizes = [1], strides = [1]} : vector<16xi32> to vector<1xi32>
            %squeeze3A_474 = vector.extract %slice3A_473[0] : i32 from vector<1xi32>
            %gather3A_475 = tpu.vector_load_idx %arg10[%broadcast_in_dim3A_1] : memref<16xi32, #tpu.memory_space<vmem>>[vector<16xi32>], vector<16xi32>,
            %slice3A_476 = vector.extract_strided_slice %gather3A_475 {offsets = [0], sizes = [1], strides = [1]} : vector<16xi32> to vector<1xi32>
            %squeeze3A_477 = vector.extract %slice3A_476[0] : i32 from vector<1xi32>
            %ge3A_478 = arith.constant 32 : i32
            %ge3A_479 = arith.cmpi sge, %squeeze3A_477, %ge3A_478 : i32
            %convert_element_type3A_480 = arith.extui %ge3A_479 : i1 to i32
            %cond3A_481 = arith.constant 0 : i32
            %cond3A_482 = arith.cmpi ne, %convert_element_type3A_480, %cond3A_481 : i32
            scf.if %cond3A_482 {
              %dma_wait3A_544 = arith.constant 0 : i32
              %dma_wait3A_545 = arith.constant 0 : i32
              %dma_wait3A_546 = tpu.memref_slice %arg9[%dma_wait3A_544, %dma_wait3A_545] : memref<32x64xf32, #tpu.memory_space<vmem>> -> memref<1x64xf32, #tpu.memory_space<vmem>>
              %dma_wait3A_547 = arith.constant 0 : i32
              %dma_wait3A_548 = arith.constant 0 : i32
              %dma_wait3A_549 = tpu.memref_slice %arg4[%dma_wait3A_547, %dma_wait3A_548] : memref<16384x64xf32, #tpu.memory_space<hbm>> -> memref<1x64xf32, #tpu.memory_space<hbm>>
              %dma_wait3A_550 = arith.constant 0 : i32
              %dma_wait3A_551 = arith.constant 0 : i32
              %dma_wait3A_552 = tpu.memref_slice %arg9[%dma_wait3A_550, %dma_wait3A_551] : memref<32x64xf32, #tpu.memory_space<vmem>> -> memref<1x64xf32, #tpu.memory_space<vmem>>
              %dma_wait3A_553 = arith.constant 0 : i32
              %dma_wait3A_554 = arith.constant 0 : i32
              %dma_wait3A_555 = tpu.memref_slice %arg4[%dma_wait3A_553, %dma_wait3A_554] : memref<16384x64xf32, #tpu.memory_space<hbm>> -> memref<1x64xf32, #tpu.memory_space<hbm>>
              tpu.wait_dma2 semaphore(%arg17 : memref<!tpu.dma_semaphore, #tpu.memory_space<semaphore_mem>>) src(%dma_wait3A_555 : memref<1x64xf32, #tpu.memory_space<hbm>>) dst(%dma_wait3A_552 : memref<1x64xf32, #tpu.memory_space<vmem>>)
            } else {
            }
            %jit3A_483 = arith.constant 32 : i32
            %eq3A_484 = arith.constant 0 : i32
            %eq3A_485 = arith.cmpi eq, %jit3A_483, %eq3A_484 : i32
            %jit3A_486 = arith.constant 1 : i32
            %select_n3A_487 = arith.select %eq3A_485, %jit3A_486, %jit3A_483 : i32
            %rem3A_488 = arith.remsi %squeeze3A_477, %select_n3A_487 : i32
            %ne3A_489 = arith.constant 0 : i32
            %ne3A_490 = arith.cmpi ne, %rem3A_488, %ne3A_489 : i32
            %lt3A_491 = arith.constant 0 : i32
            %lt3A_492 = arith.cmpi slt, %rem3A_488, %lt3A_491 : i32
            %lt3A_493 = arith.constant 0 : i32
            %lt3A_494 = arith.cmpi slt, %select_n3A_487, %lt3A_493 : i32
            %ne3A_495 = arith.xori %lt3A_492, %lt3A_494 : i1
            %and3A_496 = arith.andi %ne3A_495, %ne3A_490 : i1
            %add3A_497 = arith.addi %rem3A_488, %select_n3A_487 : i32
            %select_n3A_498 = arith.select %and3A_496, %add3A_497, %rem3A_488 : i32
            %gather3A_499 = arith.constant 0 : i32
            %gather3A_500 = arith.constant 0 : i32
            %gather3A_501 = tpu.memref_slice %arg7[%while3A_421, %gather3A_499, %gather3A_500] : memref<5x64x256xf32, #tpu.memory_space<vmem>> -> memref<1x64x256xf32, #tpu.memory_space<vmem>>
            %gather3A_502 = tpu.memref_squeeze %gather3A_501 : memref<1x64x256xf32, #tpu.memory_space<vmem>> -> memref<64x256xf32, #tpu.memory_space<vmem>>
            %gather3A_503 = tpu.vector_load_idx %gather3A_502[%add3A_6, %and3A_469] : memref<64x256xf32, #tpu.memory_space<vmem>>[vector<16xi32>, vector<16xi32>], vector<16xf32>,
            %swap3A_504 = arith.index_cast %select_n3A_498 : i32 to index
            %swap3A_505 = arith.constant 0 : index
            %swap3A_506 = tpu.vector_load %arg9[%swap3A_504, %swap3A_505] {strides = array<i32>} : memref<32x64xf32, #tpu.memory_space<vmem>>, vector<16xf32>,
            tpu.vector_store %arg9[%swap3A_504, %swap3A_505], %gather3A_503 {strides = array<i32>} : memref<32x64xf32, #tpu.memory_space<vmem>>, vector<16xf32>,
            %gather3A_507 = arith.constant 0 : i32
            %gather3A_508 = arith.constant 0 : i32
            %gather3A_509 = tpu.memref_slice %arg7[%while3A_421, %gather3A_507, %gather3A_508] : memref<5x64x256xf32, #tpu.memory_space<vmem>> -> memref<1x64x256xf32, #tpu.memory_space<vmem>>
            %gather3A_510 = tpu.memref_squeeze %gather3A_509 : memref<1x64x256xf32, #tpu.memory_space<vmem>> -> memref<64x256xf32, #tpu.memory_space<vmem>>
            %gather3A_511 = tpu.vector_load_idx %gather3A_510[%add3A_9, %and3A_469] : memref<64x256xf32, #tpu.memory_space<vmem>>[vector<16xi32>, vector<16xi32>], vector<16xf32>,
            %swap3A_512 = arith.index_cast %select_n3A_498 : i32 to index
            %swap3A_513 = arith.constant 16 : index
            %swap3A_514 = tpu.vector_load %arg9[%swap3A_512, %swap3A_513] {strides = array<i32>} : memref<32x64xf32, #tpu.memory_space<vmem>>, vector<16xf32>,
            tpu.vector_store %arg9[%swap3A_512, %swap3A_513], %gather3A_511 {strides = array<i32>} : memref<32x64xf32, #tpu.memory_space<vmem>>, vector<16xf32>,
            %gather3A_515 = arith.constant 0 : i32
            %gather3A_516 = arith.constant 0 : i32
            %gather3A_517 = tpu.memref_slice %arg7[%while3A_421, %gather3A_515, %gather3A_516] : memref<5x64x256xf32, #tpu.memory_space<vmem>> -> memref<1x64x256xf32, #tpu.memory_space<vmem>>
            %gather3A_518 = tpu.memref_squeeze %gather3A_517 : memref<1x64x256xf32, #tpu.memory_space<vmem>> -> memref<64x256xf32, #tpu.memory_space<vmem>>
            %gather3A_519 = tpu.vector_load_idx %gather3A_518[%add3A_12, %and3A_469] : memref<64x256xf32, #tpu.memory_space<vmem>>[vector<16xi32>, vector<16xi32>], vector<16xf32>,
            %swap3A_520 = arith.index_cast %select_n3A_498 : i32 to index
            %swap3A_521 = arith.constant 32 : index
            %swap3A_522 = tpu.vector_load %arg9[%swap3A_520, %swap3A_521] {strides = array<i32>} : memref<32x64xf32, #tpu.memory_space<vmem>>, vector<16xf32>,
            tpu.vector_store %arg9[%swap3A_520, %swap3A_521], %gather3A_519 {strides = array<i32>} : memref<32x64xf32, #tpu.memory_space<vmem>>, vector<16xf32>,
            %gather3A_523 = arith.constant 0 : i32
            %gather3A_524 = arith.constant 0 : i32
            %gather3A_525 = tpu.memref_slice %arg7[%while3A_421, %gather3A_523, %gather3A_524] : memref<5x64x256xf32, #tpu.memory_space<vmem>> -> memref<1x64x256xf32, #tpu.memory_space<vmem>>
            %gather3A_526 = tpu.memref_squeeze %gather3A_525 : memref<1x64x256xf32, #tpu.memory_space<vmem>> -> memref<64x256xf32, #tpu.memory_space<vmem>>
            %gather3A_527 = tpu.vector_load_idx %gather3A_526[%add3A_15, %and3A_469] : memref<64x256xf32, #tpu.memory_space<vmem>>[vector<16xi32>, vector<16xi32>], vector<16xf32>,
            %swap3A_528 = arith.index_cast %select_n3A_498 : i32 to index
            %swap3A_529 = arith.constant 48 : index
            %swap3A_530 = tpu.vector_load %arg9[%swap3A_528, %swap3A_529] {strides = array<i32>} : memref<32x64xf32, #tpu.memory_space<vmem>>, vector<16xf32>,
            tpu.vector_store %arg9[%swap3A_528, %swap3A_529], %gather3A_527 {strides = array<i32>} : memref<32x64xf32, #tpu.memory_space<vmem>>, vector<16xf32>,
            %dma_start3A_531 = arith.constant 0 : i32
            %dma_start3A_532 = tpu.memref_slice %arg9[%select_n3A_498, %dma_start3A_531] : memref<32x64xf32, #tpu.memory_space<vmem>> -> memref<1x64xf32, #tpu.memory_space<vmem>>
            %dma_start3A_533 = arith.constant 0 : i32
            %dma_start3A_534 = tpu.memref_slice %arg4[%squeeze3A_474, %dma_start3A_533] : memref<16384x64xf32, #tpu.memory_space<hbm>> -> memref<1x64xf32, #tpu.memory_space<hbm>>
            %dma_start3A_535 = arith.constant 0 : i32
            %dma_start3A_536 = tpu.memref_slice %arg4[%squeeze3A_474, %dma_start3A_535] : memref<16384x64xf32, #tpu.memory_space<hbm>> -> memref<1x64xf32, #tpu.memory_space<hbm>>
            %dma_start3A_537 = arith.constant 0 : i32
            %dma_start3A_538 = tpu.memref_slice %arg9[%select_n3A_498, %dma_start3A_537] : memref<32x64xf32, #tpu.memory_space<vmem>> -> memref<1x64xf32, #tpu.memory_space<vmem>>
            tpu.enqueue_dma source(%dma_start3A_538 : memref<1x64xf32, #tpu.memory_space<vmem>>) target(%dma_start3A_536 : memref<1x64xf32, #tpu.memory_space<hbm>>) target_semaphore(%arg17 : memref<!tpu.dma_semaphore, #tpu.memory_space<semaphore_mem>>)
            %add3A_539 = arith.constant 1 : i32
            %add3A_540 = arith.addi %squeeze3A_477, %add3A_539 : i32
            %broadcast_in_dim3A_541 = vector.broadcast %add3A_540 : i32 to vector<16xi32>
            tpu.vector_store_idx %arg10[%broadcast_in_dim3A_1], %broadcast_in_dim3A_541 masked %eq3A_3 : memref<16xi32, #tpu.memory_space<vmem>>[vector<16xi32>], vector<16xi32>, vector<16xi1>
            %ne3A_542 = arith.cmpi ne, %iota3A, %all_reduce_ffs3A : vector<16xi32>
            %and3A_543 = arith.andi %while3A_458, %ne3A_542 : vector<16xi1>
            scf.yield %and3A_543 : vector<16xi1>
          }
          %while3A_455 = arith.constant 1 : i32
          %while3A_456 = scf.for %while3A_457 = %while3A_452 to %while3A_448 step %while3A_455 iter_args(%while3A_458 = %while3A_454) -> (vector<16xi1>)  : i32 {
            %all_reduce_ffs3A = tpu.all_reduce %while3A_458 {dim = 0 : i64, kind = #tpu.reduction_kind<find_first_set>} : vector<16xi1> -> vector<16xi32>
            %mul3A_459 = arith.constant 16 : i32
            %mul3A_460 = arith.muli %while3A_430, %mul3A_459 : i32
            %add3A_461 = vector.broadcast %mul3A_460 : i32 to vector<16xi32>
            %add3A_462 = arith.addi %all_reduce_ffs3A, %add3A_461 : vector<16xi32>
            %gather3A_463 = tpu.vector_load_idx %arg5[%add3A_462] : memref<16400xi32, #tpu.memory_space<vmem>>[vector<16xi32>], vector<16xi32>,
            %shift_right_arithmetic3A_464 = arith.constant 14 : i32
            %shift_right_arithmetic3A_465 = vector.broadcast %shift_right_arithmetic3A_464 : i32 to vector<16xi32>
            %shift_right_arithmetic3A_466 = arith.shrsi %gather3A_463, %shift_right_arithmetic3A_465 : vector<16xi32>
            %and3A_467 = arith.constant 255 : i32
            %and3A_468 = vector.broadcast %and3A_467 : i32 to vector<16xi32>
            %and3A_469 = arith.andi %shift_right_arithmetic3A_466, %and3A_468 : vector<16xi32>
            %and3A_470 = arith.constant 16383 : i32
            %and3A_471 = vector.broadcast %and3A_470 : i32 to vector<16xi32>
            %and3A_472 = arith.andi %gather3A_463, %and3A_471 : vector<16xi32>
            %slice3A_473 = vector.extract_strided_slice %and3A_472 {offsets = [0], sizes = [1], strides = [1]} : vector<16xi32> to vector<1xi32>
            %squeeze3A_474 = vector.extract %slice3A_473[0] : i32 from vector<1xi32>
            %gather3A_475 = tpu.vector_load_idx %arg10[%broadcast_in_dim3A_1] : memref<16xi32, #tpu.memory_space<vmem>>[vector<16xi32>], vector<16xi32>,
            %slice3A_476 = vector.extract_strided_slice %gather3A_475 {offsets = [0], sizes = [1], strides = [1]} : vector<16xi32> to vector<1xi32>
            %squeeze3A_477 = vector.extract %slice3A_476[0] : i32 from vector<1xi32>
            %ge3A_478 = arith.constant 32 : i32
            %ge3A_479 = arith.cmpi sge, %squeeze3A_477, %ge3A_478 : i32
            %convert_element_type3A_480 = arith.extui %ge3A_479 : i1 to i32
            %cond3A_481 = arith.constant 0 : i32
            %cond3A_482 = arith.cmpi ne, %convert_element_type3A_480, %cond3A_481 : i32
            scf.if %cond3A_482 {
              %dma_wait3A_544 = arith.constant 0 : i32
              %dma_wait3A_545 = arith.constant 0 : i32
              %dma_wait3A_546 = tpu.memref_slice %arg9[%dma_wait3A_544, %dma_wait3A_545] : memref<32x64xf32, #tpu.memory_space<vmem>> -> memref<1x64xf32, #tpu.memory_space<vmem>>
              %dma_wait3A_547 = arith.constant 0 : i32
              %dma_wait3A_548 = arith.constant 0 : i32
              %dma_wait3A_549 = tpu.memref_slice %arg4[%dma_wait3A_547, %dma_wait3A_548] : memref<16384x64xf32, #tpu.memory_space<hbm>> -> memref<1x64xf32, #tpu.memory_space<hbm>>
              %dma_wait3A_550 = arith.constant 0 : i32
              %dma_wait3A_551 = arith.constant 0 : i32
              %dma_wait3A_552 = tpu.memref_slice %arg9[%dma_wait3A_550, %dma_wait3A_551] : memref<32x64xf32, #tpu.memory_space<vmem>> -> memref<1x64xf32, #tpu.memory_space<vmem>>
              %dma_wait3A_553 = arith.constant 0 : i32
              %dma_wait3A_554 = arith.constant 0 : i32
              %dma_wait3A_555 = tpu.memref_slice %arg4[%dma_wait3A_553, %dma_wait3A_554] : memref<16384x64xf32, #tpu.memory_space<hbm>> -> memref<1x64xf32, #tpu.memory_space<hbm>>
              tpu.wait_dma2 semaphore(%arg17 : memref<!tpu.dma_semaphore, #tpu.memory_space<semaphore_mem>>) src(%dma_wait3A_555 : memref<1x64xf32, #tpu.memory_space<hbm>>) dst(%dma_wait3A_552 : memref<1x64xf32, #tpu.memory_space<vmem>>)
            } else {
            }
            %jit3A_483 = arith.constant 32 : i32
            %eq3A_484 = arith.constant 0 : i32
            %eq3A_485 = arith.cmpi eq, %jit3A_483, %eq3A_484 : i32
            %jit3A_486 = arith.constant 1 : i32
            %select_n3A_487 = arith.select %eq3A_485, %jit3A_486, %jit3A_483 : i32
            %rem3A_488 = arith.remsi %squeeze3A_477, %select_n3A_487 : i32
            %ne3A_489 = arith.constant 0 : i32
            %ne3A_490 = arith.cmpi ne, %rem3A_488, %ne3A_489 : i32
            %lt3A_491 = arith.constant 0 : i32
            %lt3A_492 = arith.cmpi slt, %rem3A_488, %lt3A_491 : i32
            %lt3A_493 = arith.constant 0 : i32
            %lt3A_494 = arith.cmpi slt, %select_n3A_487, %lt3A_493 : i32
            %ne3A_495 = arith.xori %lt3A_492, %lt3A_494 : i1
            %and3A_496 = arith.andi %ne3A_495, %ne3A_490 : i1
            %add3A_497 = arith.addi %rem3A_488, %select_n3A_487 : i32
            %select_n3A_498 = arith.select %and3A_496, %add3A_497, %rem3A_488 : i32
            %gather3A_499 = arith.constant 0 : i32
            %gather3A_500 = arith.constant 0 : i32
            %gather3A_501 = tpu.memref_slice %arg7[%while3A_421, %gather3A_499, %gather3A_500] : memref<5x64x256xf32, #tpu.memory_space<vmem>> -> memref<1x64x256xf32, #tpu.memory_space<vmem>>
            %gather3A_502 = tpu.memref_squeeze %gather3A_501 : memref<1x64x256xf32, #tpu.memory_space<vmem>> -> memref<64x256xf32, #tpu.memory_space<vmem>>
            %gather3A_503 = tpu.vector_load_idx %gather3A_502[%add3A_6, %and3A_469] : memref<64x256xf32, #tpu.memory_space<vmem>>[vector<16xi32>, vector<16xi32>], vector<16xf32>,
            %swap3A_504 = arith.index_cast %select_n3A_498 : i32 to index
            %swap3A_505 = arith.constant 0 : index
            %swap3A_506 = tpu.vector_load %arg9[%swap3A_504, %swap3A_505] {strides = array<i32>} : memref<32x64xf32, #tpu.memory_space<vmem>>, vector<16xf32>,
            tpu.vector_store %arg9[%swap3A_504, %swap3A_505], %gather3A_503 {strides = array<i32>} : memref<32x64xf32, #tpu.memory_space<vmem>>, vector<16xf32>,
            %gather3A_507 = arith.constant 0 : i32
            %gather3A_508 = arith.constant 0 : i32
            %gather3A_509 = tpu.memref_slice %arg7[%while3A_421, %gather3A_507, %gather3A_508] : memref<5x64x256xf32, #tpu.memory_space<vmem>> -> memref<1x64x256xf32, #tpu.memory_space<vmem>>
            %gather3A_510 = tpu.memref_squeeze %gather3A_509 : memref<1x64x256xf32, #tpu.memory_space<vmem>> -> memref<64x256xf32, #tpu.memory_space<vmem>>
            %gather3A_511 = tpu.vector_load_idx %gather3A_510[%add3A_9, %and3A_469] : memref<64x256xf32, #tpu.memory_space<vmem>>[vector<16xi32>, vector<16xi32>], vector<16xf32>,
            %swap3A_512 = arith.index_cast %select_n3A_498 : i32 to index
            %swap3A_513 = arith.constant 16 : index
            %swap3A_514 = tpu.vector_load %arg9[%swap3A_512, %swap3A_513] {strides = array<i32>} : memref<32x64xf32, #tpu.memory_space<vmem>>, vector<16xf32>,
            tpu.vector_store %arg9[%swap3A_512, %swap3A_513], %gather3A_511 {strides = array<i32>} : memref<32x64xf32, #tpu.memory_space<vmem>>, vector<16xf32>,
            %gather3A_515 = arith.constant 0 : i32
            %gather3A_516 = arith.constant 0 : i32
            %gather3A_517 = tpu.memref_slice %arg7[%while3A_421, %gather3A_515, %gather3A_516] : memref<5x64x256xf32, #tpu.memory_space<vmem>> -> memref<1x64x256xf32, #tpu.memory_space<vmem>>
            %gather3A_518 = tpu.memref_squeeze %gather3A_517 : memref<1x64x256xf32, #tpu.memory_space<vmem>> -> memref<64x256xf32, #tpu.memory_space<vmem>>
            %gather3A_519 = tpu.vector_load_idx %gather3A_518[%add3A_12, %and3A_469] : memref<64x256xf32, #tpu.memory_space<vmem>>[vector<16xi32>, vector<16xi32>], vector<16xf32>,
            %swap3A_520 = arith.index_cast %select_n3A_498 : i32 to index
            %swap3A_521 = arith.constant 32 : index
            %swap3A_522 = tpu.vector_load %arg9[%swap3A_520, %swap3A_521] {strides = array<i32>} : memref<32x64xf32, #tpu.memory_space<vmem>>, vector<16xf32>,
            tpu.vector_store %arg9[%swap3A_520, %swap3A_521], %gather3A_519 {strides = array<i32>} : memref<32x64xf32, #tpu.memory_space<vmem>>, vector<16xf32>,
            %gather3A_523 = arith.constant 0 : i32
            %gather3A_524 = arith.constant 0 : i32
            %gather3A_525 = tpu.memref_slice %arg7[%while3A_421, %gather3A_523, %gather3A_524] : memref<5x64x256xf32, #tpu.memory_space<vmem>> -> memref<1x64x256xf32, #tpu.memory_space<vmem>>
            %gather3A_526 = tpu.memref_squeeze %gather3A_525 : memref<1x64x256xf32, #tpu.memory_space<vmem>> -> memref<64x256xf32, #tpu.memory_space<vmem>>
            %gather3A_527 = tpu.vector_load_idx %gather3A_526[%add3A_15, %and3A_469] : memref<64x256xf32, #tpu.memory_space<vmem>>[vector<16xi32>, vector<16xi32>], vector<16xf32>,
            %swap3A_528 = arith.index_cast %select_n3A_498 : i32 to index
            %swap3A_529 = arith.constant 48 : index
            %swap3A_530 = tpu.vector_load %arg9[%swap3A_528, %swap3A_529] {strides = array<i32>} : memref<32x64xf32, #tpu.memory_space<vmem>>, vector<16xf32>,
            tpu.vector_store %arg9[%swap3A_528, %swap3A_529], %gather3A_527 {strides = array<i32>} : memref<32x64xf32, #tpu.memory_space<vmem>>, vector<16xf32>,
            %dma_start3A_531 = arith.constant 0 : i32
            %dma_start3A_532 = tpu.memref_slice %arg9[%select_n3A_498, %dma_start3A_531] : memref<32x64xf32, #tpu.memory_space<vmem>> -> memref<1x64xf32, #tpu.memory_space<vmem>>
            %dma_start3A_533 = arith.constant 0 : i32
            %dma_start3A_534 = tpu.memref_slice %arg4[%squeeze3A_474, %dma_start3A_533] : memref<16384x64xf32, #tpu.memory_space<hbm>> -> memref<1x64xf32, #tpu.memory_space<hbm>>
            %dma_start3A_535 = arith.constant 0 : i32
            %dma_start3A_536 = tpu.memref_slice %arg4[%squeeze3A_474, %dma_start3A_535] : memref<16384x64xf32, #tpu.memory_space<hbm>> -> memref<1x64xf32, #tpu.memory_space<hbm>>
            %dma_start3A_537 = arith.constant 0 : i32
            %dma_start3A_538 = tpu.memref_slice %arg9[%select_n3A_498, %dma_start3A_537] : memref<32x64xf32, #tpu.memory_space<vmem>> -> memref<1x64xf32, #tpu.memory_space<vmem>>
            tpu.enqueue_dma source(%dma_start3A_538 : memref<1x64xf32, #tpu.memory_space<vmem>>) target(%dma_start3A_536 : memref<1x64xf32, #tpu.memory_space<hbm>>) target_semaphore(%arg17 : memref<!tpu.dma_semaphore, #tpu.memory_space<semaphore_mem>>)
            %add3A_539 = arith.constant 1 : i32
            %add3A_540 = arith.addi %squeeze3A_477, %add3A_539 : i32
            %broadcast_in_dim3A_541 = vector.broadcast %add3A_540 : i32 to vector<16xi32>
            tpu.vector_store_idx %arg10[%broadcast_in_dim3A_1], %broadcast_in_dim3A_541 masked %eq3A_3 : memref<16xi32, #tpu.memory_space<vmem>>[vector<16xi32>], vector<16xi32>, vector<16xi1>
            %ne3A_542 = arith.cmpi ne, %iota3A, %all_reduce_ffs3A : vector<16xi32>
            %and3A_543 = arith.andi %while3A_458, %ne3A_542 : vector<16xi1>
            scf.yield %and3A_543 : vector<16xi1>
          }
        }
        %while3A_429 = arith.constant 1 : i32
        scf.for %while3A_430 = %while3A_427 to %while3A_423 step %while3A_429  : i32 {
          %mul3A_431 = arith.constant 16 : i32
          %mul3A_432 = arith.muli %while3A_430, %mul3A_431 : i32
          %get3A = arith.index_cast %mul3A_432 : i32 to index
          %get3A_433 = tpu.vector_load %arg5[%get3A] {strides = array<i32>} : memref<16400xi32, #tpu.memory_space<vmem>>, vector<16xi32>,
          %mul3A_434 = arith.constant 16 : i32
          %mul3A_435 = arith.muli %while3A_430, %mul3A_434 : i32
          %add3A_436 = vector.broadcast %mul3A_435 : i32 to vector<16xi32>
          %add3A_437 = arith.addi %iota3A, %add3A_436 : vector<16xi32>
          %ge3A = arith.cmpi sge, %add3A_437, %gather3A_358 : vector<16xi32>
          %lt3A_438 = arith.cmpi slt, %add3A_437, %gather3A_362 : vector<16xi32>
          %and3A_439 = arith.andi %ge3A, %lt3A_438 : vector<16xi1>
          %shift_right_arithmetic3A = arith.constant 22 : i32
          %shift_right_arithmetic3A_440 = vector.broadcast %shift_right_arithmetic3A : i32 to vector<16xi32>
          %shift_right_arithmetic3A_441 = arith.shrsi %get3A_433, %shift_right_arithmetic3A_440 : vector<16xi32>
          %eq3A_442 = arith.cmpi eq, %shift_right_arithmetic3A_441, %broadcast_in_dim3A_363 : vector<16xi32>
          %and3A_443 = arith.andi %eq3A_442, %and3A_439 : vector<16xi1>
          %all_reduce_population_count3A = tpu.all_reduce %and3A_443 {dim = 0 : i64, kind = #tpu.reduction_kind<sum>} : vector<16xi1> -> vector<16xi32>
          %slice3A_444 = vector.extract_strided_slice %all_reduce_population_count3A {offsets = [0], sizes = [1], strides = [1]} : vector<16xi32> to vector<1xi32>
          %squeeze3A_445 = vector.extract %slice3A_444[0] : i32 from vector<1xi32>
          %while3A_446 = arith.constant 0 : i32
          %while3A_447 = arith.subi %squeeze3A_445, %while3A_446 : i32
          %while3A_448 = arith.addi %while3A_446, %while3A_447 : i32
          %while3A_449 = arith.constant 1 : i32
          %while3A_450 = arith.divsi %while3A_447, %while3A_449 : i32
          %while3A_451 = arith.muli %while3A_450, %while3A_449 : i32
          %while3A_452 = arith.addi %while3A_446, %while3A_451 : i32
          %while3A_453 = arith.constant 1 : i32
          %while3A_454 = scf.for %while3A_457 = %while3A_446 to %while3A_452 step %while3A_453 iter_args(%while3A_458 = %and3A_443) -> (vector<16xi1>)  : i32 {
            %all_reduce_ffs3A = tpu.all_reduce %while3A_458 {dim = 0 : i64, kind = #tpu.reduction_kind<find_first_set>} : vector<16xi1> -> vector<16xi32>
            %mul3A_459 = arith.constant 16 : i32
            %mul3A_460 = arith.muli %while3A_430, %mul3A_459 : i32
            %add3A_461 = vector.broadcast %mul3A_460 : i32 to vector<16xi32>
            %add3A_462 = arith.addi %all_reduce_ffs3A, %add3A_461 : vector<16xi32>
            %gather3A_463 = tpu.vector_load_idx %arg5[%add3A_462] : memref<16400xi32, #tpu.memory_space<vmem>>[vector<16xi32>], vector<16xi32>,
            %shift_right_arithmetic3A_464 = arith.constant 14 : i32
            %shift_right_arithmetic3A_465 = vector.broadcast %shift_right_arithmetic3A_464 : i32 to vector<16xi32>
            %shift_right_arithmetic3A_466 = arith.shrsi %gather3A_463, %shift_right_arithmetic3A_465 : vector<16xi32>
            %and3A_467 = arith.constant 255 : i32
            %and3A_468 = vector.broadcast %and3A_467 : i32 to vector<16xi32>
            %and3A_469 = arith.andi %shift_right_arithmetic3A_466, %and3A_468 : vector<16xi32>
            %and3A_470 = arith.constant 16383 : i32
            %and3A_471 = vector.broadcast %and3A_470 : i32 to vector<16xi32>
            %and3A_472 = arith.andi %gather3A_463, %and3A_471 : vector<16xi32>
            %slice3A_473 = vector.extract_strided_slice %and3A_472 {offsets = [0], sizes = [1], strides = [1]} : vector<16xi32> to vector<1xi32>
            %squeeze3A_474 = vector.extract %slice3A_473[0] : i32 from vector<1xi32>
            %gather3A_475 = tpu.vector_load_idx %arg10[%broadcast_in_dim3A_1] : memref<16xi32, #tpu.memory_space<vmem>>[vector<16xi32>], vector<16xi32>,
            %slice3A_476 = vector.extract_strided_slice %gather3A_475 {offsets = [0], sizes = [1], strides = [1]} : vector<16xi32> to vector<1xi32>
            %squeeze3A_477 = vector.extract %slice3A_476[0] : i32 from vector<1xi32>
            %ge3A_478 = arith.constant 32 : i32
            %ge3A_479 = arith.cmpi sge, %squeeze3A_477, %ge3A_478 : i32
            %convert_element_type3A_480 = arith.extui %ge3A_479 : i1 to i32
            %cond3A_481 = arith.constant 0 : i32
            %cond3A_482 = arith.cmpi ne, %convert_element_type3A_480, %cond3A_481 : i32
            scf.if %cond3A_482 {
              %dma_wait3A_544 = arith.constant 0 : i32
              %dma_wait3A_545 = arith.constant 0 : i32
              %dma_wait3A_546 = tpu.memref_slice %arg9[%dma_wait3A_544, %dma_wait3A_545] : memref<32x64xf32, #tpu.memory_space<vmem>> -> memref<1x64xf32, #tpu.memory_space<vmem>>
              %dma_wait3A_547 = arith.constant 0 : i32
              %dma_wait3A_548 = arith.constant 0 : i32
              %dma_wait3A_549 = tpu.memref_slice %arg4[%dma_wait3A_547, %dma_wait3A_548] : memref<16384x64xf32, #tpu.memory_space<hbm>> -> memref<1x64xf32, #tpu.memory_space<hbm>>
              %dma_wait3A_550 = arith.constant 0 : i32
              %dma_wait3A_551 = arith.constant 0 : i32
              %dma_wait3A_552 = tpu.memref_slice %arg9[%dma_wait3A_550, %dma_wait3A_551] : memref<32x64xf32, #tpu.memory_space<vmem>> -> memref<1x64xf32, #tpu.memory_space<vmem>>
              %dma_wait3A_553 = arith.constant 0 : i32
              %dma_wait3A_554 = arith.constant 0 : i32
              %dma_wait3A_555 = tpu.memref_slice %arg4[%dma_wait3A_553, %dma_wait3A_554] : memref<16384x64xf32, #tpu.memory_space<hbm>> -> memref<1x64xf32, #tpu.memory_space<hbm>>
              tpu.wait_dma2 semaphore(%arg17 : memref<!tpu.dma_semaphore, #tpu.memory_space<semaphore_mem>>) src(%dma_wait3A_555 : memref<1x64xf32, #tpu.memory_space<hbm>>) dst(%dma_wait3A_552 : memref<1x64xf32, #tpu.memory_space<vmem>>)
            } else {
            }
            %jit3A_483 = arith.constant 32 : i32
            %eq3A_484 = arith.constant 0 : i32
            %eq3A_485 = arith.cmpi eq, %jit3A_483, %eq3A_484 : i32
            %jit3A_486 = arith.constant 1 : i32
            %select_n3A_487 = arith.select %eq3A_485, %jit3A_486, %jit3A_483 : i32
            %rem3A_488 = arith.remsi %squeeze3A_477, %select_n3A_487 : i32
            %ne3A_489 = arith.constant 0 : i32
            %ne3A_490 = arith.cmpi ne, %rem3A_488, %ne3A_489 : i32
            %lt3A_491 = arith.constant 0 : i32
            %lt3A_492 = arith.cmpi slt, %rem3A_488, %lt3A_491 : i32
            %lt3A_493 = arith.constant 0 : i32
            %lt3A_494 = arith.cmpi slt, %select_n3A_487, %lt3A_493 : i32
            %ne3A_495 = arith.xori %lt3A_492, %lt3A_494 : i1
            %and3A_496 = arith.andi %ne3A_495, %ne3A_490 : i1
            %add3A_497 = arith.addi %rem3A_488, %select_n3A_487 : i32
            %select_n3A_498 = arith.select %and3A_496, %add3A_497, %rem3A_488 : i32
            %gather3A_499 = arith.constant 0 : i32
            %gather3A_500 = arith.constant 0 : i32
            %gather3A_501 = tpu.memref_slice %arg7[%while3A_421, %gather3A_499, %gather3A_500] : memref<5x64x256xf32, #tpu.memory_space<vmem>> -> memref<1x64x256xf32, #tpu.memory_space<vmem>>
            %gather3A_502 = tpu.memref_squeeze %gather3A_501 : memref<1x64x256xf32, #tpu.memory_space<vmem>> -> memref<64x256xf32, #tpu.memory_space<vmem>>
            %gather3A_503 = tpu.vector_load_idx %gather3A_502[%add3A_6, %and3A_469] : memref<64x256xf32, #tpu.memory_space<vmem>>[vector<16xi32>, vector<16xi32>], vector<16xf32>,
            %swap3A_504 = arith.index_cast %select_n3A_498 : i32 to index
            %swap3A_505 = arith.constant 0 : index
            %swap3A_506 = tpu.vector_load %arg9[%swap3A_504, %swap3A_505] {strides = array<i32>} : memref<32x64xf32, #tpu.memory_space<vmem>>, vector<16xf32>,
            tpu.vector_store %arg9[%swap3A_504, %swap3A_505], %gather3A_503 {strides = array<i32>} : memref<32x64xf32, #tpu.memory_space<vmem>>, vector<16xf32>,
            %gather3A_507 = arith.constant 0 : i32
            %gather3A_508 = arith.constant 0 : i32
            %gather3A_509 = tpu.memref_slice %arg7[%while3A_421, %gather3A_507, %gather3A_508] : memref<5x64x256xf32, #tpu.memory_space<vmem>> -> memref<1x64x256xf32, #tpu.memory_space<vmem>>
            %gather3A_510 = tpu.memref_squeeze %gather3A_509 : memref<1x64x256xf32, #tpu.memory_space<vmem>> -> memref<64x256xf32, #tpu.memory_space<vmem>>
            %gather3A_511 = tpu.vector_load_idx %gather3A_510[%add3A_9, %and3A_469] : memref<64x256xf32, #tpu.memory_space<vmem>>[vector<16xi32>, vector<16xi32>], vector<16xf32>,
            %swap3A_512 = arith.index_cast %select_n3A_498 : i32 to index
            %swap3A_513 = arith.constant 16 : index
            %swap3A_514 = tpu.vector_load %arg9[%swap3A_512, %swap3A_513] {strides = array<i32>} : memref<32x64xf32, #tpu.memory_space<vmem>>, vector<16xf32>,
            tpu.vector_store %arg9[%swap3A_512, %swap3A_513], %gather3A_511 {strides = array<i32>} : memref<32x64xf32, #tpu.memory_space<vmem>>, vector<16xf32>,
            %gather3A_515 = arith.constant 0 : i32
            %gather3A_516 = arith.constant 0 : i32
            %gather3A_517 = tpu.memref_slice %arg7[%while3A_421, %gather3A_515, %gather3A_516] : memref<5x64x256xf32, #tpu.memory_space<vmem>> -> memref<1x64x256xf32, #tpu.memory_space<vmem>>
            %gather3A_518 = tpu.memref_squeeze %gather3A_517 : memref<1x64x256xf32, #tpu.memory_space<vmem>> -> memref<64x256xf32, #tpu.memory_space<vmem>>
            %gather3A_519 = tpu.vector_load_idx %gather3A_518[%add3A_12, %and3A_469] : memref<64x256xf32, #tpu.memory_space<vmem>>[vector<16xi32>, vector<16xi32>], vector<16xf32>,
            %swap3A_520 = arith.index_cast %select_n3A_498 : i32 to index
            %swap3A_521 = arith.constant 32 : index
            %swap3A_522 = tpu.vector_load %arg9[%swap3A_520, %swap3A_521] {strides = array<i32>} : memref<32x64xf32, #tpu.memory_space<vmem>>, vector<16xf32>,
            tpu.vector_store %arg9[%swap3A_520, %swap3A_521], %gather3A_519 {strides = array<i32>} : memref<32x64xf32, #tpu.memory_space<vmem>>, vector<16xf32>,
            %gather3A_523 = arith.constant 0 : i32
            %gather3A_524 = arith.constant 0 : i32
            %gather3A_525 = tpu.memref_slice %arg7[%while3A_421, %gather3A_523, %gather3A_524] : memref<5x64x256xf32, #tpu.memory_space<vmem>> -> memref<1x64x256xf32, #tpu.memory_space<vmem>>
            %gather3A_526 = tpu.memref_squeeze %gather3A_525 : memref<1x64x256xf32, #tpu.memory_space<vmem>> -> memref<64x256xf32, #tpu.memory_space<vmem>>
            %gather3A_527 = tpu.vector_load_idx %gather3A_526[%add3A_15, %and3A_469] : memref<64x256xf32, #tpu.memory_space<vmem>>[vector<16xi32>, vector<16xi32>], vector<16xf32>,
            %swap3A_528 = arith.index_cast %select_n3A_498 : i32 to index
            %swap3A_529 = arith.constant 48 : index
            %swap3A_530 = tpu.vector_load %arg9[%swap3A_528, %swap3A_529] {strides = array<i32>} : memref<32x64xf32, #tpu.memory_space<vmem>>, vector<16xf32>,
            tpu.vector_store %arg9[%swap3A_528, %swap3A_529], %gather3A_527 {strides = array<i32>} : memref<32x64xf32, #tpu.memory_space<vmem>>, vector<16xf32>,
            %dma_start3A_531 = arith.constant 0 : i32
            %dma_start3A_532 = tpu.memref_slice %arg9[%select_n3A_498, %dma_start3A_531] : memref<32x64xf32, #tpu.memory_space<vmem>> -> memref<1x64xf32, #tpu.memory_space<vmem>>
            %dma_start3A_533 = arith.constant 0 : i32
            %dma_start3A_534 = tpu.memref_slice %arg4[%squeeze3A_474, %dma_start3A_533] : memref<16384x64xf32, #tpu.memory_space<hbm>> -> memref<1x64xf32, #tpu.memory_space<hbm>>
            %dma_start3A_535 = arith.constant 0 : i32
            %dma_start3A_536 = tpu.memref_slice %arg4[%squeeze3A_474, %dma_start3A_535] : memref<16384x64xf32, #tpu.memory_space<hbm>> -> memref<1x64xf32, #tpu.memory_space<hbm>>
            %dma_start3A_537 = arith.constant 0 : i32
            %dma_start3A_538 = tpu.memref_slice %arg9[%select_n3A_498, %dma_start3A_537] : memref<32x64xf32, #tpu.memory_space<vmem>> -> memref<1x64xf32, #tpu.memory_space<vmem>>
            tpu.enqueue_dma source(%dma_start3A_538 : memref<1x64xf32, #tpu.memory_space<vmem>>) target(%dma_start3A_536 : memref<1x64xf32, #tpu.memory_space<hbm>>) target_semaphore(%arg17 : memref<!tpu.dma_semaphore, #tpu.memory_space<semaphore_mem>>)
            %add3A_539 = arith.constant 1 : i32
            %add3A_540 = arith.addi %squeeze3A_477, %add3A_539 : i32
            %broadcast_in_dim3A_541 = vector.broadcast %add3A_540 : i32 to vector<16xi32>
            tpu.vector_store_idx %arg10[%broadcast_in_dim3A_1], %broadcast_in_dim3A_541 masked %eq3A_3 : memref<16xi32, #tpu.memory_space<vmem>>[vector<16xi32>], vector<16xi32>, vector<16xi1>
            %ne3A_542 = arith.cmpi ne, %iota3A, %all_reduce_ffs3A : vector<16xi32>
            %and3A_543 = arith.andi %while3A_458, %ne3A_542 : vector<16xi1>
            scf.yield %and3A_543 : vector<16xi1>
          }
          %while3A_455 = arith.constant 1 : i32
          %while3A_456 = scf.for %while3A_457 = %while3A_452 to %while3A_448 step %while3A_455 iter_args(%while3A_458 = %while3A_454) -> (vector<16xi1>)  : i32 {
            %all_reduce_ffs3A = tpu.all_reduce %while3A_458 {dim = 0 : i64, kind = #tpu.reduction_kind<find_first_set>} : vector<16xi1> -> vector<16xi32>
            %mul3A_459 = arith.constant 16 : i32
            %mul3A_460 = arith.muli %while3A_430, %mul3A_459 : i32
            %add3A_461 = vector.broadcast %mul3A_460 : i32 to vector<16xi32>
            %add3A_462 = arith.addi %all_reduce_ffs3A, %add3A_461 : vector<16xi32>
            %gather3A_463 = tpu.vector_load_idx %arg5[%add3A_462] : memref<16400xi32, #tpu.memory_space<vmem>>[vector<16xi32>], vector<16xi32>,
            %shift_right_arithmetic3A_464 = arith.constant 14 : i32
            %shift_right_arithmetic3A_465 = vector.broadcast %shift_right_arithmetic3A_464 : i32 to vector<16xi32>
            %shift_right_arithmetic3A_466 = arith.shrsi %gather3A_463, %shift_right_arithmetic3A_465 : vector<16xi32>
            %and3A_467 = arith.constant 255 : i32
            %and3A_468 = vector.broadcast %and3A_467 : i32 to vector<16xi32>
            %and3A_469 = arith.andi %shift_right_arithmetic3A_466, %and3A_468 : vector<16xi32>
            %and3A_470 = arith.constant 16383 : i32
            %and3A_471 = vector.broadcast %and3A_470 : i32 to vector<16xi32>
            %and3A_472 = arith.andi %gather3A_463, %and3A_471 : vector<16xi32>
            %slice3A_473 = vector.extract_strided_slice %and3A_472 {offsets = [0], sizes = [1], strides = [1]} : vector<16xi32> to vector<1xi32>
            %squeeze3A_474 = vector.extract %slice3A_473[0] : i32 from vector<1xi32>
            %gather3A_475 = tpu.vector_load_idx %arg10[%broadcast_in_dim3A_1] : memref<16xi32, #tpu.memory_space<vmem>>[vector<16xi32>], vector<16xi32>,
            %slice3A_476 = vector.extract_strided_slice %gather3A_475 {offsets = [0], sizes = [1], strides = [1]} : vector<16xi32> to vector<1xi32>
            %squeeze3A_477 = vector.extract %slice3A_476[0] : i32 from vector<1xi32>
            %ge3A_478 = arith.constant 32 : i32
            %ge3A_479 = arith.cmpi sge, %squeeze3A_477, %ge3A_478 : i32
            %convert_element_type3A_480 = arith.extui %ge3A_479 : i1 to i32
            %cond3A_481 = arith.constant 0 : i32
            %cond3A_482 = arith.cmpi ne, %convert_element_type3A_480, %cond3A_481 : i32
            scf.if %cond3A_482 {
              %dma_wait3A_544 = arith.constant 0 : i32
              %dma_wait3A_545 = arith.constant 0 : i32
              %dma_wait3A_546 = tpu.memref_slice %arg9[%dma_wait3A_544, %dma_wait3A_545] : memref<32x64xf32, #tpu.memory_space<vmem>> -> memref<1x64xf32, #tpu.memory_space<vmem>>
              %dma_wait3A_547 = arith.constant 0 : i32
              %dma_wait3A_548 = arith.constant 0 : i32
              %dma_wait3A_549 = tpu.memref_slice %arg4[%dma_wait3A_547, %dma_wait3A_548] : memref<16384x64xf32, #tpu.memory_space<hbm>> -> memref<1x64xf32, #tpu.memory_space<hbm>>
              %dma_wait3A_550 = arith.constant 0 : i32
              %dma_wait3A_551 = arith.constant 0 : i32
              %dma_wait3A_552 = tpu.memref_slice %arg9[%dma_wait3A_550, %dma_wait3A_551] : memref<32x64xf32, #tpu.memory_space<vmem>> -> memref<1x64xf32, #tpu.memory_space<vmem>>
              %dma_wait3A_553 = arith.constant 0 : i32
              %dma_wait3A_554 = arith.constant 0 : i32
              %dma_wait3A_555 = tpu.memref_slice %arg4[%dma_wait3A_553, %dma_wait3A_554] : memref<16384x64xf32, #tpu.memory_space<hbm>> -> memref<1x64xf32, #tpu.memory_space<hbm>>
              tpu.wait_dma2 semaphore(%arg17 : memref<!tpu.dma_semaphore, #tpu.memory_space<semaphore_mem>>) src(%dma_wait3A_555 : memref<1x64xf32, #tpu.memory_space<hbm>>) dst(%dma_wait3A_552 : memref<1x64xf32, #tpu.memory_space<vmem>>)
            } else {
            }
            %jit3A_483 = arith.constant 32 : i32
            %eq3A_484 = arith.constant 0 : i32
            %eq3A_485 = arith.cmpi eq, %jit3A_483, %eq3A_484 : i32
            %jit3A_486 = arith.constant 1 : i32
            %select_n3A_487 = arith.select %eq3A_485, %jit3A_486, %jit3A_483 : i32
            %rem3A_488 = arith.remsi %squeeze3A_477, %select_n3A_487 : i32
            %ne3A_489 = arith.constant 0 : i32
            %ne3A_490 = arith.cmpi ne, %rem3A_488, %ne3A_489 : i32
            %lt3A_491 = arith.constant 0 : i32
            %lt3A_492 = arith.cmpi slt, %rem3A_488, %lt3A_491 : i32
            %lt3A_493 = arith.constant 0 : i32
            %lt3A_494 = arith.cmpi slt, %select_n3A_487, %lt3A_493 : i32
            %ne3A_495 = arith.xori %lt3A_492, %lt3A_494 : i1
            %and3A_496 = arith.andi %ne3A_495, %ne3A_490 : i1
            %add3A_497 = arith.addi %rem3A_488, %select_n3A_487 : i32
            %select_n3A_498 = arith.select %and3A_496, %add3A_497, %rem3A_488 : i32
            %gather3A_499 = arith.constant 0 : i32
            %gather3A_500 = arith.constant 0 : i32
            %gather3A_501 = tpu.memref_slice %arg7[%while3A_421, %gather3A_499, %gather3A_500] : memref<5x64x256xf32, #tpu.memory_space<vmem>> -> memref<1x64x256xf32, #tpu.memory_space<vmem>>
            %gather3A_502 = tpu.memref_squeeze %gather3A_501 : memref<1x64x256xf32, #tpu.memory_space<vmem>> -> memref<64x256xf32, #tpu.memory_space<vmem>>
            %gather3A_503 = tpu.vector_load_idx %gather3A_502[%add3A_6, %and3A_469] : memref<64x256xf32, #tpu.memory_space<vmem>>[vector<16xi32>, vector<16xi32>], vector<16xf32>,
            %swap3A_504 = arith.index_cast %select_n3A_498 : i32 to index
            %swap3A_505 = arith.constant 0 : index
            %swap3A_506 = tpu.vector_load %arg9[%swap3A_504, %swap3A_505] {strides = array<i32>} : memref<32x64xf32, #tpu.memory_space<vmem>>, vector<16xf32>,
            tpu.vector_store %arg9[%swap3A_504, %swap3A_505], %gather3A_503 {strides = array<i32>} : memref<32x64xf32, #tpu.memory_space<vmem>>, vector<16xf32>,
            %gather3A_507 = arith.constant 0 : i32
            %gather3A_508 = arith.constant 0 : i32
            %gather3A_509 = tpu.memref_slice %arg7[%while3A_421, %gather3A_507, %gather3A_508] : memref<5x64x256xf32, #tpu.memory_space<vmem>> -> memref<1x64x256xf32, #tpu.memory_space<vmem>>
            %gather3A_510 = tpu.memref_squeeze %gather3A_509 : memref<1x64x256xf32, #tpu.memory_space<vmem>> -> memref<64x256xf32, #tpu.memory_space<vmem>>
            %gather3A_511 = tpu.vector_load_idx %gather3A_510[%add3A_9, %and3A_469] : memref<64x256xf32, #tpu.memory_space<vmem>>[vector<16xi32>, vector<16xi32>], vector<16xf32>,
            %swap3A_512 = arith.index_cast %select_n3A_498 : i32 to index
            %swap3A_513 = arith.constant 16 : index
            %swap3A_514 = tpu.vector_load %arg9[%swap3A_512, %swap3A_513] {strides = array<i32>} : memref<32x64xf32, #tpu.memory_space<vmem>>, vector<16xf32>,
            tpu.vector_store %arg9[%swap3A_512, %swap3A_513], %gather3A_511 {strides = array<i32>} : memref<32x64xf32, #tpu.memory_space<vmem>>, vector<16xf32>,
            %gather3A_515 = arith.constant 0 : i32
            %gather3A_516 = arith.constant 0 : i32
            %gather3A_517 = tpu.memref_slice %arg7[%while3A_421, %gather3A_515, %gather3A_516] : memref<5x64x256xf32, #tpu.memory_space<vmem>> -> memref<1x64x256xf32, #tpu.memory_space<vmem>>
            %gather3A_518 = tpu.memref_squeeze %gather3A_517 : memref<1x64x256xf32, #tpu.memory_space<vmem>> -> memref<64x256xf32, #tpu.memory_space<vmem>>
            %gather3A_519 = tpu.vector_load_idx %gather3A_518[%add3A_12, %and3A_469] : memref<64x256xf32, #tpu.memory_space<vmem>>[vector<16xi32>, vector<16xi32>], vector<16xf32>,
            %swap3A_520 = arith.index_cast %select_n3A_498 : i32 to index
            %swap3A_521 = arith.constant 32 : index
            %swap3A_522 = tpu.vector_load %arg9[%swap3A_520, %swap3A_521] {strides = array<i32>} : memref<32x64xf32, #tpu.memory_space<vmem>>, vector<16xf32>,
            tpu.vector_store %arg9[%swap3A_520, %swap3A_521], %gather3A_519 {strides = array<i32>} : memref<32x64xf32, #tpu.memory_space<vmem>>, vector<16xf32>,
            %gather3A_523 = arith.constant 0 : i32
            %gather3A_524 = arith.constant 0 : i32
            %gather3A_525 = tpu.memref_slice %arg7[%while3A_421, %gather3A_523, %gather3A_524] : memref<5x64x256xf32, #tpu.memory_space<vmem>> -> memref<1x64x256xf32, #tpu.memory_space<vmem>>
            %gather3A_526 = tpu.memref_squeeze %gather3A_525 : memref<1x64x256xf32, #tpu.memory_space<vmem>> -> memref<64x256xf32, #tpu.memory_space<vmem>>
            %gather3A_527 = tpu.vector_load_idx %gather3A_526[%add3A_15, %and3A_469] : memref<64x256xf32, #tpu.memory_space<vmem>>[vector<16xi32>, vector<16xi32>], vector<16xf32>,
            %swap3A_528 = arith.index_cast %select_n3A_498 : i32 to index
            %swap3A_529 = arith.constant 48 : index
            %swap3A_530 = tpu.vector_load %arg9[%swap3A_528, %swap3A_529] {strides = array<i32>} : memref<32x64xf32, #tpu.memory_space<vmem>>, vector<16xf32>,
            tpu.vector_store %arg9[%swap3A_528, %swap3A_529], %gather3A_527 {strides = array<i32>} : memref<32x64xf32, #tpu.memory_space<vmem>>, vector<16xf32>,
            %dma_start3A_531 = arith.constant 0 : i32
            %dma_start3A_532 = tpu.memref_slice %arg9[%select_n3A_498, %dma_start3A_531] : memref<32x64xf32, #tpu.memory_space<vmem>> -> memref<1x64xf32, #tpu.memory_space<vmem>>
            %dma_start3A_533 = arith.constant 0 : i32
            %dma_start3A_534 = tpu.memref_slice %arg4[%squeeze3A_474, %dma_start3A_533] : memref<16384x64xf32, #tpu.memory_space<hbm>> -> memref<1x64xf32, #tpu.memory_space<hbm>>
            %dma_start3A_535 = arith.constant 0 : i32
            %dma_start3A_536 = tpu.memref_slice %arg4[%squeeze3A_474, %dma_start3A_535] : memref<16384x64xf32, #tpu.memory_space<hbm>> -> memref<1x64xf32, #tpu.memory_space<hbm>>
            %dma_start3A_537 = arith.constant 0 : i32
            %dma_start3A_538 = tpu.memref_slice %arg9[%select_n3A_498, %dma_start3A_537] : memref<32x64xf32, #tpu.memory_space<vmem>> -> memref<1x64xf32, #tpu.memory_space<vmem>>
            tpu.enqueue_dma source(%dma_start3A_538 : memref<1x64xf32, #tpu.memory_space<vmem>>) target(%dma_start3A_536 : memref<1x64xf32, #tpu.memory_space<hbm>>) target_semaphore(%arg17 : memref<!tpu.dma_semaphore, #tpu.memory_space<semaphore_mem>>)
            %add3A_539 = arith.constant 1 : i32
            %add3A_540 = arith.addi %squeeze3A_477, %add3A_539 : i32
            %broadcast_in_dim3A_541 = vector.broadcast %add3A_540 : i32 to vector<16xi32>
            tpu.vector_store_idx %arg10[%broadcast_in_dim3A_1], %broadcast_in_dim3A_541 masked %eq3A_3 : memref<16xi32, #tpu.memory_space<vmem>>[vector<16xi32>], vector<16xi32>, vector<16xi1>
            %ne3A_542 = arith.cmpi ne, %iota3A, %all_reduce_ffs3A : vector<16xi32>
            %and3A_543 = arith.andi %while3A_458, %ne3A_542 : vector<16xi1>
            scf.yield %and3A_543 : vector<16xi1>
          }
        }
      } else {
      }
      %mul3A_289 = arith.constant 5 : i32
      %mul3A_290 = arith.muli %scan3A_273, %mul3A_289 : i32
      %add3A_291 = arith.constant 2 : i32
      %add3A_292 = arith.addi %mul3A_290, %add3A_291 : i32
      %lt3A_293 = arith.cmpi slt, %add3A_292, %min3A_181 : i32
      %convert_element_type3A_294 = arith.extui %lt3A_293 : i1 to i32
      %cond3A_295 = arith.constant 0 : i32
      %cond3A_296 = arith.cmpi ne, %convert_element_type3A_294, %cond3A_295 : i32
      scf.if %cond3A_296 {
        %add3A_313 = arith.constant 4 : i32
        %add3A_314 = arith.addi %add3A_292, %add3A_313 : i32
        %lt3A_315 = arith.cmpi slt, %add3A_314, %min3A_181 : i32
        %convert_element_type3A_316 = arith.extui %lt3A_315 : i1 to i32
        %cond3A_317 = arith.constant 0 : i32
        %cond3A_318 = arith.cmpi ne, %convert_element_type3A_316, %cond3A_317 : i32
        scf.if %cond3A_318 {
          %add3A_430 = arith.constant 4 : i32
          %add3A_431 = arith.addi %add3A_292, %add3A_430 : i32
          %add3A_432 = arith.addi %mul3A_20, %add3A_431 : i32
          %mul3A_433 = arith.constant 256 : i32
          %mul3A_434 = arith.muli %add3A_432, %mul3A_433 : i32
          %multiple_of3A_435 = tpu.assume_multiple %mul3A_434, 128 : i32
          %dma_start3A_436 = arith.constant 1 : i32
          %dma_start3A_437 = arith.constant 0 : i32
          %dma_start3A_438 = arith.constant 0 : i32
          %dma_start3A_439 = tpu.memref_slice %arg7[%dma_start3A_436, %dma_start3A_437, %dma_start3A_438] : memref<5x64x256xf32, #tpu.memory_space<vmem>> -> memref<1x64x256xf32, #tpu.memory_space<vmem>>
          %dma_start3A_440 = tpu.memref_squeeze %dma_start3A_439 : memref<1x64x256xf32, #tpu.memory_space<vmem>> -> memref<64x256xf32, #tpu.memory_space<vmem>>
          %dma_start3A_441 = arith.constant 0 : i32
          %dma_start3A_442 = tpu.memref_slice %arg3[%dma_start3A_441, %multiple_of3A_435] : memref<64x1000001xf32, #tpu.memory_space<hbm>> -> memref<64x256xf32, #tpu.memory_space<hbm>>
          %dma_start3A_443 = arith.constant 0 : i32
          %dma_start3A_444 = arith.constant 0 : i32
          %dma_start3A_445 = tpu.memref_slice %arg7[%dma_start3A_436, %dma_start3A_443, %dma_start3A_444] : memref<5x64x256xf32, #tpu.memory_space<vmem>> -> memref<1x64x256xf32, #tpu.memory_space<vmem>>
          %dma_start3A_446 = tpu.memref_squeeze %dma_start3A_445 : memref<1x64x256xf32, #tpu.memory_space<vmem>> -> memref<64x256xf32, #tpu.memory_space<vmem>>
          %dma_start3A_447 = arith.constant 0 : i32
          %dma_start3A_448 = tpu.memref_slice %arg3[%dma_start3A_447, %multiple_of3A_435] : memref<64x1000001xf32, #tpu.memory_space<hbm>> -> memref<64x256xf32, #tpu.memory_space<hbm>>
          tpu.enqueue_dma source(%dma_start3A_448 : memref<64x256xf32, #tpu.memory_space<hbm>>) target(%dma_start3A_446 : memref<64x256xf32, #tpu.memory_space<vmem>>) target_semaphore(%arg13 : memref<!tpu.dma_semaphore, #tpu.memory_space<semaphore_mem>>)
        } else {
        }
        %dma_wait3A = arith.constant 2 : i32
        %dma_wait3A_319 = arith.constant 0 : i32
        %dma_wait3A_320 = arith.constant 0 : i32
        %dma_wait3A_321 = tpu.memref_slice %arg7[%dma_wait3A, %dma_wait3A_319, %dma_wait3A_320] : memref<5x64x256xf32, #tpu.memory_space<vmem>> -> memref<1x64x256xf32, #tpu.memory_space<vmem>>
        %dma_wait3A_322 = tpu.memref_squeeze %dma_wait3A_321 : memref<1x64x256xf32, #tpu.memory_space<vmem>> -> memref<64x256xf32, #tpu.memory_space<vmem>>
        %dma_wait3A_323 = arith.constant 0 : i32
        %dma_wait3A_324 = arith.constant 0 : i32
        %dma_wait3A_325 = tpu.memref_slice %arg3[%dma_wait3A_323, %dma_wait3A_324] : memref<64x1000001xf32, #tpu.memory_space<hbm>> -> memref<64x256xf32, #tpu.memory_space<hbm>>
        %dma_wait3A_326 = arith.constant 0 : i32
        %dma_wait3A_327 = arith.constant 0 : i32
        %dma_wait3A_328 = tpu.memref_slice %arg7[%dma_wait3A, %dma_wait3A_326, %dma_wait3A_327] : memref<5x64x256xf32, #tpu.memory_space<vmem>> -> memref<1x64x256xf32, #tpu.memory_space<vmem>>
        %dma_wait3A_329 = tpu.memref_squeeze %dma_wait3A_328 : memref<1x64x256xf32, #tpu.memory_space<vmem>> -> memref<64x256xf32, #tpu.memory_space<vmem>>
        %dma_wait3A_330 = arith.constant 0 : i32
        %dma_wait3A_331 = arith.constant 0 : i32
        %dma_wait3A_332 = tpu.memref_slice %arg3[%dma_wait3A_330, %dma_wait3A_331] : memref<64x1000001xf32, #tpu.memory_space<hbm>> -> memref<64x256xf32, #tpu.memory_space<hbm>>
        tpu.wait_dma2 semaphore(%arg14 : memref<!tpu.dma_semaphore, #tpu.memory_space<semaphore_mem>>) src(%dma_wait3A_332 : memref<64x256xf32, #tpu.memory_space<hbm>>) dst(%dma_wait3A_329 : memref<64x256xf32, #tpu.memory_space<vmem>>)
        %jit3A_333 = arith.constant 16 : i32
        %div3A_334 = arith.divsi %add3A_292, %jit3A_333 : i32
        %sign3A_335 = arith.constant 0 : i32
        %sign3A_336 = arith.cmpi sgt, %add3A_292, %sign3A_335 : i32
        %sign3A_337 = arith.extui %sign3A_336 : i1 to i32
        %sign3A_338 = arith.constant 0 : i32
        %sign3A_339 = arith.cmpi slt, %add3A_292, %sign3A_338 : i32
        %sign3A_340 = arith.extui %sign3A_339 : i1 to i32
        %sign3A_341 = arith.subi %sign3A_337, %sign3A_340 : i32
        %sign3A_342 = arith.constant 0 : i32
        %sign3A_343 = arith.cmpi sgt, %jit3A_333, %sign3A_342 : i32
        %sign3A_344 = arith.extui %sign3A_343 : i1 to i32
        %sign3A_345 = arith.constant 0 : i32
        %sign3A_346 = arith.cmpi slt, %jit3A_333, %sign3A_345 : i32
        %sign3A_347 = arith.extui %sign3A_346 : i1 to i32
        %sign3A_348 = arith.subi %sign3A_344, %sign3A_347 : i32
        %ne3A_349 = arith.cmpi ne, %sign3A_341, %sign3A_348 : i32
        %rem3A_350 = arith.remsi %add3A_292, %jit3A_333 : i32
        %ne3A_351 = arith.constant 0 : i32
        %ne3A_352 = arith.cmpi ne, %rem3A_350, %ne3A_351 : i32
        %and3A_353 = arith.andi %ne3A_349, %ne3A_352 : i1
        %sub3A_354 = arith.constant 1 : i32
        %sub3A_355 = arith.subi %div3A_334, %sub3A_354 : i32
        %select_n3A_356 = arith.select %and3A_353, %sub3A_355, %div3A_334 : i32
        %broadcast_in_dim3A_357 = vector.broadcast %select_n3A_356 : i32 to vector<16xi32>
        %gather3A_358 = tpu.vector_load_idx %arg11[%broadcast_in_dim3A_357] : memref<16xi32, #tpu.memory_space<vmem>>[vector<16xi32>], vector<16xi32>,
        %add3A_359 = arith.constant 1 : i32
        %add3A_360 = arith.addi %select_n3A_356, %add3A_359 : i32
        %broadcast_in_dim3A_361 = vector.broadcast %add3A_360 : i32 to vector<16xi32>
        %gather3A_362 = tpu.vector_load_idx %arg11[%broadcast_in_dim3A_361] : memref<16xi32, #tpu.memory_space<vmem>>[vector<16xi32>], vector<16xi32>,
        %broadcast_in_dim3A_363 = vector.broadcast %add3A_292 : i32 to vector<16xi32>
        %slice3A_364 = vector.extract_strided_slice %gather3A_358 {offsets = [0], sizes = [1], strides = [1]} : vector<16xi32> to vector<1xi32>
        %squeeze3A_365 = vector.extract %slice3A_364[0] : i32 from vector<1xi32>
        %jit3A_366 = arith.constant 16 : i32
        %div3A_367 = arith.divsi %squeeze3A_365, %jit3A_366 : i32
        %sign3A_368 = arith.constant 0 : i32
        %sign3A_369 = arith.cmpi sgt, %squeeze3A_365, %sign3A_368 : i32
        %sign3A_370 = arith.extui %sign3A_369 : i1 to i32
        %sign3A_371 = arith.constant 0 : i32
        %sign3A_372 = arith.cmpi slt, %squeeze3A_365, %sign3A_371 : i32
        %sign3A_373 = arith.extui %sign3A_372 : i1 to i32
        %sign3A_374 = arith.subi %sign3A_370, %sign3A_373 : i32
        %sign3A_375 = arith.constant 0 : i32
        %sign3A_376 = arith.cmpi sgt, %jit3A_366, %sign3A_375 : i32
        %sign3A_377 = arith.extui %sign3A_376 : i1 to i32
        %sign3A_378 = arith.constant 0 : i32
        %sign3A_379 = arith.cmpi slt, %jit3A_366, %sign3A_378 : i32
        %sign3A_380 = arith.extui %sign3A_379 : i1 to i32
        %sign3A_381 = arith.subi %sign3A_377, %sign3A_380 : i32
        %ne3A_382 = arith.cmpi ne, %sign3A_374, %sign3A_381 : i32
        %rem3A_383 = arith.remsi %squeeze3A_365, %jit3A_366 : i32
        %ne3A_384 = arith.constant 0 : i32
        %ne3A_385 = arith.cmpi ne, %rem3A_383, %ne3A_384 : i32
        %and3A_386 = arith.andi %ne3A_382, %ne3A_385 : i1
        %sub3A_387 = arith.constant 1 : i32
        %sub3A_388 = arith.subi %div3A_367, %sub3A_387 : i32
        %select_n3A_389 = arith.select %and3A_386, %sub3A_388, %div3A_367 : i32
        %slice3A_390 = vector.extract_strided_slice %gather3A_362 {offsets = [0], sizes = [1], strides = [1]} : vector<16xi32> to vector<1xi32>
        %squeeze3A_391 = vector.extract %slice3A_390[0] : i32 from vector<1xi32>
        %add3A_392 = arith.constant 16 : i32
        %add3A_393 = arith.addi %squeeze3A_391, %add3A_392 : i32
        %sub3A_394 = arith.constant 1 : i32
        %sub3A_395 = arith.subi %add3A_393, %sub3A_394 : i32
        %jit3A_396 = arith.constant 16 : i32
        %div3A_397 = arith.divsi %sub3A_395, %jit3A_396 : i32
        %sign3A_398 = arith.constant 0 : i32
        %sign3A_399 = arith.cmpi sgt, %sub3A_395, %sign3A_398 : i32
        %sign3A_400 = arith.extui %sign3A_399 : i1 to i32
        %sign3A_401 = arith.constant 0 : i32
        %sign3A_402 = arith.cmpi slt, %sub3A_395, %sign3A_401 : i32
        %sign3A_403 = arith.extui %sign3A_402 : i1 to i32
        %sign3A_404 = arith.subi %sign3A_400, %sign3A_403 : i32
        %sign3A_405 = arith.constant 0 : i32
        %sign3A_406 = arith.cmpi sgt, %jit3A_396, %sign3A_405 : i32
        %sign3A_407 = arith.extui %sign3A_406 : i1 to i32
        %sign3A_408 = arith.constant 0 : i32
        %sign3A_409 = arith.cmpi slt, %jit3A_396, %sign3A_408 : i32
        %sign3A_410 = arith.extui %sign3A_409 : i1 to i32
        %sign3A_411 = arith.subi %sign3A_407, %sign3A_410 : i32
        %ne3A_412 = arith.cmpi ne, %sign3A_404, %sign3A_411 : i32
        %rem3A_413 = arith.remsi %sub3A_395, %jit3A_396 : i32
        %ne3A_414 = arith.constant 0 : i32
        %ne3A_415 = arith.cmpi ne, %rem3A_413, %ne3A_414 : i32
        %and3A_416 = arith.andi %ne3A_412, %ne3A_415 : i1
        %sub3A_417 = arith.constant 1 : i32
        %sub3A_418 = arith.subi %div3A_397, %sub3A_417 : i32
        %select_n3A_419 = arith.select %and3A_416, %sub3A_418, %div3A_397 : i32
        %while3A_420 = arith.constant 0 : i32
        %while3A_421 = arith.constant 2 : i32
        %while3A_422 = arith.subi %select_n3A_419, %select_n3A_389 : i32
        %while3A_423 = arith.addi %select_n3A_389, %while3A_422 : i32
        %while3A_424 = arith.constant 1 : i32
        %while3A_425 = arith.divsi %while3A_422, %while3A_424 : i32
        %while3A_426 = arith.muli %while3A_425, %while3A_424 : i32
        %while3A_427 = arith.addi %select_n3A_389, %while3A_426 : i32
        %while3A_428 = arith.constant 1 : i32
        scf.for %while3A_430 = %select_n3A_389 to %while3A_427 step %while3A_428  : i32 {
          %mul3A_431 = arith.constant 16 : i32
          %mul3A_432 = arith.muli %while3A_430, %mul3A_431 : i32
          %get3A = arith.index_cast %mul3A_432 : i32 to index
          %get3A_433 = tpu.vector_load %arg5[%get3A] {strides = array<i32>} : memref<16400xi32, #tpu.memory_space<vmem>>, vector<16xi32>,
          %mul3A_434 = arith.constant 16 : i32
          %mul3A_435 = arith.muli %while3A_430, %mul3A_434 : i32
          %add3A_436 = vector.broadcast %mul3A_435 : i32 to vector<16xi32>
          %add3A_437 = arith.addi %iota3A, %add3A_436 : vector<16xi32>
          %ge3A = arith.cmpi sge, %add3A_437, %gather3A_358 : vector<16xi32>
          %lt3A_438 = arith.cmpi slt, %add3A_437, %gather3A_362 : vector<16xi32>
          %and3A_439 = arith.andi %ge3A, %lt3A_438 : vector<16xi1>
          %shift_right_arithmetic3A = arith.constant 22 : i32
          %shift_right_arithmetic3A_440 = vector.broadcast %shift_right_arithmetic3A : i32 to vector<16xi32>
          %shift_right_arithmetic3A_441 = arith.shrsi %get3A_433, %shift_right_arithmetic3A_440 : vector<16xi32>
          %eq3A_442 = arith.cmpi eq, %shift_right_arithmetic3A_441, %broadcast_in_dim3A_363 : vector<16xi32>
          %and3A_443 = arith.andi %eq3A_442, %and3A_439 : vector<16xi1>
          %all_reduce_population_count3A = tpu.all_reduce %and3A_443 {dim = 0 : i64, kind = #tpu.reduction_kind<sum>} : vector<16xi1> -> vector<16xi32>
          %slice3A_444 = vector.extract_strided_slice %all_reduce_population_count3A {offsets = [0], sizes = [1], strides = [1]} : vector<16xi32> to vector<1xi32>
          %squeeze3A_445 = vector.extract %slice3A_444[0] : i32 from vector<1xi32>
          %while3A_446 = arith.constant 0 : i32
          %while3A_447 = arith.subi %squeeze3A_445, %while3A_446 : i32
          %while3A_448 = arith.addi %while3A_446, %while3A_447 : i32
          %while3A_449 = arith.constant 1 : i32
          %while3A_450 = arith.divsi %while3A_447, %while3A_449 : i32
          %while3A_451 = arith.muli %while3A_450, %while3A_449 : i32
          %while3A_452 = arith.addi %while3A_446, %while3A_451 : i32
          %while3A_453 = arith.constant 1 : i32
          %while3A_454 = scf.for %while3A_457 = %while3A_446 to %while3A_452 step %while3A_453 iter_args(%while3A_458 = %and3A_443) -> (vector<16xi1>)  : i32 {
            %all_reduce_ffs3A = tpu.all_reduce %while3A_458 {dim = 0 : i64, kind = #tpu.reduction_kind<find_first_set>} : vector<16xi1> -> vector<16xi32>
            %mul3A_459 = arith.constant 16 : i32
            %mul3A_460 = arith.muli %while3A_430, %mul3A_459 : i32
            %add3A_461 = vector.broadcast %mul3A_460 : i32 to vector<16xi32>
            %add3A_462 = arith.addi %all_reduce_ffs3A, %add3A_461 : vector<16xi32>
            %gather3A_463 = tpu.vector_load_idx %arg5[%add3A_462] : memref<16400xi32, #tpu.memory_space<vmem>>[vector<16xi32>], vector<16xi32>,
            %shift_right_arithmetic3A_464 = arith.constant 14 : i32
            %shift_right_arithmetic3A_465 = vector.broadcast %shift_right_arithmetic3A_464 : i32 to vector<16xi32>
            %shift_right_arithmetic3A_466 = arith.shrsi %gather3A_463, %shift_right_arithmetic3A_465 : vector<16xi32>
            %and3A_467 = arith.constant 255 : i32
            %and3A_468 = vector.broadcast %and3A_467 : i32 to vector<16xi32>
            %and3A_469 = arith.andi %shift_right_arithmetic3A_466, %and3A_468 : vector<16xi32>
            %and3A_470 = arith.constant 16383 : i32
            %and3A_471 = vector.broadcast %and3A_470 : i32 to vector<16xi32>
            %and3A_472 = arith.andi %gather3A_463, %and3A_471 : vector<16xi32>
            %slice3A_473 = vector.extract_strided_slice %and3A_472 {offsets = [0], sizes = [1], strides = [1]} : vector<16xi32> to vector<1xi32>
            %squeeze3A_474 = vector.extract %slice3A_473[0] : i32 from vector<1xi32>
            %gather3A_475 = tpu.vector_load_idx %arg10[%broadcast_in_dim3A_1] : memref<16xi32, #tpu.memory_space<vmem>>[vector<16xi32>], vector<16xi32>,
            %slice3A_476 = vector.extract_strided_slice %gather3A_475 {offsets = [0], sizes = [1], strides = [1]} : vector<16xi32> to vector<1xi32>
            %squeeze3A_477 = vector.extract %slice3A_476[0] : i32 from vector<1xi32>
            %ge3A_478 = arith.constant 32 : i32
            %ge3A_479 = arith.cmpi sge, %squeeze3A_477, %ge3A_478 : i32
            %convert_element_type3A_480 = arith.extui %ge3A_479 : i1 to i32
            %cond3A_481 = arith.constant 0 : i32
            %cond3A_482 = arith.cmpi ne, %convert_element_type3A_480, %cond3A_481 : i32
            scf.if %cond3A_482 {
              %dma_wait3A_544 = arith.constant 0 : i32
              %dma_wait3A_545 = arith.constant 0 : i32
              %dma_wait3A_546 = tpu.memref_slice %arg9[%dma_wait3A_544, %dma_wait3A_545] : memref<32x64xf32, #tpu.memory_space<vmem>> -> memref<1x64xf32, #tpu.memory_space<vmem>>
              %dma_wait3A_547 = arith.constant 0 : i32
              %dma_wait3A_548 = arith.constant 0 : i32
              %dma_wait3A_549 = tpu.memref_slice %arg4[%dma_wait3A_547, %dma_wait3A_548] : memref<16384x64xf32, #tpu.memory_space<hbm>> -> memref<1x64xf32, #tpu.memory_space<hbm>>
              %dma_wait3A_550 = arith.constant 0 : i32
              %dma_wait3A_551 = arith.constant 0 : i32
              %dma_wait3A_552 = tpu.memref_slice %arg9[%dma_wait3A_550, %dma_wait3A_551] : memref<32x64xf32, #tpu.memory_space<vmem>> -> memref<1x64xf32, #tpu.memory_space<vmem>>
              %dma_wait3A_553 = arith.constant 0 : i32
              %dma_wait3A_554 = arith.constant 0 : i32
              %dma_wait3A_555 = tpu.memref_slice %arg4[%dma_wait3A_553, %dma_wait3A_554] : memref<16384x64xf32, #tpu.memory_space<hbm>> -> memref<1x64xf32, #tpu.memory_space<hbm>>
              tpu.wait_dma2 semaphore(%arg17 : memref<!tpu.dma_semaphore, #tpu.memory_space<semaphore_mem>>) src(%dma_wait3A_555 : memref<1x64xf32, #tpu.memory_space<hbm>>) dst(%dma_wait3A_552 : memref<1x64xf32, #tpu.memory_space<vmem>>)
            } else {
            }
            %jit3A_483 = arith.constant 32 : i32
            %eq3A_484 = arith.constant 0 : i32
            %eq3A_485 = arith.cmpi eq, %jit3A_483, %eq3A_484 : i32
            %jit3A_486 = arith.constant 1 : i32
            %select_n3A_487 = arith.select %eq3A_485, %jit3A_486, %jit3A_483 : i32
            %rem3A_488 = arith.remsi %squeeze3A_477, %select_n3A_487 : i32
            %ne3A_489 = arith.constant 0 : i32
            %ne3A_490 = arith.cmpi ne, %rem3A_488, %ne3A_489 : i32
            %lt3A_491 = arith.constant 0 : i32
            %lt3A_492 = arith.cmpi slt, %rem3A_488, %lt3A_491 : i32
            %lt3A_493 = arith.constant 0 : i32
            %lt3A_494 = arith.cmpi slt, %select_n3A_487, %lt3A_493 : i32
            %ne3A_495 = arith.xori %lt3A_492, %lt3A_494 : i1
            %and3A_496 = arith.andi %ne3A_495, %ne3A_490 : i1
            %add3A_497 = arith.addi %rem3A_488, %select_n3A_487 : i32
            %select_n3A_498 = arith.select %and3A_496, %add3A_497, %rem3A_488 : i32
            %gather3A_499 = arith.constant 0 : i32
            %gather3A_500 = arith.constant 0 : i32
            %gather3A_501 = tpu.memref_slice %arg7[%while3A_421, %gather3A_499, %gather3A_500] : memref<5x64x256xf32, #tpu.memory_space<vmem>> -> memref<1x64x256xf32, #tpu.memory_space<vmem>>
            %gather3A_502 = tpu.memref_squeeze %gather3A_501 : memref<1x64x256xf32, #tpu.memory_space<vmem>> -> memref<64x256xf32, #tpu.memory_space<vmem>>
            %gather3A_503 = tpu.vector_load_idx %gather3A_502[%add3A_6, %and3A_469] : memref<64x256xf32, #tpu.memory_space<vmem>>[vector<16xi32>, vector<16xi32>], vector<16xf32>,
            %swap3A_504 = arith.index_cast %select_n3A_498 : i32 to index
            %swap3A_505 = arith.constant 0 : index
            %swap3A_506 = tpu.vector_load %arg9[%swap3A_504, %swap3A_505] {strides = array<i32>} : memref<32x64xf32, #tpu.memory_space<vmem>>, vector<16xf32>,
            tpu.vector_store %arg9[%swap3A_504, %swap3A_505], %gather3A_503 {strides = array<i32>} : memref<32x64xf32, #tpu.memory_space<vmem>>, vector<16xf32>,
            %gather3A_507 = arith.constant 0 : i32
            %gather3A_508 = arith.constant 0 : i32
            %gather3A_509 = tpu.memref_slice %arg7[%while3A_421, %gather3A_507, %gather3A_508] : memref<5x64x256xf32, #tpu.memory_space<vmem>> -> memref<1x64x256xf32, #tpu.memory_space<vmem>>
            %gather3A_510 = tpu.memref_squeeze %gather3A_509 : memref<1x64x256xf32, #tpu.memory_space<vmem>> -> memref<64x256xf32, #tpu.memory_space<vmem>>
            %gather3A_511 = tpu.vector_load_idx %gather3A_510[%add3A_9, %and3A_469] : memref<64x256xf32, #tpu.memory_space<vmem>>[vector<16xi32>, vector<16xi32>], vector<16xf32>,
            %swap3A_512 = arith.index_cast %select_n3A_498 : i32 to index
            %swap3A_513 = arith.constant 16 : index
            %swap3A_514 = tpu.vector_load %arg9[%swap3A_512, %swap3A_513] {strides = array<i32>} : memref<32x64xf32, #tpu.memory_space<vmem>>, vector<16xf32>,
            tpu.vector_store %arg9[%swap3A_512, %swap3A_513], %gather3A_511 {strides = array<i32>} : memref<32x64xf32, #tpu.memory_space<vmem>>, vector<16xf32>,
            %gather3A_515 = arith.constant 0 : i32
            %gather3A_516 = arith.constant 0 : i32
            %gather3A_517 = tpu.memref_slice %arg7[%while3A_421, %gather3A_515, %gather3A_516] : memref<5x64x256xf32, #tpu.memory_space<vmem>> -> memref<1x64x256xf32, #tpu.memory_space<vmem>>
            %gather3A_518 = tpu.memref_squeeze %gather3A_517 : memref<1x64x256xf32, #tpu.memory_space<vmem>> -> memref<64x256xf32, #tpu.memory_space<vmem>>
            %gather3A_519 = tpu.vector_load_idx %gather3A_518[%add3A_12, %and3A_469] : memref<64x256xf32, #tpu.memory_space<vmem>>[vector<16xi32>, vector<16xi32>], vector<16xf32>,
            %swap3A_520 = arith.index_cast %select_n3A_498 : i32 to index
            %swap3A_521 = arith.constant 32 : index
            %swap3A_522 = tpu.vector_load %arg9[%swap3A_520, %swap3A_521] {strides = array<i32>} : memref<32x64xf32, #tpu.memory_space<vmem>>, vector<16xf32>,
            tpu.vector_store %arg9[%swap3A_520, %swap3A_521], %gather3A_519 {strides = array<i32>} : memref<32x64xf32, #tpu.memory_space<vmem>>, vector<16xf32>,
            %gather3A_523 = arith.constant 0 : i32
            %gather3A_524 = arith.constant 0 : i32
            %gather3A_525 = tpu.memref_slice %arg7[%while3A_421, %gather3A_523, %gather3A_524] : memref<5x64x256xf32, #tpu.memory_space<vmem>> -> memref<1x64x256xf32, #tpu.memory_space<vmem>>
            %gather3A_526 = tpu.memref_squeeze %gather3A_525 : memref<1x64x256xf32, #tpu.memory_space<vmem>> -> memref<64x256xf32, #tpu.memory_space<vmem>>
            %gather3A_527 = tpu.vector_load_idx %gather3A_526[%add3A_15, %and3A_469] : memref<64x256xf32, #tpu.memory_space<vmem>>[vector<16xi32>, vector<16xi32>], vector<16xf32>,
            %swap3A_528 = arith.index_cast %select_n3A_498 : i32 to index
            %swap3A_529 = arith.constant 48 : index
            %swap3A_530 = tpu.vector_load %arg9[%swap3A_528, %swap3A_529] {strides = array<i32>} : memref<32x64xf32, #tpu.memory_space<vmem>>, vector<16xf32>,
            tpu.vector_store %arg9[%swap3A_528, %swap3A_529], %gather3A_527 {strides = array<i32>} : memref<32x64xf32, #tpu.memory_space<vmem>>, vector<16xf32>,
            %dma_start3A_531 = arith.constant 0 : i32
            %dma_start3A_532 = tpu.memref_slice %arg9[%select_n3A_498, %dma_start3A_531] : memref<32x64xf32, #tpu.memory_space<vmem>> -> memref<1x64xf32, #tpu.memory_space<vmem>>
            %dma_start3A_533 = arith.constant 0 : i32
            %dma_start3A_534 = tpu.memref_slice %arg4[%squeeze3A_474, %dma_start3A_533] : memref<16384x64xf32, #tpu.memory_space<hbm>> -> memref<1x64xf32, #tpu.memory_space<hbm>>
            %dma_start3A_535 = arith.constant 0 : i32
            %dma_start3A_536 = tpu.memref_slice %arg4[%squeeze3A_474, %dma_start3A_535] : memref<16384x64xf32, #tpu.memory_space<hbm>> -> memref<1x64xf32, #tpu.memory_space<hbm>>
            %dma_start3A_537 = arith.constant 0 : i32
            %dma_start3A_538 = tpu.memref_slice %arg9[%select_n3A_498, %dma_start3A_537] : memref<32x64xf32, #tpu.memory_space<vmem>> -> memref<1x64xf32, #tpu.memory_space<vmem>>
            tpu.enqueue_dma source(%dma_start3A_538 : memref<1x64xf32, #tpu.memory_space<vmem>>) target(%dma_start3A_536 : memref<1x64xf32, #tpu.memory_space<hbm>>) target_semaphore(%arg17 : memref<!tpu.dma_semaphore, #tpu.memory_space<semaphore_mem>>)
            %add3A_539 = arith.constant 1 : i32
            %add3A_540 = arith.addi %squeeze3A_477, %add3A_539 : i32
            %broadcast_in_dim3A_541 = vector.broadcast %add3A_540 : i32 to vector<16xi32>
            tpu.vector_store_idx %arg10[%broadcast_in_dim3A_1], %broadcast_in_dim3A_541 masked %eq3A_3 : memref<16xi32, #tpu.memory_space<vmem>>[vector<16xi32>], vector<16xi32>, vector<16xi1>
            %ne3A_542 = arith.cmpi ne, %iota3A, %all_reduce_ffs3A : vector<16xi32>
            %and3A_543 = arith.andi %while3A_458, %ne3A_542 : vector<16xi1>
            scf.yield %and3A_543 : vector<16xi1>
          }
          %while3A_455 = arith.constant 1 : i32
          %while3A_456 = scf.for %while3A_457 = %while3A_452 to %while3A_448 step %while3A_455 iter_args(%while3A_458 = %while3A_454) -> (vector<16xi1>)  : i32 {
            %all_reduce_ffs3A = tpu.all_reduce %while3A_458 {dim = 0 : i64, kind = #tpu.reduction_kind<find_first_set>} : vector<16xi1> -> vector<16xi32>
            %mul3A_459 = arith.constant 16 : i32
            %mul3A_460 = arith.muli %while3A_430, %mul3A_459 : i32
            %add3A_461 = vector.broadcast %mul3A_460 : i32 to vector<16xi32>
            %add3A_462 = arith.addi %all_reduce_ffs3A, %add3A_461 : vector<16xi32>
            %gather3A_463 = tpu.vector_load_idx %arg5[%add3A_462] : memref<16400xi32, #tpu.memory_space<vmem>>[vector<16xi32>], vector<16xi32>,
            %shift_right_arithmetic3A_464 = arith.constant 14 : i32
            %shift_right_arithmetic3A_465 = vector.broadcast %shift_right_arithmetic3A_464 : i32 to vector<16xi32>
            %shift_right_arithmetic3A_466 = arith.shrsi %gather3A_463, %shift_right_arithmetic3A_465 : vector<16xi32>
            %and3A_467 = arith.constant 255 : i32
            %and3A_468 = vector.broadcast %and3A_467 : i32 to vector<16xi32>
            %and3A_469 = arith.andi %shift_right_arithmetic3A_466, %and3A_468 : vector<16xi32>
            %and3A_470 = arith.constant 16383 : i32
            %and3A_471 = vector.broadcast %and3A_470 : i32 to vector<16xi32>
            %and3A_472 = arith.andi %gather3A_463, %and3A_471 : vector<16xi32>
            %slice3A_473 = vector.extract_strided_slice %and3A_472 {offsets = [0], sizes = [1], strides = [1]} : vector<16xi32> to vector<1xi32>
            %squeeze3A_474 = vector.extract %slice3A_473[0] : i32 from vector<1xi32>
            %gather3A_475 = tpu.vector_load_idx %arg10[%broadcast_in_dim3A_1] : memref<16xi32, #tpu.memory_space<vmem>>[vector<16xi32>], vector<16xi32>,
            %slice3A_476 = vector.extract_strided_slice %gather3A_475 {offsets = [0], sizes = [1], strides = [1]} : vector<16xi32> to vector<1xi32>
            %squeeze3A_477 = vector.extract %slice3A_476[0] : i32 from vector<1xi32>
            %ge3A_478 = arith.constant 32 : i32
            %ge3A_479 = arith.cmpi sge, %squeeze3A_477, %ge3A_478 : i32
            %convert_element_type3A_480 = arith.extui %ge3A_479 : i1 to i32
            %cond3A_481 = arith.constant 0 : i32
            %cond3A_482 = arith.cmpi ne, %convert_element_type3A_480, %cond3A_481 : i32
            scf.if %cond3A_482 {
              %dma_wait3A_544 = arith.constant 0 : i32
              %dma_wait3A_545 = arith.constant 0 : i32
              %dma_wait3A_546 = tpu.memref_slice %arg9[%dma_wait3A_544, %dma_wait3A_545] : memref<32x64xf32, #tpu.memory_space<vmem>> -> memref<1x64xf32, #tpu.memory_space<vmem>>
              %dma_wait3A_547 = arith.constant 0 : i32
              %dma_wait3A_548 = arith.constant 0 : i32
              %dma_wait3A_549 = tpu.memref_slice %arg4[%dma_wait3A_547, %dma_wait3A_548] : memref<16384x64xf32, #tpu.memory_space<hbm>> -> memref<1x64xf32, #tpu.memory_space<hbm>>
              %dma_wait3A_550 = arith.constant 0 : i32
              %dma_wait3A_551 = arith.constant 0 : i32
              %dma_wait3A_552 = tpu.memref_slice %arg9[%dma_wait3A_550, %dma_wait3A_551] : memref<32x64xf32, #tpu.memory_space<vmem>> -> memref<1x64xf32, #tpu.memory_space<vmem>>
              %dma_wait3A_553 = arith.constant 0 : i32
              %dma_wait3A_554 = arith.constant 0 : i32
              %dma_wait3A_555 = tpu.memref_slice %arg4[%dma_wait3A_553, %dma_wait3A_554] : memref<16384x64xf32, #tpu.memory_space<hbm>> -> memref<1x64xf32, #tpu.memory_space<hbm>>
              tpu.wait_dma2 semaphore(%arg17 : memref<!tpu.dma_semaphore, #tpu.memory_space<semaphore_mem>>) src(%dma_wait3A_555 : memref<1x64xf32, #tpu.memory_space<hbm>>) dst(%dma_wait3A_552 : memref<1x64xf32, #tpu.memory_space<vmem>>)
            } else {
            }
            %jit3A_483 = arith.constant 32 : i32
            %eq3A_484 = arith.constant 0 : i32
            %eq3A_485 = arith.cmpi eq, %jit3A_483, %eq3A_484 : i32
            %jit3A_486 = arith.constant 1 : i32
            %select_n3A_487 = arith.select %eq3A_485, %jit3A_486, %jit3A_483 : i32
            %rem3A_488 = arith.remsi %squeeze3A_477, %select_n3A_487 : i32
            %ne3A_489 = arith.constant 0 : i32
            %ne3A_490 = arith.cmpi ne, %rem3A_488, %ne3A_489 : i32
            %lt3A_491 = arith.constant 0 : i32
            %lt3A_492 = arith.cmpi slt, %rem3A_488, %lt3A_491 : i32
            %lt3A_493 = arith.constant 0 : i32
            %lt3A_494 = arith.cmpi slt, %select_n3A_487, %lt3A_493 : i32
            %ne3A_495 = arith.xori %lt3A_492, %lt3A_494 : i1
            %and3A_496 = arith.andi %ne3A_495, %ne3A_490 : i1
            %add3A_497 = arith.addi %rem3A_488, %select_n3A_487 : i32
            %select_n3A_498 = arith.select %and3A_496, %add3A_497, %rem3A_488 : i32
            %gather3A_499 = arith.constant 0 : i32
            %gather3A_500 = arith.constant 0 : i32
            %gather3A_501 = tpu.memref_slice %arg7[%while3A_421, %gather3A_499, %gather3A_500] : memref<5x64x256xf32, #tpu.memory_space<vmem>> -> memref<1x64x256xf32, #tpu.memory_space<vmem>>
            %gather3A_502 = tpu.memref_squeeze %gather3A_501 : memref<1x64x256xf32, #tpu.memory_space<vmem>> -> memref<64x256xf32, #tpu.memory_space<vmem>>
            %gather3A_503 = tpu.vector_load_idx %gather3A_502[%add3A_6, %and3A_469] : memref<64x256xf32, #tpu.memory_space<vmem>>[vector<16xi32>, vector<16xi32>], vector<16xf32>,
            %swap3A_504 = arith.index_cast %select_n3A_498 : i32 to index
            %swap3A_505 = arith.constant 0 : index
            %swap3A_506 = tpu.vector_load %arg9[%swap3A_504, %swap3A_505] {strides = array<i32>} : memref<32x64xf32, #tpu.memory_space<vmem>>, vector<16xf32>,
            tpu.vector_store %arg9[%swap3A_504, %swap3A_505], %gather3A_503 {strides = array<i32>} : memref<32x64xf32, #tpu.memory_space<vmem>>, vector<16xf32>,
            %gather3A_507 = arith.constant 0 : i32
            %gather3A_508 = arith.constant 0 : i32
            %gather3A_509 = tpu.memref_slice %arg7[%while3A_421, %gather3A_507, %gather3A_508] : memref<5x64x256xf32, #tpu.memory_space<vmem>> -> memref<1x64x256xf32, #tpu.memory_space<vmem>>
            %gather3A_510 = tpu.memref_squeeze %gather3A_509 : memref<1x64x256xf32, #tpu.memory_space<vmem>> -> memref<64x256xf32, #tpu.memory_space<vmem>>
            %gather3A_511 = tpu.vector_load_idx %gather3A_510[%add3A_9, %and3A_469] : memref<64x256xf32, #tpu.memory_space<vmem>>[vector<16xi32>, vector<16xi32>], vector<16xf32>,
            %swap3A_512 = arith.index_cast %select_n3A_498 : i32 to index
            %swap3A_513 = arith.constant 16 : index
            %swap3A_514 = tpu.vector_load %arg9[%swap3A_512, %swap3A_513] {strides = array<i32>} : memref<32x64xf32, #tpu.memory_space<vmem>>, vector<16xf32>,
            tpu.vector_store %arg9[%swap3A_512, %swap3A_513], %gather3A_511 {strides = array<i32>} : memref<32x64xf32, #tpu.memory_space<vmem>>, vector<16xf32>,
            %gather3A_515 = arith.constant 0 : i32
            %gather3A_516 = arith.constant 0 : i32
            %gather3A_517 = tpu.memref_slice %arg7[%while3A_421, %gather3A_515, %gather3A_516] : memref<5x64x256xf32, #tpu.memory_space<vmem>> -> memref<1x64x256xf32, #tpu.memory_space<vmem>>
            %gather3A_518 = tpu.memref_squeeze %gather3A_517 : memref<1x64x256xf32, #tpu.memory_space<vmem>> -> memref<64x256xf32, #tpu.memory_space<vmem>>
            %gather3A_519 = tpu.vector_load_idx %gather3A_518[%add3A_12, %and3A_469] : memref<64x256xf32, #tpu.memory_space<vmem>>[vector<16xi32>, vector<16xi32>], vector<16xf32>,
            %swap3A_520 = arith.index_cast %select_n3A_498 : i32 to index
            %swap3A_521 = arith.constant 32 : index
            %swap3A_522 = tpu.vector_load %arg9[%swap3A_520, %swap3A_521] {strides = array<i32>} : memref<32x64xf32, #tpu.memory_space<vmem>>, vector<16xf32>,
            tpu.vector_store %arg9[%swap3A_520, %swap3A_521], %gather3A_519 {strides = array<i32>} : memref<32x64xf32, #tpu.memory_space<vmem>>, vector<16xf32>,
            %gather3A_523 = arith.constant 0 : i32
            %gather3A_524 = arith.constant 0 : i32
            %gather3A_525 = tpu.memref_slice %arg7[%while3A_421, %gather3A_523, %gather3A_524] : memref<5x64x256xf32, #tpu.memory_space<vmem>> -> memref<1x64x256xf32, #tpu.memory_space<vmem>>
            %gather3A_526 = tpu.memref_squeeze %gather3A_525 : memref<1x64x256xf32, #tpu.memory_space<vmem>> -> memref<64x256xf32, #tpu.memory_space<vmem>>
            %gather3A_527 = tpu.vector_load_idx %gather3A_526[%add3A_15, %and3A_469] : memref<64x256xf32, #tpu.memory_space<vmem>>[vector<16xi32>, vector<16xi32>], vector<16xf32>,
            %swap3A_528 = arith.index_cast %select_n3A_498 : i32 to index
            %swap3A_529 = arith.constant 48 : index
            %swap3A_530 = tpu.vector_load %arg9[%swap3A_528, %swap3A_529] {strides = array<i32>} : memref<32x64xf32, #tpu.memory_space<vmem>>, vector<16xf32>,
            tpu.vector_store %arg9[%swap3A_528, %swap3A_529], %gather3A_527 {strides = array<i32>} : memref<32x64xf32, #tpu.memory_space<vmem>>, vector<16xf32>,
            %dma_start3A_531 = arith.constant 0 : i32
            %dma_start3A_532 = tpu.memref_slice %arg9[%select_n3A_498, %dma_start3A_531] : memref<32x64xf32, #tpu.memory_space<vmem>> -> memref<1x64xf32, #tpu.memory_space<vmem>>
            %dma_start3A_533 = arith.constant 0 : i32
            %dma_start3A_534 = tpu.memref_slice %arg4[%squeeze3A_474, %dma_start3A_533] : memref<16384x64xf32, #tpu.memory_space<hbm>> -> memref<1x64xf32, #tpu.memory_space<hbm>>
            %dma_start3A_535 = arith.constant 0 : i32
            %dma_start3A_536 = tpu.memref_slice %arg4[%squeeze3A_474, %dma_start3A_535] : memref<16384x64xf32, #tpu.memory_space<hbm>> -> memref<1x64xf32, #tpu.memory_space<hbm>>
            %dma_start3A_537 = arith.constant 0 : i32
            %dma_start3A_538 = tpu.memref_slice %arg9[%select_n3A_498, %dma_start3A_537] : memref<32x64xf32, #tpu.memory_space<vmem>> -> memref<1x64xf32, #tpu.memory_space<vmem>>
            tpu.enqueue_dma source(%dma_start3A_538 : memref<1x64xf32, #tpu.memory_space<vmem>>) target(%dma_start3A_536 : memref<1x64xf32, #tpu.memory_space<hbm>>) target_semaphore(%arg17 : memref<!tpu.dma_semaphore, #tpu.memory_space<semaphore_mem>>)
            %add3A_539 = arith.constant 1 : i32
            %add3A_540 = arith.addi %squeeze3A_477, %add3A_539 : i32
            %broadcast_in_dim3A_541 = vector.broadcast %add3A_540 : i32 to vector<16xi32>
            tpu.vector_store_idx %arg10[%broadcast_in_dim3A_1], %broadcast_in_dim3A_541 masked %eq3A_3 : memref<16xi32, #tpu.memory_space<vmem>>[vector<16xi32>], vector<16xi32>, vector<16xi1>
            %ne3A_542 = arith.cmpi ne, %iota3A, %all_reduce_ffs3A : vector<16xi32>
            %and3A_543 = arith.andi %while3A_458, %ne3A_542 : vector<16xi1>
            scf.yield %and3A_543 : vector<16xi1>
          }
        }
        %while3A_429 = arith.constant 1 : i32
        scf.for %while3A_430 = %while3A_427 to %while3A_423 step %while3A_429  : i32 {
          %mul3A_431 = arith.constant 16 : i32
          %mul3A_432 = arith.muli %while3A_430, %mul3A_431 : i32
          %get3A = arith.index_cast %mul3A_432 : i32 to index
          %get3A_433 = tpu.vector_load %arg5[%get3A] {strides = array<i32>} : memref<16400xi32, #tpu.memory_space<vmem>>, vector<16xi32>,
          %mul3A_434 = arith.constant 16 : i32
          %mul3A_435 = arith.muli %while3A_430, %mul3A_434 : i32
          %add3A_436 = vector.broadcast %mul3A_435 : i32 to vector<16xi32>
          %add3A_437 = arith.addi %iota3A, %add3A_436 : vector<16xi32>
          %ge3A = arith.cmpi sge, %add3A_437, %gather3A_358 : vector<16xi32>
          %lt3A_438 = arith.cmpi slt, %add3A_437, %gather3A_362 : vector<16xi32>
          %and3A_439 = arith.andi %ge3A, %lt3A_438 : vector<16xi1>
          %shift_right_arithmetic3A = arith.constant 22 : i32
          %shift_right_arithmetic3A_440 = vector.broadcast %shift_right_arithmetic3A : i32 to vector<16xi32>
          %shift_right_arithmetic3A_441 = arith.shrsi %get3A_433, %shift_right_arithmetic3A_440 : vector<16xi32>
          %eq3A_442 = arith.cmpi eq, %shift_right_arithmetic3A_441, %broadcast_in_dim3A_363 : vector<16xi32>
          %and3A_443 = arith.andi %eq3A_442, %and3A_439 : vector<16xi1>
          %all_reduce_population_count3A = tpu.all_reduce %and3A_443 {dim = 0 : i64, kind = #tpu.reduction_kind<sum>} : vector<16xi1> -> vector<16xi32>
          %slice3A_444 = vector.extract_strided_slice %all_reduce_population_count3A {offsets = [0], sizes = [1], strides = [1]} : vector<16xi32> to vector<1xi32>
          %squeeze3A_445 = vector.extract %slice3A_444[0] : i32 from vector<1xi32>
          %while3A_446 = arith.constant 0 : i32
          %while3A_447 = arith.subi %squeeze3A_445, %while3A_446 : i32
          %while3A_448 = arith.addi %while3A_446, %while3A_447 : i32
          %while3A_449 = arith.constant 1 : i32
          %while3A_450 = arith.divsi %while3A_447, %while3A_449 : i32
          %while3A_451 = arith.muli %while3A_450, %while3A_449 : i32
          %while3A_452 = arith.addi %while3A_446, %while3A_451 : i32
          %while3A_453 = arith.constant 1 : i32
          %while3A_454 = scf.for %while3A_457 = %while3A_446 to %while3A_452 step %while3A_453 iter_args(%while3A_458 = %and3A_443) -> (vector<16xi1>)  : i32 {
            %all_reduce_ffs3A = tpu.all_reduce %while3A_458 {dim = 0 : i64, kind = #tpu.reduction_kind<find_first_set>} : vector<16xi1> -> vector<16xi32>
            %mul3A_459 = arith.constant 16 : i32
            %mul3A_460 = arith.muli %while3A_430, %mul3A_459 : i32
            %add3A_461 = vector.broadcast %mul3A_460 : i32 to vector<16xi32>
            %add3A_462 = arith.addi %all_reduce_ffs3A, %add3A_461 : vector<16xi32>
            %gather3A_463 = tpu.vector_load_idx %arg5[%add3A_462] : memref<16400xi32, #tpu.memory_space<vmem>>[vector<16xi32>], vector<16xi32>,
            %shift_right_arithmetic3A_464 = arith.constant 14 : i32
            %shift_right_arithmetic3A_465 = vector.broadcast %shift_right_arithmetic3A_464 : i32 to vector<16xi32>
            %shift_right_arithmetic3A_466 = arith.shrsi %gather3A_463, %shift_right_arithmetic3A_465 : vector<16xi32>
            %and3A_467 = arith.constant 255 : i32
            %and3A_468 = vector.broadcast %and3A_467 : i32 to vector<16xi32>
            %and3A_469 = arith.andi %shift_right_arithmetic3A_466, %and3A_468 : vector<16xi32>
            %and3A_470 = arith.constant 16383 : i32
            %and3A_471 = vector.broadcast %and3A_470 : i32 to vector<16xi32>
            %and3A_472 = arith.andi %gather3A_463, %and3A_471 : vector<16xi32>
            %slice3A_473 = vector.extract_strided_slice %and3A_472 {offsets = [0], sizes = [1], strides = [1]} : vector<16xi32> to vector<1xi32>
            %squeeze3A_474 = vector.extract %slice3A_473[0] : i32 from vector<1xi32>
            %gather3A_475 = tpu.vector_load_idx %arg10[%broadcast_in_dim3A_1] : memref<16xi32, #tpu.memory_space<vmem>>[vector<16xi32>], vector<16xi32>,
            %slice3A_476 = vector.extract_strided_slice %gather3A_475 {offsets = [0], sizes = [1], strides = [1]} : vector<16xi32> to vector<1xi32>
            %squeeze3A_477 = vector.extract %slice3A_476[0] : i32 from vector<1xi32>
            %ge3A_478 = arith.constant 32 : i32
            %ge3A_479 = arith.cmpi sge, %squeeze3A_477, %ge3A_478 : i32
            %convert_element_type3A_480 = arith.extui %ge3A_479 : i1 to i32
            %cond3A_481 = arith.constant 0 : i32
            %cond3A_482 = arith.cmpi ne, %convert_element_type3A_480, %cond3A_481 : i32
            scf.if %cond3A_482 {
              %dma_wait3A_544 = arith.constant 0 : i32
              %dma_wait3A_545 = arith.constant 0 : i32
              %dma_wait3A_546 = tpu.memref_slice %arg9[%dma_wait3A_544, %dma_wait3A_545] : memref<32x64xf32, #tpu.memory_space<vmem>> -> memref<1x64xf32, #tpu.memory_space<vmem>>
              %dma_wait3A_547 = arith.constant 0 : i32
              %dma_wait3A_548 = arith.constant 0 : i32
              %dma_wait3A_549 = tpu.memref_slice %arg4[%dma_wait3A_547, %dma_wait3A_548] : memref<16384x64xf32, #tpu.memory_space<hbm>> -> memref<1x64xf32, #tpu.memory_space<hbm>>
              %dma_wait3A_550 = arith.constant 0 : i32
              %dma_wait3A_551 = arith.constant 0 : i32
              %dma_wait3A_552 = tpu.memref_slice %arg9[%dma_wait3A_550, %dma_wait3A_551] : memref<32x64xf32, #tpu.memory_space<vmem>> -> memref<1x64xf32, #tpu.memory_space<vmem>>
              %dma_wait3A_553 = arith.constant 0 : i32
              %dma_wait3A_554 = arith.constant 0 : i32
              %dma_wait3A_555 = tpu.memref_slice %arg4[%dma_wait3A_553, %dma_wait3A_554] : memref<16384x64xf32, #tpu.memory_space<hbm>> -> memref<1x64xf32, #tpu.memory_space<hbm>>
              tpu.wait_dma2 semaphore(%arg17 : memref<!tpu.dma_semaphore, #tpu.memory_space<semaphore_mem>>) src(%dma_wait3A_555 : memref<1x64xf32, #tpu.memory_space<hbm>>) dst(%dma_wait3A_552 : memref<1x64xf32, #tpu.memory_space<vmem>>)
            } else {
            }
            %jit3A_483 = arith.constant 32 : i32
            %eq3A_484 = arith.constant 0 : i32
            %eq3A_485 = arith.cmpi eq, %jit3A_483, %eq3A_484 : i32
            %jit3A_486 = arith.constant 1 : i32
            %select_n3A_487 = arith.select %eq3A_485, %jit3A_486, %jit3A_483 : i32
            %rem3A_488 = arith.remsi %squeeze3A_477, %select_n3A_487 : i32
            %ne3A_489 = arith.constant 0 : i32
            %ne3A_490 = arith.cmpi ne, %rem3A_488, %ne3A_489 : i32
            %lt3A_491 = arith.constant 0 : i32
            %lt3A_492 = arith.cmpi slt, %rem3A_488, %lt3A_491 : i32
            %lt3A_493 = arith.constant 0 : i32
            %lt3A_494 = arith.cmpi slt, %select_n3A_487, %lt3A_493 : i32
            %ne3A_495 = arith.xori %lt3A_492, %lt3A_494 : i1
            %and3A_496 = arith.andi %ne3A_495, %ne3A_490 : i1
            %add3A_497 = arith.addi %rem3A_488, %select_n3A_487 : i32
            %select_n3A_498 = arith.select %and3A_496, %add3A_497, %rem3A_488 : i32
            %gather3A_499 = arith.constant 0 : i32
            %gather3A_500 = arith.constant 0 : i32
            %gather3A_501 = tpu.memref_slice %arg7[%while3A_421, %gather3A_499, %gather3A_500] : memref<5x64x256xf32, #tpu.memory_space<vmem>> -> memref<1x64x256xf32, #tpu.memory_space<vmem>>
            %gather3A_502 = tpu.memref_squeeze %gather3A_501 : memref<1x64x256xf32, #tpu.memory_space<vmem>> -> memref<64x256xf32, #tpu.memory_space<vmem>>
            %gather3A_503 = tpu.vector_load_idx %gather3A_502[%add3A_6, %and3A_469] : memref<64x256xf32, #tpu.memory_space<vmem>>[vector<16xi32>, vector<16xi32>], vector<16xf32>,
            %swap3A_504 = arith.index_cast %select_n3A_498 : i32 to index
            %swap3A_505 = arith.constant 0 : index
            %swap3A_506 = tpu.vector_load %arg9[%swap3A_504, %swap3A_505] {strides = array<i32>} : memref<32x64xf32, #tpu.memory_space<vmem>>, vector<16xf32>,
            tpu.vector_store %arg9[%swap3A_504, %swap3A_505], %gather3A_503 {strides = array<i32>} : memref<32x64xf32, #tpu.memory_space<vmem>>, vector<16xf32>,
            %gather3A_507 = arith.constant 0 : i32
            %gather3A_508 = arith.constant 0 : i32
            %gather3A_509 = tpu.memref_slice %arg7[%while3A_421, %gather3A_507, %gather3A_508] : memref<5x64x256xf32, #tpu.memory_space<vmem>> -> memref<1x64x256xf32, #tpu.memory_space<vmem>>
            %gather3A_510 = tpu.memref_squeeze %gather3A_509 : memref<1x64x256xf32, #tpu.memory_space<vmem>> -> memref<64x256xf32, #tpu.memory_space<vmem>>
            %gather3A_511 = tpu.vector_load_idx %gather3A_510[%add3A_9, %and3A_469] : memref<64x256xf32, #tpu.memory_space<vmem>>[vector<16xi32>, vector<16xi32>], vector<16xf32>,
            %swap3A_512 = arith.index_cast %select_n3A_498 : i32 to index
            %swap3A_513 = arith.constant 16 : index
            %swap3A_514 = tpu.vector_load %arg9[%swap3A_512, %swap3A_513] {strides = array<i32>} : memref<32x64xf32, #tpu.memory_space<vmem>>, vector<16xf32>,
            tpu.vector_store %arg9[%swap3A_512, %swap3A_513], %gather3A_511 {strides = array<i32>} : memref<32x64xf32, #tpu.memory_space<vmem>>, vector<16xf32>,
            %gather3A_515 = arith.constant 0 : i32
            %gather3A_516 = arith.constant 0 : i32
            %gather3A_517 = tpu.memref_slice %arg7[%while3A_421, %gather3A_515, %gather3A_516] : memref<5x64x256xf32, #tpu.memory_space<vmem>> -> memref<1x64x256xf32, #tpu.memory_space<vmem>>
            %gather3A_518 = tpu.memref_squeeze %gather3A_517 : memref<1x64x256xf32, #tpu.memory_space<vmem>> -> memref<64x256xf32, #tpu.memory_space<vmem>>
            %gather3A_519 = tpu.vector_load_idx %gather3A_518[%add3A_12, %and3A_469] : memref<64x256xf32, #tpu.memory_space<vmem>>[vector<16xi32>, vector<16xi32>], vector<16xf32>,
            %swap3A_520 = arith.index_cast %select_n3A_498 : i32 to index
            %swap3A_521 = arith.constant 32 : index
            %swap3A_522 = tpu.vector_load %arg9[%swap3A_520, %swap3A_521] {strides = array<i32>} : memref<32x64xf32, #tpu.memory_space<vmem>>, vector<16xf32>,
            tpu.vector_store %arg9[%swap3A_520, %swap3A_521], %gather3A_519 {strides = array<i32>} : memref<32x64xf32, #tpu.memory_space<vmem>>, vector<16xf32>,
            %gather3A_523 = arith.constant 0 : i32
            %gather3A_524 = arith.constant 0 : i32
            %gather3A_525 = tpu.memref_slice %arg7[%while3A_421, %gather3A_523, %gather3A_524] : memref<5x64x256xf32, #tpu.memory_space<vmem>> -> memref<1x64x256xf32, #tpu.memory_space<vmem>>
            %gather3A_526 = tpu.memref_squeeze %gather3A_525 : memref<1x64x256xf32, #tpu.memory_space<vmem>> -> memref<64x256xf32, #tpu.memory_space<vmem>>
            %gather3A_527 = tpu.vector_load_idx %gather3A_526[%add3A_15, %and3A_469] : memref<64x256xf32, #tpu.memory_space<vmem>>[vector<16xi32>, vector<16xi32>], vector<16xf32>,
            %swap3A_528 = arith.index_cast %select_n3A_498 : i32 to index
            %swap3A_529 = arith.constant 48 : index
            %swap3A_530 = tpu.vector_load %arg9[%swap3A_528, %swap3A_529] {strides = array<i32>} : memref<32x64xf32, #tpu.memory_space<vmem>>, vector<16xf32>,
            tpu.vector_store %arg9[%swap3A_528, %swap3A_529], %gather3A_527 {strides = array<i32>} : memref<32x64xf32, #tpu.memory_space<vmem>>, vector<16xf32>,
            %dma_start3A_531 = arith.constant 0 : i32
            %dma_start3A_532 = tpu.memref_slice %arg9[%select_n3A_498, %dma_start3A_531] : memref<32x64xf32, #tpu.memory_space<vmem>> -> memref<1x64xf32, #tpu.memory_space<vmem>>
            %dma_start3A_533 = arith.constant 0 : i32
            %dma_start3A_534 = tpu.memref_slice %arg4[%squeeze3A_474, %dma_start3A_533] : memref<16384x64xf32, #tpu.memory_space<hbm>> -> memref<1x64xf32, #tpu.memory_space<hbm>>
            %dma_start3A_535 = arith.constant 0 : i32
            %dma_start3A_536 = tpu.memref_slice %arg4[%squeeze3A_474, %dma_start3A_535] : memref<16384x64xf32, #tpu.memory_space<hbm>> -> memref<1x64xf32, #tpu.memory_space<hbm>>
            %dma_start3A_537 = arith.constant 0 : i32
            %dma_start3A_538 = tpu.memref_slice %arg9[%select_n3A_498, %dma_start3A_537] : memref<32x64xf32, #tpu.memory_space<vmem>> -> memref<1x64xf32, #tpu.memory_space<vmem>>
            tpu.enqueue_dma source(%dma_start3A_538 : memref<1x64xf32, #tpu.memory_space<vmem>>) target(%dma_start3A_536 : memref<1x64xf32, #tpu.memory_space<hbm>>) target_semaphore(%arg17 : memref<!tpu.dma_semaphore, #tpu.memory_space<semaphore_mem>>)
            %add3A_539 = arith.constant 1 : i32
            %add3A_540 = arith.addi %squeeze3A_477, %add3A_539 : i32
            %broadcast_in_dim3A_541 = vector.broadcast %add3A_540 : i32 to vector<16xi32>
            tpu.vector_store_idx %arg10[%broadcast_in_dim3A_1], %broadcast_in_dim3A_541 masked %eq3A_3 : memref<16xi32, #tpu.memory_space<vmem>>[vector<16xi32>], vector<16xi32>, vector<16xi1>
            %ne3A_542 = arith.cmpi ne, %iota3A, %all_reduce_ffs3A : vector<16xi32>
            %and3A_543 = arith.andi %while3A_458, %ne3A_542 : vector<16xi1>
            scf.yield %and3A_543 : vector<16xi1>
          }
          %while3A_455 = arith.constant 1 : i32
          %while3A_456 = scf.for %while3A_457 = %while3A_452 to %while3A_448 step %while3A_455 iter_args(%while3A_458 = %while3A_454) -> (vector<16xi1>)  : i32 {
            %all_reduce_ffs3A = tpu.all_reduce %while3A_458 {dim = 0 : i64, kind = #tpu.reduction_kind<find_first_set>} : vector<16xi1> -> vector<16xi32>
            %mul3A_459 = arith.constant 16 : i32
            %mul3A_460 = arith.muli %while3A_430, %mul3A_459 : i32
            %add3A_461 = vector.broadcast %mul3A_460 : i32 to vector<16xi32>
            %add3A_462 = arith.addi %all_reduce_ffs3A, %add3A_461 : vector<16xi32>
            %gather3A_463 = tpu.vector_load_idx %arg5[%add3A_462] : memref<16400xi32, #tpu.memory_space<vmem>>[vector<16xi32>], vector<16xi32>,
            %shift_right_arithmetic3A_464 = arith.constant 14 : i32
            %shift_right_arithmetic3A_465 = vector.broadcast %shift_right_arithmetic3A_464 : i32 to vector<16xi32>
            %shift_right_arithmetic3A_466 = arith.shrsi %gather3A_463, %shift_right_arithmetic3A_465 : vector<16xi32>
            %and3A_467 = arith.constant 255 : i32
            %and3A_468 = vector.broadcast %and3A_467 : i32 to vector<16xi32>
            %and3A_469 = arith.andi %shift_right_arithmetic3A_466, %and3A_468 : vector<16xi32>
            %and3A_470 = arith.constant 16383 : i32
            %and3A_471 = vector.broadcast %and3A_470 : i32 to vector<16xi32>
            %and3A_472 = arith.andi %gather3A_463, %and3A_471 : vector<16xi32>
            %slice3A_473 = vector.extract_strided_slice %and3A_472 {offsets = [0], sizes = [1], strides = [1]} : vector<16xi32> to vector<1xi32>
            %squeeze3A_474 = vector.extract %slice3A_473[0] : i32 from vector<1xi32>
            %gather3A_475 = tpu.vector_load_idx %arg10[%broadcast_in_dim3A_1] : memref<16xi32, #tpu.memory_space<vmem>>[vector<16xi32>], vector<16xi32>,
            %slice3A_476 = vector.extract_strided_slice %gather3A_475 {offsets = [0], sizes = [1], strides = [1]} : vector<16xi32> to vector<1xi32>
            %squeeze3A_477 = vector.extract %slice3A_476[0] : i32 from vector<1xi32>
            %ge3A_478 = arith.constant 32 : i32
            %ge3A_479 = arith.cmpi sge, %squeeze3A_477, %ge3A_478 : i32
            %convert_element_type3A_480 = arith.extui %ge3A_479 : i1 to i32
            %cond3A_481 = arith.constant 0 : i32
            %cond3A_482 = arith.cmpi ne, %convert_element_type3A_480, %cond3A_481 : i32
            scf.if %cond3A_482 {
              %dma_wait3A_544 = arith.constant 0 : i32
              %dma_wait3A_545 = arith.constant 0 : i32
              %dma_wait3A_546 = tpu.memref_slice %arg9[%dma_wait3A_544, %dma_wait3A_545] : memref<32x64xf32, #tpu.memory_space<vmem>> -> memref<1x64xf32, #tpu.memory_space<vmem>>
              %dma_wait3A_547 = arith.constant 0 : i32
              %dma_wait3A_548 = arith.constant 0 : i32
              %dma_wait3A_549 = tpu.memref_slice %arg4[%dma_wait3A_547, %dma_wait3A_548] : memref<16384x64xf32, #tpu.memory_space<hbm>> -> memref<1x64xf32, #tpu.memory_space<hbm>>
              %dma_wait3A_550 = arith.constant 0 : i32
              %dma_wait3A_551 = arith.constant 0 : i32
              %dma_wait3A_552 = tpu.memref_slice %arg9[%dma_wait3A_550, %dma_wait3A_551] : memref<32x64xf32, #tpu.memory_space<vmem>> -> memref<1x64xf32, #tpu.memory_space<vmem>>
              %dma_wait3A_553 = arith.constant 0 : i32
              %dma_wait3A_554 = arith.constant 0 : i32
              %dma_wait3A_555 = tpu.memref_slice %arg4[%dma_wait3A_553, %dma_wait3A_554] : memref<16384x64xf32, #tpu.memory_space<hbm>> -> memref<1x64xf32, #tpu.memory_space<hbm>>
              tpu.wait_dma2 semaphore(%arg17 : memref<!tpu.dma_semaphore, #tpu.memory_space<semaphore_mem>>) src(%dma_wait3A_555 : memref<1x64xf32, #tpu.memory_space<hbm>>) dst(%dma_wait3A_552 : memref<1x64xf32, #tpu.memory_space<vmem>>)
            } else {
            }
            %jit3A_483 = arith.constant 32 : i32
            %eq3A_484 = arith.constant 0 : i32
            %eq3A_485 = arith.cmpi eq, %jit3A_483, %eq3A_484 : i32
            %jit3A_486 = arith.constant 1 : i32
            %select_n3A_487 = arith.select %eq3A_485, %jit3A_486, %jit3A_483 : i32
            %rem3A_488 = arith.remsi %squeeze3A_477, %select_n3A_487 : i32
            %ne3A_489 = arith.constant 0 : i32
            %ne3A_490 = arith.cmpi ne, %rem3A_488, %ne3A_489 : i32
            %lt3A_491 = arith.constant 0 : i32
            %lt3A_492 = arith.cmpi slt, %rem3A_488, %lt3A_491 : i32
            %lt3A_493 = arith.constant 0 : i32
            %lt3A_494 = arith.cmpi slt, %select_n3A_487, %lt3A_493 : i32
            %ne3A_495 = arith.xori %lt3A_492, %lt3A_494 : i1
            %and3A_496 = arith.andi %ne3A_495, %ne3A_490 : i1
            %add3A_497 = arith.addi %rem3A_488, %select_n3A_487 : i32
            %select_n3A_498 = arith.select %and3A_496, %add3A_497, %rem3A_488 : i32
            %gather3A_499 = arith.constant 0 : i32
            %gather3A_500 = arith.constant 0 : i32
            %gather3A_501 = tpu.memref_slice %arg7[%while3A_421, %gather3A_499, %gather3A_500] : memref<5x64x256xf32, #tpu.memory_space<vmem>> -> memref<1x64x256xf32, #tpu.memory_space<vmem>>
            %gather3A_502 = tpu.memref_squeeze %gather3A_501 : memref<1x64x256xf32, #tpu.memory_space<vmem>> -> memref<64x256xf32, #tpu.memory_space<vmem>>
            %gather3A_503 = tpu.vector_load_idx %gather3A_502[%add3A_6, %and3A_469] : memref<64x256xf32, #tpu.memory_space<vmem>>[vector<16xi32>, vector<16xi32>], vector<16xf32>,
            %swap3A_504 = arith.index_cast %select_n3A_498 : i32 to index
            %swap3A_505 = arith.constant 0 : index
            %swap3A_506 = tpu.vector_load %arg9[%swap3A_504, %swap3A_505] {strides = array<i32>} : memref<32x64xf32, #tpu.memory_space<vmem>>, vector<16xf32>,
            tpu.vector_store %arg9[%swap3A_504, %swap3A_505], %gather3A_503 {strides = array<i32>} : memref<32x64xf32, #tpu.memory_space<vmem>>, vector<16xf32>,
            %gather3A_507 = arith.constant 0 : i32
            %gather3A_508 = arith.constant 0 : i32
            %gather3A_509 = tpu.memref_slice %arg7[%while3A_421, %gather3A_507, %gather3A_508] : memref<5x64x256xf32, #tpu.memory_space<vmem>> -> memref<1x64x256xf32, #tpu.memory_space<vmem>>
            %gather3A_510 = tpu.memref_squeeze %gather3A_509 : memref<1x64x256xf32, #tpu.memory_space<vmem>> -> memref<64x256xf32, #tpu.memory_space<vmem>>
            %gather3A_511 = tpu.vector_load_idx %gather3A_510[%add3A_9, %and3A_469] : memref<64x256xf32, #tpu.memory_space<vmem>>[vector<16xi32>, vector<16xi32>], vector<16xf32>,
            %swap3A_512 = arith.index_cast %select_n3A_498 : i32 to index
            %swap3A_513 = arith.constant 16 : index
            %swap3A_514 = tpu.vector_load %arg9[%swap3A_512, %swap3A_513] {strides = array<i32>} : memref<32x64xf32, #tpu.memory_space<vmem>>, vector<16xf32>,
            tpu.vector_store %arg9[%swap3A_512, %swap3A_513], %gather3A_511 {strides = array<i32>} : memref<32x64xf32, #tpu.memory_space<vmem>>, vector<16xf32>,
            %gather3A_515 = arith.constant 0 : i32
            %gather3A_516 = arith.constant 0 : i32
            %gather3A_517 = tpu.memref_slice %arg7[%while3A_421, %gather3A_515, %gather3A_516] : memref<5x64x256xf32, #tpu.memory_space<vmem>> -> memref<1x64x256xf32, #tpu.memory_space<vmem>>
            %gather3A_518 = tpu.memref_squeeze %gather3A_517 : memref<1x64x256xf32, #tpu.memory_space<vmem>> -> memref<64x256xf32, #tpu.memory_space<vmem>>
            %gather3A_519 = tpu.vector_load_idx %gather3A_518[%add3A_12, %and3A_469] : memref<64x256xf32, #tpu.memory_space<vmem>>[vector<16xi32>, vector<16xi32>], vector<16xf32>,
            %swap3A_520 = arith.index_cast %select_n3A_498 : i32 to index
            %swap3A_521 = arith.constant 32 : index
            %swap3A_522 = tpu.vector_load %arg9[%swap3A_520, %swap3A_521] {strides = array<i32>} : memref<32x64xf32, #tpu.memory_space<vmem>>, vector<16xf32>,
            tpu.vector_store %arg9[%swap3A_520, %swap3A_521], %gather3A_519 {strides = array<i32>} : memref<32x64xf32, #tpu.memory_space<vmem>>, vector<16xf32>,
            %gather3A_523 = arith.constant 0 : i32
            %gather3A_524 = arith.constant 0 : i32
            %gather3A_525 = tpu.memref_slice %arg7[%while3A_421, %gather3A_523, %gather3A_524] : memref<5x64x256xf32, #tpu.memory_space<vmem>> -> memref<1x64x256xf32, #tpu.memory_space<vmem>>
            %gather3A_526 = tpu.memref_squeeze %gather3A_525 : memref<1x64x256xf32, #tpu.memory_space<vmem>> -> memref<64x256xf32, #tpu.memory_space<vmem>>
            %gather3A_527 = tpu.vector_load_idx %gather3A_526[%add3A_15, %and3A_469] : memref<64x256xf32, #tpu.memory_space<vmem>>[vector<16xi32>, vector<16xi32>], vector<16xf32>,
            %swap3A_528 = arith.index_cast %select_n3A_498 : i32 to index
            %swap3A_529 = arith.constant 48 : index
            %swap3A_530 = tpu.vector_load %arg9[%swap3A_528, %swap3A_529] {strides = array<i32>} : memref<32x64xf32, #tpu.memory_space<vmem>>, vector<16xf32>,
            tpu.vector_store %arg9[%swap3A_528, %swap3A_529], %gather3A_527 {strides = array<i32>} : memref<32x64xf32, #tpu.memory_space<vmem>>, vector<16xf32>,
            %dma_start3A_531 = arith.constant 0 : i32
            %dma_start3A_532 = tpu.memref_slice %arg9[%select_n3A_498, %dma_start3A_531] : memref<32x64xf32, #tpu.memory_space<vmem>> -> memref<1x64xf32, #tpu.memory_space<vmem>>
            %dma_start3A_533 = arith.constant 0 : i32
            %dma_start3A_534 = tpu.memref_slice %arg4[%squeeze3A_474, %dma_start3A_533] : memref<16384x64xf32, #tpu.memory_space<hbm>> -> memref<1x64xf32, #tpu.memory_space<hbm>>
            %dma_start3A_535 = arith.constant 0 : i32
            %dma_start3A_536 = tpu.memref_slice %arg4[%squeeze3A_474, %dma_start3A_535] : memref<16384x64xf32, #tpu.memory_space<hbm>> -> memref<1x64xf32, #tpu.memory_space<hbm>>
            %dma_start3A_537 = arith.constant 0 : i32
            %dma_start3A_538 = tpu.memref_slice %arg9[%select_n3A_498, %dma_start3A_537] : memref<32x64xf32, #tpu.memory_space<vmem>> -> memref<1x64xf32, #tpu.memory_space<vmem>>
            tpu.enqueue_dma source(%dma_start3A_538 : memref<1x64xf32, #tpu.memory_space<vmem>>) target(%dma_start3A_536 : memref<1x64xf32, #tpu.memory_space<hbm>>) target_semaphore(%arg17 : memref<!tpu.dma_semaphore, #tpu.memory_space<semaphore_mem>>)
            %add3A_539 = arith.constant 1 : i32
            %add3A_540 = arith.addi %squeeze3A_477, %add3A_539 : i32
            %broadcast_in_dim3A_541 = vector.broadcast %add3A_540 : i32 to vector<16xi32>
            tpu.vector_store_idx %arg10[%broadcast_in_dim3A_1], %broadcast_in_dim3A_541 masked %eq3A_3 : memref<16xi32, #tpu.memory_space<vmem>>[vector<16xi32>], vector<16xi32>, vector<16xi1>
            %ne3A_542 = arith.cmpi ne, %iota3A, %all_reduce_ffs3A : vector<16xi32>
            %and3A_543 = arith.andi %while3A_458, %ne3A_542 : vector<16xi1>
            scf.yield %and3A_543 : vector<16xi1>
          }
        }
      } else {
      }
      %mul3A_297 = arith.constant 5 : i32
      %mul3A_298 = arith.muli %scan3A_273, %mul3A_297 : i32
      %add3A_299 = arith.constant 3 : i32
      %add3A_300 = arith.addi %mul3A_298, %add3A_299 : i32
      %lt3A_301 = arith.cmpi slt, %add3A_300, %min3A_181 : i32
      %convert_element_type3A_302 = arith.extui %lt3A_301 : i1 to i32
      %cond3A_303 = arith.constant 0 : i32
      %cond3A_304 = arith.cmpi ne, %convert_element_type3A_302, %cond3A_303 : i32
      scf.if %cond3A_304 {
        %add3A_313 = arith.constant 4 : i32
        %add3A_314 = arith.addi %add3A_300, %add3A_313 : i32
        %lt3A_315 = arith.cmpi slt, %add3A_314, %min3A_181 : i32
        %convert_element_type3A_316 = arith.extui %lt3A_315 : i1 to i32
        %cond3A_317 = arith.constant 0 : i32
        %cond3A_318 = arith.cmpi ne, %convert_element_type3A_316, %cond3A_317 : i32
        scf.if %cond3A_318 {
          %add3A_430 = arith.constant 4 : i32
          %add3A_431 = arith.addi %add3A_300, %add3A_430 : i32
          %add3A_432 = arith.addi %mul3A_20, %add3A_431 : i32
          %mul3A_433 = arith.constant 256 : i32
          %mul3A_434 = arith.muli %add3A_432, %mul3A_433 : i32
          %multiple_of3A_435 = tpu.assume_multiple %mul3A_434, 128 : i32
          %dma_start3A_436 = arith.constant 2 : i32
          %dma_start3A_437 = arith.constant 0 : i32
          %dma_start3A_438 = arith.constant 0 : i32
          %dma_start3A_439 = tpu.memref_slice %arg7[%dma_start3A_436, %dma_start3A_437, %dma_start3A_438] : memref<5x64x256xf32, #tpu.memory_space<vmem>> -> memref<1x64x256xf32, #tpu.memory_space<vmem>>
          %dma_start3A_440 = tpu.memref_squeeze %dma_start3A_439 : memref<1x64x256xf32, #tpu.memory_space<vmem>> -> memref<64x256xf32, #tpu.memory_space<vmem>>
          %dma_start3A_441 = arith.constant 0 : i32
          %dma_start3A_442 = tpu.memref_slice %arg3[%dma_start3A_441, %multiple_of3A_435] : memref<64x1000001xf32, #tpu.memory_space<hbm>> -> memref<64x256xf32, #tpu.memory_space<hbm>>
          %dma_start3A_443 = arith.constant 0 : i32
          %dma_start3A_444 = arith.constant 0 : i32
          %dma_start3A_445 = tpu.memref_slice %arg7[%dma_start3A_436, %dma_start3A_443, %dma_start3A_444] : memref<5x64x256xf32, #tpu.memory_space<vmem>> -> memref<1x64x256xf32, #tpu.memory_space<vmem>>
          %dma_start3A_446 = tpu.memref_squeeze %dma_start3A_445 : memref<1x64x256xf32, #tpu.memory_space<vmem>> -> memref<64x256xf32, #tpu.memory_space<vmem>>
          %dma_start3A_447 = arith.constant 0 : i32
          %dma_start3A_448 = tpu.memref_slice %arg3[%dma_start3A_447, %multiple_of3A_435] : memref<64x1000001xf32, #tpu.memory_space<hbm>> -> memref<64x256xf32, #tpu.memory_space<hbm>>
          tpu.enqueue_dma source(%dma_start3A_448 : memref<64x256xf32, #tpu.memory_space<hbm>>) target(%dma_start3A_446 : memref<64x256xf32, #tpu.memory_space<vmem>>) target_semaphore(%arg14 : memref<!tpu.dma_semaphore, #tpu.memory_space<semaphore_mem>>)
        } else {
        }
        %dma_wait3A = arith.constant 3 : i32
        %dma_wait3A_319 = arith.constant 0 : i32
        %dma_wait3A_320 = arith.constant 0 : i32
        %dma_wait3A_321 = tpu.memref_slice %arg7[%dma_wait3A, %dma_wait3A_319, %dma_wait3A_320] : memref<5x64x256xf32, #tpu.memory_space<vmem>> -> memref<1x64x256xf32, #tpu.memory_space<vmem>>
        %dma_wait3A_322 = tpu.memref_squeeze %dma_wait3A_321 : memref<1x64x256xf32, #tpu.memory_space<vmem>> -> memref<64x256xf32, #tpu.memory_space<vmem>>
        %dma_wait3A_323 = arith.constant 0 : i32
        %dma_wait3A_324 = arith.constant 0 : i32
        %dma_wait3A_325 = tpu.memref_slice %arg3[%dma_wait3A_323, %dma_wait3A_324] : memref<64x1000001xf32, #tpu.memory_space<hbm>> -> memref<64x256xf32, #tpu.memory_space<hbm>>
        %dma_wait3A_326 = arith.constant 0 : i32
        %dma_wait3A_327 = arith.constant 0 : i32
        %dma_wait3A_328 = tpu.memref_slice %arg7[%dma_wait3A, %dma_wait3A_326, %dma_wait3A_327] : memref<5x64x256xf32, #tpu.memory_space<vmem>> -> memref<1x64x256xf32, #tpu.memory_space<vmem>>
        %dma_wait3A_329 = tpu.memref_squeeze %dma_wait3A_328 : memref<1x64x256xf32, #tpu.memory_space<vmem>> -> memref<64x256xf32, #tpu.memory_space<vmem>>
        %dma_wait3A_330 = arith.constant 0 : i32
        %dma_wait3A_331 = arith.constant 0 : i32
        %dma_wait3A_332 = tpu.memref_slice %arg3[%dma_wait3A_330, %dma_wait3A_331] : memref<64x1000001xf32, #tpu.memory_space<hbm>> -> memref<64x256xf32, #tpu.memory_space<hbm>>
        tpu.wait_dma2 semaphore(%arg15 : memref<!tpu.dma_semaphore, #tpu.memory_space<semaphore_mem>>) src(%dma_wait3A_332 : memref<64x256xf32, #tpu.memory_space<hbm>>) dst(%dma_wait3A_329 : memref<64x256xf32, #tpu.memory_space<vmem>>)
        %jit3A_333 = arith.constant 16 : i32
        %div3A_334 = arith.divsi %add3A_300, %jit3A_333 : i32
        %sign3A_335 = arith.constant 0 : i32
        %sign3A_336 = arith.cmpi sgt, %add3A_300, %sign3A_335 : i32
        %sign3A_337 = arith.extui %sign3A_336 : i1 to i32
        %sign3A_338 = arith.constant 0 : i32
        %sign3A_339 = arith.cmpi slt, %add3A_300, %sign3A_338 : i32
        %sign3A_340 = arith.extui %sign3A_339 : i1 to i32
        %sign3A_341 = arith.subi %sign3A_337, %sign3A_340 : i32
        %sign3A_342 = arith.constant 0 : i32
        %sign3A_343 = arith.cmpi sgt, %jit3A_333, %sign3A_342 : i32
        %sign3A_344 = arith.extui %sign3A_343 : i1 to i32
        %sign3A_345 = arith.constant 0 : i32
        %sign3A_346 = arith.cmpi slt, %jit3A_333, %sign3A_345 : i32
        %sign3A_347 = arith.extui %sign3A_346 : i1 to i32
        %sign3A_348 = arith.subi %sign3A_344, %sign3A_347 : i32
        %ne3A_349 = arith.cmpi ne, %sign3A_341, %sign3A_348 : i32
        %rem3A_350 = arith.remsi %add3A_300, %jit3A_333 : i32
        %ne3A_351 = arith.constant 0 : i32
        %ne3A_352 = arith.cmpi ne, %rem3A_350, %ne3A_351 : i32
        %and3A_353 = arith.andi %ne3A_349, %ne3A_352 : i1
        %sub3A_354 = arith.constant 1 : i32
        %sub3A_355 = arith.subi %div3A_334, %sub3A_354 : i32
        %select_n3A_356 = arith.select %and3A_353, %sub3A_355, %div3A_334 : i32
        %broadcast_in_dim3A_357 = vector.broadcast %select_n3A_356 : i32 to vector<16xi32>
        %gather3A_358 = tpu.vector_load_idx %arg11[%broadcast_in_dim3A_357] : memref<16xi32, #tpu.memory_space<vmem>>[vector<16xi32>], vector<16xi32>,
        %add3A_359 = arith.constant 1 : i32
        %add3A_360 = arith.addi %select_n3A_356, %add3A_359 : i32
        %broadcast_in_dim3A_361 = vector.broadcast %add3A_360 : i32 to vector<16xi32>
        %gather3A_362 = tpu.vector_load_idx %arg11[%broadcast_in_dim3A_361] : memref<16xi32, #tpu.memory_space<vmem>>[vector<16xi32>], vector<16xi32>,
        %broadcast_in_dim3A_363 = vector.broadcast %add3A_300 : i32 to vector<16xi32>
        %slice3A_364 = vector.extract_strided_slice %gather3A_358 {offsets = [0], sizes = [1], strides = [1]} : vector<16xi32> to vector<1xi32>
        %squeeze3A_365 = vector.extract %slice3A_364[0] : i32 from vector<1xi32>
        %jit3A_366 = arith.constant 16 : i32
        %div3A_367 = arith.divsi %squeeze3A_365, %jit3A_366 : i32
        %sign3A_368 = arith.constant 0 : i32
        %sign3A_369 = arith.cmpi sgt, %squeeze3A_365, %sign3A_368 : i32
        %sign3A_370 = arith.extui %sign3A_369 : i1 to i32
        %sign3A_371 = arith.constant 0 : i32
        %sign3A_372 = arith.cmpi slt, %squeeze3A_365, %sign3A_371 : i32
        %sign3A_373 = arith.extui %sign3A_372 : i1 to i32
        %sign3A_374 = arith.subi %sign3A_370, %sign3A_373 : i32
        %sign3A_375 = arith.constant 0 : i32
        %sign3A_376 = arith.cmpi sgt, %jit3A_366, %sign3A_375 : i32
        %sign3A_377 = arith.extui %sign3A_376 : i1 to i32
        %sign3A_378 = arith.constant 0 : i32
        %sign3A_379 = arith.cmpi slt, %jit3A_366, %sign3A_378 : i32
        %sign3A_380 = arith.extui %sign3A_379 : i1 to i32
        %sign3A_381 = arith.subi %sign3A_377, %sign3A_380 : i32
        %ne3A_382 = arith.cmpi ne, %sign3A_374, %sign3A_381 : i32
        %rem3A_383 = arith.remsi %squeeze3A_365, %jit3A_366 : i32
        %ne3A_384 = arith.constant 0 : i32
        %ne3A_385 = arith.cmpi ne, %rem3A_383, %ne3A_384 : i32
        %and3A_386 = arith.andi %ne3A_382, %ne3A_385 : i1
        %sub3A_387 = arith.constant 1 : i32
        %sub3A_388 = arith.subi %div3A_367, %sub3A_387 : i32
        %select_n3A_389 = arith.select %and3A_386, %sub3A_388, %div3A_367 : i32
        %slice3A_390 = vector.extract_strided_slice %gather3A_362 {offsets = [0], sizes = [1], strides = [1]} : vector<16xi32> to vector<1xi32>
        %squeeze3A_391 = vector.extract %slice3A_390[0] : i32 from vector<1xi32>
        %add3A_392 = arith.constant 16 : i32
        %add3A_393 = arith.addi %squeeze3A_391, %add3A_392 : i32
        %sub3A_394 = arith.constant 1 : i32
        %sub3A_395 = arith.subi %add3A_393, %sub3A_394 : i32
        %jit3A_396 = arith.constant 16 : i32
        %div3A_397 = arith.divsi %sub3A_395, %jit3A_396 : i32
        %sign3A_398 = arith.constant 0 : i32
        %sign3A_399 = arith.cmpi sgt, %sub3A_395, %sign3A_398 : i32
        %sign3A_400 = arith.extui %sign3A_399 : i1 to i32
        %sign3A_401 = arith.constant 0 : i32
        %sign3A_402 = arith.cmpi slt, %sub3A_395, %sign3A_401 : i32
        %sign3A_403 = arith.extui %sign3A_402 : i1 to i32
        %sign3A_404 = arith.subi %sign3A_400, %sign3A_403 : i32
        %sign3A_405 = arith.constant 0 : i32
        %sign3A_406 = arith.cmpi sgt, %jit3A_396, %sign3A_405 : i32
        %sign3A_407 = arith.extui %sign3A_406 : i1 to i32
        %sign3A_408 = arith.constant 0 : i32
        %sign3A_409 = arith.cmpi slt, %jit3A_396, %sign3A_408 : i32
        %sign3A_410 = arith.extui %sign3A_409 : i1 to i32
        %sign3A_411 = arith.subi %sign3A_407, %sign3A_410 : i32
        %ne3A_412 = arith.cmpi ne, %sign3A_404, %sign3A_411 : i32
        %rem3A_413 = arith.remsi %sub3A_395, %jit3A_396 : i32
        %ne3A_414 = arith.constant 0 : i32
        %ne3A_415 = arith.cmpi ne, %rem3A_413, %ne3A_414 : i32
        %and3A_416 = arith.andi %ne3A_412, %ne3A_415 : i1
        %sub3A_417 = arith.constant 1 : i32
        %sub3A_418 = arith.subi %div3A_397, %sub3A_417 : i32
        %select_n3A_419 = arith.select %and3A_416, %sub3A_418, %div3A_397 : i32
        %while3A_420 = arith.constant 0 : i32
        %while3A_421 = arith.constant 3 : i32
        %while3A_422 = arith.subi %select_n3A_419, %select_n3A_389 : i32
        %while3A_423 = arith.addi %select_n3A_389, %while3A_422 : i32
        %while3A_424 = arith.constant 1 : i32
        %while3A_425 = arith.divsi %while3A_422, %while3A_424 : i32
        %while3A_426 = arith.muli %while3A_425, %while3A_424 : i32
        %while3A_427 = arith.addi %select_n3A_389, %while3A_426 : i32
        %while3A_428 = arith.constant 1 : i32
        scf.for %while3A_430 = %select_n3A_389 to %while3A_427 step %while3A_428  : i32 {
          %mul3A_431 = arith.constant 16 : i32
          %mul3A_432 = arith.muli %while3A_430, %mul3A_431 : i32
          %get3A = arith.index_cast %mul3A_432 : i32 to index
          %get3A_433 = tpu.vector_load %arg5[%get3A] {strides = array<i32>} : memref<16400xi32, #tpu.memory_space<vmem>>, vector<16xi32>,
          %mul3A_434 = arith.constant 16 : i32
          %mul3A_435 = arith.muli %while3A_430, %mul3A_434 : i32
          %add3A_436 = vector.broadcast %mul3A_435 : i32 to vector<16xi32>
          %add3A_437 = arith.addi %iota3A, %add3A_436 : vector<16xi32>
          %ge3A = arith.cmpi sge, %add3A_437, %gather3A_358 : vector<16xi32>
          %lt3A_438 = arith.cmpi slt, %add3A_437, %gather3A_362 : vector<16xi32>
          %and3A_439 = arith.andi %ge3A, %lt3A_438 : vector<16xi1>
          %shift_right_arithmetic3A = arith.constant 22 : i32
          %shift_right_arithmetic3A_440 = vector.broadcast %shift_right_arithmetic3A : i32 to vector<16xi32>
          %shift_right_arithmetic3A_441 = arith.shrsi %get3A_433, %shift_right_arithmetic3A_440 : vector<16xi32>
          %eq3A_442 = arith.cmpi eq, %shift_right_arithmetic3A_441, %broadcast_in_dim3A_363 : vector<16xi32>
          %and3A_443 = arith.andi %eq3A_442, %and3A_439 : vector<16xi1>
          %all_reduce_population_count3A = tpu.all_reduce %and3A_443 {dim = 0 : i64, kind = #tpu.reduction_kind<sum>} : vector<16xi1> -> vector<16xi32>
          %slice3A_444 = vector.extract_strided_slice %all_reduce_population_count3A {offsets = [0], sizes = [1], strides = [1]} : vector<16xi32> to vector<1xi32>
          %squeeze3A_445 = vector.extract %slice3A_444[0] : i32 from vector<1xi32>
          %while3A_446 = arith.constant 0 : i32
          %while3A_447 = arith.subi %squeeze3A_445, %while3A_446 : i32
          %while3A_448 = arith.addi %while3A_446, %while3A_447 : i32
          %while3A_449 = arith.constant 1 : i32
          %while3A_450 = arith.divsi %while3A_447, %while3A_449 : i32
          %while3A_451 = arith.muli %while3A_450, %while3A_449 : i32
          %while3A_452 = arith.addi %while3A_446, %while3A_451 : i32
          %while3A_453 = arith.constant 1 : i32
          %while3A_454 = scf.for %while3A_457 = %while3A_446 to %while3A_452 step %while3A_453 iter_args(%while3A_458 = %and3A_443) -> (vector<16xi1>)  : i32 {
            %all_reduce_ffs3A = tpu.all_reduce %while3A_458 {dim = 0 : i64, kind = #tpu.reduction_kind<find_first_set>} : vector<16xi1> -> vector<16xi32>
            %mul3A_459 = arith.constant 16 : i32
            %mul3A_460 = arith.muli %while3A_430, %mul3A_459 : i32
            %add3A_461 = vector.broadcast %mul3A_460 : i32 to vector<16xi32>
            %add3A_462 = arith.addi %all_reduce_ffs3A, %add3A_461 : vector<16xi32>
            %gather3A_463 = tpu.vector_load_idx %arg5[%add3A_462] : memref<16400xi32, #tpu.memory_space<vmem>>[vector<16xi32>], vector<16xi32>,
            %shift_right_arithmetic3A_464 = arith.constant 14 : i32
            %shift_right_arithmetic3A_465 = vector.broadcast %shift_right_arithmetic3A_464 : i32 to vector<16xi32>
            %shift_right_arithmetic3A_466 = arith.shrsi %gather3A_463, %shift_right_arithmetic3A_465 : vector<16xi32>
            %and3A_467 = arith.constant 255 : i32
            %and3A_468 = vector.broadcast %and3A_467 : i32 to vector<16xi32>
            %and3A_469 = arith.andi %shift_right_arithmetic3A_466, %and3A_468 : vector<16xi32>
            %and3A_470 = arith.constant 16383 : i32
            %and3A_471 = vector.broadcast %and3A_470 : i32 to vector<16xi32>
            %and3A_472 = arith.andi %gather3A_463, %and3A_471 : vector<16xi32>
            %slice3A_473 = vector.extract_strided_slice %and3A_472 {offsets = [0], sizes = [1], strides = [1]} : vector<16xi32> to vector<1xi32>
            %squeeze3A_474 = vector.extract %slice3A_473[0] : i32 from vector<1xi32>
            %gather3A_475 = tpu.vector_load_idx %arg10[%broadcast_in_dim3A_1] : memref<16xi32, #tpu.memory_space<vmem>>[vector<16xi32>], vector<16xi32>,
            %slice3A_476 = vector.extract_strided_slice %gather3A_475 {offsets = [0], sizes = [1], strides = [1]} : vector<16xi32> to vector<1xi32>
            %squeeze3A_477 = vector.extract %slice3A_476[0] : i32 from vector<1xi32>
            %ge3A_478 = arith.constant 32 : i32
            %ge3A_479 = arith.cmpi sge, %squeeze3A_477, %ge3A_478 : i32
            %convert_element_type3A_480 = arith.extui %ge3A_479 : i1 to i32
            %cond3A_481 = arith.constant 0 : i32
            %cond3A_482 = arith.cmpi ne, %convert_element_type3A_480, %cond3A_481 : i32
            scf.if %cond3A_482 {
              %dma_wait3A_544 = arith.constant 0 : i32
              %dma_wait3A_545 = arith.constant 0 : i32
              %dma_wait3A_546 = tpu.memref_slice %arg9[%dma_wait3A_544, %dma_wait3A_545] : memref<32x64xf32, #tpu.memory_space<vmem>> -> memref<1x64xf32, #tpu.memory_space<vmem>>
              %dma_wait3A_547 = arith.constant 0 : i32
              %dma_wait3A_548 = arith.constant 0 : i32
              %dma_wait3A_549 = tpu.memref_slice %arg4[%dma_wait3A_547, %dma_wait3A_548] : memref<16384x64xf32, #tpu.memory_space<hbm>> -> memref<1x64xf32, #tpu.memory_space<hbm>>
              %dma_wait3A_550 = arith.constant 0 : i32
              %dma_wait3A_551 = arith.constant 0 : i32
              %dma_wait3A_552 = tpu.memref_slice %arg9[%dma_wait3A_550, %dma_wait3A_551] : memref<32x64xf32, #tpu.memory_space<vmem>> -> memref<1x64xf32, #tpu.memory_space<vmem>>
              %dma_wait3A_553 = arith.constant 0 : i32
              %dma_wait3A_554 = arith.constant 0 : i32
              %dma_wait3A_555 = tpu.memref_slice %arg4[%dma_wait3A_553, %dma_wait3A_554] : memref<16384x64xf32, #tpu.memory_space<hbm>> -> memref<1x64xf32, #tpu.memory_space<hbm>>
              tpu.wait_dma2 semaphore(%arg17 : memref<!tpu.dma_semaphore, #tpu.memory_space<semaphore_mem>>) src(%dma_wait3A_555 : memref<1x64xf32, #tpu.memory_space<hbm>>) dst(%dma_wait3A_552 : memref<1x64xf32, #tpu.memory_space<vmem>>)
            } else {
            }
            %jit3A_483 = arith.constant 32 : i32
            %eq3A_484 = arith.constant 0 : i32
            %eq3A_485 = arith.cmpi eq, %jit3A_483, %eq3A_484 : i32
            %jit3A_486 = arith.constant 1 : i32
            %select_n3A_487 = arith.select %eq3A_485, %jit3A_486, %jit3A_483 : i32
            %rem3A_488 = arith.remsi %squeeze3A_477, %select_n3A_487 : i32
            %ne3A_489 = arith.constant 0 : i32
            %ne3A_490 = arith.cmpi ne, %rem3A_488, %ne3A_489 : i32
            %lt3A_491 = arith.constant 0 : i32
            %lt3A_492 = arith.cmpi slt, %rem3A_488, %lt3A_491 : i32
            %lt3A_493 = arith.constant 0 : i32
            %lt3A_494 = arith.cmpi slt, %select_n3A_487, %lt3A_493 : i32
            %ne3A_495 = arith.xori %lt3A_492, %lt3A_494 : i1
            %and3A_496 = arith.andi %ne3A_495, %ne3A_490 : i1
            %add3A_497 = arith.addi %rem3A_488, %select_n3A_487 : i32
            %select_n3A_498 = arith.select %and3A_496, %add3A_497, %rem3A_488 : i32
            %gather3A_499 = arith.constant 0 : i32
            %gather3A_500 = arith.constant 0 : i32
            %gather3A_501 = tpu.memref_slice %arg7[%while3A_421, %gather3A_499, %gather3A_500] : memref<5x64x256xf32, #tpu.memory_space<vmem>> -> memref<1x64x256xf32, #tpu.memory_space<vmem>>
            %gather3A_502 = tpu.memref_squeeze %gather3A_501 : memref<1x64x256xf32, #tpu.memory_space<vmem>> -> memref<64x256xf32, #tpu.memory_space<vmem>>
            %gather3A_503 = tpu.vector_load_idx %gather3A_502[%add3A_6, %and3A_469] : memref<64x256xf32, #tpu.memory_space<vmem>>[vector<16xi32>, vector<16xi32>], vector<16xf32>,
            %swap3A_504 = arith.index_cast %select_n3A_498 : i32 to index
            %swap3A_505 = arith.constant 0 : index
            %swap3A_506 = tpu.vector_load %arg9[%swap3A_504, %swap3A_505] {strides = array<i32>} : memref<32x64xf32, #tpu.memory_space<vmem>>, vector<16xf32>,
            tpu.vector_store %arg9[%swap3A_504, %swap3A_505], %gather3A_503 {strides = array<i32>} : memref<32x64xf32, #tpu.memory_space<vmem>>, vector<16xf32>,
            %gather3A_507 = arith.constant 0 : i32
            %gather3A_508 = arith.constant 0 : i32
            %gather3A_509 = tpu.memref_slice %arg7[%while3A_421, %gather3A_507, %gather3A_508] : memref<5x64x256xf32, #tpu.memory_space<vmem>> -> memref<1x64x256xf32, #tpu.memory_space<vmem>>
            %gather3A_510 = tpu.memref_squeeze %gather3A_509 : memref<1x64x256xf32, #tpu.memory_space<vmem>> -> memref<64x256xf32, #tpu.memory_space<vmem>>
            %gather3A_511 = tpu.vector_load_idx %gather3A_510[%add3A_9, %and3A_469] : memref<64x256xf32, #tpu.memory_space<vmem>>[vector<16xi32>, vector<16xi32>], vector<16xf32>,
            %swap3A_512 = arith.index_cast %select_n3A_498 : i32 to index
            %swap3A_513 = arith.constant 16 : index
            %swap3A_514 = tpu.vector_load %arg9[%swap3A_512, %swap3A_513] {strides = array<i32>} : memref<32x64xf32, #tpu.memory_space<vmem>>, vector<16xf32>,
            tpu.vector_store %arg9[%swap3A_512, %swap3A_513], %gather3A_511 {strides = array<i32>} : memref<32x64xf32, #tpu.memory_space<vmem>>, vector<16xf32>,
            %gather3A_515 = arith.constant 0 : i32
            %gather3A_516 = arith.constant 0 : i32
            %gather3A_517 = tpu.memref_slice %arg7[%while3A_421, %gather3A_515, %gather3A_516] : memref<5x64x256xf32, #tpu.memory_space<vmem>> -> memref<1x64x256xf32, #tpu.memory_space<vmem>>
            %gather3A_518 = tpu.memref_squeeze %gather3A_517 : memref<1x64x256xf32, #tpu.memory_space<vmem>> -> memref<64x256xf32, #tpu.memory_space<vmem>>
            %gather3A_519 = tpu.vector_load_idx %gather3A_518[%add3A_12, %and3A_469] : memref<64x256xf32, #tpu.memory_space<vmem>>[vector<16xi32>, vector<16xi32>], vector<16xf32>,
            %swap3A_520 = arith.index_cast %select_n3A_498 : i32 to index
            %swap3A_521 = arith.constant 32 : index
            %swap3A_522 = tpu.vector_load %arg9[%swap3A_520, %swap3A_521] {strides = array<i32>} : memref<32x64xf32, #tpu.memory_space<vmem>>, vector<16xf32>,
            tpu.vector_store %arg9[%swap3A_520, %swap3A_521], %gather3A_519 {strides = array<i32>} : memref<32x64xf32, #tpu.memory_space<vmem>>, vector<16xf32>,
            %gather3A_523 = arith.constant 0 : i32
            %gather3A_524 = arith.constant 0 : i32
            %gather3A_525 = tpu.memref_slice %arg7[%while3A_421, %gather3A_523, %gather3A_524] : memref<5x64x256xf32, #tpu.memory_space<vmem>> -> memref<1x64x256xf32, #tpu.memory_space<vmem>>
            %gather3A_526 = tpu.memref_squeeze %gather3A_525 : memref<1x64x256xf32, #tpu.memory_space<vmem>> -> memref<64x256xf32, #tpu.memory_space<vmem>>
            %gather3A_527 = tpu.vector_load_idx %gather3A_526[%add3A_15, %and3A_469] : memref<64x256xf32, #tpu.memory_space<vmem>>[vector<16xi32>, vector<16xi32>], vector<16xf32>,
            %swap3A_528 = arith.index_cast %select_n3A_498 : i32 to index
            %swap3A_529 = arith.constant 48 : index
            %swap3A_530 = tpu.vector_load %arg9[%swap3A_528, %swap3A_529] {strides = array<i32>} : memref<32x64xf32, #tpu.memory_space<vmem>>, vector<16xf32>,
            tpu.vector_store %arg9[%swap3A_528, %swap3A_529], %gather3A_527 {strides = array<i32>} : memref<32x64xf32, #tpu.memory_space<vmem>>, vector<16xf32>,
            %dma_start3A_531 = arith.constant 0 : i32
            %dma_start3A_532 = tpu.memref_slice %arg9[%select_n3A_498, %dma_start3A_531] : memref<32x64xf32, #tpu.memory_space<vmem>> -> memref<1x64xf32, #tpu.memory_space<vmem>>
            %dma_start3A_533 = arith.constant 0 : i32
            %dma_start3A_534 = tpu.memref_slice %arg4[%squeeze3A_474, %dma_start3A_533] : memref<16384x64xf32, #tpu.memory_space<hbm>> -> memref<1x64xf32, #tpu.memory_space<hbm>>
            %dma_start3A_535 = arith.constant 0 : i32
            %dma_start3A_536 = tpu.memref_slice %arg4[%squeeze3A_474, %dma_start3A_535] : memref<16384x64xf32, #tpu.memory_space<hbm>> -> memref<1x64xf32, #tpu.memory_space<hbm>>
            %dma_start3A_537 = arith.constant 0 : i32
            %dma_start3A_538 = tpu.memref_slice %arg9[%select_n3A_498, %dma_start3A_537] : memref<32x64xf32, #tpu.memory_space<vmem>> -> memref<1x64xf32, #tpu.memory_space<vmem>>
            tpu.enqueue_dma source(%dma_start3A_538 : memref<1x64xf32, #tpu.memory_space<vmem>>) target(%dma_start3A_536 : memref<1x64xf32, #tpu.memory_space<hbm>>) target_semaphore(%arg17 : memref<!tpu.dma_semaphore, #tpu.memory_space<semaphore_mem>>)
            %add3A_539 = arith.constant 1 : i32
            %add3A_540 = arith.addi %squeeze3A_477, %add3A_539 : i32
            %broadcast_in_dim3A_541 = vector.broadcast %add3A_540 : i32 to vector<16xi32>
            tpu.vector_store_idx %arg10[%broadcast_in_dim3A_1], %broadcast_in_dim3A_541 masked %eq3A_3 : memref<16xi32, #tpu.memory_space<vmem>>[vector<16xi32>], vector<16xi32>, vector<16xi1>
            %ne3A_542 = arith.cmpi ne, %iota3A, %all_reduce_ffs3A : vector<16xi32>
            %and3A_543 = arith.andi %while3A_458, %ne3A_542 : vector<16xi1>
            scf.yield %and3A_543 : vector<16xi1>
          }
          %while3A_455 = arith.constant 1 : i32
          %while3A_456 = scf.for %while3A_457 = %while3A_452 to %while3A_448 step %while3A_455 iter_args(%while3A_458 = %while3A_454) -> (vector<16xi1>)  : i32 {
            %all_reduce_ffs3A = tpu.all_reduce %while3A_458 {dim = 0 : i64, kind = #tpu.reduction_kind<find_first_set>} : vector<16xi1> -> vector<16xi32>
            %mul3A_459 = arith.constant 16 : i32
            %mul3A_460 = arith.muli %while3A_430, %mul3A_459 : i32
            %add3A_461 = vector.broadcast %mul3A_460 : i32 to vector<16xi32>
            %add3A_462 = arith.addi %all_reduce_ffs3A, %add3A_461 : vector<16xi32>
            %gather3A_463 = tpu.vector_load_idx %arg5[%add3A_462] : memref<16400xi32, #tpu.memory_space<vmem>>[vector<16xi32>], vector<16xi32>,
            %shift_right_arithmetic3A_464 = arith.constant 14 : i32
            %shift_right_arithmetic3A_465 = vector.broadcast %shift_right_arithmetic3A_464 : i32 to vector<16xi32>
            %shift_right_arithmetic3A_466 = arith.shrsi %gather3A_463, %shift_right_arithmetic3A_465 : vector<16xi32>
            %and3A_467 = arith.constant 255 : i32
            %and3A_468 = vector.broadcast %and3A_467 : i32 to vector<16xi32>
            %and3A_469 = arith.andi %shift_right_arithmetic3A_466, %and3A_468 : vector<16xi32>
            %and3A_470 = arith.constant 16383 : i32
            %and3A_471 = vector.broadcast %and3A_470 : i32 to vector<16xi32>
            %and3A_472 = arith.andi %gather3A_463, %and3A_471 : vector<16xi32>
            %slice3A_473 = vector.extract_strided_slice %and3A_472 {offsets = [0], sizes = [1], strides = [1]} : vector<16xi32> to vector<1xi32>
            %squeeze3A_474 = vector.extract %slice3A_473[0] : i32 from vector<1xi32>
            %gather3A_475 = tpu.vector_load_idx %arg10[%broadcast_in_dim3A_1] : memref<16xi32, #tpu.memory_space<vmem>>[vector<16xi32>], vector<16xi32>,
            %slice3A_476 = vector.extract_strided_slice %gather3A_475 {offsets = [0], sizes = [1], strides = [1]} : vector<16xi32> to vector<1xi32>
            %squeeze3A_477 = vector.extract %slice3A_476[0] : i32 from vector<1xi32>
            %ge3A_478 = arith.constant 32 : i32
            %ge3A_479 = arith.cmpi sge, %squeeze3A_477, %ge3A_478 : i32
            %convert_element_type3A_480 = arith.extui %ge3A_479 : i1 to i32
            %cond3A_481 = arith.constant 0 : i32
            %cond3A_482 = arith.cmpi ne, %convert_element_type3A_480, %cond3A_481 : i32
            scf.if %cond3A_482 {
              %dma_wait3A_544 = arith.constant 0 : i32
              %dma_wait3A_545 = arith.constant 0 : i32
              %dma_wait3A_546 = tpu.memref_slice %arg9[%dma_wait3A_544, %dma_wait3A_545] : memref<32x64xf32, #tpu.memory_space<vmem>> -> memref<1x64xf32, #tpu.memory_space<vmem>>
              %dma_wait3A_547 = arith.constant 0 : i32
              %dma_wait3A_548 = arith.constant 0 : i32
              %dma_wait3A_549 = tpu.memref_slice %arg4[%dma_wait3A_547, %dma_wait3A_548] : memref<16384x64xf32, #tpu.memory_space<hbm>> -> memref<1x64xf32, #tpu.memory_space<hbm>>
              %dma_wait3A_550 = arith.constant 0 : i32
              %dma_wait3A_551 = arith.constant 0 : i32
              %dma_wait3A_552 = tpu.memref_slice %arg9[%dma_wait3A_550, %dma_wait3A_551] : memref<32x64xf32, #tpu.memory_space<vmem>> -> memref<1x64xf32, #tpu.memory_space<vmem>>
              %dma_wait3A_553 = arith.constant 0 : i32
              %dma_wait3A_554 = arith.constant 0 : i32
              %dma_wait3A_555 = tpu.memref_slice %arg4[%dma_wait3A_553, %dma_wait3A_554] : memref<16384x64xf32, #tpu.memory_space<hbm>> -> memref<1x64xf32, #tpu.memory_space<hbm>>
              tpu.wait_dma2 semaphore(%arg17 : memref<!tpu.dma_semaphore, #tpu.memory_space<semaphore_mem>>) src(%dma_wait3A_555 : memref<1x64xf32, #tpu.memory_space<hbm>>) dst(%dma_wait3A_552 : memref<1x64xf32, #tpu.memory_space<vmem>>)
            } else {
            }
            %jit3A_483 = arith.constant 32 : i32
            %eq3A_484 = arith.constant 0 : i32
            %eq3A_485 = arith.cmpi eq, %jit3A_483, %eq3A_484 : i32
            %jit3A_486 = arith.constant 1 : i32
            %select_n3A_487 = arith.select %eq3A_485, %jit3A_486, %jit3A_483 : i32
            %rem3A_488 = arith.remsi %squeeze3A_477, %select_n3A_487 : i32
            %ne3A_489 = arith.constant 0 : i32
            %ne3A_490 = arith.cmpi ne, %rem3A_488, %ne3A_489 : i32
            %lt3A_491 = arith.constant 0 : i32
            %lt3A_492 = arith.cmpi slt, %rem3A_488, %lt3A_491 : i32
            %lt3A_493 = arith.constant 0 : i32
            %lt3A_494 = arith.cmpi slt, %select_n3A_487, %lt3A_493 : i32
            %ne3A_495 = arith.xori %lt3A_492, %lt3A_494 : i1
            %and3A_496 = arith.andi %ne3A_495, %ne3A_490 : i1
            %add3A_497 = arith.addi %rem3A_488, %select_n3A_487 : i32
            %select_n3A_498 = arith.select %and3A_496, %add3A_497, %rem3A_488 : i32
            %gather3A_499 = arith.constant 0 : i32
            %gather3A_500 = arith.constant 0 : i32
            %gather3A_501 = tpu.memref_slice %arg7[%while3A_421, %gather3A_499, %gather3A_500] : memref<5x64x256xf32, #tpu.memory_space<vmem>> -> memref<1x64x256xf32, #tpu.memory_space<vmem>>
            %gather3A_502 = tpu.memref_squeeze %gather3A_501 : memref<1x64x256xf32, #tpu.memory_space<vmem>> -> memref<64x256xf32, #tpu.memory_space<vmem>>
            %gather3A_503 = tpu.vector_load_idx %gather3A_502[%add3A_6, %and3A_469] : memref<64x256xf32, #tpu.memory_space<vmem>>[vector<16xi32>, vector<16xi32>], vector<16xf32>,
            %swap3A_504 = arith.index_cast %select_n3A_498 : i32 to index
            %swap3A_505 = arith.constant 0 : index
            %swap3A_506 = tpu.vector_load %arg9[%swap3A_504, %swap3A_505] {strides = array<i32>} : memref<32x64xf32, #tpu.memory_space<vmem>>, vector<16xf32>,
            tpu.vector_store %arg9[%swap3A_504, %swap3A_505], %gather3A_503 {strides = array<i32>} : memref<32x64xf32, #tpu.memory_space<vmem>>, vector<16xf32>,
            %gather3A_507 = arith.constant 0 : i32
            %gather3A_508 = arith.constant 0 : i32
            %gather3A_509 = tpu.memref_slice %arg7[%while3A_421, %gather3A_507, %gather3A_508] : memref<5x64x256xf32, #tpu.memory_space<vmem>> -> memref<1x64x256xf32, #tpu.memory_space<vmem>>
            %gather3A_510 = tpu.memref_squeeze %gather3A_509 : memref<1x64x256xf32, #tpu.memory_space<vmem>> -> memref<64x256xf32, #tpu.memory_space<vmem>>
            %gather3A_511 = tpu.vector_load_idx %gather3A_510[%add3A_9, %and3A_469] : memref<64x256xf32, #tpu.memory_space<vmem>>[vector<16xi32>, vector<16xi32>], vector<16xf32>,
            %swap3A_512 = arith.index_cast %select_n3A_498 : i32 to index
            %swap3A_513 = arith.constant 16 : index
            %swap3A_514 = tpu.vector_load %arg9[%swap3A_512, %swap3A_513] {strides = array<i32>} : memref<32x64xf32, #tpu.memory_space<vmem>>, vector<16xf32>,
            tpu.vector_store %arg9[%swap3A_512, %swap3A_513], %gather3A_511 {strides = array<i32>} : memref<32x64xf32, #tpu.memory_space<vmem>>, vector<16xf32>,
            %gather3A_515 = arith.constant 0 : i32
            %gather3A_516 = arith.constant 0 : i32
            %gather3A_517 = tpu.memref_slice %arg7[%while3A_421, %gather3A_515, %gather3A_516] : memref<5x64x256xf32, #tpu.memory_space<vmem>> -> memref<1x64x256xf32, #tpu.memory_space<vmem>>
            %gather3A_518 = tpu.memref_squeeze %gather3A_517 : memref<1x64x256xf32, #tpu.memory_space<vmem>> -> memref<64x256xf32, #tpu.memory_space<vmem>>
            %gather3A_519 = tpu.vector_load_idx %gather3A_518[%add3A_12, %and3A_469] : memref<64x256xf32, #tpu.memory_space<vmem>>[vector<16xi32>, vector<16xi32>], vector<16xf32>,
            %swap3A_520 = arith.index_cast %select_n3A_498 : i32 to index
            %swap3A_521 = arith.constant 32 : index
            %swap3A_522 = tpu.vector_load %arg9[%swap3A_520, %swap3A_521] {strides = array<i32>} : memref<32x64xf32, #tpu.memory_space<vmem>>, vector<16xf32>,
            tpu.vector_store %arg9[%swap3A_520, %swap3A_521], %gather3A_519 {strides = array<i32>} : memref<32x64xf32, #tpu.memory_space<vmem>>, vector<16xf32>,
            %gather3A_523 = arith.constant 0 : i32
            %gather3A_524 = arith.constant 0 : i32
            %gather3A_525 = tpu.memref_slice %arg7[%while3A_421, %gather3A_523, %gather3A_524] : memref<5x64x256xf32, #tpu.memory_space<vmem>> -> memref<1x64x256xf32, #tpu.memory_space<vmem>>
            %gather3A_526 = tpu.memref_squeeze %gather3A_525 : memref<1x64x256xf32, #tpu.memory_space<vmem>> -> memref<64x256xf32, #tpu.memory_space<vmem>>
            %gather3A_527 = tpu.vector_load_idx %gather3A_526[%add3A_15, %and3A_469] : memref<64x256xf32, #tpu.memory_space<vmem>>[vector<16xi32>, vector<16xi32>], vector<16xf32>,
            %swap3A_528 = arith.index_cast %select_n3A_498 : i32 to index
            %swap3A_529 = arith.constant 48 : index
            %swap3A_530 = tpu.vector_load %arg9[%swap3A_528, %swap3A_529] {strides = array<i32>} : memref<32x64xf32, #tpu.memory_space<vmem>>, vector<16xf32>,
            tpu.vector_store %arg9[%swap3A_528, %swap3A_529], %gather3A_527 {strides = array<i32>} : memref<32x64xf32, #tpu.memory_space<vmem>>, vector<16xf32>,
            %dma_start3A_531 = arith.constant 0 : i32
            %dma_start3A_532 = tpu.memref_slice %arg9[%select_n3A_498, %dma_start3A_531] : memref<32x64xf32, #tpu.memory_space<vmem>> -> memref<1x64xf32, #tpu.memory_space<vmem>>
            %dma_start3A_533 = arith.constant 0 : i32
            %dma_start3A_534 = tpu.memref_slice %arg4[%squeeze3A_474, %dma_start3A_533] : memref<16384x64xf32, #tpu.memory_space<hbm>> -> memref<1x64xf32, #tpu.memory_space<hbm>>
            %dma_start3A_535 = arith.constant 0 : i32
            %dma_start3A_536 = tpu.memref_slice %arg4[%squeeze3A_474, %dma_start3A_535] : memref<16384x64xf32, #tpu.memory_space<hbm>> -> memref<1x64xf32, #tpu.memory_space<hbm>>
            %dma_start3A_537 = arith.constant 0 : i32
            %dma_start3A_538 = tpu.memref_slice %arg9[%select_n3A_498, %dma_start3A_537] : memref<32x64xf32, #tpu.memory_space<vmem>> -> memref<1x64xf32, #tpu.memory_space<vmem>>
            tpu.enqueue_dma source(%dma_start3A_538 : memref<1x64xf32, #tpu.memory_space<vmem>>) target(%dma_start3A_536 : memref<1x64xf32, #tpu.memory_space<hbm>>) target_semaphore(%arg17 : memref<!tpu.dma_semaphore, #tpu.memory_space<semaphore_mem>>)
            %add3A_539 = arith.constant 1 : i32
            %add3A_540 = arith.addi %squeeze3A_477, %add3A_539 : i32
            %broadcast_in_dim3A_541 = vector.broadcast %add3A_540 : i32 to vector<16xi32>
            tpu.vector_store_idx %arg10[%broadcast_in_dim3A_1], %broadcast_in_dim3A_541 masked %eq3A_3 : memref<16xi32, #tpu.memory_space<vmem>>[vector<16xi32>], vector<16xi32>, vector<16xi1>
            %ne3A_542 = arith.cmpi ne, %iota3A, %all_reduce_ffs3A : vector<16xi32>
            %and3A_543 = arith.andi %while3A_458, %ne3A_542 : vector<16xi1>
            scf.yield %and3A_543 : vector<16xi1>
          }
        }
        %while3A_429 = arith.constant 1 : i32
        scf.for %while3A_430 = %while3A_427 to %while3A_423 step %while3A_429  : i32 {
          %mul3A_431 = arith.constant 16 : i32
          %mul3A_432 = arith.muli %while3A_430, %mul3A_431 : i32
          %get3A = arith.index_cast %mul3A_432 : i32 to index
          %get3A_433 = tpu.vector_load %arg5[%get3A] {strides = array<i32>} : memref<16400xi32, #tpu.memory_space<vmem>>, vector<16xi32>,
          %mul3A_434 = arith.constant 16 : i32
          %mul3A_435 = arith.muli %while3A_430, %mul3A_434 : i32
          %add3A_436 = vector.broadcast %mul3A_435 : i32 to vector<16xi32>
          %add3A_437 = arith.addi %iota3A, %add3A_436 : vector<16xi32>
          %ge3A = arith.cmpi sge, %add3A_437, %gather3A_358 : vector<16xi32>
          %lt3A_438 = arith.cmpi slt, %add3A_437, %gather3A_362 : vector<16xi32>
          %and3A_439 = arith.andi %ge3A, %lt3A_438 : vector<16xi1>
          %shift_right_arithmetic3A = arith.constant 22 : i32
          %shift_right_arithmetic3A_440 = vector.broadcast %shift_right_arithmetic3A : i32 to vector<16xi32>
          %shift_right_arithmetic3A_441 = arith.shrsi %get3A_433, %shift_right_arithmetic3A_440 : vector<16xi32>
          %eq3A_442 = arith.cmpi eq, %shift_right_arithmetic3A_441, %broadcast_in_dim3A_363 : vector<16xi32>
          %and3A_443 = arith.andi %eq3A_442, %and3A_439 : vector<16xi1>
          %all_reduce_population_count3A = tpu.all_reduce %and3A_443 {dim = 0 : i64, kind = #tpu.reduction_kind<sum>} : vector<16xi1> -> vector<16xi32>
          %slice3A_444 = vector.extract_strided_slice %all_reduce_population_count3A {offsets = [0], sizes = [1], strides = [1]} : vector<16xi32> to vector<1xi32>
          %squeeze3A_445 = vector.extract %slice3A_444[0] : i32 from vector<1xi32>
          %while3A_446 = arith.constant 0 : i32
          %while3A_447 = arith.subi %squeeze3A_445, %while3A_446 : i32
          %while3A_448 = arith.addi %while3A_446, %while3A_447 : i32
          %while3A_449 = arith.constant 1 : i32
          %while3A_450 = arith.divsi %while3A_447, %while3A_449 : i32
          %while3A_451 = arith.muli %while3A_450, %while3A_449 : i32
          %while3A_452 = arith.addi %while3A_446, %while3A_451 : i32
          %while3A_453 = arith.constant 1 : i32
          %while3A_454 = scf.for %while3A_457 = %while3A_446 to %while3A_452 step %while3A_453 iter_args(%while3A_458 = %and3A_443) -> (vector<16xi1>)  : i32 {
            %all_reduce_ffs3A = tpu.all_reduce %while3A_458 {dim = 0 : i64, kind = #tpu.reduction_kind<find_first_set>} : vector<16xi1> -> vector<16xi32>
            %mul3A_459 = arith.constant 16 : i32
            %mul3A_460 = arith.muli %while3A_430, %mul3A_459 : i32
            %add3A_461 = vector.broadcast %mul3A_460 : i32 to vector<16xi32>
            %add3A_462 = arith.addi %all_reduce_ffs3A, %add3A_461 : vector<16xi32>
            %gather3A_463 = tpu.vector_load_idx %arg5[%add3A_462] : memref<16400xi32, #tpu.memory_space<vmem>>[vector<16xi32>], vector<16xi32>,
            %shift_right_arithmetic3A_464 = arith.constant 14 : i32
            %shift_right_arithmetic3A_465 = vector.broadcast %shift_right_arithmetic3A_464 : i32 to vector<16xi32>
            %shift_right_arithmetic3A_466 = arith.shrsi %gather3A_463, %shift_right_arithmetic3A_465 : vector<16xi32>
            %and3A_467 = arith.constant 255 : i32
            %and3A_468 = vector.broadcast %and3A_467 : i32 to vector<16xi32>
            %and3A_469 = arith.andi %shift_right_arithmetic3A_466, %and3A_468 : vector<16xi32>
            %and3A_470 = arith.constant 16383 : i32
            %and3A_471 = vector.broadcast %and3A_470 : i32 to vector<16xi32>
            %and3A_472 = arith.andi %gather3A_463, %and3A_471 : vector<16xi32>
            %slice3A_473 = vector.extract_strided_slice %and3A_472 {offsets = [0], sizes = [1], strides = [1]} : vector<16xi32> to vector<1xi32>
            %squeeze3A_474 = vector.extract %slice3A_473[0] : i32 from vector<1xi32>
            %gather3A_475 = tpu.vector_load_idx %arg10[%broadcast_in_dim3A_1] : memref<16xi32, #tpu.memory_space<vmem>>[vector<16xi32>], vector<16xi32>,
            %slice3A_476 = vector.extract_strided_slice %gather3A_475 {offsets = [0], sizes = [1], strides = [1]} : vector<16xi32> to vector<1xi32>
            %squeeze3A_477 = vector.extract %slice3A_476[0] : i32 from vector<1xi32>
            %ge3A_478 = arith.constant 32 : i32
            %ge3A_479 = arith.cmpi sge, %squeeze3A_477, %ge3A_478 : i32
            %convert_element_type3A_480 = arith.extui %ge3A_479 : i1 to i32
            %cond3A_481 = arith.constant 0 : i32
            %cond3A_482 = arith.cmpi ne, %convert_element_type3A_480, %cond3A_481 : i32
            scf.if %cond3A_482 {
              %dma_wait3A_544 = arith.constant 0 : i32
              %dma_wait3A_545 = arith.constant 0 : i32
              %dma_wait3A_546 = tpu.memref_slice %arg9[%dma_wait3A_544, %dma_wait3A_545] : memref<32x64xf32, #tpu.memory_space<vmem>> -> memref<1x64xf32, #tpu.memory_space<vmem>>
              %dma_wait3A_547 = arith.constant 0 : i32
              %dma_wait3A_548 = arith.constant 0 : i32
              %dma_wait3A_549 = tpu.memref_slice %arg4[%dma_wait3A_547, %dma_wait3A_548] : memref<16384x64xf32, #tpu.memory_space<hbm>> -> memref<1x64xf32, #tpu.memory_space<hbm>>
              %dma_wait3A_550 = arith.constant 0 : i32
              %dma_wait3A_551 = arith.constant 0 : i32
              %dma_wait3A_552 = tpu.memref_slice %arg9[%dma_wait3A_550, %dma_wait3A_551] : memref<32x64xf32, #tpu.memory_space<vmem>> -> memref<1x64xf32, #tpu.memory_space<vmem>>
              %dma_wait3A_553 = arith.constant 0 : i32
              %dma_wait3A_554 = arith.constant 0 : i32
              %dma_wait3A_555 = tpu.memref_slice %arg4[%dma_wait3A_553, %dma_wait3A_554] : memref<16384x64xf32, #tpu.memory_space<hbm>> -> memref<1x64xf32, #tpu.memory_space<hbm>>
              tpu.wait_dma2 semaphore(%arg17 : memref<!tpu.dma_semaphore, #tpu.memory_space<semaphore_mem>>) src(%dma_wait3A_555 : memref<1x64xf32, #tpu.memory_space<hbm>>) dst(%dma_wait3A_552 : memref<1x64xf32, #tpu.memory_space<vmem>>)
            } else {
            }
            %jit3A_483 = arith.constant 32 : i32
            %eq3A_484 = arith.constant 0 : i32
            %eq3A_485 = arith.cmpi eq, %jit3A_483, %eq3A_484 : i32
            %jit3A_486 = arith.constant 1 : i32
            %select_n3A_487 = arith.select %eq3A_485, %jit3A_486, %jit3A_483 : i32
            %rem3A_488 = arith.remsi %squeeze3A_477, %select_n3A_487 : i32
            %ne3A_489 = arith.constant 0 : i32
            %ne3A_490 = arith.cmpi ne, %rem3A_488, %ne3A_489 : i32
            %lt3A_491 = arith.constant 0 : i32
            %lt3A_492 = arith.cmpi slt, %rem3A_488, %lt3A_491 : i32
            %lt3A_493 = arith.constant 0 : i32
            %lt3A_494 = arith.cmpi slt, %select_n3A_487, %lt3A_493 : i32
            %ne3A_495 = arith.xori %lt3A_492, %lt3A_494 : i1
            %and3A_496 = arith.andi %ne3A_495, %ne3A_490 : i1
            %add3A_497 = arith.addi %rem3A_488, %select_n3A_487 : i32
            %select_n3A_498 = arith.select %and3A_496, %add3A_497, %rem3A_488 : i32
            %gather3A_499 = arith.constant 0 : i32
            %gather3A_500 = arith.constant 0 : i32
            %gather3A_501 = tpu.memref_slice %arg7[%while3A_421, %gather3A_499, %gather3A_500] : memref<5x64x256xf32, #tpu.memory_space<vmem>> -> memref<1x64x256xf32, #tpu.memory_space<vmem>>
            %gather3A_502 = tpu.memref_squeeze %gather3A_501 : memref<1x64x256xf32, #tpu.memory_space<vmem>> -> memref<64x256xf32, #tpu.memory_space<vmem>>
            %gather3A_503 = tpu.vector_load_idx %gather3A_502[%add3A_6, %and3A_469] : memref<64x256xf32, #tpu.memory_space<vmem>>[vector<16xi32>, vector<16xi32>], vector<16xf32>,
            %swap3A_504 = arith.index_cast %select_n3A_498 : i32 to index
            %swap3A_505 = arith.constant 0 : index
            %swap3A_506 = tpu.vector_load %arg9[%swap3A_504, %swap3A_505] {strides = array<i32>} : memref<32x64xf32, #tpu.memory_space<vmem>>, vector<16xf32>,
            tpu.vector_store %arg9[%swap3A_504, %swap3A_505], %gather3A_503 {strides = array<i32>} : memref<32x64xf32, #tpu.memory_space<vmem>>, vector<16xf32>,
            %gather3A_507 = arith.constant 0 : i32
            %gather3A_508 = arith.constant 0 : i32
            %gather3A_509 = tpu.memref_slice %arg7[%while3A_421, %gather3A_507, %gather3A_508] : memref<5x64x256xf32, #tpu.memory_space<vmem>> -> memref<1x64x256xf32, #tpu.memory_space<vmem>>
            %gather3A_510 = tpu.memref_squeeze %gather3A_509 : memref<1x64x256xf32, #tpu.memory_space<vmem>> -> memref<64x256xf32, #tpu.memory_space<vmem>>
            %gather3A_511 = tpu.vector_load_idx %gather3A_510[%add3A_9, %and3A_469] : memref<64x256xf32, #tpu.memory_space<vmem>>[vector<16xi32>, vector<16xi32>], vector<16xf32>,
            %swap3A_512 = arith.index_cast %select_n3A_498 : i32 to index
            %swap3A_513 = arith.constant 16 : index
            %swap3A_514 = tpu.vector_load %arg9[%swap3A_512, %swap3A_513] {strides = array<i32>} : memref<32x64xf32, #tpu.memory_space<vmem>>, vector<16xf32>,
            tpu.vector_store %arg9[%swap3A_512, %swap3A_513], %gather3A_511 {strides = array<i32>} : memref<32x64xf32, #tpu.memory_space<vmem>>, vector<16xf32>,
            %gather3A_515 = arith.constant 0 : i32
            %gather3A_516 = arith.constant 0 : i32
            %gather3A_517 = tpu.memref_slice %arg7[%while3A_421, %gather3A_515, %gather3A_516] : memref<5x64x256xf32, #tpu.memory_space<vmem>> -> memref<1x64x256xf32, #tpu.memory_space<vmem>>
            %gather3A_518 = tpu.memref_squeeze %gather3A_517 : memref<1x64x256xf32, #tpu.memory_space<vmem>> -> memref<64x256xf32, #tpu.memory_space<vmem>>
            %gather3A_519 = tpu.vector_load_idx %gather3A_518[%add3A_12, %and3A_469] : memref<64x256xf32, #tpu.memory_space<vmem>>[vector<16xi32>, vector<16xi32>], vector<16xf32>,
            %swap3A_520 = arith.index_cast %select_n3A_498 : i32 to index
            %swap3A_521 = arith.constant 32 : index
            %swap3A_522 = tpu.vector_load %arg9[%swap3A_520, %swap3A_521] {strides = array<i32>} : memref<32x64xf32, #tpu.memory_space<vmem>>, vector<16xf32>,
            tpu.vector_store %arg9[%swap3A_520, %swap3A_521], %gather3A_519 {strides = array<i32>} : memref<32x64xf32, #tpu.memory_space<vmem>>, vector<16xf32>,
            %gather3A_523 = arith.constant 0 : i32
            %gather3A_524 = arith.constant 0 : i32
            %gather3A_525 = tpu.memref_slice %arg7[%while3A_421, %gather3A_523, %gather3A_524] : memref<5x64x256xf32, #tpu.memory_space<vmem>> -> memref<1x64x256xf32, #tpu.memory_space<vmem>>
            %gather3A_526 = tpu.memref_squeeze %gather3A_525 : memref<1x64x256xf32, #tpu.memory_space<vmem>> -> memref<64x256xf32, #tpu.memory_space<vmem>>
            %gather3A_527 = tpu.vector_load_idx %gather3A_526[%add3A_15, %and3A_469] : memref<64x256xf32, #tpu.memory_space<vmem>>[vector<16xi32>, vector<16xi32>], vector<16xf32>,
            %swap3A_528 = arith.index_cast %select_n3A_498 : i32 to index
            %swap3A_529 = arith.constant 48 : index
            %swap3A_530 = tpu.vector_load %arg9[%swap3A_528, %swap3A_529] {strides = array<i32>} : memref<32x64xf32, #tpu.memory_space<vmem>>, vector<16xf32>,
            tpu.vector_store %arg9[%swap3A_528, %swap3A_529], %gather3A_527 {strides = array<i32>} : memref<32x64xf32, #tpu.memory_space<vmem>>, vector<16xf32>,
            %dma_start3A_531 = arith.constant 0 : i32
            %dma_start3A_532 = tpu.memref_slice %arg9[%select_n3A_498, %dma_start3A_531] : memref<32x64xf32, #tpu.memory_space<vmem>> -> memref<1x64xf32, #tpu.memory_space<vmem>>
            %dma_start3A_533 = arith.constant 0 : i32
            %dma_start3A_534 = tpu.memref_slice %arg4[%squeeze3A_474, %dma_start3A_533] : memref<16384x64xf32, #tpu.memory_space<hbm>> -> memref<1x64xf32, #tpu.memory_space<hbm>>
            %dma_start3A_535 = arith.constant 0 : i32
            %dma_start3A_536 = tpu.memref_slice %arg4[%squeeze3A_474, %dma_start3A_535] : memref<16384x64xf32, #tpu.memory_space<hbm>> -> memref<1x64xf32, #tpu.memory_space<hbm>>
            %dma_start3A_537 = arith.constant 0 : i32
            %dma_start3A_538 = tpu.memref_slice %arg9[%select_n3A_498, %dma_start3A_537] : memref<32x64xf32, #tpu.memory_space<vmem>> -> memref<1x64xf32, #tpu.memory_space<vmem>>
            tpu.enqueue_dma source(%dma_start3A_538 : memref<1x64xf32, #tpu.memory_space<vmem>>) target(%dma_start3A_536 : memref<1x64xf32, #tpu.memory_space<hbm>>) target_semaphore(%arg17 : memref<!tpu.dma_semaphore, #tpu.memory_space<semaphore_mem>>)
            %add3A_539 = arith.constant 1 : i32
            %add3A_540 = arith.addi %squeeze3A_477, %add3A_539 : i32
            %broadcast_in_dim3A_541 = vector.broadcast %add3A_540 : i32 to vector<16xi32>
            tpu.vector_store_idx %arg10[%broadcast_in_dim3A_1], %broadcast_in_dim3A_541 masked %eq3A_3 : memref<16xi32, #tpu.memory_space<vmem>>[vector<16xi32>], vector<16xi32>, vector<16xi1>
            %ne3A_542 = arith.cmpi ne, %iota3A, %all_reduce_ffs3A : vector<16xi32>
            %and3A_543 = arith.andi %while3A_458, %ne3A_542 : vector<16xi1>
            scf.yield %and3A_543 : vector<16xi1>
          }
          %while3A_455 = arith.constant 1 : i32
          %while3A_456 = scf.for %while3A_457 = %while3A_452 to %while3A_448 step %while3A_455 iter_args(%while3A_458 = %while3A_454) -> (vector<16xi1>)  : i32 {
            %all_reduce_ffs3A = tpu.all_reduce %while3A_458 {dim = 0 : i64, kind = #tpu.reduction_kind<find_first_set>} : vector<16xi1> -> vector<16xi32>
            %mul3A_459 = arith.constant 16 : i32
            %mul3A_460 = arith.muli %while3A_430, %mul3A_459 : i32
            %add3A_461 = vector.broadcast %mul3A_460 : i32 to vector<16xi32>
            %add3A_462 = arith.addi %all_reduce_ffs3A, %add3A_461 : vector<16xi32>
            %gather3A_463 = tpu.vector_load_idx %arg5[%add3A_462] : memref<16400xi32, #tpu.memory_space<vmem>>[vector<16xi32>], vector<16xi32>,
            %shift_right_arithmetic3A_464 = arith.constant 14 : i32
            %shift_right_arithmetic3A_465 = vector.broadcast %shift_right_arithmetic3A_464 : i32 to vector<16xi32>
            %shift_right_arithmetic3A_466 = arith.shrsi %gather3A_463, %shift_right_arithmetic3A_465 : vector<16xi32>
            %and3A_467 = arith.constant 255 : i32
            %and3A_468 = vector.broadcast %and3A_467 : i32 to vector<16xi32>
            %and3A_469 = arith.andi %shift_right_arithmetic3A_466, %and3A_468 : vector<16xi32>
            %and3A_470 = arith.constant 16383 : i32
            %and3A_471 = vector.broadcast %and3A_470 : i32 to vector<16xi32>
            %and3A_472 = arith.andi %gather3A_463, %and3A_471 : vector<16xi32>
            %slice3A_473 = vector.extract_strided_slice %and3A_472 {offsets = [0], sizes = [1], strides = [1]} : vector<16xi32> to vector<1xi32>
            %squeeze3A_474 = vector.extract %slice3A_473[0] : i32 from vector<1xi32>
            %gather3A_475 = tpu.vector_load_idx %arg10[%broadcast_in_dim3A_1] : memref<16xi32, #tpu.memory_space<vmem>>[vector<16xi32>], vector<16xi32>,
            %slice3A_476 = vector.extract_strided_slice %gather3A_475 {offsets = [0], sizes = [1], strides = [1]} : vector<16xi32> to vector<1xi32>
            %squeeze3A_477 = vector.extract %slice3A_476[0] : i32 from vector<1xi32>
            %ge3A_478 = arith.constant 32 : i32
            %ge3A_479 = arith.cmpi sge, %squeeze3A_477, %ge3A_478 : i32
            %convert_element_type3A_480 = arith.extui %ge3A_479 : i1 to i32
            %cond3A_481 = arith.constant 0 : i32
            %cond3A_482 = arith.cmpi ne, %convert_element_type3A_480, %cond3A_481 : i32
            scf.if %cond3A_482 {
              %dma_wait3A_544 = arith.constant 0 : i32
              %dma_wait3A_545 = arith.constant 0 : i32
              %dma_wait3A_546 = tpu.memref_slice %arg9[%dma_wait3A_544, %dma_wait3A_545] : memref<32x64xf32, #tpu.memory_space<vmem>> -> memref<1x64xf32, #tpu.memory_space<vmem>>
              %dma_wait3A_547 = arith.constant 0 : i32
              %dma_wait3A_548 = arith.constant 0 : i32
              %dma_wait3A_549 = tpu.memref_slice %arg4[%dma_wait3A_547, %dma_wait3A_548] : memref<16384x64xf32, #tpu.memory_space<hbm>> -> memref<1x64xf32, #tpu.memory_space<hbm>>
              %dma_wait3A_550 = arith.constant 0 : i32
              %dma_wait3A_551 = arith.constant 0 : i32
              %dma_wait3A_552 = tpu.memref_slice %arg9[%dma_wait3A_550, %dma_wait3A_551] : memref<32x64xf32, #tpu.memory_space<vmem>> -> memref<1x64xf32, #tpu.memory_space<vmem>>
              %dma_wait3A_553 = arith.constant 0 : i32
              %dma_wait3A_554 = arith.constant 0 : i32
              %dma_wait3A_555 = tpu.memref_slice %arg4[%dma_wait3A_553, %dma_wait3A_554] : memref<16384x64xf32, #tpu.memory_space<hbm>> -> memref<1x64xf32, #tpu.memory_space<hbm>>
              tpu.wait_dma2 semaphore(%arg17 : memref<!tpu.dma_semaphore, #tpu.memory_space<semaphore_mem>>) src(%dma_wait3A_555 : memref<1x64xf32, #tpu.memory_space<hbm>>) dst(%dma_wait3A_552 : memref<1x64xf32, #tpu.memory_space<vmem>>)
            } else {
            }
            %jit3A_483 = arith.constant 32 : i32
            %eq3A_484 = arith.constant 0 : i32
            %eq3A_485 = arith.cmpi eq, %jit3A_483, %eq3A_484 : i32
            %jit3A_486 = arith.constant 1 : i32
            %select_n3A_487 = arith.select %eq3A_485, %jit3A_486, %jit3A_483 : i32
            %rem3A_488 = arith.remsi %squeeze3A_477, %select_n3A_487 : i32
            %ne3A_489 = arith.constant 0 : i32
            %ne3A_490 = arith.cmpi ne, %rem3A_488, %ne3A_489 : i32
            %lt3A_491 = arith.constant 0 : i32
            %lt3A_492 = arith.cmpi slt, %rem3A_488, %lt3A_491 : i32
            %lt3A_493 = arith.constant 0 : i32
            %lt3A_494 = arith.cmpi slt, %select_n3A_487, %lt3A_493 : i32
            %ne3A_495 = arith.xori %lt3A_492, %lt3A_494 : i1
            %and3A_496 = arith.andi %ne3A_495, %ne3A_490 : i1
            %add3A_497 = arith.addi %rem3A_488, %select_n3A_487 : i32
            %select_n3A_498 = arith.select %and3A_496, %add3A_497, %rem3A_488 : i32
            %gather3A_499 = arith.constant 0 : i32
            %gather3A_500 = arith.constant 0 : i32
            %gather3A_501 = tpu.memref_slice %arg7[%while3A_421, %gather3A_499, %gather3A_500] : memref<5x64x256xf32, #tpu.memory_space<vmem>> -> memref<1x64x256xf32, #tpu.memory_space<vmem>>
            %gather3A_502 = tpu.memref_squeeze %gather3A_501 : memref<1x64x256xf32, #tpu.memory_space<vmem>> -> memref<64x256xf32, #tpu.memory_space<vmem>>
            %gather3A_503 = tpu.vector_load_idx %gather3A_502[%add3A_6, %and3A_469] : memref<64x256xf32, #tpu.memory_space<vmem>>[vector<16xi32>, vector<16xi32>], vector<16xf32>,
            %swap3A_504 = arith.index_cast %select_n3A_498 : i32 to index
            %swap3A_505 = arith.constant 0 : index
            %swap3A_506 = tpu.vector_load %arg9[%swap3A_504, %swap3A_505] {strides = array<i32>} : memref<32x64xf32, #tpu.memory_space<vmem>>, vector<16xf32>,
            tpu.vector_store %arg9[%swap3A_504, %swap3A_505], %gather3A_503 {strides = array<i32>} : memref<32x64xf32, #tpu.memory_space<vmem>>, vector<16xf32>,
            %gather3A_507 = arith.constant 0 : i32
            %gather3A_508 = arith.constant 0 : i32
            %gather3A_509 = tpu.memref_slice %arg7[%while3A_421, %gather3A_507, %gather3A_508] : memref<5x64x256xf32, #tpu.memory_space<vmem>> -> memref<1x64x256xf32, #tpu.memory_space<vmem>>
            %gather3A_510 = tpu.memref_squeeze %gather3A_509 : memref<1x64x256xf32, #tpu.memory_space<vmem>> -> memref<64x256xf32, #tpu.memory_space<vmem>>
            %gather3A_511 = tpu.vector_load_idx %gather3A_510[%add3A_9, %and3A_469] : memref<64x256xf32, #tpu.memory_space<vmem>>[vector<16xi32>, vector<16xi32>], vector<16xf32>,
            %swap3A_512 = arith.index_cast %select_n3A_498 : i32 to index
            %swap3A_513 = arith.constant 16 : index
            %swap3A_514 = tpu.vector_load %arg9[%swap3A_512, %swap3A_513] {strides = array<i32>} : memref<32x64xf32, #tpu.memory_space<vmem>>, vector<16xf32>,
            tpu.vector_store %arg9[%swap3A_512, %swap3A_513], %gather3A_511 {strides = array<i32>} : memref<32x64xf32, #tpu.memory_space<vmem>>, vector<16xf32>,
            %gather3A_515 = arith.constant 0 : i32
            %gather3A_516 = arith.constant 0 : i32
            %gather3A_517 = tpu.memref_slice %arg7[%while3A_421, %gather3A_515, %gather3A_516] : memref<5x64x256xf32, #tpu.memory_space<vmem>> -> memref<1x64x256xf32, #tpu.memory_space<vmem>>
            %gather3A_518 = tpu.memref_squeeze %gather3A_517 : memref<1x64x256xf32, #tpu.memory_space<vmem>> -> memref<64x256xf32, #tpu.memory_space<vmem>>
            %gather3A_519 = tpu.vector_load_idx %gather3A_518[%add3A_12, %and3A_469] : memref<64x256xf32, #tpu.memory_space<vmem>>[vector<16xi32>, vector<16xi32>], vector<16xf32>,
            %swap3A_520 = arith.index_cast %select_n3A_498 : i32 to index
            %swap3A_521 = arith.constant 32 : index
            %swap3A_522 = tpu.vector_load %arg9[%swap3A_520, %swap3A_521] {strides = array<i32>} : memref<32x64xf32, #tpu.memory_space<vmem>>, vector<16xf32>,
            tpu.vector_store %arg9[%swap3A_520, %swap3A_521], %gather3A_519 {strides = array<i32>} : memref<32x64xf32, #tpu.memory_space<vmem>>, vector<16xf32>,
            %gather3A_523 = arith.constant 0 : i32
            %gather3A_524 = arith.constant 0 : i32
            %gather3A_525 = tpu.memref_slice %arg7[%while3A_421, %gather3A_523, %gather3A_524] : memref<5x64x256xf32, #tpu.memory_space<vmem>> -> memref<1x64x256xf32, #tpu.memory_space<vmem>>
            %gather3A_526 = tpu.memref_squeeze %gather3A_525 : memref<1x64x256xf32, #tpu.memory_space<vmem>> -> memref<64x256xf32, #tpu.memory_space<vmem>>
            %gather3A_527 = tpu.vector_load_idx %gather3A_526[%add3A_15, %and3A_469] : memref<64x256xf32, #tpu.memory_space<vmem>>[vector<16xi32>, vector<16xi32>], vector<16xf32>,
            %swap3A_528 = arith.index_cast %select_n3A_498 : i32 to index
            %swap3A_529 = arith.constant 48 : index
            %swap3A_530 = tpu.vector_load %arg9[%swap3A_528, %swap3A_529] {strides = array<i32>} : memref<32x64xf32, #tpu.memory_space<vmem>>, vector<16xf32>,
            tpu.vector_store %arg9[%swap3A_528, %swap3A_529], %gather3A_527 {strides = array<i32>} : memref<32x64xf32, #tpu.memory_space<vmem>>, vector<16xf32>,
            %dma_start3A_531 = arith.constant 0 : i32
            %dma_start3A_532 = tpu.memref_slice %arg9[%select_n3A_498, %dma_start3A_531] : memref<32x64xf32, #tpu.memory_space<vmem>> -> memref<1x64xf32, #tpu.memory_space<vmem>>
            %dma_start3A_533 = arith.constant 0 : i32
            %dma_start3A_534 = tpu.memref_slice %arg4[%squeeze3A_474, %dma_start3A_533] : memref<16384x64xf32, #tpu.memory_space<hbm>> -> memref<1x64xf32, #tpu.memory_space<hbm>>
            %dma_start3A_535 = arith.constant 0 : i32
            %dma_start3A_536 = tpu.memref_slice %arg4[%squeeze3A_474, %dma_start3A_535] : memref<16384x64xf32, #tpu.memory_space<hbm>> -> memref<1x64xf32, #tpu.memory_space<hbm>>
            %dma_start3A_537 = arith.constant 0 : i32
            %dma_start3A_538 = tpu.memref_slice %arg9[%select_n3A_498, %dma_start3A_537] : memref<32x64xf32, #tpu.memory_space<vmem>> -> memref<1x64xf32, #tpu.memory_space<vmem>>
            tpu.enqueue_dma source(%dma_start3A_538 : memref<1x64xf32, #tpu.memory_space<vmem>>) target(%dma_start3A_536 : memref<1x64xf32, #tpu.memory_space<hbm>>) target_semaphore(%arg17 : memref<!tpu.dma_semaphore, #tpu.memory_space<semaphore_mem>>)
            %add3A_539 = arith.constant 1 : i32
            %add3A_540 = arith.addi %squeeze3A_477, %add3A_539 : i32
            %broadcast_in_dim3A_541 = vector.broadcast %add3A_540 : i32 to vector<16xi32>
            tpu.vector_store_idx %arg10[%broadcast_in_dim3A_1], %broadcast_in_dim3A_541 masked %eq3A_3 : memref<16xi32, #tpu.memory_space<vmem>>[vector<16xi32>], vector<16xi32>, vector<16xi1>
            %ne3A_542 = arith.cmpi ne, %iota3A, %all_reduce_ffs3A : vector<16xi32>
            %and3A_543 = arith.andi %while3A_458, %ne3A_542 : vector<16xi1>
            scf.yield %and3A_543 : vector<16xi1>
          }
        }
      } else {
      }
      %mul3A_305 = arith.constant 5 : i32
      %mul3A_306 = arith.muli %scan3A_273, %mul3A_305 : i32
      %add3A_307 = arith.constant 4 : i32
      %add3A_308 = arith.addi %mul3A_306, %add3A_307 : i32
      %lt3A_309 = arith.cmpi slt, %add3A_308, %min3A_181 : i32
      %convert_element_type3A_310 = arith.extui %lt3A_309 : i1 to i32
      %cond3A_311 = arith.constant 0 : i32
      %cond3A_312 = arith.cmpi ne, %convert_element_type3A_310, %cond3A_311 : i32
      scf.if %cond3A_312 {
        %add3A_313 = arith.constant 4 : i32
        %add3A_314 = arith.addi %add3A_308, %add3A_313 : i32
        %lt3A_315 = arith.cmpi slt, %add3A_314, %min3A_181 : i32
        %convert_element_type3A_316 = arith.extui %lt3A_315 : i1 to i32
        %cond3A_317 = arith.constant 0 : i32
        %cond3A_318 = arith.cmpi ne, %convert_element_type3A_316, %cond3A_317 : i32
        scf.if %cond3A_318 {
          %add3A_430 = arith.constant 4 : i32
          %add3A_431 = arith.addi %add3A_308, %add3A_430 : i32
          %add3A_432 = arith.addi %mul3A_20, %add3A_431 : i32
          %mul3A_433 = arith.constant 256 : i32
          %mul3A_434 = arith.muli %add3A_432, %mul3A_433 : i32
          %multiple_of3A_435 = tpu.assume_multiple %mul3A_434, 128 : i32
          %dma_start3A_436 = arith.constant 3 : i32
          %dma_start3A_437 = arith.constant 0 : i32
          %dma_start3A_438 = arith.constant 0 : i32
          %dma_start3A_439 = tpu.memref_slice %arg7[%dma_start3A_436, %dma_start3A_437, %dma_start3A_438] : memref<5x64x256xf32, #tpu.memory_space<vmem>> -> memref<1x64x256xf32, #tpu.memory_space<vmem>>
          %dma_start3A_440 = tpu.memref_squeeze %dma_start3A_439 : memref<1x64x256xf32, #tpu.memory_space<vmem>> -> memref<64x256xf32, #tpu.memory_space<vmem>>
          %dma_start3A_441 = arith.constant 0 : i32
          %dma_start3A_442 = tpu.memref_slice %arg3[%dma_start3A_441, %multiple_of3A_435] : memref<64x1000001xf32, #tpu.memory_space<hbm>> -> memref<64x256xf32, #tpu.memory_space<hbm>>
          %dma_start3A_443 = arith.constant 0 : i32
          %dma_start3A_444 = arith.constant 0 : i32
          %dma_start3A_445 = tpu.memref_slice %arg7[%dma_start3A_436, %dma_start3A_443, %dma_start3A_444] : memref<5x64x256xf32, #tpu.memory_space<vmem>> -> memref<1x64x256xf32, #tpu.memory_space<vmem>>
          %dma_start3A_446 = tpu.memref_squeeze %dma_start3A_445 : memref<1x64x256xf32, #tpu.memory_space<vmem>> -> memref<64x256xf32, #tpu.memory_space<vmem>>
          %dma_start3A_447 = arith.constant 0 : i32
          %dma_start3A_448 = tpu.memref_slice %arg3[%dma_start3A_447, %multiple_of3A_435] : memref<64x1000001xf32, #tpu.memory_space<hbm>> -> memref<64x256xf32, #tpu.memory_space<hbm>>
          tpu.enqueue_dma source(%dma_start3A_448 : memref<64x256xf32, #tpu.memory_space<hbm>>) target(%dma_start3A_446 : memref<64x256xf32, #tpu.memory_space<vmem>>) target_semaphore(%arg15 : memref<!tpu.dma_semaphore, #tpu.memory_space<semaphore_mem>>)
        } else {
        }
        %dma_wait3A = arith.constant 4 : i32
        %dma_wait3A_319 = arith.constant 0 : i32
        %dma_wait3A_320 = arith.constant 0 : i32
        %dma_wait3A_321 = tpu.memref_slice %arg7[%dma_wait3A, %dma_wait3A_319, %dma_wait3A_320] : memref<5x64x256xf32, #tpu.memory_space<vmem>> -> memref<1x64x256xf32, #tpu.memory_space<vmem>>
        %dma_wait3A_322 = tpu.memref_squeeze %dma_wait3A_321 : memref<1x64x256xf32, #tpu.memory_space<vmem>> -> memref<64x256xf32, #tpu.memory_space<vmem>>
        %dma_wait3A_323 = arith.constant 0 : i32
        %dma_wait3A_324 = arith.constant 0 : i32
        %dma_wait3A_325 = tpu.memref_slice %arg3[%dma_wait3A_323, %dma_wait3A_324] : memref<64x1000001xf32, #tpu.memory_space<hbm>> -> memref<64x256xf32, #tpu.memory_space<hbm>>
        %dma_wait3A_326 = arith.constant 0 : i32
        %dma_wait3A_327 = arith.constant 0 : i32
        %dma_wait3A_328 = tpu.memref_slice %arg7[%dma_wait3A, %dma_wait3A_326, %dma_wait3A_327] : memref<5x64x256xf32, #tpu.memory_space<vmem>> -> memref<1x64x256xf32, #tpu.memory_space<vmem>>
        %dma_wait3A_329 = tpu.memref_squeeze %dma_wait3A_328 : memref<1x64x256xf32, #tpu.memory_space<vmem>> -> memref<64x256xf32, #tpu.memory_space<vmem>>
        %dma_wait3A_330 = arith.constant 0 : i32
        %dma_wait3A_331 = arith.constant 0 : i32
        %dma_wait3A_332 = tpu.memref_slice %arg3[%dma_wait3A_330, %dma_wait3A_331] : memref<64x1000001xf32, #tpu.memory_space<hbm>> -> memref<64x256xf32, #tpu.memory_space<hbm>>
        tpu.wait_dma2 semaphore(%arg16 : memref<!tpu.dma_semaphore, #tpu.memory_space<semaphore_mem>>) src(%dma_wait3A_332 : memref<64x256xf32, #tpu.memory_space<hbm>>) dst(%dma_wait3A_329 : memref<64x256xf32, #tpu.memory_space<vmem>>)
        %jit3A_333 = arith.constant 16 : i32
        %div3A_334 = arith.divsi %add3A_308, %jit3A_333 : i32
        %sign3A_335 = arith.constant 0 : i32
        %sign3A_336 = arith.cmpi sgt, %add3A_308, %sign3A_335 : i32
        %sign3A_337 = arith.extui %sign3A_336 : i1 to i32
        %sign3A_338 = arith.constant 0 : i32
        %sign3A_339 = arith.cmpi slt, %add3A_308, %sign3A_338 : i32
        %sign3A_340 = arith.extui %sign3A_339 : i1 to i32
        %sign3A_341 = arith.subi %sign3A_337, %sign3A_340 : i32
        %sign3A_342 = arith.constant 0 : i32
        %sign3A_343 = arith.cmpi sgt, %jit3A_333, %sign3A_342 : i32
        %sign3A_344 = arith.extui %sign3A_343 : i1 to i32
        %sign3A_345 = arith.constant 0 : i32
        %sign3A_346 = arith.cmpi slt, %jit3A_333, %sign3A_345 : i32
        %sign3A_347 = arith.extui %sign3A_346 : i1 to i32
        %sign3A_348 = arith.subi %sign3A_344, %sign3A_347 : i32
        %ne3A_349 = arith.cmpi ne, %sign3A_341, %sign3A_348 : i32
        %rem3A_350 = arith.remsi %add3A_308, %jit3A_333 : i32
        %ne3A_351 = arith.constant 0 : i32
        %ne3A_352 = arith.cmpi ne, %rem3A_350, %ne3A_351 : i32
        %and3A_353 = arith.andi %ne3A_349, %ne3A_352 : i1
        %sub3A_354 = arith.constant 1 : i32
        %sub3A_355 = arith.subi %div3A_334, %sub3A_354 : i32
        %select_n3A_356 = arith.select %and3A_353, %sub3A_355, %div3A_334 : i32
        %broadcast_in_dim3A_357 = vector.broadcast %select_n3A_356 : i32 to vector<16xi32>
        %gather3A_358 = tpu.vector_load_idx %arg11[%broadcast_in_dim3A_357] : memref<16xi32, #tpu.memory_space<vmem>>[vector<16xi32>], vector<16xi32>,
        %add3A_359 = arith.constant 1 : i32
        %add3A_360 = arith.addi %select_n3A_356, %add3A_359 : i32
        %broadcast_in_dim3A_361 = vector.broadcast %add3A_360 : i32 to vector<16xi32>
        %gather3A_362 = tpu.vector_load_idx %arg11[%broadcast_in_dim3A_361] : memref<16xi32, #tpu.memory_space<vmem>>[vector<16xi32>], vector<16xi32>,
        %broadcast_in_dim3A_363 = vector.broadcast %add3A_308 : i32 to vector<16xi32>
        %slice3A_364 = vector.extract_strided_slice %gather3A_358 {offsets = [0], sizes = [1], strides = [1]} : vector<16xi32> to vector<1xi32>
        %squeeze3A_365 = vector.extract %slice3A_364[0] : i32 from vector<1xi32>
        %jit3A_366 = arith.constant 16 : i32
        %div3A_367 = arith.divsi %squeeze3A_365, %jit3A_366 : i32
        %sign3A_368 = arith.constant 0 : i32
        %sign3A_369 = arith.cmpi sgt, %squeeze3A_365, %sign3A_368 : i32
        %sign3A_370 = arith.extui %sign3A_369 : i1 to i32
        %sign3A_371 = arith.constant 0 : i32
        %sign3A_372 = arith.cmpi slt, %squeeze3A_365, %sign3A_371 : i32
        %sign3A_373 = arith.extui %sign3A_372 : i1 to i32
        %sign3A_374 = arith.subi %sign3A_370, %sign3A_373 : i32
        %sign3A_375 = arith.constant 0 : i32
        %sign3A_376 = arith.cmpi sgt, %jit3A_366, %sign3A_375 : i32
        %sign3A_377 = arith.extui %sign3A_376 : i1 to i32
        %sign3A_378 = arith.constant 0 : i32
        %sign3A_379 = arith.cmpi slt, %jit3A_366, %sign3A_378 : i32
        %sign3A_380 = arith.extui %sign3A_379 : i1 to i32
        %sign3A_381 = arith.subi %sign3A_377, %sign3A_380 : i32
        %ne3A_382 = arith.cmpi ne, %sign3A_374, %sign3A_381 : i32
        %rem3A_383 = arith.remsi %squeeze3A_365, %jit3A_366 : i32
        %ne3A_384 = arith.constant 0 : i32
        %ne3A_385 = arith.cmpi ne, %rem3A_383, %ne3A_384 : i32
        %and3A_386 = arith.andi %ne3A_382, %ne3A_385 : i1
        %sub3A_387 = arith.constant 1 : i32
        %sub3A_388 = arith.subi %div3A_367, %sub3A_387 : i32
        %select_n3A_389 = arith.select %and3A_386, %sub3A_388, %div3A_367 : i32
        %slice3A_390 = vector.extract_strided_slice %gather3A_362 {offsets = [0], sizes = [1], strides = [1]} : vector<16xi32> to vector<1xi32>
        %squeeze3A_391 = vector.extract %slice3A_390[0] : i32 from vector<1xi32>
        %add3A_392 = arith.constant 16 : i32
        %add3A_393 = arith.addi %squeeze3A_391, %add3A_392 : i32
        %sub3A_394 = arith.constant 1 : i32
        %sub3A_395 = arith.subi %add3A_393, %sub3A_394 : i32
        %jit3A_396 = arith.constant 16 : i32
        %div3A_397 = arith.divsi %sub3A_395, %jit3A_396 : i32
        %sign3A_398 = arith.constant 0 : i32
        %sign3A_399 = arith.cmpi sgt, %sub3A_395, %sign3A_398 : i32
        %sign3A_400 = arith.extui %sign3A_399 : i1 to i32
        %sign3A_401 = arith.constant 0 : i32
        %sign3A_402 = arith.cmpi slt, %sub3A_395, %sign3A_401 : i32
        %sign3A_403 = arith.extui %sign3A_402 : i1 to i32
        %sign3A_404 = arith.subi %sign3A_400, %sign3A_403 : i32
        %sign3A_405 = arith.constant 0 : i32
        %sign3A_406 = arith.cmpi sgt, %jit3A_396, %sign3A_405 : i32
        %sign3A_407 = arith.extui %sign3A_406 : i1 to i32
        %sign3A_408 = arith.constant 0 : i32
        %sign3A_409 = arith.cmpi slt, %jit3A_396, %sign3A_408 : i32
        %sign3A_410 = arith.extui %sign3A_409 : i1 to i32
        %sign3A_411 = arith.subi %sign3A_407, %sign3A_410 : i32
        %ne3A_412 = arith.cmpi ne, %sign3A_404, %sign3A_411 : i32
        %rem3A_413 = arith.remsi %sub3A_395, %jit3A_396 : i32
        %ne3A_414 = arith.constant 0 : i32
        %ne3A_415 = arith.cmpi ne, %rem3A_413, %ne3A_414 : i32
        %and3A_416 = arith.andi %ne3A_412, %ne3A_415 : i1
        %sub3A_417 = arith.constant 1 : i32
        %sub3A_418 = arith.subi %div3A_397, %sub3A_417 : i32
        %select_n3A_419 = arith.select %and3A_416, %sub3A_418, %div3A_397 : i32
        %while3A_420 = arith.constant 0 : i32
        %while3A_421 = arith.constant 4 : i32
        %while3A_422 = arith.subi %select_n3A_419, %select_n3A_389 : i32
        %while3A_423 = arith.addi %select_n3A_389, %while3A_422 : i32
        %while3A_424 = arith.constant 1 : i32
        %while3A_425 = arith.divsi %while3A_422, %while3A_424 : i32
        %while3A_426 = arith.muli %while3A_425, %while3A_424 : i32
        %while3A_427 = arith.addi %select_n3A_389, %while3A_426 : i32
        %while3A_428 = arith.constant 1 : i32
        scf.for %while3A_430 = %select_n3A_389 to %while3A_427 step %while3A_428  : i32 {
          %mul3A_431 = arith.constant 16 : i32
          %mul3A_432 = arith.muli %while3A_430, %mul3A_431 : i32
          %get3A = arith.index_cast %mul3A_432 : i32 to index
          %get3A_433 = tpu.vector_load %arg5[%get3A] {strides = array<i32>} : memref<16400xi32, #tpu.memory_space<vmem>>, vector<16xi32>,
          %mul3A_434 = arith.constant 16 : i32
          %mul3A_435 = arith.muli %while3A_430, %mul3A_434 : i32
          %add3A_436 = vector.broadcast %mul3A_435 : i32 to vector<16xi32>
          %add3A_437 = arith.addi %iota3A, %add3A_436 : vector<16xi32>
          %ge3A = arith.cmpi sge, %add3A_437, %gather3A_358 : vector<16xi32>
          %lt3A_438 = arith.cmpi slt, %add3A_437, %gather3A_362 : vector<16xi32>
          %and3A_439 = arith.andi %ge3A, %lt3A_438 : vector<16xi1>
          %shift_right_arithmetic3A = arith.constant 22 : i32
          %shift_right_arithmetic3A_440 = vector.broadcast %shift_right_arithmetic3A : i32 to vector<16xi32>
          %shift_right_arithmetic3A_441 = arith.shrsi %get3A_433, %shift_right_arithmetic3A_440 : vector<16xi32>
          %eq3A_442 = arith.cmpi eq, %shift_right_arithmetic3A_441, %broadcast_in_dim3A_363 : vector<16xi32>
          %and3A_443 = arith.andi %eq3A_442, %and3A_439 : vector<16xi1>
          %all_reduce_population_count3A = tpu.all_reduce %and3A_443 {dim = 0 : i64, kind = #tpu.reduction_kind<sum>} : vector<16xi1> -> vector<16xi32>
          %slice3A_444 = vector.extract_strided_slice %all_reduce_population_count3A {offsets = [0], sizes = [1], strides = [1]} : vector<16xi32> to vector<1xi32>
          %squeeze3A_445 = vector.extract %slice3A_444[0] : i32 from vector<1xi32>
          %while3A_446 = arith.constant 0 : i32
          %while3A_447 = arith.subi %squeeze3A_445, %while3A_446 : i32
          %while3A_448 = arith.addi %while3A_446, %while3A_447 : i32
          %while3A_449 = arith.constant 1 : i32
          %while3A_450 = arith.divsi %while3A_447, %while3A_449 : i32
          %while3A_451 = arith.muli %while3A_450, %while3A_449 : i32
          %while3A_452 = arith.addi %while3A_446, %while3A_451 : i32
          %while3A_453 = arith.constant 1 : i32
          %while3A_454 = scf.for %while3A_457 = %while3A_446 to %while3A_452 step %while3A_453 iter_args(%while3A_458 = %and3A_443) -> (vector<16xi1>)  : i32 {
            %all_reduce_ffs3A = tpu.all_reduce %while3A_458 {dim = 0 : i64, kind = #tpu.reduction_kind<find_first_set>} : vector<16xi1> -> vector<16xi32>
            %mul3A_459 = arith.constant 16 : i32
            %mul3A_460 = arith.muli %while3A_430, %mul3A_459 : i32
            %add3A_461 = vector.broadcast %mul3A_460 : i32 to vector<16xi32>
            %add3A_462 = arith.addi %all_reduce_ffs3A, %add3A_461 : vector<16xi32>
            %gather3A_463 = tpu.vector_load_idx %arg5[%add3A_462] : memref<16400xi32, #tpu.memory_space<vmem>>[vector<16xi32>], vector<16xi32>,
            %shift_right_arithmetic3A_464 = arith.constant 14 : i32
            %shift_right_arithmetic3A_465 = vector.broadcast %shift_right_arithmetic3A_464 : i32 to vector<16xi32>
            %shift_right_arithmetic3A_466 = arith.shrsi %gather3A_463, %shift_right_arithmetic3A_465 : vector<16xi32>
            %and3A_467 = arith.constant 255 : i32
            %and3A_468 = vector.broadcast %and3A_467 : i32 to vector<16xi32>
            %and3A_469 = arith.andi %shift_right_arithmetic3A_466, %and3A_468 : vector<16xi32>
            %and3A_470 = arith.constant 16383 : i32
            %and3A_471 = vector.broadcast %and3A_470 : i32 to vector<16xi32>
            %and3A_472 = arith.andi %gather3A_463, %and3A_471 : vector<16xi32>
            %slice3A_473 = vector.extract_strided_slice %and3A_472 {offsets = [0], sizes = [1], strides = [1]} : vector<16xi32> to vector<1xi32>
            %squeeze3A_474 = vector.extract %slice3A_473[0] : i32 from vector<1xi32>
            %gather3A_475 = tpu.vector_load_idx %arg10[%broadcast_in_dim3A_1] : memref<16xi32, #tpu.memory_space<vmem>>[vector<16xi32>], vector<16xi32>,
            %slice3A_476 = vector.extract_strided_slice %gather3A_475 {offsets = [0], sizes = [1], strides = [1]} : vector<16xi32> to vector<1xi32>
            %squeeze3A_477 = vector.extract %slice3A_476[0] : i32 from vector<1xi32>
            %ge3A_478 = arith.constant 32 : i32
            %ge3A_479 = arith.cmpi sge, %squeeze3A_477, %ge3A_478 : i32
            %convert_element_type3A_480 = arith.extui %ge3A_479 : i1 to i32
            %cond3A_481 = arith.constant 0 : i32
            %cond3A_482 = arith.cmpi ne, %convert_element_type3A_480, %cond3A_481 : i32
            scf.if %cond3A_482 {
              %dma_wait3A_544 = arith.constant 0 : i32
              %dma_wait3A_545 = arith.constant 0 : i32
              %dma_wait3A_546 = tpu.memref_slice %arg9[%dma_wait3A_544, %dma_wait3A_545] : memref<32x64xf32, #tpu.memory_space<vmem>> -> memref<1x64xf32, #tpu.memory_space<vmem>>
              %dma_wait3A_547 = arith.constant 0 : i32
              %dma_wait3A_548 = arith.constant 0 : i32
              %dma_wait3A_549 = tpu.memref_slice %arg4[%dma_wait3A_547, %dma_wait3A_548] : memref<16384x64xf32, #tpu.memory_space<hbm>> -> memref<1x64xf32, #tpu.memory_space<hbm>>
              %dma_wait3A_550 = arith.constant 0 : i32
              %dma_wait3A_551 = arith.constant 0 : i32
              %dma_wait3A_552 = tpu.memref_slice %arg9[%dma_wait3A_550, %dma_wait3A_551] : memref<32x64xf32, #tpu.memory_space<vmem>> -> memref<1x64xf32, #tpu.memory_space<vmem>>
              %dma_wait3A_553 = arith.constant 0 : i32
              %dma_wait3A_554 = arith.constant 0 : i32
              %dma_wait3A_555 = tpu.memref_slice %arg4[%dma_wait3A_553, %dma_wait3A_554] : memref<16384x64xf32, #tpu.memory_space<hbm>> -> memref<1x64xf32, #tpu.memory_space<hbm>>
              tpu.wait_dma2 semaphore(%arg17 : memref<!tpu.dma_semaphore, #tpu.memory_space<semaphore_mem>>) src(%dma_wait3A_555 : memref<1x64xf32, #tpu.memory_space<hbm>>) dst(%dma_wait3A_552 : memref<1x64xf32, #tpu.memory_space<vmem>>)
            } else {
            }
            %jit3A_483 = arith.constant 32 : i32
            %eq3A_484 = arith.constant 0 : i32
            %eq3A_485 = arith.cmpi eq, %jit3A_483, %eq3A_484 : i32
            %jit3A_486 = arith.constant 1 : i32
            %select_n3A_487 = arith.select %eq3A_485, %jit3A_486, %jit3A_483 : i32
            %rem3A_488 = arith.remsi %squeeze3A_477, %select_n3A_487 : i32
            %ne3A_489 = arith.constant 0 : i32
            %ne3A_490 = arith.cmpi ne, %rem3A_488, %ne3A_489 : i32
            %lt3A_491 = arith.constant 0 : i32
            %lt3A_492 = arith.cmpi slt, %rem3A_488, %lt3A_491 : i32
            %lt3A_493 = arith.constant 0 : i32
            %lt3A_494 = arith.cmpi slt, %select_n3A_487, %lt3A_493 : i32
            %ne3A_495 = arith.xori %lt3A_492, %lt3A_494 : i1
            %and3A_496 = arith.andi %ne3A_495, %ne3A_490 : i1
            %add3A_497 = arith.addi %rem3A_488, %select_n3A_487 : i32
            %select_n3A_498 = arith.select %and3A_496, %add3A_497, %rem3A_488 : i32
            %gather3A_499 = arith.constant 0 : i32
            %gather3A_500 = arith.constant 0 : i32
            %gather3A_501 = tpu.memref_slice %arg7[%while3A_421, %gather3A_499, %gather3A_500] : memref<5x64x256xf32, #tpu.memory_space<vmem>> -> memref<1x64x256xf32, #tpu.memory_space<vmem>>
            %gather3A_502 = tpu.memref_squeeze %gather3A_501 : memref<1x64x256xf32, #tpu.memory_space<vmem>> -> memref<64x256xf32, #tpu.memory_space<vmem>>
            %gather3A_503 = tpu.vector_load_idx %gather3A_502[%add3A_6, %and3A_469] : memref<64x256xf32, #tpu.memory_space<vmem>>[vector<16xi32>, vector<16xi32>], vector<16xf32>,
            %swap3A_504 = arith.index_cast %select_n3A_498 : i32 to index
            %swap3A_505 = arith.constant 0 : index
            %swap3A_506 = tpu.vector_load %arg9[%swap3A_504, %swap3A_505] {strides = array<i32>} : memref<32x64xf32, #tpu.memory_space<vmem>>, vector<16xf32>,
            tpu.vector_store %arg9[%swap3A_504, %swap3A_505], %gather3A_503 {strides = array<i32>} : memref<32x64xf32, #tpu.memory_space<vmem>>, vector<16xf32>,
            %gather3A_507 = arith.constant 0 : i32
            %gather3A_508 = arith.constant 0 : i32
            %gather3A_509 = tpu.memref_slice %arg7[%while3A_421, %gather3A_507, %gather3A_508] : memref<5x64x256xf32, #tpu.memory_space<vmem>> -> memref<1x64x256xf32, #tpu.memory_space<vmem>>
            %gather3A_510 = tpu.memref_squeeze %gather3A_509 : memref<1x64x256xf32, #tpu.memory_space<vmem>> -> memref<64x256xf32, #tpu.memory_space<vmem>>
            %gather3A_511 = tpu.vector_load_idx %gather3A_510[%add3A_9, %and3A_469] : memref<64x256xf32, #tpu.memory_space<vmem>>[vector<16xi32>, vector<16xi32>], vector<16xf32>,
            %swap3A_512 = arith.index_cast %select_n3A_498 : i32 to index
            %swap3A_513 = arith.constant 16 : index
            %swap3A_514 = tpu.vector_load %arg9[%swap3A_512, %swap3A_513] {strides = array<i32>} : memref<32x64xf32, #tpu.memory_space<vmem>>, vector<16xf32>,
            tpu.vector_store %arg9[%swap3A_512, %swap3A_513], %gather3A_511 {strides = array<i32>} : memref<32x64xf32, #tpu.memory_space<vmem>>, vector<16xf32>,
            %gather3A_515 = arith.constant 0 : i32
            %gather3A_516 = arith.constant 0 : i32
            %gather3A_517 = tpu.memref_slice %arg7[%while3A_421, %gather3A_515, %gather3A_516] : memref<5x64x256xf32, #tpu.memory_space<vmem>> -> memref<1x64x256xf32, #tpu.memory_space<vmem>>
            %gather3A_518 = tpu.memref_squeeze %gather3A_517 : memref<1x64x256xf32, #tpu.memory_space<vmem>> -> memref<64x256xf32, #tpu.memory_space<vmem>>
            %gather3A_519 = tpu.vector_load_idx %gather3A_518[%add3A_12, %and3A_469] : memref<64x256xf32, #tpu.memory_space<vmem>>[vector<16xi32>, vector<16xi32>], vector<16xf32>,
            %swap3A_520 = arith.index_cast %select_n3A_498 : i32 to index
            %swap3A_521 = arith.constant 32 : index
            %swap3A_522 = tpu.vector_load %arg9[%swap3A_520, %swap3A_521] {strides = array<i32>} : memref<32x64xf32, #tpu.memory_space<vmem>>, vector<16xf32>,
            tpu.vector_store %arg9[%swap3A_520, %swap3A_521], %gather3A_519 {strides = array<i32>} : memref<32x64xf32, #tpu.memory_space<vmem>>, vector<16xf32>,
            %gather3A_523 = arith.constant 0 : i32
            %gather3A_524 = arith.constant 0 : i32
            %gather3A_525 = tpu.memref_slice %arg7[%while3A_421, %gather3A_523, %gather3A_524] : memref<5x64x256xf32, #tpu.memory_space<vmem>> -> memref<1x64x256xf32, #tpu.memory_space<vmem>>
            %gather3A_526 = tpu.memref_squeeze %gather3A_525 : memref<1x64x256xf32, #tpu.memory_space<vmem>> -> memref<64x256xf32, #tpu.memory_space<vmem>>
            %gather3A_527 = tpu.vector_load_idx %gather3A_526[%add3A_15, %and3A_469] : memref<64x256xf32, #tpu.memory_space<vmem>>[vector<16xi32>, vector<16xi32>], vector<16xf32>,
            %swap3A_528 = arith.index_cast %select_n3A_498 : i32 to index
            %swap3A_529 = arith.constant 48 : index
            %swap3A_530 = tpu.vector_load %arg9[%swap3A_528, %swap3A_529] {strides = array<i32>} : memref<32x64xf32, #tpu.memory_space<vmem>>, vector<16xf32>,
            tpu.vector_store %arg9[%swap3A_528, %swap3A_529], %gather3A_527 {strides = array<i32>} : memref<32x64xf32, #tpu.memory_space<vmem>>, vector<16xf32>,
            %dma_start3A_531 = arith.constant 0 : i32
            %dma_start3A_532 = tpu.memref_slice %arg9[%select_n3A_498, %dma_start3A_531] : memref<32x64xf32, #tpu.memory_space<vmem>> -> memref<1x64xf32, #tpu.memory_space<vmem>>
            %dma_start3A_533 = arith.constant 0 : i32
            %dma_start3A_534 = tpu.memref_slice %arg4[%squeeze3A_474, %dma_start3A_533] : memref<16384x64xf32, #tpu.memory_space<hbm>> -> memref<1x64xf32, #tpu.memory_space<hbm>>
            %dma_start3A_535 = arith.constant 0 : i32
            %dma_start3A_536 = tpu.memref_slice %arg4[%squeeze3A_474, %dma_start3A_535] : memref<16384x64xf32, #tpu.memory_space<hbm>> -> memref<1x64xf32, #tpu.memory_space<hbm>>
            %dma_start3A_537 = arith.constant 0 : i32
            %dma_start3A_538 = tpu.memref_slice %arg9[%select_n3A_498, %dma_start3A_537] : memref<32x64xf32, #tpu.memory_space<vmem>> -> memref<1x64xf32, #tpu.memory_space<vmem>>
            tpu.enqueue_dma source(%dma_start3A_538 : memref<1x64xf32, #tpu.memory_space<vmem>>) target(%dma_start3A_536 : memref<1x64xf32, #tpu.memory_space<hbm>>) target_semaphore(%arg17 : memref<!tpu.dma_semaphore, #tpu.memory_space<semaphore_mem>>)
            %add3A_539 = arith.constant 1 : i32
            %add3A_540 = arith.addi %squeeze3A_477, %add3A_539 : i32
            %broadcast_in_dim3A_541 = vector.broadcast %add3A_540 : i32 to vector<16xi32>
            tpu.vector_store_idx %arg10[%broadcast_in_dim3A_1], %broadcast_in_dim3A_541 masked %eq3A_3 : memref<16xi32, #tpu.memory_space<vmem>>[vector<16xi32>], vector<16xi32>, vector<16xi1>
            %ne3A_542 = arith.cmpi ne, %iota3A, %all_reduce_ffs3A : vector<16xi32>
            %and3A_543 = arith.andi %while3A_458, %ne3A_542 : vector<16xi1>
            scf.yield %and3A_543 : vector<16xi1>
          }
          %while3A_455 = arith.constant 1 : i32
          %while3A_456 = scf.for %while3A_457 = %while3A_452 to %while3A_448 step %while3A_455 iter_args(%while3A_458 = %while3A_454) -> (vector<16xi1>)  : i32 {
            %all_reduce_ffs3A = tpu.all_reduce %while3A_458 {dim = 0 : i64, kind = #tpu.reduction_kind<find_first_set>} : vector<16xi1> -> vector<16xi32>
            %mul3A_459 = arith.constant 16 : i32
            %mul3A_460 = arith.muli %while3A_430, %mul3A_459 : i32
            %add3A_461 = vector.broadcast %mul3A_460 : i32 to vector<16xi32>
            %add3A_462 = arith.addi %all_reduce_ffs3A, %add3A_461 : vector<16xi32>
            %gather3A_463 = tpu.vector_load_idx %arg5[%add3A_462] : memref<16400xi32, #tpu.memory_space<vmem>>[vector<16xi32>], vector<16xi32>,
            %shift_right_arithmetic3A_464 = arith.constant 14 : i32
            %shift_right_arithmetic3A_465 = vector.broadcast %shift_right_arithmetic3A_464 : i32 to vector<16xi32>
            %shift_right_arithmetic3A_466 = arith.shrsi %gather3A_463, %shift_right_arithmetic3A_465 : vector<16xi32>
            %and3A_467 = arith.constant 255 : i32
            %and3A_468 = vector.broadcast %and3A_467 : i32 to vector<16xi32>
            %and3A_469 = arith.andi %shift_right_arithmetic3A_466, %and3A_468 : vector<16xi32>
            %and3A_470 = arith.constant 16383 : i32
            %and3A_471 = vector.broadcast %and3A_470 : i32 to vector<16xi32>
            %and3A_472 = arith.andi %gather3A_463, %and3A_471 : vector<16xi32>
            %slice3A_473 = vector.extract_strided_slice %and3A_472 {offsets = [0], sizes = [1], strides = [1]} : vector<16xi32> to vector<1xi32>
            %squeeze3A_474 = vector.extract %slice3A_473[0] : i32 from vector<1xi32>
            %gather3A_475 = tpu.vector_load_idx %arg10[%broadcast_in_dim3A_1] : memref<16xi32, #tpu.memory_space<vmem>>[vector<16xi32>], vector<16xi32>,
            %slice3A_476 = vector.extract_strided_slice %gather3A_475 {offsets = [0], sizes = [1], strides = [1]} : vector<16xi32> to vector<1xi32>
            %squeeze3A_477 = vector.extract %slice3A_476[0] : i32 from vector<1xi32>
            %ge3A_478 = arith.constant 32 : i32
            %ge3A_479 = arith.cmpi sge, %squeeze3A_477, %ge3A_478 : i32
            %convert_element_type3A_480 = arith.extui %ge3A_479 : i1 to i32
            %cond3A_481 = arith.constant 0 : i32
            %cond3A_482 = arith.cmpi ne, %convert_element_type3A_480, %cond3A_481 : i32
            scf.if %cond3A_482 {
              %dma_wait3A_544 = arith.constant 0 : i32
              %dma_wait3A_545 = arith.constant 0 : i32
              %dma_wait3A_546 = tpu.memref_slice %arg9[%dma_wait3A_544, %dma_wait3A_545] : memref<32x64xf32, #tpu.memory_space<vmem>> -> memref<1x64xf32, #tpu.memory_space<vmem>>
              %dma_wait3A_547 = arith.constant 0 : i32
              %dma_wait3A_548 = arith.constant 0 : i32
              %dma_wait3A_549 = tpu.memref_slice %arg4[%dma_wait3A_547, %dma_wait3A_548] : memref<16384x64xf32, #tpu.memory_space<hbm>> -> memref<1x64xf32, #tpu.memory_space<hbm>>
              %dma_wait3A_550 = arith.constant 0 : i32
              %dma_wait3A_551 = arith.constant 0 : i32
              %dma_wait3A_552 = tpu.memref_slice %arg9[%dma_wait3A_550, %dma_wait3A_551] : memref<32x64xf32, #tpu.memory_space<vmem>> -> memref<1x64xf32, #tpu.memory_space<vmem>>
              %dma_wait3A_553 = arith.constant 0 : i32
              %dma_wait3A_554 = arith.constant 0 : i32
              %dma_wait3A_555 = tpu.memref_slice %arg4[%dma_wait3A_553, %dma_wait3A_554] : memref<16384x64xf32, #tpu.memory_space<hbm>> -> memref<1x64xf32, #tpu.memory_space<hbm>>
              tpu.wait_dma2 semaphore(%arg17 : memref<!tpu.dma_semaphore, #tpu.memory_space<semaphore_mem>>) src(%dma_wait3A_555 : memref<1x64xf32, #tpu.memory_space<hbm>>) dst(%dma_wait3A_552 : memref<1x64xf32, #tpu.memory_space<vmem>>)
            } else {
            }
            %jit3A_483 = arith.constant 32 : i32
            %eq3A_484 = arith.constant 0 : i32
            %eq3A_485 = arith.cmpi eq, %jit3A_483, %eq3A_484 : i32
            %jit3A_486 = arith.constant 1 : i32
            %select_n3A_487 = arith.select %eq3A_485, %jit3A_486, %jit3A_483 : i32
            %rem3A_488 = arith.remsi %squeeze3A_477, %select_n3A_487 : i32
            %ne3A_489 = arith.constant 0 : i32
            %ne3A_490 = arith.cmpi ne, %rem3A_488, %ne3A_489 : i32
            %lt3A_491 = arith.constant 0 : i32
            %lt3A_492 = arith.cmpi slt, %rem3A_488, %lt3A_491 : i32
            %lt3A_493 = arith.constant 0 : i32
            %lt3A_494 = arith.cmpi slt, %select_n3A_487, %lt3A_493 : i32
            %ne3A_495 = arith.xori %lt3A_492, %lt3A_494 : i1
            %and3A_496 = arith.andi %ne3A_495, %ne3A_490 : i1
            %add3A_497 = arith.addi %rem3A_488, %select_n3A_487 : i32
            %select_n3A_498 = arith.select %and3A_496, %add3A_497, %rem3A_488 : i32
            %gather3A_499 = arith.constant 0 : i32
            %gather3A_500 = arith.constant 0 : i32
            %gather3A_501 = tpu.memref_slice %arg7[%while3A_421, %gather3A_499, %gather3A_500] : memref<5x64x256xf32, #tpu.memory_space<vmem>> -> memref<1x64x256xf32, #tpu.memory_space<vmem>>
            %gather3A_502 = tpu.memref_squeeze %gather3A_501 : memref<1x64x256xf32, #tpu.memory_space<vmem>> -> memref<64x256xf32, #tpu.memory_space<vmem>>
            %gather3A_503 = tpu.vector_load_idx %gather3A_502[%add3A_6, %and3A_469] : memref<64x256xf32, #tpu.memory_space<vmem>>[vector<16xi32>, vector<16xi32>], vector<16xf32>,
            %swap3A_504 = arith.index_cast %select_n3A_498 : i32 to index
            %swap3A_505 = arith.constant 0 : index
            %swap3A_506 = tpu.vector_load %arg9[%swap3A_504, %swap3A_505] {strides = array<i32>} : memref<32x64xf32, #tpu.memory_space<vmem>>, vector<16xf32>,
            tpu.vector_store %arg9[%swap3A_504, %swap3A_505], %gather3A_503 {strides = array<i32>} : memref<32x64xf32, #tpu.memory_space<vmem>>, vector<16xf32>,
            %gather3A_507 = arith.constant 0 : i32
            %gather3A_508 = arith.constant 0 : i32
            %gather3A_509 = tpu.memref_slice %arg7[%while3A_421, %gather3A_507, %gather3A_508] : memref<5x64x256xf32, #tpu.memory_space<vmem>> -> memref<1x64x256xf32, #tpu.memory_space<vmem>>
            %gather3A_510 = tpu.memref_squeeze %gather3A_509 : memref<1x64x256xf32, #tpu.memory_space<vmem>> -> memref<64x256xf32, #tpu.memory_space<vmem>>
            %gather3A_511 = tpu.vector_load_idx %gather3A_510[%add3A_9, %and3A_469] : memref<64x256xf32, #tpu.memory_space<vmem>>[vector<16xi32>, vector<16xi32>], vector<16xf32>,
            %swap3A_512 = arith.index_cast %select_n3A_498 : i32 to index
            %swap3A_513 = arith.constant 16 : index
            %swap3A_514 = tpu.vector_load %arg9[%swap3A_512, %swap3A_513] {strides = array<i32>} : memref<32x64xf32, #tpu.memory_space<vmem>>, vector<16xf32>,
            tpu.vector_store %arg9[%swap3A_512, %swap3A_513], %gather3A_511 {strides = array<i32>} : memref<32x64xf32, #tpu.memory_space<vmem>>, vector<16xf32>,
            %gather3A_515 = arith.constant 0 : i32
            %gather3A_516 = arith.constant 0 : i32
            %gather3A_517 = tpu.memref_slice %arg7[%while3A_421, %gather3A_515, %gather3A_516] : memref<5x64x256xf32, #tpu.memory_space<vmem>> -> memref<1x64x256xf32, #tpu.memory_space<vmem>>
            %gather3A_518 = tpu.memref_squeeze %gather3A_517 : memref<1x64x256xf32, #tpu.memory_space<vmem>> -> memref<64x256xf32, #tpu.memory_space<vmem>>
            %gather3A_519 = tpu.vector_load_idx %gather3A_518[%add3A_12, %and3A_469] : memref<64x256xf32, #tpu.memory_space<vmem>>[vector<16xi32>, vector<16xi32>], vector<16xf32>,
            %swap3A_520 = arith.index_cast %select_n3A_498 : i32 to index
            %swap3A_521 = arith.constant 32 : index
            %swap3A_522 = tpu.vector_load %arg9[%swap3A_520, %swap3A_521] {strides = array<i32>} : memref<32x64xf32, #tpu.memory_space<vmem>>, vector<16xf32>,
            tpu.vector_store %arg9[%swap3A_520, %swap3A_521], %gather3A_519 {strides = array<i32>} : memref<32x64xf32, #tpu.memory_space<vmem>>, vector<16xf32>,
            %gather3A_523 = arith.constant 0 : i32
            %gather3A_524 = arith.constant 0 : i32
            %gather3A_525 = tpu.memref_slice %arg7[%while3A_421, %gather3A_523, %gather3A_524] : memref<5x64x256xf32, #tpu.memory_space<vmem>> -> memref<1x64x256xf32, #tpu.memory_space<vmem>>
            %gather3A_526 = tpu.memref_squeeze %gather3A_525 : memref<1x64x256xf32, #tpu.memory_space<vmem>> -> memref<64x256xf32, #tpu.memory_space<vmem>>
            %gather3A_527 = tpu.vector_load_idx %gather3A_526[%add3A_15, %and3A_469] : memref<64x256xf32, #tpu.memory_space<vmem>>[vector<16xi32>, vector<16xi32>], vector<16xf32>,
            %swap3A_528 = arith.index_cast %select_n3A_498 : i32 to index
            %swap3A_529 = arith.constant 48 : index
            %swap3A_530 = tpu.vector_load %arg9[%swap3A_528, %swap3A_529] {strides = array<i32>} : memref<32x64xf32, #tpu.memory_space<vmem>>, vector<16xf32>,
            tpu.vector_store %arg9[%swap3A_528, %swap3A_529], %gather3A_527 {strides = array<i32>} : memref<32x64xf32, #tpu.memory_space<vmem>>, vector<16xf32>,
            %dma_start3A_531 = arith.constant 0 : i32
            %dma_start3A_532 = tpu.memref_slice %arg9[%select_n3A_498, %dma_start3A_531] : memref<32x64xf32, #tpu.memory_space<vmem>> -> memref<1x64xf32, #tpu.memory_space<vmem>>
            %dma_start3A_533 = arith.constant 0 : i32
            %dma_start3A_534 = tpu.memref_slice %arg4[%squeeze3A_474, %dma_start3A_533] : memref<16384x64xf32, #tpu.memory_space<hbm>> -> memref<1x64xf32, #tpu.memory_space<hbm>>
            %dma_start3A_535 = arith.constant 0 : i32
            %dma_start3A_536 = tpu.memref_slice %arg4[%squeeze3A_474, %dma_start3A_535] : memref<16384x64xf32, #tpu.memory_space<hbm>> -> memref<1x64xf32, #tpu.memory_space<hbm>>
            %dma_start3A_537 = arith.constant 0 : i32
            %dma_start3A_538 = tpu.memref_slice %arg9[%select_n3A_498, %dma_start3A_537] : memref<32x64xf32, #tpu.memory_space<vmem>> -> memref<1x64xf32, #tpu.memory_space<vmem>>
            tpu.enqueue_dma source(%dma_start3A_538 : memref<1x64xf32, #tpu.memory_space<vmem>>) target(%dma_start3A_536 : memref<1x64xf32, #tpu.memory_space<hbm>>) target_semaphore(%arg17 : memref<!tpu.dma_semaphore, #tpu.memory_space<semaphore_mem>>)
            %add3A_539 = arith.constant 1 : i32
            %add3A_540 = arith.addi %squeeze3A_477, %add3A_539 : i32
            %broadcast_in_dim3A_541 = vector.broadcast %add3A_540 : i32 to vector<16xi32>
            tpu.vector_store_idx %arg10[%broadcast_in_dim3A_1], %broadcast_in_dim3A_541 masked %eq3A_3 : memref<16xi32, #tpu.memory_space<vmem>>[vector<16xi32>], vector<16xi32>, vector<16xi1>
            %ne3A_542 = arith.cmpi ne, %iota3A, %all_reduce_ffs3A : vector<16xi32>
            %and3A_543 = arith.andi %while3A_458, %ne3A_542 : vector<16xi1>
            scf.yield %and3A_543 : vector<16xi1>
          }
        }
        %while3A_429 = arith.constant 1 : i32
        scf.for %while3A_430 = %while3A_427 to %while3A_423 step %while3A_429  : i32 {
          %mul3A_431 = arith.constant 16 : i32
          %mul3A_432 = arith.muli %while3A_430, %mul3A_431 : i32
          %get3A = arith.index_cast %mul3A_432 : i32 to index
          %get3A_433 = tpu.vector_load %arg5[%get3A] {strides = array<i32>} : memref<16400xi32, #tpu.memory_space<vmem>>, vector<16xi32>,
          %mul3A_434 = arith.constant 16 : i32
          %mul3A_435 = arith.muli %while3A_430, %mul3A_434 : i32
          %add3A_436 = vector.broadcast %mul3A_435 : i32 to vector<16xi32>
          %add3A_437 = arith.addi %iota3A, %add3A_436 : vector<16xi32>
          %ge3A = arith.cmpi sge, %add3A_437, %gather3A_358 : vector<16xi32>
          %lt3A_438 = arith.cmpi slt, %add3A_437, %gather3A_362 : vector<16xi32>
          %and3A_439 = arith.andi %ge3A, %lt3A_438 : vector<16xi1>
          %shift_right_arithmetic3A = arith.constant 22 : i32
          %shift_right_arithmetic3A_440 = vector.broadcast %shift_right_arithmetic3A : i32 to vector<16xi32>
          %shift_right_arithmetic3A_441 = arith.shrsi %get3A_433, %shift_right_arithmetic3A_440 : vector<16xi32>
          %eq3A_442 = arith.cmpi eq, %shift_right_arithmetic3A_441, %broadcast_in_dim3A_363 : vector<16xi32>
          %and3A_443 = arith.andi %eq3A_442, %and3A_439 : vector<16xi1>
          %all_reduce_population_count3A = tpu.all_reduce %and3A_443 {dim = 0 : i64, kind = #tpu.reduction_kind<sum>} : vector<16xi1> -> vector<16xi32>
          %slice3A_444 = vector.extract_strided_slice %all_reduce_population_count3A {offsets = [0], sizes = [1], strides = [1]} : vector<16xi32> to vector<1xi32>
          %squeeze3A_445 = vector.extract %slice3A_444[0] : i32 from vector<1xi32>
          %while3A_446 = arith.constant 0 : i32
          %while3A_447 = arith.subi %squeeze3A_445, %while3A_446 : i32
          %while3A_448 = arith.addi %while3A_446, %while3A_447 : i32
          %while3A_449 = arith.constant 1 : i32
          %while3A_450 = arith.divsi %while3A_447, %while3A_449 : i32
          %while3A_451 = arith.muli %while3A_450, %while3A_449 : i32
          %while3A_452 = arith.addi %while3A_446, %while3A_451 : i32
          %while3A_453 = arith.constant 1 : i32
          %while3A_454 = scf.for %while3A_457 = %while3A_446 to %while3A_452 step %while3A_453 iter_args(%while3A_458 = %and3A_443) -> (vector<16xi1>)  : i32 {
            %all_reduce_ffs3A = tpu.all_reduce %while3A_458 {dim = 0 : i64, kind = #tpu.reduction_kind<find_first_set>} : vector<16xi1> -> vector<16xi32>
            %mul3A_459 = arith.constant 16 : i32
            %mul3A_460 = arith.muli %while3A_430, %mul3A_459 : i32
            %add3A_461 = vector.broadcast %mul3A_460 : i32 to vector<16xi32>
            %add3A_462 = arith.addi %all_reduce_ffs3A, %add3A_461 : vector<16xi32>
            %gather3A_463 = tpu.vector_load_idx %arg5[%add3A_462] : memref<16400xi32, #tpu.memory_space<vmem>>[vector<16xi32>], vector<16xi32>,
            %shift_right_arithmetic3A_464 = arith.constant 14 : i32
            %shift_right_arithmetic3A_465 = vector.broadcast %shift_right_arithmetic3A_464 : i32 to vector<16xi32>
            %shift_right_arithmetic3A_466 = arith.shrsi %gather3A_463, %shift_right_arithmetic3A_465 : vector<16xi32>
            %and3A_467 = arith.constant 255 : i32
            %and3A_468 = vector.broadcast %and3A_467 : i32 to vector<16xi32>
            %and3A_469 = arith.andi %shift_right_arithmetic3A_466, %and3A_468 : vector<16xi32>
            %and3A_470 = arith.constant 16383 : i32
            %and3A_471 = vector.broadcast %and3A_470 : i32 to vector<16xi32>
            %and3A_472 = arith.andi %gather3A_463, %and3A_471 : vector<16xi32>
            %slice3A_473 = vector.extract_strided_slice %and3A_472 {offsets = [0], sizes = [1], strides = [1]} : vector<16xi32> to vector<1xi32>
            %squeeze3A_474 = vector.extract %slice3A_473[0] : i32 from vector<1xi32>
            %gather3A_475 = tpu.vector_load_idx %arg10[%broadcast_in_dim3A_1] : memref<16xi32, #tpu.memory_space<vmem>>[vector<16xi32>], vector<16xi32>,
            %slice3A_476 = vector.extract_strided_slice %gather3A_475 {offsets = [0], sizes = [1], strides = [1]} : vector<16xi32> to vector<1xi32>
            %squeeze3A_477 = vector.extract %slice3A_476[0] : i32 from vector<1xi32>
            %ge3A_478 = arith.constant 32 : i32
            %ge3A_479 = arith.cmpi sge, %squeeze3A_477, %ge3A_478 : i32
            %convert_element_type3A_480 = arith.extui %ge3A_479 : i1 to i32
            %cond3A_481 = arith.constant 0 : i32
            %cond3A_482 = arith.cmpi ne, %convert_element_type3A_480, %cond3A_481 : i32
            scf.if %cond3A_482 {
              %dma_wait3A_544 = arith.constant 0 : i32
              %dma_wait3A_545 = arith.constant 0 : i32
              %dma_wait3A_546 = tpu.memref_slice %arg9[%dma_wait3A_544, %dma_wait3A_545] : memref<32x64xf32, #tpu.memory_space<vmem>> -> memref<1x64xf32, #tpu.memory_space<vmem>>
              %dma_wait3A_547 = arith.constant 0 : i32
              %dma_wait3A_548 = arith.constant 0 : i32
              %dma_wait3A_549 = tpu.memref_slice %arg4[%dma_wait3A_547, %dma_wait3A_548] : memref<16384x64xf32, #tpu.memory_space<hbm>> -> memref<1x64xf32, #tpu.memory_space<hbm>>
              %dma_wait3A_550 = arith.constant 0 : i32
              %dma_wait3A_551 = arith.constant 0 : i32
              %dma_wait3A_552 = tpu.memref_slice %arg9[%dma_wait3A_550, %dma_wait3A_551] : memref<32x64xf32, #tpu.memory_space<vmem>> -> memref<1x64xf32, #tpu.memory_space<vmem>>
              %dma_wait3A_553 = arith.constant 0 : i32
              %dma_wait3A_554 = arith.constant 0 : i32
              %dma_wait3A_555 = tpu.memref_slice %arg4[%dma_wait3A_553, %dma_wait3A_554] : memref<16384x64xf32, #tpu.memory_space<hbm>> -> memref<1x64xf32, #tpu.memory_space<hbm>>
              tpu.wait_dma2 semaphore(%arg17 : memref<!tpu.dma_semaphore, #tpu.memory_space<semaphore_mem>>) src(%dma_wait3A_555 : memref<1x64xf32, #tpu.memory_space<hbm>>) dst(%dma_wait3A_552 : memref<1x64xf32, #tpu.memory_space<vmem>>)
            } else {
            }
            %jit3A_483 = arith.constant 32 : i32
            %eq3A_484 = arith.constant 0 : i32
            %eq3A_485 = arith.cmpi eq, %jit3A_483, %eq3A_484 : i32
            %jit3A_486 = arith.constant 1 : i32
            %select_n3A_487 = arith.select %eq3A_485, %jit3A_486, %jit3A_483 : i32
            %rem3A_488 = arith.remsi %squeeze3A_477, %select_n3A_487 : i32
            %ne3A_489 = arith.constant 0 : i32
            %ne3A_490 = arith.cmpi ne, %rem3A_488, %ne3A_489 : i32
            %lt3A_491 = arith.constant 0 : i32
            %lt3A_492 = arith.cmpi slt, %rem3A_488, %lt3A_491 : i32
            %lt3A_493 = arith.constant 0 : i32
            %lt3A_494 = arith.cmpi slt, %select_n3A_487, %lt3A_493 : i32
            %ne3A_495 = arith.xori %lt3A_492, %lt3A_494 : i1
            %and3A_496 = arith.andi %ne3A_495, %ne3A_490 : i1
            %add3A_497 = arith.addi %rem3A_488, %select_n3A_487 : i32
            %select_n3A_498 = arith.select %and3A_496, %add3A_497, %rem3A_488 : i32
            %gather3A_499 = arith.constant 0 : i32
            %gather3A_500 = arith.constant 0 : i32
            %gather3A_501 = tpu.memref_slice %arg7[%while3A_421, %gather3A_499, %gather3A_500] : memref<5x64x256xf32, #tpu.memory_space<vmem>> -> memref<1x64x256xf32, #tpu.memory_space<vmem>>
            %gather3A_502 = tpu.memref_squeeze %gather3A_501 : memref<1x64x256xf32, #tpu.memory_space<vmem>> -> memref<64x256xf32, #tpu.memory_space<vmem>>
            %gather3A_503 = tpu.vector_load_idx %gather3A_502[%add3A_6, %and3A_469] : memref<64x256xf32, #tpu.memory_space<vmem>>[vector<16xi32>, vector<16xi32>], vector<16xf32>,
            %swap3A_504 = arith.index_cast %select_n3A_498 : i32 to index
            %swap3A_505 = arith.constant 0 : index
            %swap3A_506 = tpu.vector_load %arg9[%swap3A_504, %swap3A_505] {strides = array<i32>} : memref<32x64xf32, #tpu.memory_space<vmem>>, vector<16xf32>,
            tpu.vector_store %arg9[%swap3A_504, %swap3A_505], %gather3A_503 {strides = array<i32>} : memref<32x64xf32, #tpu.memory_space<vmem>>, vector<16xf32>,
            %gather3A_507 = arith.constant 0 : i32
            %gather3A_508 = arith.constant 0 : i32
            %gather3A_509 = tpu.memref_slice %arg7[%while3A_421, %gather3A_507, %gather3A_508] : memref<5x64x256xf32, #tpu.memory_space<vmem>> -> memref<1x64x256xf32, #tpu.memory_space<vmem>>
            %gather3A_510 = tpu.memref_squeeze %gather3A_509 : memref<1x64x256xf32, #tpu.memory_space<vmem>> -> memref<64x256xf32, #tpu.memory_space<vmem>>
            %gather3A_511 = tpu.vector_load_idx %gather3A_510[%add3A_9, %and3A_469] : memref<64x256xf32, #tpu.memory_space<vmem>>[vector<16xi32>, vector<16xi32>], vector<16xf32>,
            %swap3A_512 = arith.index_cast %select_n3A_498 : i32 to index
            %swap3A_513 = arith.constant 16 : index
            %swap3A_514 = tpu.vector_load %arg9[%swap3A_512, %swap3A_513] {strides = array<i32>} : memref<32x64xf32, #tpu.memory_space<vmem>>, vector<16xf32>,
            tpu.vector_store %arg9[%swap3A_512, %swap3A_513], %gather3A_511 {strides = array<i32>} : memref<32x64xf32, #tpu.memory_space<vmem>>, vector<16xf32>,
            %gather3A_515 = arith.constant 0 : i32
            %gather3A_516 = arith.constant 0 : i32
            %gather3A_517 = tpu.memref_slice %arg7[%while3A_421, %gather3A_515, %gather3A_516] : memref<5x64x256xf32, #tpu.memory_space<vmem>> -> memref<1x64x256xf32, #tpu.memory_space<vmem>>
            %gather3A_518 = tpu.memref_squeeze %gather3A_517 : memref<1x64x256xf32, #tpu.memory_space<vmem>> -> memref<64x256xf32, #tpu.memory_space<vmem>>
            %gather3A_519 = tpu.vector_load_idx %gather3A_518[%add3A_12, %and3A_469] : memref<64x256xf32, #tpu.memory_space<vmem>>[vector<16xi32>, vector<16xi32>], vector<16xf32>,
            %swap3A_520 = arith.index_cast %select_n3A_498 : i32 to index
            %swap3A_521 = arith.constant 32 : index
            %swap3A_522 = tpu.vector_load %arg9[%swap3A_520, %swap3A_521] {strides = array<i32>} : memref<32x64xf32, #tpu.memory_space<vmem>>, vector<16xf32>,
            tpu.vector_store %arg9[%swap3A_520, %swap3A_521], %gather3A_519 {strides = array<i32>} : memref<32x64xf32, #tpu.memory_space<vmem>>, vector<16xf32>,
            %gather3A_523 = arith.constant 0 : i32
            %gather3A_524 = arith.constant 0 : i32
            %gather3A_525 = tpu.memref_slice %arg7[%while3A_421, %gather3A_523, %gather3A_524] : memref<5x64x256xf32, #tpu.memory_space<vmem>> -> memref<1x64x256xf32, #tpu.memory_space<vmem>>
            %gather3A_526 = tpu.memref_squeeze %gather3A_525 : memref<1x64x256xf32, #tpu.memory_space<vmem>> -> memref<64x256xf32, #tpu.memory_space<vmem>>
            %gather3A_527 = tpu.vector_load_idx %gather3A_526[%add3A_15, %and3A_469] : memref<64x256xf32, #tpu.memory_space<vmem>>[vector<16xi32>, vector<16xi32>], vector<16xf32>,
            %swap3A_528 = arith.index_cast %select_n3A_498 : i32 to index
            %swap3A_529 = arith.constant 48 : index
            %swap3A_530 = tpu.vector_load %arg9[%swap3A_528, %swap3A_529] {strides = array<i32>} : memref<32x64xf32, #tpu.memory_space<vmem>>, vector<16xf32>,
            tpu.vector_store %arg9[%swap3A_528, %swap3A_529], %gather3A_527 {strides = array<i32>} : memref<32x64xf32, #tpu.memory_space<vmem>>, vector<16xf32>,
            %dma_start3A_531 = arith.constant 0 : i32
            %dma_start3A_532 = tpu.memref_slice %arg9[%select_n3A_498, %dma_start3A_531] : memref<32x64xf32, #tpu.memory_space<vmem>> -> memref<1x64xf32, #tpu.memory_space<vmem>>
            %dma_start3A_533 = arith.constant 0 : i32
            %dma_start3A_534 = tpu.memref_slice %arg4[%squeeze3A_474, %dma_start3A_533] : memref<16384x64xf32, #tpu.memory_space<hbm>> -> memref<1x64xf32, #tpu.memory_space<hbm>>
            %dma_start3A_535 = arith.constant 0 : i32
            %dma_start3A_536 = tpu.memref_slice %arg4[%squeeze3A_474, %dma_start3A_535] : memref<16384x64xf32, #tpu.memory_space<hbm>> -> memref<1x64xf32, #tpu.memory_space<hbm>>
            %dma_start3A_537 = arith.constant 0 : i32
            %dma_start3A_538 = tpu.memref_slice %arg9[%select_n3A_498, %dma_start3A_537] : memref<32x64xf32, #tpu.memory_space<vmem>> -> memref<1x64xf32, #tpu.memory_space<vmem>>
            tpu.enqueue_dma source(%dma_start3A_538 : memref<1x64xf32, #tpu.memory_space<vmem>>) target(%dma_start3A_536 : memref<1x64xf32, #tpu.memory_space<hbm>>) target_semaphore(%arg17 : memref<!tpu.dma_semaphore, #tpu.memory_space<semaphore_mem>>)
            %add3A_539 = arith.constant 1 : i32
            %add3A_540 = arith.addi %squeeze3A_477, %add3A_539 : i32
            %broadcast_in_dim3A_541 = vector.broadcast %add3A_540 : i32 to vector<16xi32>
            tpu.vector_store_idx %arg10[%broadcast_in_dim3A_1], %broadcast_in_dim3A_541 masked %eq3A_3 : memref<16xi32, #tpu.memory_space<vmem>>[vector<16xi32>], vector<16xi32>, vector<16xi1>
            %ne3A_542 = arith.cmpi ne, %iota3A, %all_reduce_ffs3A : vector<16xi32>
            %and3A_543 = arith.andi %while3A_458, %ne3A_542 : vector<16xi1>
            scf.yield %and3A_543 : vector<16xi1>
          }
          %while3A_455 = arith.constant 1 : i32
          %while3A_456 = scf.for %while3A_457 = %while3A_452 to %while3A_448 step %while3A_455 iter_args(%while3A_458 = %while3A_454) -> (vector<16xi1>)  : i32 {
            %all_reduce_ffs3A = tpu.all_reduce %while3A_458 {dim = 0 : i64, kind = #tpu.reduction_kind<find_first_set>} : vector<16xi1> -> vector<16xi32>
            %mul3A_459 = arith.constant 16 : i32
            %mul3A_460 = arith.muli %while3A_430, %mul3A_459 : i32
            %add3A_461 = vector.broadcast %mul3A_460 : i32 to vector<16xi32>
            %add3A_462 = arith.addi %all_reduce_ffs3A, %add3A_461 : vector<16xi32>
            %gather3A_463 = tpu.vector_load_idx %arg5[%add3A_462] : memref<16400xi32, #tpu.memory_space<vmem>>[vector<16xi32>], vector<16xi32>,
            %shift_right_arithmetic3A_464 = arith.constant 14 : i32
            %shift_right_arithmetic3A_465 = vector.broadcast %shift_right_arithmetic3A_464 : i32 to vector<16xi32>
            %shift_right_arithmetic3A_466 = arith.shrsi %gather3A_463, %shift_right_arithmetic3A_465 : vector<16xi32>
            %and3A_467 = arith.constant 255 : i32
            %and3A_468 = vector.broadcast %and3A_467 : i32 to vector<16xi32>
            %and3A_469 = arith.andi %shift_right_arithmetic3A_466, %and3A_468 : vector<16xi32>
            %and3A_470 = arith.constant 16383 : i32
            %and3A_471 = vector.broadcast %and3A_470 : i32 to vector<16xi32>
            %and3A_472 = arith.andi %gather3A_463, %and3A_471 : vector<16xi32>
            %slice3A_473 = vector.extract_strided_slice %and3A_472 {offsets = [0], sizes = [1], strides = [1]} : vector<16xi32> to vector<1xi32>
            %squeeze3A_474 = vector.extract %slice3A_473[0] : i32 from vector<1xi32>
            %gather3A_475 = tpu.vector_load_idx %arg10[%broadcast_in_dim3A_1] : memref<16xi32, #tpu.memory_space<vmem>>[vector<16xi32>], vector<16xi32>,
            %slice3A_476 = vector.extract_strided_slice %gather3A_475 {offsets = [0], sizes = [1], strides = [1]} : vector<16xi32> to vector<1xi32>
            %squeeze3A_477 = vector.extract %slice3A_476[0] : i32 from vector<1xi32>
            %ge3A_478 = arith.constant 32 : i32
            %ge3A_479 = arith.cmpi sge, %squeeze3A_477, %ge3A_478 : i32
            %convert_element_type3A_480 = arith.extui %ge3A_479 : i1 to i32
            %cond3A_481 = arith.constant 0 : i32
            %cond3A_482 = arith.cmpi ne, %convert_element_type3A_480, %cond3A_481 : i32
            scf.if %cond3A_482 {
              %dma_wait3A_544 = arith.constant 0 : i32
              %dma_wait3A_545 = arith.constant 0 : i32
              %dma_wait3A_546 = tpu.memref_slice %arg9[%dma_wait3A_544, %dma_wait3A_545] : memref<32x64xf32, #tpu.memory_space<vmem>> -> memref<1x64xf32, #tpu.memory_space<vmem>>
              %dma_wait3A_547 = arith.constant 0 : i32
              %dma_wait3A_548 = arith.constant 0 : i32
              %dma_wait3A_549 = tpu.memref_slice %arg4[%dma_wait3A_547, %dma_wait3A_548] : memref<16384x64xf32, #tpu.memory_space<hbm>> -> memref<1x64xf32, #tpu.memory_space<hbm>>
              %dma_wait3A_550 = arith.constant 0 : i32
              %dma_wait3A_551 = arith.constant 0 : i32
              %dma_wait3A_552 = tpu.memref_slice %arg9[%dma_wait3A_550, %dma_wait3A_551] : memref<32x64xf32, #tpu.memory_space<vmem>> -> memref<1x64xf32, #tpu.memory_space<vmem>>
              %dma_wait3A_553 = arith.constant 0 : i32
              %dma_wait3A_554 = arith.constant 0 : i32
              %dma_wait3A_555 = tpu.memref_slice %arg4[%dma_wait3A_553, %dma_wait3A_554] : memref<16384x64xf32, #tpu.memory_space<hbm>> -> memref<1x64xf32, #tpu.memory_space<hbm>>
              tpu.wait_dma2 semaphore(%arg17 : memref<!tpu.dma_semaphore, #tpu.memory_space<semaphore_mem>>) src(%dma_wait3A_555 : memref<1x64xf32, #tpu.memory_space<hbm>>) dst(%dma_wait3A_552 : memref<1x64xf32, #tpu.memory_space<vmem>>)
            } else {
            }
            %jit3A_483 = arith.constant 32 : i32
            %eq3A_484 = arith.constant 0 : i32
            %eq3A_485 = arith.cmpi eq, %jit3A_483, %eq3A_484 : i32
            %jit3A_486 = arith.constant 1 : i32
            %select_n3A_487 = arith.select %eq3A_485, %jit3A_486, %jit3A_483 : i32
            %rem3A_488 = arith.remsi %squeeze3A_477, %select_n3A_487 : i32
            %ne3A_489 = arith.constant 0 : i32
            %ne3A_490 = arith.cmpi ne, %rem3A_488, %ne3A_489 : i32
            %lt3A_491 = arith.constant 0 : i32
            %lt3A_492 = arith.cmpi slt, %rem3A_488, %lt3A_491 : i32
            %lt3A_493 = arith.constant 0 : i32
            %lt3A_494 = arith.cmpi slt, %select_n3A_487, %lt3A_493 : i32
            %ne3A_495 = arith.xori %lt3A_492, %lt3A_494 : i1
            %and3A_496 = arith.andi %ne3A_495, %ne3A_490 : i1
            %add3A_497 = arith.addi %rem3A_488, %select_n3A_487 : i32
            %select_n3A_498 = arith.select %and3A_496, %add3A_497, %rem3A_488 : i32
            %gather3A_499 = arith.constant 0 : i32
            %gather3A_500 = arith.constant 0 : i32
            %gather3A_501 = tpu.memref_slice %arg7[%while3A_421, %gather3A_499, %gather3A_500] : memref<5x64x256xf32, #tpu.memory_space<vmem>> -> memref<1x64x256xf32, #tpu.memory_space<vmem>>
            %gather3A_502 = tpu.memref_squeeze %gather3A_501 : memref<1x64x256xf32, #tpu.memory_space<vmem>> -> memref<64x256xf32, #tpu.memory_space<vmem>>
            %gather3A_503 = tpu.vector_load_idx %gather3A_502[%add3A_6, %and3A_469] : memref<64x256xf32, #tpu.memory_space<vmem>>[vector<16xi32>, vector<16xi32>], vector<16xf32>,
            %swap3A_504 = arith.index_cast %select_n3A_498 : i32 to index
            %swap3A_505 = arith.constant 0 : index
            %swap3A_506 = tpu.vector_load %arg9[%swap3A_504, %swap3A_505] {strides = array<i32>} : memref<32x64xf32, #tpu.memory_space<vmem>>, vector<16xf32>,
            tpu.vector_store %arg9[%swap3A_504, %swap3A_505], %gather3A_503 {strides = array<i32>} : memref<32x64xf32, #tpu.memory_space<vmem>>, vector<16xf32>,
            %gather3A_507 = arith.constant 0 : i32
            %gather3A_508 = arith.constant 0 : i32
            %gather3A_509 = tpu.memref_slice %arg7[%while3A_421, %gather3A_507, %gather3A_508] : memref<5x64x256xf32, #tpu.memory_space<vmem>> -> memref<1x64x256xf32, #tpu.memory_space<vmem>>
            %gather3A_510 = tpu.memref_squeeze %gather3A_509 : memref<1x64x256xf32, #tpu.memory_space<vmem>> -> memref<64x256xf32, #tpu.memory_space<vmem>>
            %gather3A_511 = tpu.vector_load_idx %gather3A_510[%add3A_9, %and3A_469] : memref<64x256xf32, #tpu.memory_space<vmem>>[vector<16xi32>, vector<16xi32>], vector<16xf32>,
            %swap3A_512 = arith.index_cast %select_n3A_498 : i32 to index
            %swap3A_513 = arith.constant 16 : index
            %swap3A_514 = tpu.vector_load %arg9[%swap3A_512, %swap3A_513] {strides = array<i32>} : memref<32x64xf32, #tpu.memory_space<vmem>>, vector<16xf32>,
            tpu.vector_store %arg9[%swap3A_512, %swap3A_513], %gather3A_511 {strides = array<i32>} : memref<32x64xf32, #tpu.memory_space<vmem>>, vector<16xf32>,
            %gather3A_515 = arith.constant 0 : i32
            %gather3A_516 = arith.constant 0 : i32
            %gather3A_517 = tpu.memref_slice %arg7[%while3A_421, %gather3A_515, %gather3A_516] : memref<5x64x256xf32, #tpu.memory_space<vmem>> -> memref<1x64x256xf32, #tpu.memory_space<vmem>>
            %gather3A_518 = tpu.memref_squeeze %gather3A_517 : memref<1x64x256xf32, #tpu.memory_space<vmem>> -> memref<64x256xf32, #tpu.memory_space<vmem>>
            %gather3A_519 = tpu.vector_load_idx %gather3A_518[%add3A_12, %and3A_469] : memref<64x256xf32, #tpu.memory_space<vmem>>[vector<16xi32>, vector<16xi32>], vector<16xf32>,
            %swap3A_520 = arith.index_cast %select_n3A_498 : i32 to index
            %swap3A_521 = arith.constant 32 : index
            %swap3A_522 = tpu.vector_load %arg9[%swap3A_520, %swap3A_521] {strides = array<i32>} : memref<32x64xf32, #tpu.memory_space<vmem>>, vector<16xf32>,
            tpu.vector_store %arg9[%swap3A_520, %swap3A_521], %gather3A_519 {strides = array<i32>} : memref<32x64xf32, #tpu.memory_space<vmem>>, vector<16xf32>,
            %gather3A_523 = arith.constant 0 : i32
            %gather3A_524 = arith.constant 0 : i32
            %gather3A_525 = tpu.memref_slice %arg7[%while3A_421, %gather3A_523, %gather3A_524] : memref<5x64x256xf32, #tpu.memory_space<vmem>> -> memref<1x64x256xf32, #tpu.memory_space<vmem>>
            %gather3A_526 = tpu.memref_squeeze %gather3A_525 : memref<1x64x256xf32, #tpu.memory_space<vmem>> -> memref<64x256xf32, #tpu.memory_space<vmem>>
            %gather3A_527 = tpu.vector_load_idx %gather3A_526[%add3A_15, %and3A_469] : memref<64x256xf32, #tpu.memory_space<vmem>>[vector<16xi32>, vector<16xi32>], vector<16xf32>,
            %swap3A_528 = arith.index_cast %select_n3A_498 : i32 to index
            %swap3A_529 = arith.constant 48 : index
            %swap3A_530 = tpu.vector_load %arg9[%swap3A_528, %swap3A_529] {strides = array<i32>} : memref<32x64xf32, #tpu.memory_space<vmem>>, vector<16xf32>,
            tpu.vector_store %arg9[%swap3A_528, %swap3A_529], %gather3A_527 {strides = array<i32>} : memref<32x64xf32, #tpu.memory_space<vmem>>, vector<16xf32>,
            %dma_start3A_531 = arith.constant 0 : i32
            %dma_start3A_532 = tpu.memref_slice %arg9[%select_n3A_498, %dma_start3A_531] : memref<32x64xf32, #tpu.memory_space<vmem>> -> memref<1x64xf32, #tpu.memory_space<vmem>>
            %dma_start3A_533 = arith.constant 0 : i32
            %dma_start3A_534 = tpu.memref_slice %arg4[%squeeze3A_474, %dma_start3A_533] : memref<16384x64xf32, #tpu.memory_space<hbm>> -> memref<1x64xf32, #tpu.memory_space<hbm>>
            %dma_start3A_535 = arith.constant 0 : i32
            %dma_start3A_536 = tpu.memref_slice %arg4[%squeeze3A_474, %dma_start3A_535] : memref<16384x64xf32, #tpu.memory_space<hbm>> -> memref<1x64xf32, #tpu.memory_space<hbm>>
            %dma_start3A_537 = arith.constant 0 : i32
            %dma_start3A_538 = tpu.memref_slice %arg9[%select_n3A_498, %dma_start3A_537] : memref<32x64xf32, #tpu.memory_space<vmem>> -> memref<1x64xf32, #tpu.memory_space<vmem>>
            tpu.enqueue_dma source(%dma_start3A_538 : memref<1x64xf32, #tpu.memory_space<vmem>>) target(%dma_start3A_536 : memref<1x64xf32, #tpu.memory_space<hbm>>) target_semaphore(%arg17 : memref<!tpu.dma_semaphore, #tpu.memory_space<semaphore_mem>>)
            %add3A_539 = arith.constant 1 : i32
            %add3A_540 = arith.addi %squeeze3A_477, %add3A_539 : i32
            %broadcast_in_dim3A_541 = vector.broadcast %add3A_540 : i32 to vector<16xi32>
            tpu.vector_store_idx %arg10[%broadcast_in_dim3A_1], %broadcast_in_dim3A_541 masked %eq3A_3 : memref<16xi32, #tpu.memory_space<vmem>>[vector<16xi32>], vector<16xi32>, vector<16xi1>
            %ne3A_542 = arith.cmpi ne, %iota3A, %all_reduce_ffs3A : vector<16xi32>
            %and3A_543 = arith.andi %while3A_458, %ne3A_542 : vector<16xi1>
            scf.yield %and3A_543 : vector<16xi1>
          }
        }
      } else {
      }
    }
    %scan3A_257 = arith.constant 25 : i32
    %eq3A_258 = arith.constant 31 : i32
    %eq3A_259 = arith.cmpi eq, %add3A, %eq3A_258 : i32
    %convert_element_type3A = arith.extui %eq3A_259 : i1 to i32
    %cond3A = arith.constant 0 : i32
    %cond3A_260 = arith.cmpi ne, %convert_element_type3A, %cond3A : i32
    scf.if %cond3A_260 {
      %multiple_of3A_273 = arith.constant 999936 : i32
      %multiple_of3A_274 = tpu.assume_multiple %multiple_of3A_273, 128 : i32
      %dma_start3A_275 = arith.constant 0 : i32
      %dma_start3A_276 = tpu.memref_slice %arg3[%dma_start3A_275, %multiple_of3A_274] : memref<64x1000001xf32, #tpu.memory_space<hbm>> -> memref<64x128xf32, #tpu.memory_space<hbm>>
      %dma_start3A_277 = arith.constant 0 : i32
      %dma_start3A_278 = tpu.memref_slice %arg3[%dma_start3A_277, %multiple_of3A_274] : memref<64x1000001xf32, #tpu.memory_space<hbm>> -> memref<64x128xf32, #tpu.memory_space<hbm>>
      tpu.enqueue_dma source(%dma_start3A_278 : memref<64x128xf32, #tpu.memory_space<hbm>>) target(%arg8 : memref<64x128xf32, #tpu.memory_space<vmem>>) target_semaphore(%arg12 : memref<!tpu.dma_semaphore, #tpu.memory_space<semaphore_mem>>)
      %dma_wait3A = arith.constant 0 : i32
      %dma_wait3A_279 = arith.constant 0 : i32
      %dma_wait3A_280 = tpu.memref_slice %arg3[%dma_wait3A, %dma_wait3A_279] : memref<64x1000001xf32, #tpu.memory_space<hbm>> -> memref<64x128xf32, #tpu.memory_space<hbm>>
      %dma_wait3A_281 = arith.constant 0 : i32
      %dma_wait3A_282 = arith.constant 0 : i32
      %dma_wait3A_283 = tpu.memref_slice %arg3[%dma_wait3A_281, %dma_wait3A_282] : memref<64x1000001xf32, #tpu.memory_space<hbm>> -> memref<64x128xf32, #tpu.memory_space<hbm>>
      tpu.wait_dma2 semaphore(%arg12 : memref<!tpu.dma_semaphore, #tpu.memory_space<semaphore_mem>>) src(%dma_wait3A_283 : memref<64x128xf32, #tpu.memory_space<hbm>>) dst(%arg8 : memref<64x128xf32, #tpu.memory_space<vmem>>)
      %sub3A_284 = arith.constant 3906 : i32
      %sub3A_285 = arith.subi %sub3A_284, %mul3A_20 : i32
      %jit3A_286 = arith.constant 16 : i32
      %div3A_287 = arith.divsi %sub3A_285, %jit3A_286 : i32
      %sign3A_288 = arith.constant 0 : i32
      %sign3A_289 = arith.cmpi sgt, %sub3A_285, %sign3A_288 : i32
      %sign3A_290 = arith.extui %sign3A_289 : i1 to i32
      %sign3A_291 = arith.constant 0 : i32
      %sign3A_292 = arith.cmpi slt, %sub3A_285, %sign3A_291 : i32
      %sign3A_293 = arith.extui %sign3A_292 : i1 to i32
      %sign3A_294 = arith.subi %sign3A_290, %sign3A_293 : i32
      %sign3A_295 = arith.constant 0 : i32
      %sign3A_296 = arith.cmpi sgt, %jit3A_286, %sign3A_295 : i32
      %sign3A_297 = arith.extui %sign3A_296 : i1 to i32
      %sign3A_298 = arith.constant 0 : i32
      %sign3A_299 = arith.cmpi slt, %jit3A_286, %sign3A_298 : i32
      %sign3A_300 = arith.extui %sign3A_299 : i1 to i32
      %sign3A_301 = arith.subi %sign3A_297, %sign3A_300 : i32
      %ne3A_302 = arith.cmpi ne, %sign3A_294, %sign3A_301 : i32
      %rem3A_303 = arith.remsi %sub3A_285, %jit3A_286 : i32
      %ne3A_304 = arith.constant 0 : i32
      %ne3A_305 = arith.cmpi ne, %rem3A_303, %ne3A_304 : i32
      %and3A_306 = arith.andi %ne3A_302, %ne3A_305 : i1
      %sub3A_307 = arith.constant 1 : i32
      %sub3A_308 = arith.subi %div3A_287, %sub3A_307 : i32
      %select_n3A_309 = arith.select %and3A_306, %sub3A_308, %div3A_287 : i32
      %broadcast_in_dim3A_310 = vector.broadcast %select_n3A_309 : i32 to vector<16xi32>
      %gather3A_311 = tpu.vector_load_idx %arg11[%broadcast_in_dim3A_310] : memref<16xi32, #tpu.memory_space<vmem>>[vector<16xi32>], vector<16xi32>,
      %add3A_312 = arith.constant 1 : i32
      %add3A_313 = arith.addi %select_n3A_309, %add3A_312 : i32
      %broadcast_in_dim3A_314 = vector.broadcast %add3A_313 : i32 to vector<16xi32>
      %gather3A_315 = tpu.vector_load_idx %arg11[%broadcast_in_dim3A_314] : memref<16xi32, #tpu.memory_space<vmem>>[vector<16xi32>], vector<16xi32>,
      %broadcast_in_dim3A_316 = vector.broadcast %sub3A_285 : i32 to vector<16xi32>
      %slice3A_317 = vector.extract_strided_slice %gather3A_311 {offsets = [0], sizes = [1], strides = [1]} : vector<16xi32> to vector<1xi32>
      %squeeze3A_318 = vector.extract %slice3A_317[0] : i32 from vector<1xi32>
      %jit3A_319 = arith.constant 16 : i32
      %div3A_320 = arith.divsi %squeeze3A_318, %jit3A_319 : i32
      %sign3A_321 = arith.constant 0 : i32
      %sign3A_322 = arith.cmpi sgt, %squeeze3A_318, %sign3A_321 : i32
      %sign3A_323 = arith.extui %sign3A_322 : i1 to i32
      %sign3A_324 = arith.constant 0 : i32
      %sign3A_325 = arith.cmpi slt, %squeeze3A_318, %sign3A_324 : i32
      %sign3A_326 = arith.extui %sign3A_325 : i1 to i32
      %sign3A_327 = arith.subi %sign3A_323, %sign3A_326 : i32
      %sign3A_328 = arith.constant 0 : i32
      %sign3A_329 = arith.cmpi sgt, %jit3A_319, %sign3A_328 : i32
      %sign3A_330 = arith.extui %sign3A_329 : i1 to i32
      %sign3A_331 = arith.constant 0 : i32
      %sign3A_332 = arith.cmpi slt, %jit3A_319, %sign3A_331 : i32
      %sign3A_333 = arith.extui %sign3A_332 : i1 to i32
      %sign3A_334 = arith.subi %sign3A_330, %sign3A_333 : i32
      %ne3A_335 = arith.cmpi ne, %sign3A_327, %sign3A_334 : i32
      %rem3A_336 = arith.remsi %squeeze3A_318, %jit3A_319 : i32
      %ne3A_337 = arith.constant 0 : i32
      %ne3A_338 = arith.cmpi ne, %rem3A_336, %ne3A_337 : i32
      %and3A_339 = arith.andi %ne3A_335, %ne3A_338 : i1
      %sub3A_340 = arith.constant 1 : i32
      %sub3A_341 = arith.subi %div3A_320, %sub3A_340 : i32
      %select_n3A_342 = arith.select %and3A_339, %sub3A_341, %div3A_320 : i32
      %slice3A_343 = vector.extract_strided_slice %gather3A_315 {offsets = [0], sizes = [1], strides = [1]} : vector<16xi32> to vector<1xi32>
      %squeeze3A_344 = vector.extract %slice3A_343[0] : i32 from vector<1xi32>
      %add3A_345 = arith.constant 16 : i32
      %add3A_346 = arith.addi %squeeze3A_344, %add3A_345 : i32
      %sub3A_347 = arith.constant 1 : i32
      %sub3A_348 = arith.subi %add3A_346, %sub3A_347 : i32
      %jit3A_349 = arith.constant 16 : i32
      %div3A_350 = arith.divsi %sub3A_348, %jit3A_349 : i32
      %sign3A_351 = arith.constant 0 : i32
      %sign3A_352 = arith.cmpi sgt, %sub3A_348, %sign3A_351 : i32
      %sign3A_353 = arith.extui %sign3A_352 : i1 to i32
      %sign3A_354 = arith.constant 0 : i32
      %sign3A_355 = arith.cmpi slt, %sub3A_348, %sign3A_354 : i32
      %sign3A_356 = arith.extui %sign3A_355 : i1 to i32
      %sign3A_357 = arith.subi %sign3A_353, %sign3A_356 : i32
      %sign3A_358 = arith.constant 0 : i32
      %sign3A_359 = arith.cmpi sgt, %jit3A_349, %sign3A_358 : i32
      %sign3A_360 = arith.extui %sign3A_359 : i1 to i32
      %sign3A_361 = arith.constant 0 : i32
      %sign3A_362 = arith.cmpi slt, %jit3A_349, %sign3A_361 : i32
      %sign3A_363 = arith.extui %sign3A_362 : i1 to i32
      %sign3A_364 = arith.subi %sign3A_360, %sign3A_363 : i32
      %ne3A_365 = arith.cmpi ne, %sign3A_357, %sign3A_364 : i32
      %rem3A_366 = arith.remsi %sub3A_348, %jit3A_349 : i32
      %ne3A_367 = arith.constant 0 : i32
      %ne3A_368 = arith.cmpi ne, %rem3A_366, %ne3A_367 : i32
      %and3A_369 = arith.andi %ne3A_365, %ne3A_368 : i1
      %sub3A_370 = arith.constant 1 : i32
      %sub3A_371 = arith.subi %div3A_350, %sub3A_370 : i32
      %select_n3A_372 = arith.select %and3A_369, %sub3A_371, %div3A_350 : i32
      %while3A_373 = arith.constant 0 : i32
      %while3A_374 = arith.subi %select_n3A_372, %select_n3A_342 : i32
      %while3A_375 = arith.addi %select_n3A_342, %while3A_374 : i32
      %while3A_376 = arith.constant 1 : i32
      %while3A_377 = arith.divsi %while3A_374, %while3A_376 : i32
      %while3A_378 = arith.muli %while3A_377, %while3A_376 : i32
      %while3A_379 = arith.addi %select_n3A_342, %while3A_378 : i32
      %while3A_380 = arith.constant 1 : i32
      scf.for %while3A_382 = %select_n3A_342 to %while3A_379 step %while3A_380  : i32 {
        %mul3A_383 = arith.constant 16 : i32
        %mul3A_384 = arith.muli %while3A_382, %mul3A_383 : i32
        %get3A = arith.index_cast %mul3A_384 : i32 to index
        %get3A_385 = tpu.vector_load %arg5[%get3A] {strides = array<i32>} : memref<16400xi32, #tpu.memory_space<vmem>>, vector<16xi32>,
        %mul3A_386 = arith.constant 16 : i32
        %mul3A_387 = arith.muli %while3A_382, %mul3A_386 : i32
        %add3A_388 = vector.broadcast %mul3A_387 : i32 to vector<16xi32>
        %add3A_389 = arith.addi %iota3A, %add3A_388 : vector<16xi32>
        %ge3A = arith.cmpi sge, %add3A_389, %gather3A_311 : vector<16xi32>
        %lt3A = arith.cmpi slt, %add3A_389, %gather3A_315 : vector<16xi32>
        %and3A_390 = arith.andi %ge3A, %lt3A : vector<16xi1>
        %shift_right_arithmetic3A = arith.constant 22 : i32
        %shift_right_arithmetic3A_391 = vector.broadcast %shift_right_arithmetic3A : i32 to vector<16xi32>
        %shift_right_arithmetic3A_392 = arith.shrsi %get3A_385, %shift_right_arithmetic3A_391 : vector<16xi32>
        %eq3A_393 = arith.cmpi eq, %shift_right_arithmetic3A_392, %broadcast_in_dim3A_316 : vector<16xi32>
        %and3A_394 = arith.andi %eq3A_393, %and3A_390 : vector<16xi1>
        %all_reduce_population_count3A = tpu.all_reduce %and3A_394 {dim = 0 : i64, kind = #tpu.reduction_kind<sum>} : vector<16xi1> -> vector<16xi32>
        %slice3A_395 = vector.extract_strided_slice %all_reduce_population_count3A {offsets = [0], sizes = [1], strides = [1]} : vector<16xi32> to vector<1xi32>
        %squeeze3A_396 = vector.extract %slice3A_395[0] : i32 from vector<1xi32>
        %while3A_397 = arith.constant 0 : i32
        %while3A_398 = arith.subi %squeeze3A_396, %while3A_397 : i32
        %while3A_399 = arith.addi %while3A_397, %while3A_398 : i32
        %while3A_400 = arith.constant 1 : i32
        %while3A_401 = arith.divsi %while3A_398, %while3A_400 : i32
        %while3A_402 = arith.muli %while3A_401, %while3A_400 : i32
        %while3A_403 = arith.addi %while3A_397, %while3A_402 : i32
        %while3A_404 = arith.constant 1 : i32
        %while3A_405 = scf.for %while3A_408 = %while3A_397 to %while3A_403 step %while3A_404 iter_args(%while3A_409 = %and3A_394) -> (vector<16xi1>)  : i32 {
          %all_reduce_ffs3A = tpu.all_reduce %while3A_409 {dim = 0 : i64, kind = #tpu.reduction_kind<find_first_set>} : vector<16xi1> -> vector<16xi32>
          %mul3A_410 = arith.constant 16 : i32
          %mul3A_411 = arith.muli %while3A_382, %mul3A_410 : i32
          %add3A_412 = vector.broadcast %mul3A_411 : i32 to vector<16xi32>
          %add3A_413 = arith.addi %all_reduce_ffs3A, %add3A_412 : vector<16xi32>
          %gather3A_414 = tpu.vector_load_idx %arg5[%add3A_413] : memref<16400xi32, #tpu.memory_space<vmem>>[vector<16xi32>], vector<16xi32>,
          %shift_right_arithmetic3A_415 = arith.constant 14 : i32
          %shift_right_arithmetic3A_416 = vector.broadcast %shift_right_arithmetic3A_415 : i32 to vector<16xi32>
          %shift_right_arithmetic3A_417 = arith.shrsi %gather3A_414, %shift_right_arithmetic3A_416 : vector<16xi32>
          %and3A_418 = arith.constant 255 : i32
          %and3A_419 = vector.broadcast %and3A_418 : i32 to vector<16xi32>
          %and3A_420 = arith.andi %shift_right_arithmetic3A_417, %and3A_419 : vector<16xi32>
          %and3A_421 = arith.constant 16383 : i32
          %and3A_422 = vector.broadcast %and3A_421 : i32 to vector<16xi32>
          %and3A_423 = arith.andi %gather3A_414, %and3A_422 : vector<16xi32>
          %slice3A_424 = vector.extract_strided_slice %and3A_423 {offsets = [0], sizes = [1], strides = [1]} : vector<16xi32> to vector<1xi32>
          %squeeze3A_425 = vector.extract %slice3A_424[0] : i32 from vector<1xi32>
          %gather3A_426 = tpu.vector_load_idx %arg10[%broadcast_in_dim3A_1] : memref<16xi32, #tpu.memory_space<vmem>>[vector<16xi32>], vector<16xi32>,
          %slice3A_427 = vector.extract_strided_slice %gather3A_426 {offsets = [0], sizes = [1], strides = [1]} : vector<16xi32> to vector<1xi32>
          %squeeze3A_428 = vector.extract %slice3A_427[0] : i32 from vector<1xi32>
          %ge3A_429 = arith.constant 32 : i32
          %ge3A_430 = arith.cmpi sge, %squeeze3A_428, %ge3A_429 : i32
          %convert_element_type3A_431 = arith.extui %ge3A_430 : i1 to i32
          %cond3A_432 = arith.constant 0 : i32
          %cond3A_433 = arith.cmpi ne, %convert_element_type3A_431, %cond3A_432 : i32
          scf.if %cond3A_433 {
            %dma_wait3A_479 = arith.constant 0 : i32
            %dma_wait3A_480 = arith.constant 0 : i32
            %dma_wait3A_481 = tpu.memref_slice %arg9[%dma_wait3A_479, %dma_wait3A_480] : memref<32x64xf32, #tpu.memory_space<vmem>> -> memref<1x64xf32, #tpu.memory_space<vmem>>
            %dma_wait3A_482 = arith.constant 0 : i32
            %dma_wait3A_483 = arith.constant 0 : i32
            %dma_wait3A_484 = tpu.memref_slice %arg4[%dma_wait3A_482, %dma_wait3A_483] : memref<16384x64xf32, #tpu.memory_space<hbm>> -> memref<1x64xf32, #tpu.memory_space<hbm>>
            %dma_wait3A_485 = arith.constant 0 : i32
            %dma_wait3A_486 = arith.constant 0 : i32
            %dma_wait3A_487 = tpu.memref_slice %arg9[%dma_wait3A_485, %dma_wait3A_486] : memref<32x64xf32, #tpu.memory_space<vmem>> -> memref<1x64xf32, #tpu.memory_space<vmem>>
            %dma_wait3A_488 = arith.constant 0 : i32
            %dma_wait3A_489 = arith.constant 0 : i32
            %dma_wait3A_490 = tpu.memref_slice %arg4[%dma_wait3A_488, %dma_wait3A_489] : memref<16384x64xf32, #tpu.memory_space<hbm>> -> memref<1x64xf32, #tpu.memory_space<hbm>>
            tpu.wait_dma2 semaphore(%arg17 : memref<!tpu.dma_semaphore, #tpu.memory_space<semaphore_mem>>) src(%dma_wait3A_490 : memref<1x64xf32, #tpu.memory_space<hbm>>) dst(%dma_wait3A_487 : memref<1x64xf32, #tpu.memory_space<vmem>>)
          } else {
          }
          %jit3A_434 = arith.constant 32 : i32
          %eq3A_435 = arith.constant 0 : i32
          %eq3A_436 = arith.cmpi eq, %jit3A_434, %eq3A_435 : i32
          %jit3A_437 = arith.constant 1 : i32
          %select_n3A_438 = arith.select %eq3A_436, %jit3A_437, %jit3A_434 : i32
          %rem3A_439 = arith.remsi %squeeze3A_428, %select_n3A_438 : i32
          %ne3A_440 = arith.constant 0 : i32
          %ne3A_441 = arith.cmpi ne, %rem3A_439, %ne3A_440 : i32
          %lt3A_442 = arith.constant 0 : i32
          %lt3A_443 = arith.cmpi slt, %rem3A_439, %lt3A_442 : i32
          %lt3A_444 = arith.constant 0 : i32
          %lt3A_445 = arith.cmpi slt, %select_n3A_438, %lt3A_444 : i32
          %ne3A_446 = arith.xori %lt3A_443, %lt3A_445 : i1
          %and3A_447 = arith.andi %ne3A_446, %ne3A_441 : i1
          %add3A_448 = arith.addi %rem3A_439, %select_n3A_438 : i32
          %select_n3A_449 = arith.select %and3A_447, %add3A_448, %rem3A_439 : i32
          %gather3A_450 = tpu.vector_load_idx %arg8[%add3A_6, %and3A_420] : memref<64x128xf32, #tpu.memory_space<vmem>>[vector<16xi32>, vector<16xi32>], vector<16xf32>,
          %swap3A_451 = arith.index_cast %select_n3A_449 : i32 to index
          %swap3A_452 = arith.constant 0 : index
          %swap3A_453 = tpu.vector_load %arg9[%swap3A_451, %swap3A_452] {strides = array<i32>} : memref<32x64xf32, #tpu.memory_space<vmem>>, vector<16xf32>,
          tpu.vector_store %arg9[%swap3A_451, %swap3A_452], %gather3A_450 {strides = array<i32>} : memref<32x64xf32, #tpu.memory_space<vmem>>, vector<16xf32>,
          %gather3A_454 = tpu.vector_load_idx %arg8[%add3A_9, %and3A_420] : memref<64x128xf32, #tpu.memory_space<vmem>>[vector<16xi32>, vector<16xi32>], vector<16xf32>,
          %swap3A_455 = arith.index_cast %select_n3A_449 : i32 to index
          %swap3A_456 = arith.constant 16 : index
          %swap3A_457 = tpu.vector_load %arg9[%swap3A_455, %swap3A_456] {strides = array<i32>} : memref<32x64xf32, #tpu.memory_space<vmem>>, vector<16xf32>,
          tpu.vector_store %arg9[%swap3A_455, %swap3A_456], %gather3A_454 {strides = array<i32>} : memref<32x64xf32, #tpu.memory_space<vmem>>, vector<16xf32>,
          %gather3A_458 = tpu.vector_load_idx %arg8[%add3A_12, %and3A_420] : memref<64x128xf32, #tpu.memory_space<vmem>>[vector<16xi32>, vector<16xi32>], vector<16xf32>,
          %swap3A_459 = arith.index_cast %select_n3A_449 : i32 to index
          %swap3A_460 = arith.constant 32 : index
          %swap3A_461 = tpu.vector_load %arg9[%swap3A_459, %swap3A_460] {strides = array<i32>} : memref<32x64xf32, #tpu.memory_space<vmem>>, vector<16xf32>,
          tpu.vector_store %arg9[%swap3A_459, %swap3A_460], %gather3A_458 {strides = array<i32>} : memref<32x64xf32, #tpu.memory_space<vmem>>, vector<16xf32>,
          %gather3A_462 = tpu.vector_load_idx %arg8[%add3A_15, %and3A_420] : memref<64x128xf32, #tpu.memory_space<vmem>>[vector<16xi32>, vector<16xi32>], vector<16xf32>,
          %swap3A_463 = arith.index_cast %select_n3A_449 : i32 to index
          %swap3A_464 = arith.constant 48 : index
          %swap3A_465 = tpu.vector_load %arg9[%swap3A_463, %swap3A_464] {strides = array<i32>} : memref<32x64xf32, #tpu.memory_space<vmem>>, vector<16xf32>,
          tpu.vector_store %arg9[%swap3A_463, %swap3A_464], %gather3A_462 {strides = array<i32>} : memref<32x64xf32, #tpu.memory_space<vmem>>, vector<16xf32>,
          %dma_start3A_466 = arith.constant 0 : i32
          %dma_start3A_467 = tpu.memref_slice %arg9[%select_n3A_449, %dma_start3A_466] : memref<32x64xf32, #tpu.memory_space<vmem>> -> memref<1x64xf32, #tpu.memory_space<vmem>>
          %dma_start3A_468 = arith.constant 0 : i32
          %dma_start3A_469 = tpu.memref_slice %arg4[%squeeze3A_425, %dma_start3A_468] : memref<16384x64xf32, #tpu.memory_space<hbm>> -> memref<1x64xf32, #tpu.memory_space<hbm>>
          %dma_start3A_470 = arith.constant 0 : i32
          %dma_start3A_471 = tpu.memref_slice %arg4[%squeeze3A_425, %dma_start3A_470] : memref<16384x64xf32, #tpu.memory_space<hbm>> -> memref<1x64xf32, #tpu.memory_space<hbm>>
          %dma_start3A_472 = arith.constant 0 : i32
          %dma_start3A_473 = tpu.memref_slice %arg9[%select_n3A_449, %dma_start3A_472] : memref<32x64xf32, #tpu.memory_space<vmem>> -> memref<1x64xf32, #tpu.memory_space<vmem>>
          tpu.enqueue_dma source(%dma_start3A_473 : memref<1x64xf32, #tpu.memory_space<vmem>>) target(%dma_start3A_471 : memref<1x64xf32, #tpu.memory_space<hbm>>) target_semaphore(%arg17 : memref<!tpu.dma_semaphore, #tpu.memory_space<semaphore_mem>>)
          %add3A_474 = arith.constant 1 : i32
          %add3A_475 = arith.addi %squeeze3A_428, %add3A_474 : i32
          %broadcast_in_dim3A_476 = vector.broadcast %add3A_475 : i32 to vector<16xi32>
          tpu.vector_store_idx %arg10[%broadcast_in_dim3A_1], %broadcast_in_dim3A_476 masked %eq3A_3 : memref<16xi32, #tpu.memory_space<vmem>>[vector<16xi32>], vector<16xi32>, vector<16xi1>
          %ne3A_477 = arith.cmpi ne, %iota3A, %all_reduce_ffs3A : vector<16xi32>
          %and3A_478 = arith.andi %while3A_409, %ne3A_477 : vector<16xi1>
          scf.yield %and3A_478 : vector<16xi1>
        }
        %while3A_406 = arith.constant 1 : i32
        %while3A_407 = scf.for %while3A_408 = %while3A_403 to %while3A_399 step %while3A_406 iter_args(%while3A_409 = %while3A_405) -> (vector<16xi1>)  : i32 {
          %all_reduce_ffs3A = tpu.all_reduce %while3A_409 {dim = 0 : i64, kind = #tpu.reduction_kind<find_first_set>} : vector<16xi1> -> vector<16xi32>
          %mul3A_410 = arith.constant 16 : i32
          %mul3A_411 = arith.muli %while3A_382, %mul3A_410 : i32
          %add3A_412 = vector.broadcast %mul3A_411 : i32 to vector<16xi32>
          %add3A_413 = arith.addi %all_reduce_ffs3A, %add3A_412 : vector<16xi32>
          %gather3A_414 = tpu.vector_load_idx %arg5[%add3A_413] : memref<16400xi32, #tpu.memory_space<vmem>>[vector<16xi32>], vector<16xi32>,
          %shift_right_arithmetic3A_415 = arith.constant 14 : i32
          %shift_right_arithmetic3A_416 = vector.broadcast %shift_right_arithmetic3A_415 : i32 to vector<16xi32>
          %shift_right_arithmetic3A_417 = arith.shrsi %gather3A_414, %shift_right_arithmetic3A_416 : vector<16xi32>
          %and3A_418 = arith.constant 255 : i32
          %and3A_419 = vector.broadcast %and3A_418 : i32 to vector<16xi32>
          %and3A_420 = arith.andi %shift_right_arithmetic3A_417, %and3A_419 : vector<16xi32>
          %and3A_421 = arith.constant 16383 : i32
          %and3A_422 = vector.broadcast %and3A_421 : i32 to vector<16xi32>
          %and3A_423 = arith.andi %gather3A_414, %and3A_422 : vector<16xi32>
          %slice3A_424 = vector.extract_strided_slice %and3A_423 {offsets = [0], sizes = [1], strides = [1]} : vector<16xi32> to vector<1xi32>
          %squeeze3A_425 = vector.extract %slice3A_424[0] : i32 from vector<1xi32>
          %gather3A_426 = tpu.vector_load_idx %arg10[%broadcast_in_dim3A_1] : memref<16xi32, #tpu.memory_space<vmem>>[vector<16xi32>], vector<16xi32>,
          %slice3A_427 = vector.extract_strided_slice %gather3A_426 {offsets = [0], sizes = [1], strides = [1]} : vector<16xi32> to vector<1xi32>
          %squeeze3A_428 = vector.extract %slice3A_427[0] : i32 from vector<1xi32>
          %ge3A_429 = arith.constant 32 : i32
          %ge3A_430 = arith.cmpi sge, %squeeze3A_428, %ge3A_429 : i32
          %convert_element_type3A_431 = arith.extui %ge3A_430 : i1 to i32
          %cond3A_432 = arith.constant 0 : i32
          %cond3A_433 = arith.cmpi ne, %convert_element_type3A_431, %cond3A_432 : i32
          scf.if %cond3A_433 {
            %dma_wait3A_479 = arith.constant 0 : i32
            %dma_wait3A_480 = arith.constant 0 : i32
            %dma_wait3A_481 = tpu.memref_slice %arg9[%dma_wait3A_479, %dma_wait3A_480] : memref<32x64xf32, #tpu.memory_space<vmem>> -> memref<1x64xf32, #tpu.memory_space<vmem>>
            %dma_wait3A_482 = arith.constant 0 : i32
            %dma_wait3A_483 = arith.constant 0 : i32
            %dma_wait3A_484 = tpu.memref_slice %arg4[%dma_wait3A_482, %dma_wait3A_483] : memref<16384x64xf32, #tpu.memory_space<hbm>> -> memref<1x64xf32, #tpu.memory_space<hbm>>
            %dma_wait3A_485 = arith.constant 0 : i32
            %dma_wait3A_486 = arith.constant 0 : i32
            %dma_wait3A_487 = tpu.memref_slice %arg9[%dma_wait3A_485, %dma_wait3A_486] : memref<32x64xf32, #tpu.memory_space<vmem>> -> memref<1x64xf32, #tpu.memory_space<vmem>>
            %dma_wait3A_488 = arith.constant 0 : i32
            %dma_wait3A_489 = arith.constant 0 : i32
            %dma_wait3A_490 = tpu.memref_slice %arg4[%dma_wait3A_488, %dma_wait3A_489] : memref<16384x64xf32, #tpu.memory_space<hbm>> -> memref<1x64xf32, #tpu.memory_space<hbm>>
            tpu.wait_dma2 semaphore(%arg17 : memref<!tpu.dma_semaphore, #tpu.memory_space<semaphore_mem>>) src(%dma_wait3A_490 : memref<1x64xf32, #tpu.memory_space<hbm>>) dst(%dma_wait3A_487 : memref<1x64xf32, #tpu.memory_space<vmem>>)
          } else {
          }
          %jit3A_434 = arith.constant 32 : i32
          %eq3A_435 = arith.constant 0 : i32
          %eq3A_436 = arith.cmpi eq, %jit3A_434, %eq3A_435 : i32
          %jit3A_437 = arith.constant 1 : i32
          %select_n3A_438 = arith.select %eq3A_436, %jit3A_437, %jit3A_434 : i32
          %rem3A_439 = arith.remsi %squeeze3A_428, %select_n3A_438 : i32
          %ne3A_440 = arith.constant 0 : i32
          %ne3A_441 = arith.cmpi ne, %rem3A_439, %ne3A_440 : i32
          %lt3A_442 = arith.constant 0 : i32
          %lt3A_443 = arith.cmpi slt, %rem3A_439, %lt3A_442 : i32
          %lt3A_444 = arith.constant 0 : i32
          %lt3A_445 = arith.cmpi slt, %select_n3A_438, %lt3A_444 : i32
          %ne3A_446 = arith.xori %lt3A_443, %lt3A_445 : i1
          %and3A_447 = arith.andi %ne3A_446, %ne3A_441 : i1
          %add3A_448 = arith.addi %rem3A_439, %select_n3A_438 : i32
          %select_n3A_449 = arith.select %and3A_447, %add3A_448, %rem3A_439 : i32
          %gather3A_450 = tpu.vector_load_idx %arg8[%add3A_6, %and3A_420] : memref<64x128xf32, #tpu.memory_space<vmem>>[vector<16xi32>, vector<16xi32>], vector<16xf32>,
          %swap3A_451 = arith.index_cast %select_n3A_449 : i32 to index
          %swap3A_452 = arith.constant 0 : index
          %swap3A_453 = tpu.vector_load %arg9[%swap3A_451, %swap3A_452] {strides = array<i32>} : memref<32x64xf32, #tpu.memory_space<vmem>>, vector<16xf32>,
          tpu.vector_store %arg9[%swap3A_451, %swap3A_452], %gather3A_450 {strides = array<i32>} : memref<32x64xf32, #tpu.memory_space<vmem>>, vector<16xf32>,
          %gather3A_454 = tpu.vector_load_idx %arg8[%add3A_9, %and3A_420] : memref<64x128xf32, #tpu.memory_space<vmem>>[vector<16xi32>, vector<16xi32>], vector<16xf32>,
          %swap3A_455 = arith.index_cast %select_n3A_449 : i32 to index
          %swap3A_456 = arith.constant 16 : index
          %swap3A_457 = tpu.vector_load %arg9[%swap3A_455, %swap3A_456] {strides = array<i32>} : memref<32x64xf32, #tpu.memory_space<vmem>>, vector<16xf32>,
          tpu.vector_store %arg9[%swap3A_455, %swap3A_456], %gather3A_454 {strides = array<i32>} : memref<32x64xf32, #tpu.memory_space<vmem>>, vector<16xf32>,
          %gather3A_458 = tpu.vector_load_idx %arg8[%add3A_12, %and3A_420] : memref<64x128xf32, #tpu.memory_space<vmem>>[vector<16xi32>, vector<16xi32>], vector<16xf32>,
          %swap3A_459 = arith.index_cast %select_n3A_449 : i32 to index
          %swap3A_460 = arith.constant 32 : index
          %swap3A_461 = tpu.vector_load %arg9[%swap3A_459, %swap3A_460] {strides = array<i32>} : memref<32x64xf32, #tpu.memory_space<vmem>>, vector<16xf32>,
          tpu.vector_store %arg9[%swap3A_459, %swap3A_460], %gather3A_458 {strides = array<i32>} : memref<32x64xf32, #tpu.memory_space<vmem>>, vector<16xf32>,
          %gather3A_462 = tpu.vector_load_idx %arg8[%add3A_15, %and3A_420] : memref<64x128xf32, #tpu.memory_space<vmem>>[vector<16xi32>, vector<16xi32>], vector<16xf32>,
          %swap3A_463 = arith.index_cast %select_n3A_449 : i32 to index
          %swap3A_464 = arith.constant 48 : index
          %swap3A_465 = tpu.vector_load %arg9[%swap3A_463, %swap3A_464] {strides = array<i32>} : memref<32x64xf32, #tpu.memory_space<vmem>>, vector<16xf32>,
          tpu.vector_store %arg9[%swap3A_463, %swap3A_464], %gather3A_462 {strides = array<i32>} : memref<32x64xf32, #tpu.memory_space<vmem>>, vector<16xf32>,
          %dma_start3A_466 = arith.constant 0 : i32
          %dma_start3A_467 = tpu.memref_slice %arg9[%select_n3A_449, %dma_start3A_466] : memref<32x64xf32, #tpu.memory_space<vmem>> -> memref<1x64xf32, #tpu.memory_space<vmem>>
          %dma_start3A_468 = arith.constant 0 : i32
          %dma_start3A_469 = tpu.memref_slice %arg4[%squeeze3A_425, %dma_start3A_468] : memref<16384x64xf32, #tpu.memory_space<hbm>> -> memref<1x64xf32, #tpu.memory_space<hbm>>
          %dma_start3A_470 = arith.constant 0 : i32
          %dma_start3A_471 = tpu.memref_slice %arg4[%squeeze3A_425, %dma_start3A_470] : memref<16384x64xf32, #tpu.memory_space<hbm>> -> memref<1x64xf32, #tpu.memory_space<hbm>>
          %dma_start3A_472 = arith.constant 0 : i32
          %dma_start3A_473 = tpu.memref_slice %arg9[%select_n3A_449, %dma_start3A_472] : memref<32x64xf32, #tpu.memory_space<vmem>> -> memref<1x64xf32, #tpu.memory_space<vmem>>
          tpu.enqueue_dma source(%dma_start3A_473 : memref<1x64xf32, #tpu.memory_space<vmem>>) target(%dma_start3A_471 : memref<1x64xf32, #tpu.memory_space<hbm>>) target_semaphore(%arg17 : memref<!tpu.dma_semaphore, #tpu.memory_space<semaphore_mem>>)
          %add3A_474 = arith.constant 1 : i32
          %add3A_475 = arith.addi %squeeze3A_428, %add3A_474 : i32
          %broadcast_in_dim3A_476 = vector.broadcast %add3A_475 : i32 to vector<16xi32>
          tpu.vector_store_idx %arg10[%broadcast_in_dim3A_1], %broadcast_in_dim3A_476 masked %eq3A_3 : memref<16xi32, #tpu.memory_space<vmem>>[vector<16xi32>], vector<16xi32>, vector<16xi1>
          %ne3A_477 = arith.cmpi ne, %iota3A, %all_reduce_ffs3A : vector<16xi32>
          %and3A_478 = arith.andi %while3A_409, %ne3A_477 : vector<16xi1>
          scf.yield %and3A_478 : vector<16xi1>
        }
      }
      %while3A_381 = arith.constant 1 : i32
      scf.for %while3A_382 = %while3A_379 to %while3A_375 step %while3A_381  : i32 {
        %mul3A_383 = arith.constant 16 : i32
        %mul3A_384 = arith.muli %while3A_382, %mul3A_383 : i32
        %get3A = arith.index_cast %mul3A_384 : i32 to index
        %get3A_385 = tpu.vector_load %arg5[%get3A] {strides = array<i32>} : memref<16400xi32, #tpu.memory_space<vmem>>, vector<16xi32>,
        %mul3A_386 = arith.constant 16 : i32
        %mul3A_387 = arith.muli %while3A_382, %mul3A_386 : i32
        %add3A_388 = vector.broadcast %mul3A_387 : i32 to vector<16xi32>
        %add3A_389 = arith.addi %iota3A, %add3A_388 : vector<16xi32>
        %ge3A = arith.cmpi sge, %add3A_389, %gather3A_311 : vector<16xi32>
        %lt3A = arith.cmpi slt, %add3A_389, %gather3A_315 : vector<16xi32>
        %and3A_390 = arith.andi %ge3A, %lt3A : vector<16xi1>
        %shift_right_arithmetic3A = arith.constant 22 : i32
        %shift_right_arithmetic3A_391 = vector.broadcast %shift_right_arithmetic3A : i32 to vector<16xi32>
        %shift_right_arithmetic3A_392 = arith.shrsi %get3A_385, %shift_right_arithmetic3A_391 : vector<16xi32>
        %eq3A_393 = arith.cmpi eq, %shift_right_arithmetic3A_392, %broadcast_in_dim3A_316 : vector<16xi32>
        %and3A_394 = arith.andi %eq3A_393, %and3A_390 : vector<16xi1>
        %all_reduce_population_count3A = tpu.all_reduce %and3A_394 {dim = 0 : i64, kind = #tpu.reduction_kind<sum>} : vector<16xi1> -> vector<16xi32>
        %slice3A_395 = vector.extract_strided_slice %all_reduce_population_count3A {offsets = [0], sizes = [1], strides = [1]} : vector<16xi32> to vector<1xi32>
        %squeeze3A_396 = vector.extract %slice3A_395[0] : i32 from vector<1xi32>
        %while3A_397 = arith.constant 0 : i32
        %while3A_398 = arith.subi %squeeze3A_396, %while3A_397 : i32
        %while3A_399 = arith.addi %while3A_397, %while3A_398 : i32
        %while3A_400 = arith.constant 1 : i32
        %while3A_401 = arith.divsi %while3A_398, %while3A_400 : i32
        %while3A_402 = arith.muli %while3A_401, %while3A_400 : i32
        %while3A_403 = arith.addi %while3A_397, %while3A_402 : i32
        %while3A_404 = arith.constant 1 : i32
        %while3A_405 = scf.for %while3A_408 = %while3A_397 to %while3A_403 step %while3A_404 iter_args(%while3A_409 = %and3A_394) -> (vector<16xi1>)  : i32 {
          %all_reduce_ffs3A = tpu.all_reduce %while3A_409 {dim = 0 : i64, kind = #tpu.reduction_kind<find_first_set>} : vector<16xi1> -> vector<16xi32>
          %mul3A_410 = arith.constant 16 : i32
          %mul3A_411 = arith.muli %while3A_382, %mul3A_410 : i32
          %add3A_412 = vector.broadcast %mul3A_411 : i32 to vector<16xi32>
          %add3A_413 = arith.addi %all_reduce_ffs3A, %add3A_412 : vector<16xi32>
          %gather3A_414 = tpu.vector_load_idx %arg5[%add3A_413] : memref<16400xi32, #tpu.memory_space<vmem>>[vector<16xi32>], vector<16xi32>,
          %shift_right_arithmetic3A_415 = arith.constant 14 : i32
          %shift_right_arithmetic3A_416 = vector.broadcast %shift_right_arithmetic3A_415 : i32 to vector<16xi32>
          %shift_right_arithmetic3A_417 = arith.shrsi %gather3A_414, %shift_right_arithmetic3A_416 : vector<16xi32>
          %and3A_418 = arith.constant 255 : i32
          %and3A_419 = vector.broadcast %and3A_418 : i32 to vector<16xi32>
          %and3A_420 = arith.andi %shift_right_arithmetic3A_417, %and3A_419 : vector<16xi32>
          %and3A_421 = arith.constant 16383 : i32
          %and3A_422 = vector.broadcast %and3A_421 : i32 to vector<16xi32>
          %and3A_423 = arith.andi %gather3A_414, %and3A_422 : vector<16xi32>
          %slice3A_424 = vector.extract_strided_slice %and3A_423 {offsets = [0], sizes = [1], strides = [1]} : vector<16xi32> to vector<1xi32>
          %squeeze3A_425 = vector.extract %slice3A_424[0] : i32 from vector<1xi32>
          %gather3A_426 = tpu.vector_load_idx %arg10[%broadcast_in_dim3A_1] : memref<16xi32, #tpu.memory_space<vmem>>[vector<16xi32>], vector<16xi32>,
          %slice3A_427 = vector.extract_strided_slice %gather3A_426 {offsets = [0], sizes = [1], strides = [1]} : vector<16xi32> to vector<1xi32>
          %squeeze3A_428 = vector.extract %slice3A_427[0] : i32 from vector<1xi32>
          %ge3A_429 = arith.constant 32 : i32
          %ge3A_430 = arith.cmpi sge, %squeeze3A_428, %ge3A_429 : i32
          %convert_element_type3A_431 = arith.extui %ge3A_430 : i1 to i32
          %cond3A_432 = arith.constant 0 : i32
          %cond3A_433 = arith.cmpi ne, %convert_element_type3A_431, %cond3A_432 : i32
          scf.if %cond3A_433 {
            %dma_wait3A_479 = arith.constant 0 : i32
            %dma_wait3A_480 = arith.constant 0 : i32
            %dma_wait3A_481 = tpu.memref_slice %arg9[%dma_wait3A_479, %dma_wait3A_480] : memref<32x64xf32, #tpu.memory_space<vmem>> -> memref<1x64xf32, #tpu.memory_space<vmem>>
            %dma_wait3A_482 = arith.constant 0 : i32
            %dma_wait3A_483 = arith.constant 0 : i32
            %dma_wait3A_484 = tpu.memref_slice %arg4[%dma_wait3A_482, %dma_wait3A_483] : memref<16384x64xf32, #tpu.memory_space<hbm>> -> memref<1x64xf32, #tpu.memory_space<hbm>>
            %dma_wait3A_485 = arith.constant 0 : i32
            %dma_wait3A_486 = arith.constant 0 : i32
            %dma_wait3A_487 = tpu.memref_slice %arg9[%dma_wait3A_485, %dma_wait3A_486] : memref<32x64xf32, #tpu.memory_space<vmem>> -> memref<1x64xf32, #tpu.memory_space<vmem>>
            %dma_wait3A_488 = arith.constant 0 : i32
            %dma_wait3A_489 = arith.constant 0 : i32
            %dma_wait3A_490 = tpu.memref_slice %arg4[%dma_wait3A_488, %dma_wait3A_489] : memref<16384x64xf32, #tpu.memory_space<hbm>> -> memref<1x64xf32, #tpu.memory_space<hbm>>
            tpu.wait_dma2 semaphore(%arg17 : memref<!tpu.dma_semaphore, #tpu.memory_space<semaphore_mem>>) src(%dma_wait3A_490 : memref<1x64xf32, #tpu.memory_space<hbm>>) dst(%dma_wait3A_487 : memref<1x64xf32, #tpu.memory_space<vmem>>)
          } else {
          }
          %jit3A_434 = arith.constant 32 : i32
          %eq3A_435 = arith.constant 0 : i32
          %eq3A_436 = arith.cmpi eq, %jit3A_434, %eq3A_435 : i32
          %jit3A_437 = arith.constant 1 : i32
          %select_n3A_438 = arith.select %eq3A_436, %jit3A_437, %jit3A_434 : i32
          %rem3A_439 = arith.remsi %squeeze3A_428, %select_n3A_438 : i32
          %ne3A_440 = arith.constant 0 : i32
          %ne3A_441 = arith.cmpi ne, %rem3A_439, %ne3A_440 : i32
          %lt3A_442 = arith.constant 0 : i32
          %lt3A_443 = arith.cmpi slt, %rem3A_439, %lt3A_442 : i32
          %lt3A_444 = arith.constant 0 : i32
          %lt3A_445 = arith.cmpi slt, %select_n3A_438, %lt3A_444 : i32
          %ne3A_446 = arith.xori %lt3A_443, %lt3A_445 : i1
          %and3A_447 = arith.andi %ne3A_446, %ne3A_441 : i1
          %add3A_448 = arith.addi %rem3A_439, %select_n3A_438 : i32
          %select_n3A_449 = arith.select %and3A_447, %add3A_448, %rem3A_439 : i32
          %gather3A_450 = tpu.vector_load_idx %arg8[%add3A_6, %and3A_420] : memref<64x128xf32, #tpu.memory_space<vmem>>[vector<16xi32>, vector<16xi32>], vector<16xf32>,
          %swap3A_451 = arith.index_cast %select_n3A_449 : i32 to index
          %swap3A_452 = arith.constant 0 : index
          %swap3A_453 = tpu.vector_load %arg9[%swap3A_451, %swap3A_452] {strides = array<i32>} : memref<32x64xf32, #tpu.memory_space<vmem>>, vector<16xf32>,
          tpu.vector_store %arg9[%swap3A_451, %swap3A_452], %gather3A_450 {strides = array<i32>} : memref<32x64xf32, #tpu.memory_space<vmem>>, vector<16xf32>,
          %gather3A_454 = tpu.vector_load_idx %arg8[%add3A_9, %and3A_420] : memref<64x128xf32, #tpu.memory_space<vmem>>[vector<16xi32>, vector<16xi32>], vector<16xf32>,
          %swap3A_455 = arith.index_cast %select_n3A_449 : i32 to index
          %swap3A_456 = arith.constant 16 : index
          %swap3A_457 = tpu.vector_load %arg9[%swap3A_455, %swap3A_456] {strides = array<i32>} : memref<32x64xf32, #tpu.memory_space<vmem>>, vector<16xf32>,
          tpu.vector_store %arg9[%swap3A_455, %swap3A_456], %gather3A_454 {strides = array<i32>} : memref<32x64xf32, #tpu.memory_space<vmem>>, vector<16xf32>,
          %gather3A_458 = tpu.vector_load_idx %arg8[%add3A_12, %and3A_420] : memref<64x128xf32, #tpu.memory_space<vmem>>[vector<16xi32>, vector<16xi32>], vector<16xf32>,
          %swap3A_459 = arith.index_cast %select_n3A_449 : i32 to index
          %swap3A_460 = arith.constant 32 : index
          %swap3A_461 = tpu.vector_load %arg9[%swap3A_459, %swap3A_460] {strides = array<i32>} : memref<32x64xf32, #tpu.memory_space<vmem>>, vector<16xf32>,
          tpu.vector_store %arg9[%swap3A_459, %swap3A_460], %gather3A_458 {strides = array<i32>} : memref<32x64xf32, #tpu.memory_space<vmem>>, vector<16xf32>,
          %gather3A_462 = tpu.vector_load_idx %arg8[%add3A_15, %and3A_420] : memref<64x128xf32, #tpu.memory_space<vmem>>[vector<16xi32>, vector<16xi32>], vector<16xf32>,
          %swap3A_463 = arith.index_cast %select_n3A_449 : i32 to index
          %swap3A_464 = arith.constant 48 : index
          %swap3A_465 = tpu.vector_load %arg9[%swap3A_463, %swap3A_464] {strides = array<i32>} : memref<32x64xf32, #tpu.memory_space<vmem>>, vector<16xf32>,
          tpu.vector_store %arg9[%swap3A_463, %swap3A_464], %gather3A_462 {strides = array<i32>} : memref<32x64xf32, #tpu.memory_space<vmem>>, vector<16xf32>,
          %dma_start3A_466 = arith.constant 0 : i32
          %dma_start3A_467 = tpu.memref_slice %arg9[%select_n3A_449, %dma_start3A_466] : memref<32x64xf32, #tpu.memory_space<vmem>> -> memref<1x64xf32, #tpu.memory_space<vmem>>
          %dma_start3A_468 = arith.constant 0 : i32
          %dma_start3A_469 = tpu.memref_slice %arg4[%squeeze3A_425, %dma_start3A_468] : memref<16384x64xf32, #tpu.memory_space<hbm>> -> memref<1x64xf32, #tpu.memory_space<hbm>>
          %dma_start3A_470 = arith.constant 0 : i32
          %dma_start3A_471 = tpu.memref_slice %arg4[%squeeze3A_425, %dma_start3A_470] : memref<16384x64xf32, #tpu.memory_space<hbm>> -> memref<1x64xf32, #tpu.memory_space<hbm>>
          %dma_start3A_472 = arith.constant 0 : i32
          %dma_start3A_473 = tpu.memref_slice %arg9[%select_n3A_449, %dma_start3A_472] : memref<32x64xf32, #tpu.memory_space<vmem>> -> memref<1x64xf32, #tpu.memory_space<vmem>>
          tpu.enqueue_dma source(%dma_start3A_473 : memref<1x64xf32, #tpu.memory_space<vmem>>) target(%dma_start3A_471 : memref<1x64xf32, #tpu.memory_space<hbm>>) target_semaphore(%arg17 : memref<!tpu.dma_semaphore, #tpu.memory_space<semaphore_mem>>)
          %add3A_474 = arith.constant 1 : i32
          %add3A_475 = arith.addi %squeeze3A_428, %add3A_474 : i32
          %broadcast_in_dim3A_476 = vector.broadcast %add3A_475 : i32 to vector<16xi32>
          tpu.vector_store_idx %arg10[%broadcast_in_dim3A_1], %broadcast_in_dim3A_476 masked %eq3A_3 : memref<16xi32, #tpu.memory_space<vmem>>[vector<16xi32>], vector<16xi32>, vector<16xi1>
          %ne3A_477 = arith.cmpi ne, %iota3A, %all_reduce_ffs3A : vector<16xi32>
          %and3A_478 = arith.andi %while3A_409, %ne3A_477 : vector<16xi1>
          scf.yield %and3A_478 : vector<16xi1>
        }
        %while3A_406 = arith.constant 1 : i32
        %while3A_407 = scf.for %while3A_408 = %while3A_403 to %while3A_399 step %while3A_406 iter_args(%while3A_409 = %while3A_405) -> (vector<16xi1>)  : i32 {
          %all_reduce_ffs3A = tpu.all_reduce %while3A_409 {dim = 0 : i64, kind = #tpu.reduction_kind<find_first_set>} : vector<16xi1> -> vector<16xi32>
          %mul3A_410 = arith.constant 16 : i32
          %mul3A_411 = arith.muli %while3A_382, %mul3A_410 : i32
          %add3A_412 = vector.broadcast %mul3A_411 : i32 to vector<16xi32>
          %add3A_413 = arith.addi %all_reduce_ffs3A, %add3A_412 : vector<16xi32>
          %gather3A_414 = tpu.vector_load_idx %arg5[%add3A_413] : memref<16400xi32, #tpu.memory_space<vmem>>[vector<16xi32>], vector<16xi32>,
          %shift_right_arithmetic3A_415 = arith.constant 14 : i32
          %shift_right_arithmetic3A_416 = vector.broadcast %shift_right_arithmetic3A_415 : i32 to vector<16xi32>
          %shift_right_arithmetic3A_417 = arith.shrsi %gather3A_414, %shift_right_arithmetic3A_416 : vector<16xi32>
          %and3A_418 = arith.constant 255 : i32
          %and3A_419 = vector.broadcast %and3A_418 : i32 to vector<16xi32>
          %and3A_420 = arith.andi %shift_right_arithmetic3A_417, %and3A_419 : vector<16xi32>
          %and3A_421 = arith.constant 16383 : i32
          %and3A_422 = vector.broadcast %and3A_421 : i32 to vector<16xi32>
          %and3A_423 = arith.andi %gather3A_414, %and3A_422 : vector<16xi32>
          %slice3A_424 = vector.extract_strided_slice %and3A_423 {offsets = [0], sizes = [1], strides = [1]} : vector<16xi32> to vector<1xi32>
          %squeeze3A_425 = vector.extract %slice3A_424[0] : i32 from vector<1xi32>
          %gather3A_426 = tpu.vector_load_idx %arg10[%broadcast_in_dim3A_1] : memref<16xi32, #tpu.memory_space<vmem>>[vector<16xi32>], vector<16xi32>,
          %slice3A_427 = vector.extract_strided_slice %gather3A_426 {offsets = [0], sizes = [1], strides = [1]} : vector<16xi32> to vector<1xi32>
          %squeeze3A_428 = vector.extract %slice3A_427[0] : i32 from vector<1xi32>
          %ge3A_429 = arith.constant 32 : i32
          %ge3A_430 = arith.cmpi sge, %squeeze3A_428, %ge3A_429 : i32
          %convert_element_type3A_431 = arith.extui %ge3A_430 : i1 to i32
          %cond3A_432 = arith.constant 0 : i32
          %cond3A_433 = arith.cmpi ne, %convert_element_type3A_431, %cond3A_432 : i32
          scf.if %cond3A_433 {
            %dma_wait3A_479 = arith.constant 0 : i32
            %dma_wait3A_480 = arith.constant 0 : i32
            %dma_wait3A_481 = tpu.memref_slice %arg9[%dma_wait3A_479, %dma_wait3A_480] : memref<32x64xf32, #tpu.memory_space<vmem>> -> memref<1x64xf32, #tpu.memory_space<vmem>>
            %dma_wait3A_482 = arith.constant 0 : i32
            %dma_wait3A_483 = arith.constant 0 : i32
            %dma_wait3A_484 = tpu.memref_slice %arg4[%dma_wait3A_482, %dma_wait3A_483] : memref<16384x64xf32, #tpu.memory_space<hbm>> -> memref<1x64xf32, #tpu.memory_space<hbm>>
            %dma_wait3A_485 = arith.constant 0 : i32
            %dma_wait3A_486 = arith.constant 0 : i32
            %dma_wait3A_487 = tpu.memref_slice %arg9[%dma_wait3A_485, %dma_wait3A_486] : memref<32x64xf32, #tpu.memory_space<vmem>> -> memref<1x64xf32, #tpu.memory_space<vmem>>
            %dma_wait3A_488 = arith.constant 0 : i32
            %dma_wait3A_489 = arith.constant 0 : i32
            %dma_wait3A_490 = tpu.memref_slice %arg4[%dma_wait3A_488, %dma_wait3A_489] : memref<16384x64xf32, #tpu.memory_space<hbm>> -> memref<1x64xf32, #tpu.memory_space<hbm>>
            tpu.wait_dma2 semaphore(%arg17 : memref<!tpu.dma_semaphore, #tpu.memory_space<semaphore_mem>>) src(%dma_wait3A_490 : memref<1x64xf32, #tpu.memory_space<hbm>>) dst(%dma_wait3A_487 : memref<1x64xf32, #tpu.memory_space<vmem>>)
          } else {
          }
          %jit3A_434 = arith.constant 32 : i32
          %eq3A_435 = arith.constant 0 : i32
          %eq3A_436 = arith.cmpi eq, %jit3A_434, %eq3A_435 : i32
          %jit3A_437 = arith.constant 1 : i32
          %select_n3A_438 = arith.select %eq3A_436, %jit3A_437, %jit3A_434 : i32
          %rem3A_439 = arith.remsi %squeeze3A_428, %select_n3A_438 : i32
          %ne3A_440 = arith.constant 0 : i32
          %ne3A_441 = arith.cmpi ne, %rem3A_439, %ne3A_440 : i32
          %lt3A_442 = arith.constant 0 : i32
          %lt3A_443 = arith.cmpi slt, %rem3A_439, %lt3A_442 : i32
          %lt3A_444 = arith.constant 0 : i32
          %lt3A_445 = arith.cmpi slt, %select_n3A_438, %lt3A_444 : i32
          %ne3A_446 = arith.xori %lt3A_443, %lt3A_445 : i1
          %and3A_447 = arith.andi %ne3A_446, %ne3A_441 : i1
          %add3A_448 = arith.addi %rem3A_439, %select_n3A_438 : i32
          %select_n3A_449 = arith.select %and3A_447, %add3A_448, %rem3A_439 : i32
          %gather3A_450 = tpu.vector_load_idx %arg8[%add3A_6, %and3A_420] : memref<64x128xf32, #tpu.memory_space<vmem>>[vector<16xi32>, vector<16xi32>], vector<16xf32>,
          %swap3A_451 = arith.index_cast %select_n3A_449 : i32 to index
          %swap3A_452 = arith.constant 0 : index
          %swap3A_453 = tpu.vector_load %arg9[%swap3A_451, %swap3A_452] {strides = array<i32>} : memref<32x64xf32, #tpu.memory_space<vmem>>, vector<16xf32>,
          tpu.vector_store %arg9[%swap3A_451, %swap3A_452], %gather3A_450 {strides = array<i32>} : memref<32x64xf32, #tpu.memory_space<vmem>>, vector<16xf32>,
          %gather3A_454 = tpu.vector_load_idx %arg8[%add3A_9, %and3A_420] : memref<64x128xf32, #tpu.memory_space<vmem>>[vector<16xi32>, vector<16xi32>], vector<16xf32>,
          %swap3A_455 = arith.index_cast %select_n3A_449 : i32 to index
          %swap3A_456 = arith.constant 16 : index
          %swap3A_457 = tpu.vector_load %arg9[%swap3A_455, %swap3A_456] {strides = array<i32>} : memref<32x64xf32, #tpu.memory_space<vmem>>, vector<16xf32>,
          tpu.vector_store %arg9[%swap3A_455, %swap3A_456], %gather3A_454 {strides = array<i32>} : memref<32x64xf32, #tpu.memory_space<vmem>>, vector<16xf32>,
          %gather3A_458 = tpu.vector_load_idx %arg8[%add3A_12, %and3A_420] : memref<64x128xf32, #tpu.memory_space<vmem>>[vector<16xi32>, vector<16xi32>], vector<16xf32>,
          %swap3A_459 = arith.index_cast %select_n3A_449 : i32 to index
          %swap3A_460 = arith.constant 32 : index
          %swap3A_461 = tpu.vector_load %arg9[%swap3A_459, %swap3A_460] {strides = array<i32>} : memref<32x64xf32, #tpu.memory_space<vmem>>, vector<16xf32>,
          tpu.vector_store %arg9[%swap3A_459, %swap3A_460], %gather3A_458 {strides = array<i32>} : memref<32x64xf32, #tpu.memory_space<vmem>>, vector<16xf32>,
          %gather3A_462 = tpu.vector_load_idx %arg8[%add3A_15, %and3A_420] : memref<64x128xf32, #tpu.memory_space<vmem>>[vector<16xi32>, vector<16xi32>], vector<16xf32>,
          %swap3A_463 = arith.index_cast %select_n3A_449 : i32 to index
          %swap3A_464 = arith.constant 48 : index
          %swap3A_465 = tpu.vector_load %arg9[%swap3A_463, %swap3A_464] {strides = array<i32>} : memref<32x64xf32, #tpu.memory_space<vmem>>, vector<16xf32>,
          tpu.vector_store %arg9[%swap3A_463, %swap3A_464], %gather3A_462 {strides = array<i32>} : memref<32x64xf32, #tpu.memory_space<vmem>>, vector<16xf32>,
          %dma_start3A_466 = arith.constant 0 : i32
          %dma_start3A_467 = tpu.memref_slice %arg9[%select_n3A_449, %dma_start3A_466] : memref<32x64xf32, #tpu.memory_space<vmem>> -> memref<1x64xf32, #tpu.memory_space<vmem>>
          %dma_start3A_468 = arith.constant 0 : i32
          %dma_start3A_469 = tpu.memref_slice %arg4[%squeeze3A_425, %dma_start3A_468] : memref<16384x64xf32, #tpu.memory_space<hbm>> -> memref<1x64xf32, #tpu.memory_space<hbm>>
          %dma_start3A_470 = arith.constant 0 : i32
          %dma_start3A_471 = tpu.memref_slice %arg4[%squeeze3A_425, %dma_start3A_470] : memref<16384x64xf32, #tpu.memory_space<hbm>> -> memref<1x64xf32, #tpu.memory_space<hbm>>
          %dma_start3A_472 = arith.constant 0 : i32
          %dma_start3A_473 = tpu.memref_slice %arg9[%select_n3A_449, %dma_start3A_472] : memref<32x64xf32, #tpu.memory_space<vmem>> -> memref<1x64xf32, #tpu.memory_space<vmem>>
          tpu.enqueue_dma source(%dma_start3A_473 : memref<1x64xf32, #tpu.memory_space<vmem>>) target(%dma_start3A_471 : memref<1x64xf32, #tpu.memory_space<hbm>>) target_semaphore(%arg17 : memref<!tpu.dma_semaphore, #tpu.memory_space<semaphore_mem>>)
          %add3A_474 = arith.constant 1 : i32
          %add3A_475 = arith.addi %squeeze3A_428, %add3A_474 : i32
          %broadcast_in_dim3A_476 = vector.broadcast %add3A_475 : i32 to vector<16xi32>
          tpu.vector_store_idx %arg10[%broadcast_in_dim3A_1], %broadcast_in_dim3A_476 masked %eq3A_3 : memref<16xi32, #tpu.memory_space<vmem>>[vector<16xi32>], vector<16xi32>, vector<16xi1>
          %ne3A_477 = arith.cmpi ne, %iota3A, %all_reduce_ffs3A : vector<16xi32>
          %and3A_478 = arith.andi %while3A_409, %ne3A_477 : vector<16xi1>
          scf.yield %and3A_478 : vector<16xi1>
        }
      }
    } else {
    }
    %gather3A = tpu.vector_load_idx %arg10[%broadcast_in_dim3A_1] : memref<16xi32, #tpu.memory_space<vmem>>[vector<16xi32>], vector<16xi32>,
    %slice3A = vector.extract_strided_slice %gather3A {offsets = [0], sizes = [1], strides = [1]} : vector<16xi32> to vector<1xi32>
    %squeeze3A = vector.extract %slice3A[0] : i32 from vector<1xi32>
    %min3A_261 = arith.constant 32 : i32
    %min3A_262 = arith.minsi %squeeze3A, %min3A_261 : i32
    %while3A_263 = arith.constant 0 : i32
    %while3A_264 = arith.constant 0 : i32
    %while3A_265 = arith.subi %min3A_262, %while3A_264 : i32
    %while3A_266 = arith.addi %while3A_264, %while3A_265 : i32
    %while3A_267 = arith.constant 1 : i32
    %while3A_268 = arith.divsi %while3A_265, %while3A_267 : i32
    %while3A_269 = arith.muli %while3A_268, %while3A_267 : i32
    %while3A_270 = arith.addi %while3A_264, %while3A_269 : i32
    %while3A_271 = arith.constant 1 : i32
    scf.for %while3A_273 = %while3A_264 to %while3A_270 step %while3A_271  : i32 {
      %dma_wait3A = arith.constant 0 : i32
      %dma_wait3A_274 = arith.constant 0 : i32
      %dma_wait3A_275 = tpu.memref_slice %arg9[%dma_wait3A, %dma_wait3A_274] : memref<32x64xf32, #tpu.memory_space<vmem>> -> memref<1x64xf32, #tpu.memory_space<vmem>>
      %dma_wait3A_276 = arith.constant 0 : i32
      %dma_wait3A_277 = arith.constant 0 : i32
      %dma_wait3A_278 = tpu.memref_slice %arg4[%dma_wait3A_276, %dma_wait3A_277] : memref<16384x64xf32, #tpu.memory_space<hbm>> -> memref<1x64xf32, #tpu.memory_space<hbm>>
      %dma_wait3A_279 = arith.constant 0 : i32
      %dma_wait3A_280 = arith.constant 0 : i32
      %dma_wait3A_281 = tpu.memref_slice %arg9[%dma_wait3A_279, %dma_wait3A_280] : memref<32x64xf32, #tpu.memory_space<vmem>> -> memref<1x64xf32, #tpu.memory_space<vmem>>
      %dma_wait3A_282 = arith.constant 0 : i32
      %dma_wait3A_283 = arith.constant 0 : i32
      %dma_wait3A_284 = tpu.memref_slice %arg4[%dma_wait3A_282, %dma_wait3A_283] : memref<16384x64xf32, #tpu.memory_space<hbm>> -> memref<1x64xf32, #tpu.memory_space<hbm>>
      tpu.wait_dma2 semaphore(%arg17 : memref<!tpu.dma_semaphore, #tpu.memory_space<semaphore_mem>>) src(%dma_wait3A_284 : memref<1x64xf32, #tpu.memory_space<hbm>>) dst(%dma_wait3A_281 : memref<1x64xf32, #tpu.memory_space<vmem>>)
    }
    %while3A_272 = arith.constant 1 : i32
    scf.for %while3A_273 = %while3A_270 to %while3A_266 step %while3A_272  : i32 {
      %dma_wait3A = arith.constant 0 : i32
      %dma_wait3A_274 = arith.constant 0 : i32
      %dma_wait3A_275 = tpu.memref_slice %arg9[%dma_wait3A, %dma_wait3A_274] : memref<32x64xf32, #tpu.memory_space<vmem>> -> memref<1x64xf32, #tpu.memory_space<vmem>>
      %dma_wait3A_276 = arith.constant 0 : i32
      %dma_wait3A_277 = arith.constant 0 : i32
      %dma_wait3A_278 = tpu.memref_slice %arg4[%dma_wait3A_276, %dma_wait3A_277] : memref<16384x64xf32, #tpu.memory_space<hbm>> -> memref<1x64xf32, #tpu.memory_space<hbm>>
      %dma_wait3A_279 = arith.constant 0 : i32
      %dma_wait3A_280 = arith.constant 0 : i32
      %dma_wait3A_281 = tpu.memref_slice %arg9[%dma_wait3A_279, %dma_wait3A_280] : memref<32x64xf32, #tpu.memory_space<vmem>> -> memref<1x64xf32, #tpu.memory_space<vmem>>
      %dma_wait3A_282 = arith.constant 0 : i32
      %dma_wait3A_283 = arith.constant 0 : i32
      %dma_wait3A_284 = tpu.memref_slice %arg4[%dma_wait3A_282, %dma_wait3A_283] : memref<16384x64xf32, #tpu.memory_space<hbm>> -> memref<1x64xf32, #tpu.memory_space<hbm>>
      tpu.wait_dma2 semaphore(%arg17 : memref<!tpu.dma_semaphore, #tpu.memory_space<semaphore_mem>>) src(%dma_wait3A_284 : memref<1x64xf32, #tpu.memory_space<hbm>>) dst(%dma_wait3A_281 : memref<1x64xf32, #tpu.memory_space<vmem>>)
    }
    return
  }
}

</mosaic_0001>

<sc_bundles>
// kernel: kernel.3.cloned.1.call-start
scs
__scs_entry_jumppad:
0x0: {  	(pc) =	sbr.rel $0x88, $3  }
0x1: {  	(tag) =	ssettag $0x0;
	lr =	simm.s32 $0x1  }
0x2: {  	[smem:$0x3F9F] =	sst lr;
	_ =	strace $0xD0000000  }
0x3: {  	_ = 	snop  }
0x4: {  	_ = 	snop  }
0x5: {  	_ = 	snop  }
0x6: {  	_ = 	snop  }
0x7: {  	_ = 	snop  }
__scs_overlays_trampoline_lowered:
0x8: {  	[smem:$0x3FAE] =	sst s0  }
0x9: {  	[smem:$0x3FAF] =	sst s1  }
0xa: {  	[smem:$0x3FB0] =	sst s2  }
0xb: {  	[smem:$0x3FB1] =	sst s3  }
0xc: {  	[smem:$0x3FB2] =	sst s4  }
0xd: {  	[smem:$0x3FB3] =	sst s5  }
0xe: {  	[smem:$0x3FB4] =	sst s6  }
0xf: {  	[smem:$0x3FB5] =	sst s7  }
0x10: {  	[smem:$0x3FB6] =	sst s8  }
0x11: {  	[smem:$0x3FB7] =	sst s9;
	s0 =	simm.s32 @!p0 $0x0  }
0x12: {  	s1 =	sld [smem:$0x3F9D];
	s0 =	simm.s32 @p0 $0x1  }
0x13: {  	[smem:$0x3FB8] =	sst s0;
	s0 =	simm.s32 @!p1 $0x0  }
0x14: {  	s2 =	sld [smem:$0x3F9C];
	s0 =	simm.s32 @p1 $0x1  }
0x15: {  	[smem:$0x3FB9] =	sst s0;
	s0 =	simm.s32 @!p2 $0x0  }
0x16: {  	s3 =	sld [smem:$0x3FDB];
	s0 =	simm.s32 @p2 $0x1  }
0x17: {  	s4 =	simm.s32 $0x1BF5;
	[smem:$0x3FBB] =	sst s0  }
0x18: {  	s0 =	sld [smem:$0x3F9E];
	_ =	swait.ge [sflag:s4], $0x0  }
0x19: {  	s7 =	sld [smem:$0x3F9F]  }
0x1a: {  	s8 =	sadd.s32 $0xFFFFE003, lr  }
0x1b: {  	s9 =	sadd.s32 $0xFFFFFEF7, lr;
	s5 =	simm.s32 $0xFFFFFFFF;
	p2 =	slt.u32 s8, $0xFFFFF086  }
0x1c: {  	p1 =	slt.u32 s9, $0xF7A;
	s5 =	simm.s32 @!p2 $0x0  }
0x1d: {  	s5 =	simm.s32 @p1 $0x1;
	p0 =	seq.s32 s7, s2  }
0x1e: {  	s7 =	smul.u32 @!p0 $0xF7A, s2;
	p2 =	seq.s32 @!p0 s5, $0x0  }
0x1f: {  	s9 =	smul.u32 $0xF7A, s1;
	s8 =	simm.s32 @!p0 $0x1BF5;
	p2 =	por !p2, p0  }
0x20: {  	[sflag:s8] =	ssyncset.s32 @!p0 $0xFFFFF086;
	s6 =	sadd.s32 @!p0 s3, s7;
	s7 =	simm.s32 @!p0 $0x108  }
0x21: {  	s3 =	sadd.s32 s3, s9;
	s6 =	sadd.s32 @!p0 $0x88, s6;
	s7 =	simm.s32 @p2 $0x1082  }
0x22: {  	[simem:s7], [sflag:s8] =	dma.local @!p0 [hbm:s6], $0xF7A  }
0x23: {  	s9 =	sor.u32 $0xD0000000, s2;
	s6 =	simm.s32 $0x108;
	_ =	swait.ge @!p0 [sflag:s8], $0x0  }
0x24: {  	s3 =	sadd.s32 $0x88, s3;
	s6 =	simm.s32 @!p1 $0x1082;
	[sflag:s4] =	ssyncset.s32 $0xFFFFF086  }
0x25: {  	[simem:s6], [sflag:s4] =	dma.local [hbm:s3], $0xF7A  }
0x26: {  	[smem:$0x3F9F] =	sst s1;
	(tag) =	ssettag s2;
	_ =	strace s9  }
0x27: {  	s1 =	sld [smem:$0x3FAF]  }
0x28: {  	s2 =	sld [smem:$0x3FB0]  }
0x29: {  	s4 =	sld [smem:$0x3FB2]  }
0x2a: {  	p0 =	seq.s32 s5, $0x0;
	s5 =	sld [smem:$0x3FB3]  }
0x2b: {  	s6 =	sld [smem:$0x3FB4]  }
0x2c: {  	s7 =	sld [smem:$0x3FB5]  }
0x2d: {  	s3 =	simm.s32 $0x108;
	s8 =	sld [smem:$0x3FB6]  }
0x2e: {  	s3 =	simm.s32 @!p0 $0x1082;
	s9 =	sld [smem:$0x3FB7]  }
0x2f: {  	lr =	sadd.s32 s0, s3;
	s0 =	sld [smem:$0x3FAE]  }
0x30: {  	s3 =	sld [smem:$0x3FB1]  }
0x31: {  	[smem:$0x3FBA] =	sst s10  }
0x32: {  	s10 =	sld [smem:$0x3FB8];
	_ =	sdelay $0x3  }
0x33: {  	p0 =	seq.s32 s10, $0x1;
	s10 =	sld [smem:$0x3FBA];
	_ =	sdelay $0x3  }
0x34: {  	[smem:$0x3FBA] =	sst s10  }
0x35: {  	s10 =	sld [smem:$0x3FB9];
	_ =	sdelay $0x3  }
0x36: {  	p1 =	seq.s32 s10, $0x1;
	s10 =	sld [smem:$0x3FBA];
	_ =	sdelay $0x3  }
0x37: {  	[smem:$0x3FBA] =	sst s10  }
0x38: {  	s10 =	sld [smem:$0x3FBB]  }
0x39: {  	_ = 	snop;
	(pc) =	sbr.ind lr, $3  }
0x3a: {  	_ = 	snop  }
0x3b: {  	_ = 	snop  }
0x3c: {  	p2 =	seq.s32 s10, $0x1;
	s10 =	sld [smem:$0x3FBA]  }
0x3d: {  	_ =	shalt  }
0x3e: {  	_ =	shalt  }
0x3f: {  	_ =	shalt  }
0x40: {  	_ =	shalt  }
0x41: {  	_ =	shalt  }
0x42: {  	_ =	shalt  }
0x43: {  	_ =	shalt  }
0x44: {  	_ =	shalt  }
0x45: {  	_ =	shalt  }
0x46: {  	_ =	shalt  }
0x47: {  	_ =	shalt  }
0x48: {  	_ =	shalt  }
0x49: {  	_ =	shalt  }
0x4a: {  	_ =	shalt  }
0x4b: {  	_ =	shalt  }
0x4c: {  	_ =	shalt  }
0x4d: {  	_ =	shalt  }
0x4e: {  	_ =	shalt  }
0x4f: {  	_ =	shalt  }
0x50: {  	_ =	shalt  }
0x51: {  	_ =	shalt  }
0x52: {  	_ =	shalt  }
0x53: {  	_ =	shalt  }
0x54: {  	_ =	shalt  }
0x55: {  	_ =	shalt  }
0x56: {  	_ =	shalt  }
0x57: {  	_ =	shalt  }
0x58: {  	_ =	shalt  }
0x59: {  	_ =	shalt  }
0x5a: {  	_ =	shalt  }
0x5b: {  	_ =	shalt  }
0x5c: {  	_ =	shalt  }
0x5d: {  	_ =	shalt  }
0x5e: {  	_ =	shalt  }
0x5f: {  	_ =	shalt  }
0x60: {  	_ =	shalt  }
0x61: {  	_ =	shalt  }
0x62: {  	_ =	shalt  }
0x63: {  	_ =	shalt  }
0x64: {  	_ =	shalt  }
0x65: {  	_ =	shalt  }
0x66: {  	_ =	shalt  }
0x67: {  	_ =	shalt  }
0x68: {  	_ =	shalt  }
0x69: {  	_ =	shalt  }
0x6a: {  	_ =	shalt  }
0x6b: {  	_ =	shalt  }
0x6c: {  	_ =	shalt  }
0x6d: {  	_ =	shalt  }
0x6e: {  	_ =	shalt  }
0x6f: {  	_ =	shalt  }
0x70: {  	_ =	shalt  }
0x71: {  	_ =	shalt  }
0x72: {  	_ =	shalt  }
0x73: {  	_ =	shalt  }
0x74: {  	_ =	shalt  }
0x75: {  	_ =	shalt  }
0x76: {  	_ =	shalt  }
0x77: {  	_ =	shalt  }
0x78: {  	_ =	shalt  }
0x79: {  	_ =	shalt  }
0x7a: {  	_ =	shalt  }
0x7b: {  	_ =	shalt  }
0x7c: {  	_ =	shalt  }
0x7d: {  	_ =	shalt  }
0x7e: {  	_ =	shalt  }
0x7f: {  	_ =	shalt  }
0x80: {  	_ =	shalt  }
0x81: {  	_ =	shalt  }
0x82: {  	_ =	shalt  }
0x83: {  	_ =	shalt  }
0x84: {  	_ =	shalt  }
0x85: {  	_ =	shalt  }
0x86: {  	_ =	shalt  }
0x87: {  	_ =	shalt  }
.Lfunc_end0:
.L_simem_size_0:
called_computation_lowered:
.L_overlay_start_0:
0x88: {  	s2 =	sld [smem:$0x3FD9]  }
0x89: {  	s3 =	sld [smem:$0x3FFE];
	_ =	sdelay $0x1  }
0x8a: {  	s1 =	srdreg.scid  }
0x8b: {  	s0 =	sand.u32 $0x1, s1  }
0x8c: {  	s17 =	sshll.u32 s0, $0xA;
	s2 =	sadd.s32 s3, s2  }
0x8d: {  	s2 =	sadd.s32 s2, s17  }
0x8e: {  	[smem:$0x3FC6] =	sst s2  }
0x8f: {  	_ = 	snop  }
0x90: {  	s2 =	sld [smem:$0x3FC9]  }
0x91: {  	s18 =	sld [smem:$0x3FC8];
	(tm) =	ssettm $0x1  }
0x92: {  	s4 =	sld [smem:$0x3FFB];
	_ =	sdelay $0x3  }
0x93: {  	_ =	strace s4  }
0x94: {  	s4 =	sld [smem:$0x3FFC];
	_ =	sdelay $0x3  }
0x95: {  	_ =	strace s4  }
0x96: {  	s4 =	sld [smem:$0x3FFD];
	_ =	sdelay $0x3  }
0x97: {  	_ =	strace s4  }
0x98: {  	_ =	strace $0x8FFFFFFF  }
0x99: {  	s19 =	sld [smem:$0x3FDB];
	_ =	sdelay $0x1  }
0x9a: {  	s5 =	simm.s32 $_scs_section_size  }
0x9b: {  	s6 =	simm.s32 $_size__tile_overlayer_lowered;
	s7 =	simm.s32 $_tile_overlayer_lowered  }
0x9c: {  	s22 =	simm.s32 $0x1BFF;
	s21 =	sshll.u32 s7, $0x1;
	s4 =	sadd.s32 s5, s19  }
0x9d: {  	s8 =	simm.s32 $0x0;
	s20 =	sshll.u32 s6, $0x1;
	s6 =	sadd.s32 s21, s4  }
0x9e: {  	[timem:s8], [sflag:s22] =	dma.local [hbm:s6], s20  }
0x9f: {  	_ =	swait.ge [sflag:s22], s20  }
0xa0: {  	s5 =	ssub.s32 $0x0, s20;
	[sflag:s22] =	ssyncset.done $0x0  }
0xa1: {  	[sflag:s22] =	ssyncadd.s32 s5;
	_ =	sdelay $0x1  }
0xa2: {  	s23 =	simm.s32 $0x1B8B  }
0xa3: {  	_ =	swait.ge [sflag:s23], $0x1  }
0xa4: {  	[sflag:s23] =	ssyncset.done $0x0  }
0xa5: {  	s25 =	simm.s32 $0x1B8E;
	s24 =	sld [smem:$0x3FFE];
	[sflag:s23] =	ssyncadd.s32 $0xFFFFFFFF  }
0xa6: {  	s26 =	simm.s32 $execute0_lowered;
	[smem:$0x3FD2] =	sst s25  }
0xa7: {  	s6 =	sshll.u32 s26, $0x1;
	_ =	strace $0x80000046;
	[dreg:$0x1] =	wrdreg $0xFFFFFFFF  }
0xa8: {  	s28 =	simm.s32 $_size_execute0_lowered;
	s4 =	sadd.s32 s4, s6;
	[dreg:$0x0] =	wrdreg $0x0  }
0xa9: {  	s6 =	sshll.u32 s28, $0x1;
	[dreg:$0x2] =	wrdreg s4  }
0xaa: {  	[dreg:$0x3] =	wrdreg s6  }
0xab: {  	[dreg:$0x4] =	wrdreg $0xC0  }
0xac: {  	_ =	task [dreg:s8], $0x5FFFF  }
0xad: {  	[dreg:$0x1] =	wrdreg $0xFFFFFFFF  }
0xae: {  	[dreg:$0x0] =	wrdreg $0x60  }
0xaf: {  	[dreg:$0x2] =	wrdreg s2  }
0xb0: {  	[dreg:$0x3] =	wrdreg s18  }
0xb1: {  	[dreg:$0x4] =	wrdreg s24  }
0xb2: {  	[dreg:$0x5] =	wrdreg $0x9  }
0xb3: {  	_ =	task.clear_ibuf [dreg:s8], $0x6FFFF;
	_ =	strace $0x90000046  }
0xb4: {  	s29 =	simm.s32 $0x9;
	_ =	strace $0x80000048  }
0xb5: {  	_ =	swait.ge [sflag:s29], $0x1  }
0xb6: {  	[sflag:s29] =	ssyncadd.s32 $0xFFFFFFFF  }
0xb7: {  	_ =	strace $0x90000048  }
0xb8: {  	_ =	sfence  }
0xb9: {  	s30 =	sld [smem:$0x0];
	_ =	sdelay $0x2  }
0xba: {  	s31 =	sshll.u32 s1, $0xD;
	s1 =	sshrl.u32 s1, $0x2  }
0xbb: {  	s3 =	sand.u32 $0x4000, s31;
	s1 =	sadd.s32 s1, s30  }
0xbc: {  	s0 =	sor.u32 s3, s0;
	s1 =	sshll.u32 s1, $0x11  }
0xbd: {  	s0 =	sor.u32 s1, s0  }
0xbe: {  	s0 =	sadd.s32 $0x8F2B, s0  }
0xbf: {  	[sflag:s0] =	ssyncadd.remote.s32 $0x1  }
0xc0: {  	_ =	sfence.sel $0xFFFF  }
0xc1: {  	[dreg:$0x0] =	wrdreg $0xFFFFFFFF;
	(pc) =	sbr.abs _section_cstart, $3  }
0xc2: {  	[dreg:$0x1] =	wrdreg $0xFFFFFFFF  }
0xc3: {  	_ =	task.clear_ibuf [dreg:s8], $0x2FFFF;
	_ =	strace $0x9FFFFFFF  }
0xc4: {  	(tm) =	ssettm $0x7FFFFFFF  }
0xc5: {  	_ =	shalt  }
tec
execute0_lowered:
.L_overlay_start_1:
0x0: {  	(tag) =	ssettag $0x1  }
0x1: {  	vm0 =	vcmask $0x300  }
0x2: {  	v3 =	vimm.s32 $0xB80;
	vm6 =	vcmask $0x704;
	vm2 =	vcmask $0xB08  }
0x3: {  	v5 =	vimm.s32 $0xECA86420;
	vm9 =	vcmask $0xF0C;
	vm4 =	vcmask $0x1310  }
0x4: {  	vm5 =	vcmask $0x1B18;
	vm12 =	vcmask $0x1714;
	vm7 =	vcmask $0x2320  }
0x5: {  	vm8 =	vcmask $0x2B28;
	vm14 =	vcmask $0x1F1C;
	vm10 =	vcmask $0x3330  }
0x6: {  	vm11 =	vcmask $0x3B38;
	vm15 =	vcmask $0x2724;
	vm13 =	vmmov $0xff  }
0x7: {  	vm1 =	vcmask $0x2F2C;
	vm3 =	vcmask $0x3734;
	v8 =	vimm.s32 $0x2  }
0x8: {  	v10 =	vimm.s32 $0x4;
	v12 =	vimm.s32 $0x6;
	v14 =	vimm.s32 $0x8  }
0x9: {  	v16 =	vimm.s32 $0x1B80;
	v17 =	vimm.s32 $0x2B80;
	v18 =	vimm.s32 $0x3B80  }
0xa: {  	s0 =	srdreg.scid;
	s1 =	stileid.u32;
	v4 =	vsel vm0, $0x0, v3;
	v3 =	vimm.s32 $0x0;
	v5 =	vunpack.c.l.s4.s8 v5  }
0xb: {  	s3 =	sand.u32 $0x1, s0;
	s23 =	sshll.u32 s1, $0x1;
	v16 =	vsel vm0, $0x1000, v16;
	v17 =	vsel vm0, $0x2000, v17;
	v18 =	vsel vm0, $0x3000, v18  }
0xc: {  	s0 =	sor.u32 s3, s23;
	v4 =	vsel vm6, $0x80, v4;
	v16 =	vsel vm6, $0x1080, v16;
	v17 =	vsel vm6, $0x2080, v17  }
0xd: {  	v18 =	vsel vm6, $0x3080, v18;
	v0 =	vmov s0;
	v4 =	vsel vm2, $0x100, v4  }
0xe: {  	s24 =	smul.u32 $0x7B00, s0;
	v16 =	vsel vm2, $0x1100, v16;
	v17 =	vsel vm2, $0x2100, v17;
	v18 =	vsel vm2, $0x3100, v18  }
0xf: {  	s10 =	smul.u32 $0x7B, s0;
	v4 =	vsel vm9, $0x180, v4;
	v16 =	vsel vm9, $0x1180, v16;
	v17 =	vsel vm9, $0x2180, v17  }
0x10: {  	v18 =	vsel vm9, $0x3180, v18;
	v1 =	vmov s24;
	v6 =	vsel vm4, $0x200, v4  }
0x11: {  	s2 =	ssub.s32 $0xF42, s10;
	v4 =	vunpack.c.0.s8.s32 v5;
	v16 =	vsel vm4, $0x1200, v16;
	v17 =	vsel vm4, $0x2200, v17  }
0x12: {  	v18 =	vsel vm4, $0x3200, v18;
	v2 =	vmov s2;
	v5 =	vsel vm12, $0x280, v6  }
0x13: {  	v16 =	vsel vm12, $0x1280, v16;
	v17 =	vsel vm12, $0x2280, v17;
	v18 =	vsel vm12, $0x3280, v18  }
0x14: {  	v5 =	vsel vm5, $0x300, v5;
	v16 =	vsel vm5, $0x1300, v16;
	v17 =	vsel vm5, $0x2300, v17  }
0x15: {  	s9 =	rddreg [dreg:$0x1];
	v18 =	vsel vm5, $0x3300, v18;
	v6 =	vsel vm14, $0x380, v5;
	v5 =	vlaneseq.u32  }
0x16: {  	s4 =	rddreg [dreg:$0x2];
	s5 =	simm.s32 $0x0;
	s18 =	simm.s32 $0x8100;
	v16 =	vsel vm14, $0x1380, v16;
	v17 =	vsel vm14, $0x2380, v17;
	v18 =	vsel vm14, $0x3380, v18  }
0x17: {  	s19 =	simm.s32 $0xC100;
	s20 =	simm.s32 $0x10100;
	s21 =	simm.s32 $0x14100;
	v7 =	vsel vm7, $0x800, v6;
	v6 =	vmul.u32 $0x2, v5;
	v16 =	vsel vm7, $0x1800, v16  }
0x18: {  	s22 =	simm.s32 $0x1F100;
	[smem:$0x7FF] =	sst s5;
	s3 =	ssub.s32 $0x2, s3;
	v17 =	vsel vm7, $0x2800, v17;
	v18 =	vsel vm7, $0x3800, v18;
	v7 =	vsel vm15, $0x880, v7  }
0x19: {  	s30 =	sadd.s32 $0xF4200, s9;
	s6 =	smul.u32 $0x3D800, s0;
	s7 =	sshrl.u32 s3, $0x1;
	v16 =	vsel vm15, $0x1880, v16;
	v17 =	vsel vm15, $0x2880, v17;
	v18 =	vsel vm15, $0x3880, v18  }
0x1a: {  	_ =	strace $0x80000047;
	[dreg:$0xa] =	wrdreg s30;
	s3 =	ssub.s32 s3, s7;
	v9 =	vsel vm8, $0x900, v7;
	v7 =	vimm.s32 $0x1;
	v16 =	vsel vm8, $0x1900, v16  }
0x1b: {  	s8 =	sshrl.u32 s6, $0x3;
	s1 =	sadd.s32 s9, s24;
	[dreg:$0x4] =	wrdreg s10;
	v17 =	vsel vm8, $0x2900, v17;
	v18 =	vsel vm8, $0x3900, v18;
	v11 =	vsel vm1, $0x980, v9  }
0x1c: {  	s31 =	smax.u32 s3, $0x1;
	s25 =	sadd.s32 s9, s8;
	[dreg:$0x6] =	wrdreg s1;
	v9 =	vimm.s32 $0x3;
	v16 =	vsel vm1, $0x1980, v16;
	v17 =	vsel vm1, $0x2980, v17  }
.Ltmp0:
0x1d: {  	s12 =	smin.u32 s2, $0x7B;
	[dreg:$0xb] =	wrdreg s31;
	v18 =	vsel vm1, $0x3980, v18;
	v13 =	vsel vm10, $0xA00, v11;
	v11 =	vimm.s32 $0x5;
	(pc) =	sbr.rel .LBB2_1-.Ltmp0, $4  }
0x1e: {  	s15 =	simm.s32 $0x0;
	s26 =	sadd.s32 $0x100, s25;
	[dreg:$0x5] =	wrdreg s12;
	v16 =	vsel vm10, $0x1A00, v16;
	v17 =	vsel vm10, $0x2A00, v17;
	v18 =	vsel vm10, $0x3A00, v18  }
0x1f: {  	s23 =	simm.s32 $0x18100;
	s28 =	sadd.s32 $0x200, s25;
	[dreg:$0x7] =	wrdreg s26;
	v15 =	vsel vm3, $0xA80, v13;
	v13 =	vimm.s32 $0x7;
	v16 =	vsel vm3, $0x1A80, v16  }
0x20: {  	p0 =	sne.s32 s0, $0x1F;
	s29 =	sadd.s32 $0x300, s25;
	[dreg:$0x8] =	wrdreg s28;
	v17 =	vsel vm3, $0x2A80, v17;
	v18 =	vsel vm3, $0x3A80, v18;
	v15 =	vsel vm11, $0xB00, v15  }
0x21: {  	s6 =	sadd.s32 $0x400, s4;
	s24 =	simm.s32 $0x1C100;
	[dreg:$0x9] =	wrdreg s29;
	v16 =	vsel vm11, $0x1B00, v16;
	v17 =	vsel vm11, $0x2B00, v17;
	v18 =	vsel vm11, $0x3B00, v18  }
.LBB2_92:
0x22: {  	[sflag:s14] =	ssyncadd.s32 $0xFFFFFF80  }
.LBB2_93:
0x23: {  	s15 =	sadd.s32 $0x1, s15;
	s0 =	rddreg [dreg:$0xb]  }
0x24: {  	p1 =	sne.s32 s15, s0  }
.Ltmp1:
0x25: {  	_ = 	snop;
	(pc) =	sbr.rel @!p1 .LBB2_94-.Ltmp1, $1  }
0x26: {  	_ =	sdelay $0x3  }
.LBB2_1:
0x27: {  	[dreg:$0xc] =	wrdreg s15;
	[tilespmem:$0x1F100] =	vst v3  }
0x28: {  	[tilespmem:$0x1F180] =	vst v3;
	s0 =	rddreg [dreg:$0x0];
	s31 =	simm.s32 $0x7  }
0x29: {  	[tilespmem:s5], [sflag:$0x7] =	stream.linear.gather [hbm4b:s0+s5], $0x4000, $0x38;
	[tilespmem:$0x1F200] =	vst v63  }
0x2a: {  	_ =	swait.ge [sflag:s31], $0x4000  }
0x2b: {  	s2 =	simm.s32 $0x0;
	[sflag:s31] =	ssyncset.done $0x0  }
0x2c: {  	s3 =	simm.s32 $0x0;
	s0 =	simm.s32 $0x10;
	[sflag:s31] =	ssyncadd.s32 $0xFFFFC000  }
.LBB2_2:
0x2d: {  	v19 =	vld [tilespmem:s0+$0xFFFFFFF0];
	_ =	sdelay $0x4  }
0x2e: {  	(v2sf) =	vpush v19, $0xD;
	_ =	sdelay $0x1  }
0x2f: {  	(v2sf) =	vpush v19, $0xC;
	_ =	sdelay $0x1  }
0x30: {  	(v2sf) =	vpush v19, $0xE;
	_ =	sdelay $0x1  }
0x31: {  	(v2sf) =	vpush v19, $0xF;
	_ =	sdelay $0x1  }
0x32: {  	(v2sf) =	vpush v19, $0x9;
	_ =	sdelay $0x1  }
0x33: {  	(v2sf) =	vpush v19, $0x8;
	_ =	sdelay $0x1  }
0x34: {  	(v2sf) =	vpush v19, $0xA;
	_ =	sdelay $0x1  }
0x35: {  	(v2sf) =	vpush v19, $0xB  }
0x36: {  	s4 =	spop (v2sf)  }
0x37: {  	[dreg:$0xd] =	wrdreg s0;
	(v2sf) =	vpush v19, $0x0;
	s12 =	smulhi.u32 $0x214D0215, s4;
	s0 =	sshra.s32 s4, $0x1F  }
0x38: {  	s7 =	spop (v2sf);
	s31 =	smul.u32 $0x214D0215, s0  }
0x39: {  	[dreg:$0xf] =	wrdreg s3;
	(v2sf) =	vpush v19, $0x1;
	s13 =	smulhi.u32 $0x214D0215, s7;
	s0 =	sshra.s32 s7, $0x1F  }
0x3a: {  	s8 =	spop (v2sf);
	(v2sf) =	vpush v19, $0x2;
	s3 =	smul.u32 $0x214D0215, s0  }
0x3b: {  	s14 =	smulhi.u32 $0x214D0215, s8;
	s0 =	sshra.s32 s8, $0x1F  }
0x3c: {  	s1 =	spop (v2sf);
	s10 =	smul.u32 $0x214D0215, s0  }
0x3d: {  	(v2sf) =	vpush v19, $0x3;
	s15 =	smulhi.u32 $0x214D0215, s1;
	s1 =	sshra.s32 s1, $0x1F  }
0x3e: {  	s9 =	spop (v2sf);
	(v2sf) =	vpush v19, $0x4;
	s17 =	smul.u32 $0x214D0215, s1  }
0x3f: {  	s16 =	smulhi.u32 $0x214D0215, s9;
	s1 =	sshra.s32 s9, $0x1F  }
0x40: {  	s11 =	spop (v2sf);
	s8 =	smul.u32 $0x214D0215, s1  }
0x41: {  	[dreg:$0xe] =	wrdreg s2;
	(v2sf) =	vpush v19, $0x5;
	s29 =	smulhi.u32 $0x214D0215, s11;
	s1 =	sshra.s32 s11, $0x1F  }
0x42: {  	s26 =	spop (v2sf);
	s4 =	smul.u32 $0x214D0215, s1  }
0x43: {  	s25 =	rddreg [dreg:$0xd];
	s28 =	smulhi.u32 $0x214D0215, s26;
	s1 =	sshra.s32 s26, $0x1F  }
0x44: {  	s30 =	spop (v2sf);
	s11 =	smul.u32 $0x214D0215, s1  }
0x45: {  	(v2sf) =	vpush v19, $0x6;
	s2 =	smulhi.u32 $0x214D0215, s30;
	s1 =	sshra.s32 s30, $0x1F;
	[dreg:$0x1d] =	wrdreg s28  }
0x46: {  	s9 =	smul.u32 $0x214D0215, s1;
	s7 =	spop (v2sf)  }
0x47: {  	v20 =	vld [tilespmem:s25+$0x0];
	[smem:$0x7E4] =	sst s2;
	s25 =	smulhi.u32 $0x214D0215, s7;
	s1 =	sshra.s32 s7, $0x1F  }
0x48: {  	s26 =	spop (v2sf);
	s28 =	smul.u32 $0x214D0215, s1  }
0x49: {  	(v2sf) =	vpush v19, $0x7;
	s30 =	smulhi.u32 $0x214D0215, s26;
	s1 =	sshra.s32 s26, $0x1F;
	s2 =	spop (v2sf)  }
0x4a: {  	s12 =	sadd.s32 s31, s12;
	[smem:$0x7E5] =	sst s25;
	s25 =	smul.u32 $0x214D0215, s1  }
0x4b: {  	[dreg:$0x1b] =	wrdreg s12;
	s7 =	smulhi.u32 $0x214D0215, s2  }
0x4c: {  	s26 =	spop (v2sf);
	[smem:$0x7E6] =	sst s30  }
0x4d: {  	(v2sf) =	vpush v20, $0xD;
	s1 =	sshra.s32 s2, $0x1F;
	s30 =	smulhi.u32 $0x214D0215, s26;
	s2 =	spop (v2sf)  }
0x4e: {  	s31 =	sadd.s32 s3, s13;
	[smem:$0x7E7] =	sst s7;
	s7 =	smul.u32 $0x214D0215, s1  }
0x4f: {  	[dreg:$0x1e] =	wrdreg s31;
	s1 =	sshra.s32 s26, $0x1F;
	s26 =	smulhi.u32 $0x214D0215, s2  }
0x50: {  	[smem:$0x7E8] =	sst s30;
	s30 =	spop (v2sf)  }
0x51: {  	s12 =	sadd.s32 s10, s14;
	(v2sf) =	vpush v20, $0xC;
	[smem:$0x7EA] =	sst s26;
	s26 =	smulhi.u32 $0x214D0215, s30  }
0x52: {  	[smem:$0x7F7] =	sst s12;
	s0 =	sshra.s32 s2, $0x1F  }
0x53: {  	(v2sf) =	vpush v20, $0xE;
	s2 =	smul.u32 $0x214D0215, s0;
	s0 =	sshra.s32 s30, $0x1F;
	[smem:$0x7EB] =	sst s26  }
0x54: {  	s14 =	sadd.s32 s17, s15;
	s26 =	smul.u32 $0x214D0215, s0;
	s0 =	spop (v2sf)  }
0x55: {  	[smem:$0x7F8] =	sst s14;
	(v2sf) =	vpush v20, $0xF;
	s30 =	smulhi.u32 $0x214D0215, s0;
	s0 =	sshra.s32 s0, $0x1F  }
0x56: {  	s31 =	sadd.s32 s8, s16;
	s8 =	rddreg [dreg:$0x1d];
	s0 =	smul.u32 $0x214D0215, s0  }
0x57: {  	(v2sf) =	vpush v20, $0x9;
	s14 =	sld [smem:$0x7E6];
	s1 =	smul.u32 $0x214D0215, s1  }
0x58: {  	[smem:$0x7ED] =	sst s0;
	s0 =	spop (v2sf)  }
0x59: {  	[smem:$0x7EC] =	sst s30;
	s30 =	smulhi.u32 $0x214D0215, s0;
	s0 =	sshra.s32 s0, $0x1F  }
0x5a: {  	(v2sf) =	vpush v20, $0x8;
	[smem:$0x7E9] =	sst s1;
	s0 =	smul.u32 $0x214D0215, s0  }
0x5b: {  	s1 =	sadd.s32 s11, s8;
	s11 =	sld [smem:$0x7E4]  }
0x5c: {  	(v2sf) =	vpush v20, $0xA;
	[smem:$0x7EF] =	sst s0;
	s0 =	spop (v2sf)  }
0x5d: {  	[smem:$0x7EE] =	sst s30;
	s30 =	smulhi.u32 $0x214D0215, s0;
	s0 =	sshra.s32 s0, $0x1F  }
0x5e: {  	[dreg:$0x1f] =	wrdreg s1;
	s1 =	sadd.s32 s9, s11;
	s0 =	smul.u32 $0x214D0215, s0  }
0x5f: {  	[dreg:$0x1c] =	wrdreg s1;
	(v2sf) =	vpush v20, $0xB  }
0x60: {  	[smem:$0x7F1] =	sst s0;
	s0 =	spop (v2sf)  }
0x61: {  	[smem:$0x7F0] =	sst s30;
	s30 =	smulhi.u32 $0x214D0215, s0;
	s0 =	sshra.s32 s0, $0x1F  }
0x62: {  	s3 =	spop (v2sf);
	s0 =	smul.u32 $0x214D0215, s0  }
0x63: {  	(v2sf) =	vpush v20, $0x0;
	s13 =	smulhi.u32 $0x214D0215, s3;
	[smem:$0x7F2] =	sst s30  }
0x64: {  	s15 =	spop (v2sf);
	[smem:$0x7F3] =	sst s0  }
0x65: {  	s17 =	smulhi.u32 $0x214D0215, s15;
	[smem:$0x7F4] =	sst s13;
	s0 =	sshra.s32 s3, $0x1F  }
0x66: {  	s3 =	sadd.s32 s4, s29;
	s4 =	spop (v2sf);
	s13 =	sld [smem:$0x7E5]  }
0x67: {  	s30 =	smul.u32 $0x214D0215, s0;
	[smem:$0x7F5] =	sst s17  }
0x68: {  	s0 =	sshra.s32 s15, $0x1F;
	[smem:$0x7F9] =	sst s3;
	s10 =	smulhi.u32 $0x214D0215, s4  }
0x69: {  	s12 =	spop (v2sf);
	s29 =	smul.u32 $0x214D0215, s0  }
0x6a: {  	s3 =	sld [smem:$0x7E7];
	s17 =	smulhi.u32 $0x214D0215, s12  }
0x6b: {  	s0 =	sshra.s32 s4, $0x1F;
	s16 =	spop (v2sf);
	s4 =	sld [smem:$0x7E8]  }
0x6c: {  	s25 =	sadd.s32 s25, s14;
	[smem:$0x7F6] =	sst s10;
	s15 =	smul.u32 $0x214D0215, s0  }
0x6d: {  	s28 =	sadd.s32 s28, s13;
	s11 =	sadd.s32 s7, s3;
	s7 =	sld [smem:$0x7E9]  }
0x6e: {  	s0 =	sshra.s32 s12, $0x1F;
	s12 =	smulhi.u32 $0x214D0215, s16;
	s8 =	spop (v2sf)  }
0x6f: {  	s14 =	smul.u32 $0x214D0215, s0;
	s0 =	sshra.s32 s16, $0x1F;
	s16 =	sld [smem:$0x7EA]  }
0x70: {  	s10 =	smulhi.u32 $0x214D0215, s8;
	s13 =	sadd.s32 s7, s4;
	s4 =	sld [smem:$0x7EC]  }
0x71: {  	s9 =	smul.u32 $0x214D0215, s0;
	s0 =	sshra.s32 s8, $0x1F;
	s7 =	sld [smem:$0x7ED]  }
0x72: {  	s8 =	smul.u32 $0x214D0215, s0;
	s3 =	spop (v2sf)  }
0x73: {  	s16 =	sadd.s32 s2, s16;
	s2 =	sld [smem:$0x7EB];
	s0 =	sshra.s32 s3, $0x1F  }
0x74: {  	s1 =	sadd.s32 s7, s4;
	s7 =	smulhi.u32 $0x214D0215, s3;
	s3 =	sld [smem:$0x7EE]  }
0x75: {  	s4 =	sld [smem:$0x7EF]  }
0x76: {  	(v2sf) =	vpush v20, $0x1;
	s26 =	sadd.s32 s26, s2;
	s2 =	sld [smem:$0x7F0]  }
0x77: {  	[smem:$0x7FA] =	sst s1  }
0x78: {  	s1 =	sadd.s32 s4, s3;
	s3 =	sld [smem:$0x7F1]  }
0x79: {  	(v2sf) =	vpush v20, $0x2  }
0x7a: {  	[dreg:$0x11] =	wrdreg s1  }
0x7b: {  	s1 =	sadd.s32 s3, s2;
	s2 =	sld [smem:$0x7F3]  }
0x7c: {  	(v2sf) =	vpush v20, $0x3;
	[dreg:$0x13] =	wrdreg s1  }
0x7d: {  	s1 =	sld [smem:$0x7F2];
	_ =	sdelay $0x2  }
0x7e: {  	s1 =	sadd.s32 s2, s1  }
0x7f: {  	[dreg:$0x15] =	wrdreg s1  }
0x80: {  	s14 =	sadd.s32 s14, s17;
	s1 =	sld [smem:$0x7F4]  }
0x81: {  	[dreg:$0x1a] =	wrdreg s14  }
0x82: {  	s9 =	sadd.s32 s9, s12;
	s12 =	rddreg [dreg:$0x1e];
	s4 =	smul.u32 $0x214D0215, s0  }
0x83: {  	s0 =	spop (v2sf);
	s1 =	sadd.s32 s30, s1;
	s30 =	sld [smem:$0x7F5]  }
0x84: {  	[dreg:$0x17] =	wrdreg s9;
	s3 =	smulhi.u32 $0x214D0215, s0;
	s0 =	sshra.s32 s0, $0x1F  }
0x85: {  	s8 =	sadd.s32 s8, s10;
	s10 =	rddreg [dreg:$0x1b];
	s2 =	smul.u32 $0x214D0215, s0  }
0x86: {  	s0 =	spop (v2sf);
	s29 =	sadd.s32 s29, s30;
	s30 =	sld [smem:$0x7F6]  }
0x87: {  	[dreg:$0x14] =	wrdreg s1;
	s1 =	smulhi.u32 $0x214D0215, s0;
	s0 =	sshra.s32 s0, $0x1F  }
0x88: {  	[dreg:$0x16] =	wrdreg s8;
	s9 =	sadd.s32 s4, s7;
	s0 =	smul.u32 $0x214D0215, s0  }
0x89: {  	[dreg:$0x12] =	wrdreg s29;
	s29 =	spop (v2sf);
	s15 =	sadd.s32 s15, s30  }
0x8a: {  	[dreg:$0x18] =	wrdreg s15;
	s15 =	smulhi.u32 $0x214D0215, s29;
	s29 =	sshra.s32 s29, $0x1F  }
0x8b: {  	s8 =	sadd.s32 s2, s3;
	s2 =	sld [smem:$0x7F8];
	s30 =	smul.u32 $0x214D0215, s29  }
0x8c: {  	s4 =	sshrl.u32 s25, $0x1F;
	s3 =	sld [smem:$0x7F9];
	s14 =	sadd.s32 s0, s1  }
0x8d: {  	(v2sf) =	vpush v20, $0x4;
	s0 =	sshra.s32 s10, $0xC;
	s7 =	sadd.s32 s30, s15;
	s30 =	sld [smem:$0x7F7]  }
0x8e: {  	(v2sf) =	vpush v20, $0x5;
	s17 =	sshrl.u32 s2, $0x1F;
	s1 =	sshrl.u32 s10, $0x1F;
	[smem:$0x7FB] =	sst s0  }
0x8f: {  	(v2sf) =	vpush v20, $0x6;
	s10 =	sshra.s32 s12, $0xC;
	s15 =	sshrl.u32 s12, $0x1F;
	[dreg:$0x10] =	wrdreg s7  }
0x90: {  	s29 =	sshrl.u32 s31, $0x1F;
	v22 =	vmov s15;
	s15 =	rddreg [dreg:$0x1f];
	s0 =	sshra.s32 s30, $0xC  }
0x91: {  	(v2sf) =	vpush v20, $0x7;
	s7 =	sshrl.u32 s15, $0x1F;
	[smem:$0x7FC] =	sst s0;
	s0 =	sshrl.u32 s28, $0x1F  }
0x92: {  	v22 =	vsel vm2, s1, v22;
	s12 =	sshrl.u32 s30, $0x1F;
	s30 =	sshra.s32 s31, $0xC;
	s31 =	sshrl.u32 s3, $0x1F;
	v21 =	vmov s0  }
0x93: {  	v22 =	vsel vm4, s12, v22;
	v23 =	vmov s31;
	s12 =	sshra.s32 s28, $0x1F;
	s31 =	rddreg [dreg:$0x11];
	s0 =	sshra.s32 s2, $0xC;
	v21 =	vnsel vm0, $0x0, v21  }
0x94: {  	s2 =	sshra.s32 s3, $0xC;
	s3 =	sshra.s32 s15, $0xC;
	v21 =	vsel vm2, s4, v21;
	s4 =	sshrl.u32 s11, $0x1F  }
0x95: {  	s15 =	sshrl.u32 s13, $0x1F;
	v22 =	vsel vm5, s17, v22;
	s17 =	sshrl.u32 s26, $0x1F;
	[smem:$0x7FD] =	sst s0;
	v21 =	vsel vm4, s4, v21  }
0x96: {  	v23 =	vsel vm2, s29, v23;
	s0 =	sshra.s32 s28, $0xC;
	s28 =	sshra.s32 s25, $0x1F;
	v21 =	vsel vm5, s15, v21;
	s15 =	sshrl.u32 s16, $0x1F  }
0x97: {  	v23 =	vsel vm4, s7, v23;
	s7 =	sshrl.u32 s31, $0x1F;
	s4 =	rddreg [dreg:$0x1c];
	v21 =	vsel vm7, s15, v21;
	s15 =	sshra.s32 s31, $0x1F  }
0x98: {  	v26 =	vmov s2;
	s2 =	sshra.s32 s13, $0x1F;
	s31 =	sshra.s32 s11, $0xC;
	v24 =	vmov s15;
	s15 =	sld [smem:$0x7FA]  }
0x99: {  	v24 =	vsel vm0, s0, v24;
	s0 =	sshra.s32 s11, $0x1F;
	s11 =	sshra.s32 s13, $0xC;
	s13 =	sld [smem:$0x7FB]  }
0x9a: {  	v26 =	vsel vm2, s30, v26;
	s30 =	sld [smem:$0x7FC];
	s1 =	sshrl.u32 s4, $0x1F;
	v21 =	vsel vm8, s17, v21;
	s17 =	sshra.s32 s25, $0xC;
	v24 =	vsel vm6, s12, v24  }
0x9b: {  	v25 =	vmov s10;
	s4 =	sshra.s32 s4, $0xC;
	s12 =	rddreg [dreg:$0x13];
	s29 =	sshrl.u32 s15, $0x1F;
	v24 =	vsel vm2, s17, v24  }
0x9c: {  	v21 =	vsel vm10, s29, v21;
	s29 =	spop (v2sf);
	v25 =	vsel vm2, s13, v25;
	v24 =	vsel vm9, s28, v24;
	s28 =	sshra.s32 s16, $0x1F;
	s13 =	sld [smem:$0x7FD]  }
0x9d: {  	v21 =	vsel vm11, s7, v21;
	s25 =	spop (v2sf);
	s7 =	sshra.s32 s16, $0xC;
	v25 =	vsel vm4, s30, v25;
	s30 =	rddreg [dreg:$0x15]  }
0x9e: {  	v23 =	vsel vm5, s1, v23;
	s16 =	sshra.s32 s26, $0xC;
	v24 =	vsel vm4, s31, v24;
	s31 =	rddreg [dreg:$0x1a];
	s1 =	spop (v2sf)  }
0x9f: {  	[dreg:$0x19] =	wrdreg s16;
	v24 =	vsel vm12, s0, v24;
	s16 =	sshrl.u32 s30, $0x1F;
	s30 =	sshra.s32 s30, $0xC  }
0xa0: {  	s17 =	spop (v2sf);
	v25 =	vsel vm5, s13, v25;
	v24 =	vsel vm5, s11, v24;
	s11 =	sshrl.u32 s12, $0x1F;
	s13 =	rddreg [dreg:$0x14]  }
0xa1: {  	v26 =	vsel vm4, s3, v26;
	v27 =	vmov s16;
	s3 =	smulhi.u32 $0x214D0215, s17;
	s10 =	sshra.s32 s17, $0x1F;
	s17 =	sshrl.u32 s31, $0x1F  }
0xa2: {  	v24 =	vsel vm14, s2, v24;
	v27 =	vsel vm2, s11, v27;
	s0 =	smul.u32 $0x214D0215, s10;
	v28 =	vmov s17;
	s10 =	sshrl.u32 s13, $0x1F;
	s17 =	rddreg [dreg:$0x18]  }
0xa3: {  	v29 =	vmov s30;
	s30 =	sshra.s32 s12, $0xC;
	s2 =	sshra.s32 s13, $0xC;
	v24 =	vsel vm7, s7, v24;
	v27 =	vsel vm4, s10, v27;
	s10 =	rddreg [dreg:$0x16]  }
0xa4: {  	v22 =	vcombine.low v23, v22;
	v29 =	vsel vm2, s30, v29;
	s30 =	sshra.s32 s9, $0xC;
	s16 =	sshrl.u32 s17, $0x1F;
	v24 =	vsel vm15, s28, v24;
	s28 =	rddreg [dreg:$0x19]  }
0xa5: {  	v29 =	vsel vm4, s2, v29;
	s2 =	sshrl.u32 s8, $0x1F;
	s17 =	sshra.s32 s17, $0xC;
	v28 =	vsel vm2, s16, v28;
	s16 =	rddreg [dreg:$0x17]  }
0xa6: {  	v26 =	vsel vm5, s4, v26;
	v22 =	vperm.xlane v22, v4;
	v21 =	vperm.xlane v21, v6;
	s3 =	sadd.s32 s0, s3;
	s4 =	sshrl.u32 s10, $0x1F;
	s11 =	sshrl.u32 s16, $0x1F  }
0xa7: {  	v56 =	vsub.s32 $0x0, v19;
	v25 =	vcombine.low v26, v25;
	s10 =	sshra.s32 s10, $0xC;
	s12 =	sshra.s32 s3, $0x1F;
	v28 =	vsel vm4, s11, v28;
	s11 =	rddreg [dreg:$0x12]  }
0xa8: {  	v58 =	vsub.s32 $0x0, v20;
	v21 =	vsel vm13, v21, v22;
	v31 =	vmov s12;
	s12 =	sshra.s32 s8, $0xC;
	s8 =	sshra.s32 s8, $0x1F;
	s0 =	sshrl.u32 s11, $0x1F  }
0xa9: {  	v25 =	vperm.xlane v25, v4;
	v28 =	vsel vm5, s4, v28;
	s4 =	sshra.s32 s31, $0xC;
	s13 =	sshra.s32 s11, $0xC;
	s31 =	sshra.s32 s16, $0xC;
	v31 =	vsel vm0, s30, v31  }
0xaa: {  	s11 =	sshra.s32 s9, $0x1F;
	s9 =	sshrl.u32 s9, $0x1F;
	v27 =	vsel vm5, s0, v27;
	v30 =	vmov s4;
	v29 =	vsel vm5, s13, v29;
	s13 =	sshra.s32 s29, $0x1F  }
0xab: {  	s16 =	sshra.s32 s14, $0xC;
	s30 =	sshra.s32 s25, $0x1F;
	v49 =	vsel vm6, s11, v31;
	v52 =	vmov s9;
	v30 =	vsel vm2, s17, v30;
	s11 =	smul.u32 $0x214D0215, s13  }
0xac: {  	s4 =	sshrl.u32 s14, $0x1F;
	v50 =	vcombine.low v28, v27;
	v51 =	vsel vm2, s12, v49;
	s17 =	sshra.s32 s14, $0x1F;
	s14 =	smul.u32 $0x214D0215, s30;
	v48 =	vsel vm4, s31, v30  }
0xad: {  	s26 =	sshra.s32 s26, $0x1F;
	v28 =	vnsel vm0, $0x0, v52;
	s13 =	rddreg [dreg:$0x11];
	v27 =	vsel vm9, s8, v51;
	v23 =	vsel vm5, s10, v48;
	s10 =	smulhi.u32 $0x214D0215, s29  }
0xae: {  	v24 =	vsel vm8, s28, v24;
	s0 =	sshra.s32 s15, $0xC;
	v28 =	vsel vm2, s2, v28;
	v27 =	vsel vm4, s16, v27;
	s16 =	rddreg [dreg:$0x10];
	s29 =	smulhi.u32 $0x214D0215, s25  }
0xaf: {  	v24 =	vsel vm1, s26, v24;
	v28 =	vsel vm4, s4, v28;
	s4 =	sshra.s32 s13, $0xC;
	s8 =	sshrl.u32 s16, $0x1F;
	v27 =	vsel vm12, s17, v27;
	s31 =	sshra.s32 s16, $0xC  }
0xb0: {  	v24 =	vsel vm10, s0, v24;
	v26 =	vperm.xlane v50, v4;
	s16 =	sshra.s32 s16, $0x1F;
	s7 =	sadd.s32 s11, s10;
	v27 =	vsel vm5, s31, v27;
	s31 =	sshra.s32 s15, $0x1F  }
0xb1: {  	v23 =	vcombine.low v23, v29;
	s17 =	smulhi.u32 $0x214D0215, s1;
	s1 =	sshra.s32 s1, $0x1F;
	v27 =	vsel vm14, s16, v27;
	s25 =	sshra.s32 s7, $0xC;
	v24 =	vsel vm3, s31, v24  }
0xb2: {  	s29 =	sadd.s32 s14, s29;
	s1 =	smul.u32 $0x214D0215, s1;
	v28 =	vsel vm5, s8, v28;
	s30 =	sshra.s32 s7, $0x1F;
	v27 =	vsel vm7, s25, v27;
	v24 =	vsel vm11, s4, v24  }
0xb3: {  	vm5 =	vmmov vm4;
	s7 =	sshrl.u32 s7, $0x1F;
	s9 =	sshra.s32 s29, $0xC;
	v27 =	vsel vm15, s30, v27;
	v24 =	vperm.xlane v24, v6  }
0xb4: {  	vm4 =	vmmov vm2;
	s11 =	sshrl.u32 s29, $0x1F;
	s12 =	sshra.s32 s29, $0x1F;
	v28 =	vsel vm7, s7, v28;
	s1 =	sadd.s32 s1, s17;
	v27 =	vsel vm8, s9, v27  }
0xb5: {  	v28 =	vsel vm8, s11, v28;
	s14 =	sshrl.u32 s1, $0x1F;
	s15 =	sshra.s32 s1, $0xC;
	v27 =	vsel vm1, s12, v27;
	v53 =	vsel vm13, v24, v25  }
0xb6: {  	s16 =	sshrl.u32 s3, $0x1F;
	s1 =	sshra.s32 s1, $0x1F;
	v28 =	vsel vm10, s14, v28;
	v27 =	vsel vm10, s15, v27;
	v21 =	vadd.s32 v21, v53  }
0xb7: {  	s25 =	sshra.s32 s3, $0xC;
	v28 =	vsel vm11, s16, v28;
	v27 =	vsel vm3, s1, v27;
	v55 =	vmul.u32 $0xFFFF8500, v21  }
0xb8: {  	v23 =	vperm.xlane v23, v4;
	v28 =	vperm.xlane v28, v6;
	v27 =	vsel vm11, s25, v27  }
0xb9: {  	vm3 =	vlt.s32 v19, $0x1;
	v27 =	vperm.xlane v27, v6;
	vm1 =	vne.s32 v55, v56  }
0xba: {  	vm2 =	vmmov vm13;
	v54 =	vsel vm13, v28, v26;
	vm1 =	vmand vm3, vm1  }
0xbb: {  	vm3 =	vlt.s32 v20, $0x1;
	v23 =	vsel vm13, v27, v23;
	vm13 =	vmmov vm11  }
0xbc: {  	vm11 =	vmmov vm10;
	vm10 =	vmmov vm8;
	v22 =	vadd.s32 v54, v23  }
0xbd: {  	vm8 =	vmmov vm7;
	vm7 =	vmmov vm0;
	v57 =	vmul.u32 $0xFFFF8500, v22  }
0xbe: {  	vm0 =	vmmov vm15;
	vm15 =	vmmov vm14;
	vm14 =	vmmov vm12  }
0xbf: {  	vm12 =	vmmov vm9;
	vm9 =	vmmov vm6;
	vm6 =	vne.s32 v57, v58  }
0xc0: {  	v59 =	vsel vm1, $0xFFFFFFFF, v3;
	vm1 =	vmand vm3, vm6  }
0xc1: {  	v21 =	vadd.s32 v59, v21;
	v60 =	vsel vm1, $0xFFFFFFFF, v3  }
0xc2: {  	vm1 =	veq.s32 v21, v0;
	v61 =	vadd.s32 v60, v22  }
0xc3: {  	v62 =	vmpcnt.ones.xlane vm1;
	vm3 =	veq.s32 v61, v0  }
0xc4: {  	v63 =	vmpcnt.ones.xlane vm3  }
0xc5: {  	(v2sf) =	vpush v62, $0x0  }
0xc6: {  	(v2sf) =	vpush v63, $0x0;
	_ =	sdelay $0x6  }
0xc7: {  	v19 =	vsub.s32 v19, v1  }
0xc8: {  	s17 =	rddreg [dreg:$0xe];
	v19 =	vshll.u32 v19, $0xE  }
0xc9: {  	v19 =	vadd.s32 s17, v19;
	v20 =	vsub.s32 v20, v1  }
0xca: {  	s26 =	sadd.s32 $0x10, s17;
	v19 =	vadd.s32 v5, v19;
	v20 =	vshll.u32 v20, $0xE  }
0xcb: {  	p1 =	sne.s32 s17, $0x3FE0;
	v20 =	vadd.s32 s26, v20;
	vm6 =	vmmov vm9;
	vm9 =	vmmov vm12  }
.Ltmp2:
0xcc: {  	vm12 =	vmmov vm14;
	vm14 =	vmmov vm15;
	vm15 =	vmmov vm0;
	(pc) =	sbr.rel @p1 .LBB2_2-.Ltmp2, $4  }
0xcd: {  	vm0 =	vmmov vm7;
	vm7 =	vmmov vm8;
	vm8 =	vmmov vm10  }
0xce: {  	s29 =	rddreg [dreg:$0xf];
	vm10 =	vmmov vm11;
	vm11 =	vmmov vm13;
	vm13 =	vmmov vm2;
	s28 =	spop (v2sf)  }
0xcf: {  	s31 =	rddreg [dreg:$0xd];
	vm2 =	vmmov vm4;
	vm4 =	vmmov vm5;
	[tilespmem:s29+$0x4080] =	vst.msk vm1, v19;
	v19 =	vadd.s32 v5, v20;
	s1 =	sadd.s32 s29, s28;
	s30 =	spop (v2sf)  }
0xd0: {  	s0 =	sadd.s32 $0x20, s31;
	s2 =	sadd.s32 $0x20, s17;
	vm5 =	vcmask $0x1B18;
	vm1 =	vcmask $0x2F2C;
	[tilespmem:s1+$0x4080] =	vst.msk vm3, v19;
	vm3 =	vcmask $0x3734;
	s3 =	sadd.s32 s30, s1  }
0xd1: {  	s0 =	sadd.s32 $0xF, s3  }
0xd2: {  	s1 =	sand.u32 $0xF, s0  }
0xd3: {  	s2 =	sshra.s32 s0, $0x1F;
	p1 =	slt.s32 s0, $0x1;
	p2 =	sne.s32 s1, $0x0  }
0xd4: {  	s31 =	sshrl.u32 s2, $0x1C;
	p1 =	por !p1, !p2  }
0xd5: {  	s1 =	simm.s32 $0x1;
	s0 =	sadd.s32 s31, s0;
	p1 =	por !p1, !p1  }
0xd6: {  	s0 =	sshra.s32 s0, $0x4;
	s1 =	simm.s32 @!p1 $0x0  }
0xd7: {  	s29 =	ssub.s32 s0, s1  }
0xd8: {  	p1 =	slt.s32 s29, $0x1  }
.Ltmp3:
0xd9: {  	_ = 	snop;
	(pc) =	sbr.rel @p1 .LBB2_95-.Ltmp3, $1  }
0xda: {  	_ =	sdelay $0x3  }
0xdb: {  	p1 =	sne.s32 s29, $0x1  }
.Ltmp4:
0xdc: {  	_ = 	snop;
	(pc) =	sbr.rel @!p1 .LBB2_5-.Ltmp4, $4  }
0xdd: {  	_ = 	snop  }
0xde: {  	s1 =	simm.s32 $0x4080;
	s10 =	rddreg [dreg:$0x4]  }
0xdf: {  	s0 =	simm.s32 $0x0;
	s28 =	sadd.s32 $0xFFFFFFFF, s29;
	s11 =	rddreg [dreg:$0x1]  }
0xe0: {  	v19 =	vmov s3;
	p2 =	por $0x0, $0x0;
	s12 =	rddreg [dreg:$0x5];
	s13 =	simm.s32 $0x1F180;
	v20 =	vld [tilespmem:s1+$0x0]  }
0xe1: {  	_ =	sdelay $0x2  }
0xe2: {  	v21 =	vor.u32 s0, v5  }
0xe3: {  	vm1 =	vlt.s32 v21, v19;
	vm3 =	vlt.u32 v20, $0x4000000  }
0xe4: {  	vm1 =	vmand vm1, vm3  }
0xe5: {  	v21 =	vmpcnt.ones.xlane vm1;
	_ =	sdelay $0x1  }
0xe6: {  	(v2sf) =	vpush v21, $0x0;
	_ =	sdelay $0x1  }
0xe7: {  	p4 =	sne.s32 s28, $0x1  }
.Ltmp5:
0xe8: {  	_ = 	snop;
	(pc) =	sbr.rel @!p4 .LBB2_7-.Ltmp5, $3  }
0xe9: {  	_ =	sdelay $0x1  }
0xea: {  	s4 =	simm.s32 $0x4090;
	s7 =	sadd.s32 $0xFFFFFFFF, s28;
	[tilespmem:s0+$0x0] =	vst.msk vm1, v20  }
0xeb: {  	p3 =	por $0x1, $0x1;
	s3 =	simm.s32 $0x0;
	s2 =	simm.s32 $0x0;
	v20 =	vld [tilespmem:s4+$0x0]  }
.LBB2_8:
0xec: {  	p4 =	sne.s32 s7, $0x1;
	_ =	sdelay $0x1  }
0xed: {  	s3 =	sadd.s32 $0x10, s3  }
0xee: {  	v21 =	vor.u32 s3, v5  }
0xef: {  	vm1 =	vlt.s32 v21, v19;
	vm3 =	vlt.u32 v20, $0x4000000  }
0xf0: {  	vm1 =	vmand vm1, vm3  }
0xf1: {  	v21 =	vmpcnt.ones.xlane vm1  }
0xf2: {  	s8 =	spop (v2sf)  }
0xf3: {  	(v2sf) =	vpush v21, $0x0;
	s2 =	sadd.s32 s2, s8  }
0xf4: {  	[tilespmem:s2+$0x0] =	vst.msk vm1, v20;
	_ =	sdelay $0x1  }
.Ltmp6:
0xf5: {  	(pc) =	sbr.rel @p4 .LBB2_8-.Ltmp6, $3  }
0xf6: {  	_ =	sdelay $0x1  }
0xf7: {  	s4 =	sadd.s32 $0x10, s4  }
0xf8: {  	s7 =	sadd.s32 $0xFFFFFFFF, s7;
	v20 =	vld [tilespmem:s4+$0x0]  }
0xf9: {  	s14 =	simm.s32 $0x6;
	s15 =	rddreg [dreg:$0xc]  }
.LBB2_10:
0xfa: {  	s3 =	sadd.s32 @p3 $0x10, s3;
	s4 =	simm.s32 $0x0  }
0xfb: {  	s4 =	smov.u32 @p3 s3  }
0xfc: {  	v21 =	vor.u32 s4, v5  }
0xfd: {  	vm1 =	vlt.s32 v21, v19;
	vm3 =	vlt.u32 v20, $0x4000000  }
0xfe: {  	vm1 =	vmand vm1, vm3  }
0xff: {  	v21 =	vmpcnt.ones.xlane vm1;
	_ =	sdelay $0x1  }
0x100: {  	(v2sf) =	vpush v21, $0x0;
	_ =	sdelay $0xc  }
0x101: {  	s3 =	spop @p3 (v2sf)  }
0x102: {  	s2 =	sadd.s32 @p3 s2, s3;
	s3 =	simm.s32 $0x0  }
.Ltmp7:
0x103: {  	s3 =	smov.u32 @p3 s2;
	s31 =	spop (v2sf);
	(pc) =	sbr.rel @!p1 .LBB2_11-.Ltmp7, $4  }
0x104: {  	s2 =	sadd.s32 s3, s31  }
0x105: {  	[tilespmem:s3+$0x0] =	vst.msk vm1, v20;
	v20 =	vmov s2  }
0x106: {  	[tilespmem:v7+s13+$0x0] =	vst.idx.msk $0x1, v20  }
0x107: {  	v20 =	vld [tilespmem:s1+$0x0]  }
0x108: {  	_ =	sdelay $0x3  }
0x109: {  	v21 =	vor.u32 s0, v5;
	v22 =	vand.u32 $0xFC000000, v20  }
0x10a: {  	vm1 =	vlt.s32 v21, v19;
	vm3 =	veq.s32 v22, $0x4000000  }
0x10b: {  	vm1 =	vmand vm1, vm3  }
0x10c: {  	v21 =	vmpcnt.ones.xlane vm1;
	_ =	sdelay $0x1  }
0x10d: {  	(v2sf) =	vpush v21, $0x0  }
0x10e: {  	p3 =	sne.s32 s28, $0x1  }
.Ltmp8:
0x10f: {  	_ = 	snop;
	(pc) =	sbr.rel @!p3 .LBB2_13-.Ltmp8, $3  }
0x110: {  	_ =	sdelay $0x1  }
0x111: {  	s4 =	simm.s32 $0x4090;
	s7 =	sadd.s32 $0xFFFFFFFF, s28;
	[tilespmem:s2+$0x0] =	vst.msk vm1, v20  }
0x112: {  	p2 =	por $0x1, $0x1;
	s3 =	simm.s32 $0x0;
	s1 =	smov.u32 s2;
	v20 =	vld [tilespmem:s4+$0x0]  }
.LBB2_14:
0x113: {  	p3 =	sne.s32 s7, $0x1;
	_ =	sdelay $0x2  }
0x114: {  	s3 =	sadd.s32 $0x10, s3  }
0x115: {  	v21 =	vor.u32 s3, v5;
	v22 =	vand.u32 $0xFC000000, v20  }
0x116: {  	vm1 =	vlt.s32 v21, v19;
	vm3 =	veq.s32 v22, $0x4000000  }
0x117: {  	vm1 =	vmand vm1, vm3  }
0x118: {  	v21 =	vmpcnt.ones.xlane vm1  }
0x119: {  	s8 =	spop (v2sf)  }
0x11a: {  	(v2sf) =	vpush v21, $0x0;
	s1 =	sadd.s32 s1, s8  }
0x11b: {  	[tilespmem:s1+$0x0] =	vst.msk vm1, v20  }
.Ltmp9:
0x11c: {  	(pc) =	sbr.rel @p3 .LBB2_14-.Ltmp9, $3  }
0x11d: {  	_ =	sdelay $0x1  }
0x11e: {  	s4 =	sadd.s32 $0x10, s4  }
0x11f: {  	s7 =	sadd.s32 $0xFFFFFFFF, s7;
	v20 =	vld [tilespmem:s4+$0x0]  }
.LBB2_15:
0x120: {  	_ =	sdelay $0x1  }
0x121: {  	s3 =	sadd.s32 @p2 $0x10, s3  }
0x122: {  	s0 =	smov.u32 @p2 s3  }
0x123: {  	v21 =	vor.u32 s0, v5;
	v22 =	vand.u32 $0xFC000000, v20  }
0x124: {  	vm1 =	vlt.s32 v21, v19;
	vm3 =	veq.s32 v22, $0x4000000  }
0x125: {  	vm1 =	vmand vm1, vm3  }
0x126: {  	v21 =	vmpcnt.ones.xlane vm1;
	_ =	sdelay $0x1  }
0x127: {  	(v2sf) =	vpush v21, $0x0;
	_ =	sdelay $0xc  }
0x128: {  	s0 =	spop @p2 (v2sf)  }
0x129: {  	s0 =	sadd.s32 @p2 s1, s0  }
.Ltmp10:
0x12a: {  	s2 =	smov.u32 @p2 s0;
	s31 =	spop (v2sf);
	(pc) =	sbr.rel @!p1 .LBB2_16-.Ltmp10, $4  }
0x12b: {  	s1 =	sadd.s32 s2, s31  }
0x12c: {  	[tilespmem:s2+$0x0] =	vst.msk vm1, v20;
	v20 =	vmov s1  }
0x12d: {  	s2 =	simm.s32 $0x4080;
	[tilespmem:v8+s13+$0x0] =	vst.idx.msk $0x1, v20  }
0x12e: {  	s0 =	simm.s32 $0x0;
	p2 =	por $0x0, $0x0;
	v20 =	vld [tilespmem:s2+$0x0]  }
0x12f: {  	_ =	sdelay $0x3  }
0x130: {  	v21 =	vor.u32 s0, v5;
	v22 =	vand.u32 $0xFC000000, v20  }
0x131: {  	vm1 =	vlt.s32 v21, v19;
	vm3 =	veq.s32 v22, $0x8000000  }
0x132: {  	vm1 =	vmand vm1, vm3  }
0x133: {  	v21 =	vmpcnt.ones.xlane vm1;
	_ =	sdelay $0x1  }
0x134: {  	(v2sf) =	vpush v21, $0x0  }
0x135: {  	p4 =	sne.s32 s28, $0x1  }
.Ltmp11:
0x136: {  	_ = 	snop;
	(pc) =	sbr.rel @!p4 .LBB2_18-.Ltmp11, $3  }
0x137: {  	_ =	sdelay $0x1  }
0x138: {  	s7 =	simm.s32 $0x4090;
	s8 =	sadd.s32 $0xFFFFFFFF, s28;
	[tilespmem:s1+$0x0] =	vst.msk vm1, v20  }
0x139: {  	p3 =	por $0x1, $0x1;
	s4 =	simm.s32 $0x0;
	s3 =	smov.u32 s1;
	v20 =	vld [tilespmem:s7+$0x0]  }
.LBB2_19:
0x13a: {  	p4 =	sne.s32 s8, $0x1;
	_ =	sdelay $0x2  }
0x13b: {  	s4 =	sadd.s32 $0x10, s4  }
0x13c: {  	v21 =	vor.u32 s4, v5;
	v22 =	vand.u32 $0xFC000000, v20  }
0x13d: {  	vm1 =	vlt.s32 v21, v19;
	vm3 =	veq.s32 v22, $0x8000000  }
0x13e: {  	vm1 =	vmand vm1, vm3  }
0x13f: {  	v21 =	vmpcnt.ones.xlane vm1  }
0x140: {  	s9 =	spop (v2sf)  }
0x141: {  	(v2sf) =	vpush v21, $0x0;
	s3 =	sadd.s32 s3, s9  }
0x142: {  	[tilespmem:s3+$0x0] =	vst.msk vm1, v20  }
.Ltmp12:
0x143: {  	(pc) =	sbr.rel @p4 .LBB2_19-.Ltmp12, $3  }
0x144: {  	_ =	sdelay $0x1  }
0x145: {  	s7 =	sadd.s32 $0x10, s7  }
0x146: {  	s8 =	sadd.s32 $0xFFFFFFFF, s8;
	v20 =	vld [tilespmem:s7+$0x0]  }
.LBB2_20:
0x147: {  	_ =	sdelay $0x1  }
0x148: {  	s4 =	sadd.s32 @p3 $0x10, s4;
	s7 =	simm.s32 $0x0  }
0x149: {  	s7 =	smov.u32 @p3 s4  }
0x14a: {  	v21 =	vor.u32 s7, v5;
	v22 =	vand.u32 $0xFC000000, v20  }
0x14b: {  	vm1 =	vlt.s32 v21, v19;
	vm3 =	veq.s32 v22, $0x8000000  }
0x14c: {  	vm1 =	vmand vm1, vm3  }
0x14d: {  	v21 =	vmpcnt.ones.xlane vm1;
	_ =	sdelay $0x1  }
0x14e: {  	(v2sf) =	vpush v21, $0x0;
	_ =	sdelay $0xc  }
0x14f: {  	s4 =	spop @p3 (v2sf)  }
0x150: {  	s3 =	sadd.s32 @p3 s3, s4  }
.Ltmp13:
0x151: {  	s1 =	smov.u32 @p3 s3;
	s31 =	spop (v2sf);
	(pc) =	sbr.rel @!p1 .LBB2_21-.Ltmp13, $4  }
0x152: {  	s3 =	sadd.s32 s1, s31  }
0x153: {  	[tilespmem:s1+$0x0] =	vst.msk vm1, v20;
	v20 =	vmov s3  }
0x154: {  	[tilespmem:v9+s13+$0x0] =	vst.idx.msk $0x1, v20  }
0x155: {  	v20 =	vld [tilespmem:s2+$0x0]  }
0x156: {  	_ =	sdelay $0x3  }
0x157: {  	v21 =	vor.u32 s0, v5;
	v22 =	vand.u32 $0xFC000000, v20  }
0x158: {  	vm1 =	vlt.s32 v21, v19;
	vm3 =	veq.s32 v22, $0xC000000  }
0x159: {  	vm1 =	vmand vm1, vm3  }
0x15a: {  	v21 =	vmpcnt.ones.xlane vm1;
	_ =	sdelay $0x1  }
0x15b: {  	(v2sf) =	vpush v21, $0x0  }
0x15c: {  	p3 =	sne.s32 s28, $0x1  }
.Ltmp14:
0x15d: {  	_ = 	snop;
	(pc) =	sbr.rel @!p3 .LBB2_23-.Ltmp14, $3  }
0x15e: {  	_ =	sdelay $0x1  }
0x15f: {  	s4 =	simm.s32 $0x4090;
	s7 =	sadd.s32 $0xFFFFFFFF, s28;
	[tilespmem:s3+$0x0] =	vst.msk vm1, v20  }
0x160: {  	p2 =	por $0x1, $0x1;
	s2 =	simm.s32 $0x0;
	s1 =	smov.u32 s3;
	v20 =	vld [tilespmem:s4+$0x0]  }
.LBB2_24:
0x161: {  	p3 =	sne.s32 s7, $0x1;
	_ =	sdelay $0x2  }
0x162: {  	s2 =	sadd.s32 $0x10, s2  }
0x163: {  	v21 =	vor.u32 s2, v5;
	v22 =	vand.u32 $0xFC000000, v20  }
0x164: {  	vm1 =	vlt.s32 v21, v19;
	vm3 =	veq.s32 v22, $0xC000000  }
0x165: {  	vm1 =	vmand vm1, vm3  }
0x166: {  	v21 =	vmpcnt.ones.xlane vm1  }
0x167: {  	s8 =	spop (v2sf)  }
0x168: {  	(v2sf) =	vpush v21, $0x0;
	s1 =	sadd.s32 s1, s8  }
0x169: {  	[tilespmem:s1+$0x0] =	vst.msk vm1, v20  }
.Ltmp15:
0x16a: {  	(pc) =	sbr.rel @p3 .LBB2_24-.Ltmp15, $3  }
0x16b: {  	_ =	sdelay $0x1  }
0x16c: {  	s4 =	sadd.s32 $0x10, s4  }
0x16d: {  	s7 =	sadd.s32 $0xFFFFFFFF, s7;
	v20 =	vld [tilespmem:s4+$0x0]  }
.LBB2_25:
0x16e: {  	_ =	sdelay $0x1  }
0x16f: {  	s2 =	sadd.s32 @p2 $0x10, s2  }
0x170: {  	s0 =	smov.u32 @p2 s2  }
0x171: {  	v21 =	vor.u32 s0, v5;
	v22 =	vand.u32 $0xFC000000, v20  }
0x172: {  	vm1 =	vlt.s32 v21, v19;
	vm3 =	veq.s32 v22, $0xC000000  }
0x173: {  	vm1 =	vmand vm1, vm3  }
0x174: {  	v21 =	vmpcnt.ones.xlane vm1;
	_ =	sdelay $0x1  }
0x175: {  	(v2sf) =	vpush v21, $0x0;
	_ =	sdelay $0xc  }
0x176: {  	s0 =	spop @p2 (v2sf)  }
0x177: {  	s0 =	sadd.s32 @p2 s1, s0  }
.Ltmp16:
0x178: {  	s3 =	smov.u32 @p2 s0;
	s31 =	spop (v2sf);
	(pc) =	sbr.rel @!p1 .LBB2_26-.Ltmp16, $4  }
0x179: {  	s1 =	sadd.s32 s3, s31  }
0x17a: {  	[tilespmem:s3+$0x0] =	vst.msk vm1, v20;
	v20 =	vmov s1  }
0x17b: {  	s2 =	simm.s32 $0x4080;
	[tilespmem:v10+s13+$0x0] =	vst.idx.msk $0x1, v20  }
0x17c: {  	s0 =	simm.s32 $0x0;
	p2 =	por $0x0, $0x0;
	v20 =	vld [tilespmem:s2+$0x0]  }
0x17d: {  	_ =	sdelay $0x3  }
0x17e: {  	v21 =	vor.u32 s0, v5;
	v22 =	vand.u32 $0xFC000000, v20  }
0x17f: {  	vm1 =	vlt.s32 v21, v19;
	vm3 =	veq.s32 v22, $0x10000000  }
0x180: {  	vm1 =	vmand vm1, vm3  }
0x181: {  	v21 =	vmpcnt.ones.xlane vm1;
	_ =	sdelay $0x1  }
0x182: {  	(v2sf) =	vpush v21, $0x0  }
0x183: {  	p4 =	sne.s32 s28, $0x1  }
.Ltmp17:
0x184: {  	_ = 	snop;
	(pc) =	sbr.rel @!p4 .LBB2_28-.Ltmp17, $3  }
0x185: {  	_ =	sdelay $0x1  }
0x186: {  	s7 =	simm.s32 $0x4090;
	s8 =	sadd.s32 $0xFFFFFFFF, s28;
	[tilespmem:s1+$0x0] =	vst.msk vm1, v20  }
0x187: {  	p3 =	por $0x1, $0x1;
	s4 =	simm.s32 $0x0;
	s3 =	smov.u32 s1;
	v20 =	vld [tilespmem:s7+$0x0]  }
.LBB2_29:
0x188: {  	p4 =	sne.s32 s8, $0x1;
	_ =	sdelay $0x2  }
0x189: {  	s4 =	sadd.s32 $0x10, s4  }
0x18a: {  	v21 =	vor.u32 s4, v5;
	v22 =	vand.u32 $0xFC000000, v20  }
0x18b: {  	vm1 =	vlt.s32 v21, v19;
	vm3 =	veq.s32 v22, $0x10000000  }
0x18c: {  	vm1 =	vmand vm1, vm3  }
0x18d: {  	v21 =	vmpcnt.ones.xlane vm1  }
0x18e: {  	s9 =	spop (v2sf)  }
0x18f: {  	(v2sf) =	vpush v21, $0x0;
	s3 =	sadd.s32 s3, s9  }
0x190: {  	[tilespmem:s3+$0x0] =	vst.msk vm1, v20  }
.Ltmp18:
0x191: {  	(pc) =	sbr.rel @p4 .LBB2_29-.Ltmp18, $3  }
0x192: {  	_ =	sdelay $0x1  }
0x193: {  	s7 =	sadd.s32 $0x10, s7  }
0x194: {  	s8 =	sadd.s32 $0xFFFFFFFF, s8;
	v20 =	vld [tilespmem:s7+$0x0]  }
.LBB2_30:
0x195: {  	_ =	sdelay $0x1  }
0x196: {  	s4 =	sadd.s32 @p3 $0x10, s4;
	s7 =	simm.s32 $0x0  }
0x197: {  	s7 =	smov.u32 @p3 s4  }
0x198: {  	v21 =	vor.u32 s7, v5;
	v22 =	vand.u32 $0xFC000000, v20  }
0x199: {  	vm1 =	vlt.s32 v21, v19;
	vm3 =	veq.s32 v22, $0x10000000  }
0x19a: {  	vm1 =	vmand vm1, vm3  }
0x19b: {  	v21 =	vmpcnt.ones.xlane vm1;
	_ =	sdelay $0x1  }
0x19c: {  	(v2sf) =	vpush v21, $0x0;
	_ =	sdelay $0xc  }
0x19d: {  	s4 =	spop @p3 (v2sf)  }
0x19e: {  	s3 =	sadd.s32 @p3 s3, s4  }
.Ltmp19:
0x19f: {  	s1 =	smov.u32 @p3 s3;
	s31 =	spop (v2sf);
	(pc) =	sbr.rel @!p1 .LBB2_31-.Ltmp19, $4  }
0x1a0: {  	s3 =	sadd.s32 s1, s31  }
0x1a1: {  	[tilespmem:s1+$0x0] =	vst.msk vm1, v20;
	v20 =	vmov s3  }
0x1a2: {  	[tilespmem:v11+s13+$0x0] =	vst.idx.msk $0x1, v20  }
0x1a3: {  	v20 =	vld [tilespmem:s2+$0x0]  }
0x1a4: {  	_ =	sdelay $0x3  }
0x1a5: {  	v21 =	vor.u32 s0, v5;
	v22 =	vand.u32 $0xFC000000, v20  }
0x1a6: {  	vm1 =	vlt.s32 v21, v19;
	vm3 =	veq.s32 v22, $0x14000000  }
0x1a7: {  	vm1 =	vmand vm1, vm3  }
0x1a8: {  	v21 =	vmpcnt.ones.xlane vm1;
	_ =	sdelay $0x1  }
0x1a9: {  	(v2sf) =	vpush v21, $0x0  }
0x1aa: {  	p3 =	sne.s32 s28, $0x1  }
.Ltmp20:
0x1ab: {  	_ = 	snop;
	(pc) =	sbr.rel @!p3 .LBB2_33-.Ltmp20, $3  }
0x1ac: {  	_ =	sdelay $0x1  }
0x1ad: {  	s4 =	simm.s32 $0x4090;
	s7 =	sadd.s32 $0xFFFFFFFF, s28;
	[tilespmem:s3+$0x0] =	vst.msk vm1, v20  }
0x1ae: {  	p2 =	por $0x1, $0x1;
	s2 =	simm.s32 $0x0;
	s1 =	smov.u32 s3;
	v20 =	vld [tilespmem:s4+$0x0]  }
.LBB2_34:
0x1af: {  	p3 =	sne.s32 s7, $0x1;
	_ =	sdelay $0x2  }
0x1b0: {  	s2 =	sadd.s32 $0x10, s2  }
0x1b1: {  	v21 =	vor.u32 s2, v5;
	v22 =	vand.u32 $0xFC000000, v20  }
0x1b2: {  	vm1 =	vlt.s32 v21, v19;
	vm3 =	veq.s32 v22, $0x14000000  }
0x1b3: {  	vm1 =	vmand vm1, vm3  }
0x1b4: {  	v21 =	vmpcnt.ones.xlane vm1  }
0x1b5: {  	s8 =	spop (v2sf)  }
0x1b6: {  	(v2sf) =	vpush v21, $0x0;
	s1 =	sadd.s32 s1, s8  }
0x1b7: {  	[tilespmem:s1+$0x0] =	vst.msk vm1, v20  }
.Ltmp21:
0x1b8: {  	(pc) =	sbr.rel @p3 .LBB2_34-.Ltmp21, $3  }
0x1b9: {  	_ =	sdelay $0x1  }
0x1ba: {  	s4 =	sadd.s32 $0x10, s4  }
0x1bb: {  	s7 =	sadd.s32 $0xFFFFFFFF, s7;
	v20 =	vld [tilespmem:s4+$0x0]  }
.LBB2_35:
0x1bc: {  	_ =	sdelay $0x1  }
0x1bd: {  	s2 =	sadd.s32 @p2 $0x10, s2  }
0x1be: {  	s0 =	smov.u32 @p2 s2  }
0x1bf: {  	v21 =	vor.u32 s0, v5;
	v22 =	vand.u32 $0xFC000000, v20  }
0x1c0: {  	vm1 =	vlt.s32 v21, v19;
	vm3 =	veq.s32 v22, $0x14000000  }
0x1c1: {  	vm1 =	vmand vm1, vm3  }
0x1c2: {  	v21 =	vmpcnt.ones.xlane vm1;
	_ =	sdelay $0x1  }
0x1c3: {  	(v2sf) =	vpush v21, $0x0;
	_ =	sdelay $0xc  }
0x1c4: {  	s0 =	spop @p2 (v2sf)  }
0x1c5: {  	p3 =	seq.s32 s29, $0x1;
	s0 =	sadd.s32 @p2 s1, s0  }
.Ltmp22:
0x1c6: {  	s3 =	smov.u32 @p2 s0;
	s30 =	spop (v2sf);
	(pc) =	sbr.rel @p3 .LBB2_36-.Ltmp22, $4  }
0x1c7: {  	s0 =	sadd.s32 s3, s30  }
0x1c8: {  	[tilespmem:s3+$0x0] =	vst.msk vm1, v20;
	v20 =	vmov s0  }
0x1c9: {  	s31 =	simm.s32 $0x4080;
	[tilespmem:v12+s13+$0x0] =	vst.idx.msk $0x1, v20  }
0x1ca: {  	s1 =	simm.s32 $0x0;
	p2 =	por $0x0, $0x0;
	v20 =	vld [tilespmem:s31+$0x0]  }
0x1cb: {  	_ =	sdelay $0x3  }
0x1cc: {  	v21 =	vor.u32 s1, v5;
	v22 =	vand.u32 $0xFC000000, v20  }
0x1cd: {  	vm1 =	vlt.s32 v21, v19;
	vm3 =	veq.s32 v22, $0x18000000  }
0x1ce: {  	vm1 =	vmand vm1, vm3  }
0x1cf: {  	v21 =	vmpcnt.ones.xlane vm1;
	_ =	sdelay $0x1  }
0x1d0: {  	(v2sf) =	vpush v21, $0x0  }
0x1d1: {  	p3 =	seq.s32 s28, $0x1  }
.Ltmp23:
0x1d2: {  	_ = 	snop;
	(pc) =	sbr.rel @p3 .LBB2_38-.Ltmp23, $3  }
0x1d3: {  	_ =	sdelay $0x1  }
0x1d4: {  	s4 =	simm.s32 $0x4090;
	s7 =	sadd.s32 $0xFFFFFFFF, s28;
	[tilespmem:s0+$0x0] =	vst.msk vm1, v20  }
0x1d5: {  	p2 =	por $0x1, $0x1;
	s3 =	simm.s32 $0x0;
	s2 =	smov.u32 s0;
	v20 =	vld [tilespmem:s4+$0x0]  }
.LBB2_39:
0x1d6: {  	p3 =	seq.s32 s7, $0x1;
	_ =	sdelay $0x2  }
0x1d7: {  	s3 =	sadd.s32 $0x10, s3  }
0x1d8: {  	v21 =	vor.u32 s3, v5;
	v22 =	vand.u32 $0xFC000000, v20  }
0x1d9: {  	vm1 =	vlt.s32 v21, v19;
	vm3 =	veq.s32 v22, $0x18000000  }
0x1da: {  	vm1 =	vmand vm1, vm3  }
0x1db: {  	v21 =	vmpcnt.ones.xlane vm1  }
0x1dc: {  	s8 =	spop (v2sf)  }
0x1dd: {  	(v2sf) =	vpush v21, $0x0;
	s2 =	sadd.s32 s2, s8  }
0x1de: {  	[tilespmem:s2+$0x0] =	vst.msk vm1, v20  }
.Ltmp24:
0x1df: {  	(pc) =	sbr.rel @!p3 .LBB2_39-.Ltmp24, $3  }
0x1e0: {  	_ =	sdelay $0x1  }
0x1e1: {  	s4 =	sadd.s32 $0x10, s4  }
0x1e2: {  	s7 =	sadd.s32 $0xFFFFFFFF, s7;
	v20 =	vld [tilespmem:s4+$0x0]  }
.LBB2_40:
0x1e3: {  	_ =	sdelay $0x1  }
0x1e4: {  	s3 =	sadd.s32 @p2 $0x10, s3  }
0x1e5: {  	s1 =	smov.u32 @p2 s3  }
0x1e6: {  	v21 =	vor.u32 s1, v5;
	v22 =	vand.u32 $0xFC000000, v20  }
0x1e7: {  	vm1 =	vlt.s32 v21, v19;
	vm3 =	veq.s32 v22, $0x18000000  }
0x1e8: {  	vm1 =	vmand vm1, vm3  }
0x1e9: {  	v21 =	vmpcnt.ones.xlane vm1;
	_ =	sdelay $0x1  }
0x1ea: {  	(v2sf) =	vpush v21, $0x0;
	_ =	sdelay $0xc  }
0x1eb: {  	s1 =	spop @p2 (v2sf)  }
0x1ec: {  	s1 =	sadd.s32 @p2 s2, s1  }
.Ltmp25:
0x1ed: {  	s0 =	smov.u32 @p2 s1;
	s30 =	spop (v2sf);
	(pc) =	sbr.rel @!p1 .LBB2_41-.Ltmp25, $4  }
0x1ee: {  	[tilespmem:s0+$0x0] =	vst.msk vm1, v20;
	s0 =	sadd.s32 s0, s30  }
0x1ef: {  	v20 =	vmov s0  }
0x1f0: {  	s31 =	simm.s32 $0x4080;
	[tilespmem:v13+s13+$0x0] =	vst.idx.msk $0x1, v20  }
0x1f1: {  	s1 =	simm.s32 $0x0;
	p2 =	por $0x0, $0x0;
	v20 =	vld [tilespmem:s31+$0x0]  }
0x1f2: {  	_ =	sdelay $0x3  }
0x1f3: {  	v21 =	vor.u32 s1, v5;
	v22 =	vand.u32 $0xFC000000, v20  }
0x1f4: {  	vm1 =	vlt.s32 v21, v19;
	vm3 =	veq.s32 v22, $0x1C000000  }
0x1f5: {  	vm1 =	vmand vm1, vm3  }
0x1f6: {  	v21 =	vmpcnt.ones.xlane vm1;
	_ =	sdelay $0x1  }
0x1f7: {  	(v2sf) =	vpush v21, $0x0  }
0x1f8: {  	p1 =	sne.s32 s28, $0x1  }
.Ltmp26:
0x1f9: {  	_ = 	snop;
	(pc) =	sbr.rel @!p1 .LBB2_43-.Ltmp26, $3  }
0x1fa: {  	_ =	sdelay $0x1  }
0x1fb: {  	s4 =	simm.s32 $0x4090;
	s7 =	sadd.s32 $0xFFFFFFFF, s28;
	[tilespmem:s0+$0x0] =	vst.msk vm1, v20  }
0x1fc: {  	p2 =	por $0x1, $0x1;
	s3 =	simm.s32 $0x0;
	s2 =	smov.u32 s0;
	v20 =	vld [tilespmem:s4+$0x0]  }
.LBB2_44:
0x1fd: {  	p1 =	sne.s32 s7, $0x1;
	_ =	sdelay $0x2  }
0x1fe: {  	s3 =	sadd.s32 $0x10, s3  }
0x1ff: {  	v21 =	vor.u32 s3, v5;
	v22 =	vand.u32 $0xFC000000, v20  }
0x200: {  	vm1 =	vlt.s32 v21, v19;
	vm3 =	veq.s32 v22, $0x1C000000  }
0x201: {  	vm1 =	vmand vm1, vm3  }
0x202: {  	v21 =	vmpcnt.ones.xlane vm1  }
0x203: {  	s8 =	spop (v2sf)  }
0x204: {  	(v2sf) =	vpush v21, $0x0;
	s2 =	sadd.s32 s2, s8  }
0x205: {  	[tilespmem:s2+$0x0] =	vst.msk vm1, v20  }
.Ltmp27:
0x206: {  	(pc) =	sbr.rel @p1 .LBB2_44-.Ltmp27, $3  }
0x207: {  	_ =	sdelay $0x1  }
0x208: {  	s4 =	sadd.s32 $0x10, s4  }
0x209: {  	s7 =	sadd.s32 $0xFFFFFFFF, s7;
	v20 =	vld [tilespmem:s4+$0x0]  }
.LBB2_45:
0x20a: {  	_ =	sdelay $0x1  }
0x20b: {  	s3 =	sadd.s32 @p2 $0x10, s3  }
0x20c: {  	s1 =	smov.u32 @p2 s3  }
0x20d: {  	v21 =	vor.u32 s1, v5;
	v22 =	vand.u32 $0xFC000000, v20  }
0x20e: {  	vm1 =	vlt.s32 v21, v19;
	vm3 =	veq.s32 v22, $0x1C000000  }
0x20f: {  	vm1 =	vmand vm1, vm3  }
0x210: {  	v19 =	vmpcnt.ones.xlane vm1;
	_ =	sdelay $0x1  }
0x211: {  	(v2sf) =	vpush v19, $0x0;
	_ =	sdelay $0xc  }
.Ltmp28:
0x212: {  	s1 =	spop @p2 (v2sf);
	(pc) =	sbr.rel .LBB2_46-.Ltmp28, $4  }
0x213: {  	s1 =	sadd.s32 @p2 s2, s1  }
0x214: {  	s0 =	smov.u32 @p2 s1;
	s31 =	spop (v2sf)  }
0x215: {  	s1 =	sadd.s32 s0, s31  }
0x216: {  	[tilespmem:s0+$0x0] =	vst.msk vm1, v20;
	v19 =	vmov s1  }
.LBB2_95:
0x217: {  	_ =	sdelay $0x2  }
0x218: {  	v19 =	vimm.s32 $0x0;
	s13 =	simm.s32 $0x1F180  }
0x219: {  	[tilespmem:v7+s13+$0x0] =	vst.idx.msk $0x1, v19  }
0x21a: {  	[tilespmem:v8+s13+$0x0] =	vst.idx.msk $0x1, v19  }
0x21b: {  	[tilespmem:v9+s13+$0x0] =	vst.idx.msk $0x1, v19  }
0x21c: {  	s10 =	rddreg [dreg:$0x4];
	[tilespmem:v10+s13+$0x0] =	vst.idx.msk $0x1, v19  }
0x21d: {  	s11 =	rddreg [dreg:$0x1];
	[tilespmem:v11+s13+$0x0] =	vst.idx.msk $0x1, v19  }
0x21e: {  	s12 =	rddreg [dreg:$0x5];
	[tilespmem:v12+s13+$0x0] =	vst.idx.msk $0x1, v19  }
0x21f: {  	s14 =	simm.s32 $0x6;
	s15 =	rddreg [dreg:$0xc];
	[tilespmem:v13+s13+$0x0] =	vst.idx.msk $0x1, v19  }
.LBB2_46:
0x220: {  	_ =	sdelay $0x3  }
0x221: {  	[tilespmem:v14+s13+$0x0] =	vst.idx.msk $0x1, v19;
	s0 =	rddreg [dreg:$0x6];
	s1 =	simm.s32 $0x800;
	s2 =	simm.s32 $0x7A1400  }
0x222: {  	[tilespmem:s18], [sflag:$0x1] =	stream.strided.gather [hbm4b:s0+s1], $0x4000, s2, s1, $0x38;
	[tilespmem:$0x1F200] =	vst v63  }
0x223: {  	s29 =	rddreg [dreg:$0x7]  }
0x224: {  	[tilespmem:s19], [sflag:$0x2] =	stream.strided.gather [hbm4b:s29+s1], $0x4000, s2, s1, $0x38;
	[tilespmem:$0x1F200] =	vst v63  }
.Ltmp29:
0x225: {  	_ = 	snop;
	(pc) =	sbr.rel .LBB2_47-.Ltmp29, $4  }
0x226: {  	s30 =	rddreg [dreg:$0x8]  }
0x227: {  	[tilespmem:s20], [sflag:$0x3] =	stream.strided.gather [hbm4b:s30+s1], $0x4000, s2, s1, $0x38;
	[tilespmem:$0x1F200] =	vst v63  }
0x228: {  	s31 =	rddreg [dreg:$0x9];
	s28 =	simm.s32 $0x0  }
0x229: {  	[tilespmem:s21], [sflag:$0x4] =	stream.strided.gather [hbm4b:s31+s1], $0x4000, s2, s1, $0x38;
	[tilespmem:$0x1F200] =	vst v63  }
.LBB2_82:
0x22a: {  	s28 =	sadd.s32 $0x1, s28  }
0x22b: {  	p1 =	sne.s32 s28, $0x19  }
.Ltmp30:
0x22c: {  	_ = 	snop;
	(pc) =	sbr.rel @!p1 .LBB2_83-.Ltmp30, $1  }
0x22d: {  	_ =	sdelay $0x3  }
.LBB2_47:
0x22e: {  	s29 =	smul.u32 $0x5, s28;
	_ =	sdelay $0x1  }
0x22f: {  	p1 =	sge.u32 s29, s12  }
0x230: {  	s0 =	sadd.s32 @!p1 $0x4, s29  }
0x231: {  	p2 =	sge.u32 @!p1 s0, s12  }
0x232: {  	p2 =	por p2, p1  }
0x233: {  	s0 =	sadd.s32 @!p2 s10, s0  }
0x234: {  	s0 =	sshll.u32 @!p2 s0, $0x8  }
0x235: {  	s1 =	simm.s32 @!p2 $0x800;
	s0 =	sand.u32 @!p2 $0x1FFFFF00, s0  }
0x236: {  	s2 =	simm.s32 @!p2 $0x7A1400;
	s3 =	simm.s32 @!p2 $0x18100;
	s0 =	sadd.s32 @!p2 s11, s0  }
0x237: {  	[tilespmem:s3], [sflag:$0x5] =	stream.strided.gather @!p2 [hbm4b:s0+s1], $0x4000, s2, s1, $0x38;
	[tilespmem:$0x1F200] =	vst v63  }
0x238: {  	s0 =	sshrl.u32 @!p1 s29, $0x4  }
0x239: {  	v19 =	vmov @!p1 s0;
	s0 =	sadd.s32 @!p1 $0x1, s0  }
0x23a: {  	s1 =	simm.s32 @!p1 $0x1;
	v20 =	vmov @!p1 s0  }
0x23b: {  	_ =	swait.ge @!p1 [sflag:s1], $0x4000  }
0x23c: {  	[sflag:s1] =	ssyncset.done @!p1 $0x0  }
0x23d: {  	s0 =	simm.s32 @!p1 $0x1F180;
	[sflag:s1] =	ssyncadd.s32 @!p1 $0xFFFFC000  }
0x23e: {  	v19 =	vld.idx.msk @!p1 [tilespmem:v19+s0+$0x0], $0xffff  }
0x23f: {  	v20 =	vld.idx.msk @!p1 [tilespmem:v20+s0+$0x0], $0xffff;
	_ =	sdelay $0x3  }
0x240: {  	(v2sf) =	vpush @!p1 v19, $0x0  }
0x241: {  	(v2sf) =	vpush @!p1 v20, $0x0;
	_ =	sdelay $0xd  }
0x242: {  	s0 =	spop @!p1 (v2sf)  }
0x243: {  	s2 =	spop @!p1 (v2sf)  }
0x244: {  	s3 =	sand.u32 @!p1 $0xF, s0;
	p4 =	slt.s32 @!p1 s0, $0x1;
	s2 =	sadd.s32 @!p1 $0xF, s2  }
0x245: {  	p2 =	sne.s32 @!p1 s3, $0x0;
	s3 =	sshra.s32 @!p1 s0, $0x1F;
	s4 =	sand.u32 @!p1 $0xF, s2  }
0x246: {  	s3 =	sshrl.u32 @!p1 s3, $0x1C;
	p5 =	slt.s32 @!p1 s2, $0x1;
	p2 =	por @!p1 !p4, !p2  }
0x247: {  	p3 =	sne.s32 @!p1 s4, $0x0;
	s0 =	sadd.s32 @!p1 s3, s0;
	p2 =	por @!p1 !p2, !p2  }
0x248: {  	s3 =	sshra.s32 @!p1 s2, $0x1F;
	p3 =	por @!p1 !p5, !p3;
	s0 =	sshra.s32 @!p1 s0, $0x4  }
0x249: {  	p2 =	por !p2, p1;
	s3 =	sshrl.u32 @!p1 s3, $0x1C;
	p3 =	por @!p1 !p3, !p3  }
0x24a: {  	s2 =	sadd.s32 @!p1 s3, s2;
	s3 =	simm.s32 @!p1 $0x1;
	p3 =	por !p3, p1  }
0x24b: {  	s3 =	simm.s32 @p2 $0x0;
	s2 =	sshra.s32 @!p1 s2, $0x4;
	s1 =	simm.s32 @p3 $0x0  }
0x24c: {  	s4 =	ssub.s32 @!p1 s0, s3;
	s30 =	ssub.s32 @!p1 s2, s1  }
0x24d: {  	p2 =	sge.s32 @!p1 s4, s30  }
0x24e: {  	p2 =	por p1, p2  }
.Ltmp31:
0x24f: {  	_ = 	snop;
	(pc) =	sbr.rel @p2 .LBB2_54-.Ltmp31, $1  }
0x250: {  	_ =	sdelay $0x3  }
.Ltmp32:
0x251: {  	(pc) =	sbr.rel .LBB2_49-.Ltmp32, $2  }
0x252: {  	_ =	sdelay $0x2  }
0x253: {  	v21 =	vmov @!p1 s29  }
.LBB2_52:
0x254: {  	_ =	sdelay $0x3  }
0x255: {  	[tilespmem:v3+s22+$0x0] =	vst.idx.msk $0x1, v23  }
.LBB2_53:
0x256: {  	s4 =	sadd.s32 $0x1, s4  }
0x257: {  	p1 =	slt.s32 s4, s30  }
.Ltmp33:
0x258: {  	_ = 	snop;
	(pc) =	sbr.rel @!p1 .LBB2_54-.Ltmp33, $1  }
0x259: {  	_ =	sdelay $0x3  }
.LBB2_49:
0x25a: {  	s1 =	sshll.u32 s4, $0x4  }
0x25b: {  	v22 =	vld [tilespmem:s1+$0x0];
	_ =	sdelay $0x3  }
0x25c: {  	v23 =	vor.u32 s1, v5  }
0x25d: {  	vm1 =	vge.s32 v23, v19;
	vm3 =	vlt.s32 v23, v20;
	v22 =	vshra.s32 v22, $0x16  }
0x25e: {  	vm1 =	vmand vm1, vm3;
	vm3 =	veq.s32 v22, v21  }
0x25f: {  	vm1 =	vmand vm1, vm3  }
0x260: {  	v22 =	vmpcnt.ones.xlane vm1;
	_ =	sdelay $0x1  }
0x261: {  	(v2sf) =	vpush v22, $0x0;
	_ =	sdelay $0xe  }
0x262: {  	s0 =	spop (v2sf)  }
0x263: {  	p1 =	slt.s32 s0, $0x1  }
.Ltmp34:
0x264: {  	_ = 	snop;
	(pc) =	sbr.rel @p1 .LBB2_53-.Ltmp34, $1  }
0x265: {  	_ =	sdelay $0x3  }
0x266: {  	v22 =	vld.msk [tilespmem:s22+$0x0], $0xffff;
	_ =	sdelay $0x4  }
0x267: {  	(v2sf) =	vpush v22, $0x0  }
0x268: {  	v23 =	vmctz.xlane vm1  }
0x269: {  	v22 =	vmov s1  }
0x26a: {  	v24 =	vadd.s32 v22, v23;
	_ =	sdelay $0x4  }
0x26b: {  	v24 =	vld.idx.msk [tilespmem:v24+s5+$0x0], $0xffff;
	_ =	sdelay $0x4  }
0x26c: {  	v25 =	vshrl.u32 v24, $0xE;
	v26 =	vshrl.u32 v24, $0xB  }
0x26d: {  	v25 =	vand.u32 $0x7F, v25;
	v26 =	vand.u32 $0x400, v26  }
0x26e: {  	v25 =	vor.u32 v26, v25;
	s25 =	spop (v2sf)  }
0x26f: {  	v26 =	vor.u32 v15, v25;
	p1 =	slt.s32 s25, $0x20  }
0x270: {  	(v2sf) =	vpush v24, $0x0;
	s2 =	simm.s32 @!p1 $0x6  }
0x271: {  	_ =	swait.ge @!p1 [sflag:s2], $0x80  }
0x272: {  	[sflag:s2] =	ssyncset.done @!p1 $0x0  }
0x273: {  	[sflag:s2] =	ssyncadd.s32 @!p1 $0xFFFFFF80  }
0x274: {  	v61 =	vld.idx.msk [tilespmem:v26+s18+$0x0], $0xffff  }
0x275: {  	v62 =	vor.u32 v16, v25;
	_ =	sdelay $0x1  }
0x276: {  	s26 =	sshll.u32 s25, $0x7  }
0x277: {  	s2 =	sand.u32 $0xF80, s26  }
0x278: {  	[tilespmem:s2+$0x1E100] =	vst v61  }
0x279: {  	v24 =	vld.idx.msk [tilespmem:v62+s18+$0x0], $0xffff  }
0x27a: {  	v63 =	vor.u32 v17, v25;
	_ =	sdelay $0x3  }
0x27b: {  	[tilespmem:s2+$0x1E110] =	vst v24  }
0x27c: {  	v24 =	vld.idx.msk [tilespmem:v63+s18+$0x0], $0xffff  }
0x27d: {  	v25 =	vor.u32 v18, v25;
	_ =	sdelay $0x3  }
0x27e: {  	[tilespmem:s2+$0x1E120] =	vst v24  }
0x27f: {  	s0 =	sadd.s32 $0xFFFFFFFF, s0;
	v24 =	vld.idx.msk [tilespmem:v25+s18+$0x0], $0xffff  }
0x280: {  	p1 =	sne.s32 s0, $0x0  }
.Ltmp35:
0x281: {  	s3 =	spop (v2sf);
	(pc) =	sbr.rel @!p1 .LBB2_52-.Ltmp35, $4  }
0x282: {  	s3 =	sshll.u32 s3, $0x4  }
0x283: {  	s3 =	sand.u32 $0x3FFF0, s3  }
0x284: {  	vm3 =	vne.s32 v23, v5;
	s1 =	sadd.s32 $0x1, s25;
	s7 =	sadd.s32 $0x1E100, s2;
	s31 =	sadd.s32 s6, s3;
	[tilespmem:s2+$0x1E130] =	vst v24  }
0x285: {  	vm1 =	vmand vm1, vm3;
	v23 =	vmov s1;
	[hbm4b:s31+s5] =	stream.linear.scatter [tilespmem:s7], [sflag:$0x6], $0x80, $0x38;
	[tilespmem:$0x1F200] =	vst v63  }
.LBB2_51:
0x286: {  	s0 =	sadd.s32 $0xFFFFFFFF, s0;
	[tilespmem:v3+s22+$0x0] =	vst.idx.msk $0x1, v23  }
0x287: {  	v23 =	vld.msk [tilespmem:s22+$0x0], $0xffff;
	p1 =	sne.s32 s0, $0x0;
	_ =	sdelay $0x4  }
0x288: {  	v24 =	vmctz.xlane vm1;
	(v2sf) =	vpush v23, $0x0;
	_ =	sdelay $0x1  }
0x289: {  	vm3 =	vne.s32 v24, v5;
	v23 =	vadd.s32 v22, v24  }
0x28a: {  	vm1 =	vmand vm1, vm3;
	_ =	sdelay $0x3  }
0x28b: {  	v23 =	vld.idx.msk [tilespmem:v23+s5+$0x0], $0xffff;
	_ =	sdelay $0x5  }
0x28c: {  	v24 =	vshrl.u32 v23, $0xE;
	v25 =	vshrl.u32 v23, $0xB;
	(v2sf) =	vpush v23, $0x0  }
0x28d: {  	v23 =	vand.u32 $0x7F, v24;
	v24 =	vand.u32 $0x400, v25  }
0x28e: {  	v23 =	vor.u32 v24, v23;
	s1 =	spop (v2sf)  }
0x28f: {  	v24 =	vor.u32 v15, v23;
	p2 =	slt.s32 s1, $0x20;
	s2 =	sshll.u32 s1, $0x7;
	s1 =	sadd.s32 $0x1, s1  }
0x290: {  	s3 =	simm.s32 @!p2 $0x6  }
0x291: {  	_ =	swait.ge @!p2 [sflag:s3], $0x80  }
0x292: {  	[sflag:s3] =	ssyncset.done @!p2 $0x0  }
0x293: {  	[sflag:s3] =	ssyncadd.s32 @!p2 $0xFFFFFF80  }
0x294: {  	v24 =	vld.idx.msk [tilespmem:v24+s18+$0x0], $0xffff;
	_ =	sdelay $0x1  }
0x295: {  	v25 =	vor.u32 v16, v23;
	_ =	sdelay $0x2  }
0x296: {  	s2 =	sand.u32 $0xF80, s2  }
0x297: {  	[tilespmem:s2+$0x1E100] =	vst v24  }
0x298: {  	v24 =	vld.idx.msk [tilespmem:v25+s18+$0x0], $0xffff;
	s3 =	spop (v2sf)  }
0x299: {  	s3 =	sshll.u32 s3, $0x4  }
0x29a: {  	v25 =	vor.u32 v17, v23;
	s3 =	sand.u32 $0x3FFF0, s3;
	_ =	sdelay $0x3  }
0x29b: {  	[tilespmem:s2+$0x1E110] =	vst v24  }
0x29c: {  	v24 =	vld.idx.msk [tilespmem:v25+s18+$0x0], $0xffff;
	_ =	sdelay $0x1  }
0x29d: {  	v23 =	vor.u32 v18, v23;
	_ =	sdelay $0x3  }
0x29e: {  	[tilespmem:s2+$0x1E120] =	vst v24  }
0x29f: {  	v23 =	vld.idx.msk [tilespmem:v23+s18+$0x0], $0xffff;
	_ =	sdelay $0x2  }
.Ltmp36:
0x2a0: {  	(pc) =	sbr.rel @p1 .LBB2_51-.Ltmp36, $3  }
0x2a1: {  	_ =	sdelay $0x1  }
0x2a2: {  	s7 =	sadd.s32 $0x1E100, s2;
	[tilespmem:s2+$0x1E130] =	vst v23;
	s2 =	sadd.s32 s6, s3  }
0x2a3: {  	v23 =	vmov s1;
	[hbm4b:s2+s5] =	stream.linear.scatter [tilespmem:s7], [sflag:$0x6], $0x80, $0x38;
	[tilespmem:$0x1F200] =	vst v63  }
.Ltmp37:
0x2a4: {  	_ = 	snop;
	(pc) =	sbr.rel .LBB2_52-.Ltmp37, $1  }
0x2a5: {  	_ =	sdelay $0x3  }
.LBB2_54:
0x2a6: {  	s0 =	sadd.s32 $0x1, s29  }
0x2a7: {  	p1 =	sge.u32 s0, s12  }
0x2a8: {  	s1 =	sadd.s32 @!p1 $0x5, s29  }
0x2a9: {  	p2 =	sge.u32 @!p1 s1, s12  }
0x2aa: {  	p2 =	por p2, p1  }
0x2ab: {  	s1 =	sadd.s32 @!p2 s10, s1  }
0x2ac: {  	s1 =	sshll.u32 @!p2 s1, $0x8  }
0x2ad: {  	s7 =	sshrl.u32 @!p1 s0, $0x4;
	s2 =	simm.s32 @!p2 $0x800;
	s1 =	sand.u32 @!p2 $0x1FFFFF00, s1  }
0x2ae: {  	s3 =	simm.s32 @!p2 $0x7A1400;
	s4 =	simm.s32 @!p2 $0x8100;
	s1 =	sadd.s32 @!p2 s11, s1  }
0x2af: {  	[tilespmem:s4], [sflag:$0x1] =	stream.strided.gather @!p2 [hbm4b:s1+s2], $0x4000, s3, s2, $0x38;
	[tilespmem:$0x1F200] =	vst v63  }
0x2b0: {  	v19 =	vmov @!p1 s7;
	s2 =	sadd.s32 @!p1 $0x1, s7  }
0x2b1: {  	s1 =	simm.s32 @!p1 $0x2;
	v20 =	vmov @!p1 s2  }
0x2b2: {  	_ =	swait.ge @!p1 [sflag:s1], $0x4000  }
0x2b3: {  	[sflag:s1] =	ssyncset.done @!p1 $0x0  }
0x2b4: {  	[sflag:s1] =	ssyncadd.s32 @!p1 $0xFFFFC000;
	s1 =	simm.s32 @!p1 $0x1F180  }
0x2b5: {  	v19 =	vld.idx.msk @!p1 [tilespmem:v19+s1+$0x0], $0xffff  }
0x2b6: {  	v20 =	vld.idx.msk @!p1 [tilespmem:v20+s1+$0x0], $0xffff;
	_ =	sdelay $0x3  }
0x2b7: {  	(v2sf) =	vpush @!p1 v19, $0x0  }
0x2b8: {  	(v2sf) =	vpush @!p1 v20, $0x0;
	_ =	sdelay $0xd  }
0x2b9: {  	s1 =	spop @!p1 (v2sf)  }
0x2ba: {  	s2 =	sshra.s32 @!p1 s1, $0x1F;
	s3 =	spop @!p1 (v2sf)  }
0x2bb: {  	p2 =	slt.s32 @!p1 s1, $0x1;
	s2 =	sshrl.u32 @!p1 s2, $0x1C;
	s3 =	sadd.s32 @!p1 $0xF, s3  }
0x2bc: {  	s2 =	sadd.s32 @!p1 s2, s1;
	s1 =	sand.u32 @!p1 $0xF, s1;
	s4 =	sand.u32 @!p1 $0xF, s3  }
0x2bd: {  	p3 =	sne.s32 @!p1 s1, $0x0;
	p4 =	slt.s32 @!p1 s3, $0x1;
	s1 =	sshra.s32 @!p1 s2, $0x4  }
0x2be: {  	s2 =	simm.s32 @!p1 $0x1;
	p5 =	sne.s32 @!p1 s4, $0x0;
	p2 =	por @!p1 !p2, !p3  }
0x2bf: {  	s4 =	sshra.s32 @!p1 s3, $0x1F;
	p3 =	por @!p1 !p4, !p5;
	p2 =	por @!p1 !p2, !p2  }
0x2c0: {  	s4 =	sshrl.u32 @!p1 s4, $0x1C;
	p2 =	por !p2, p1;
	p3 =	por @!p1 !p3, !p3  }
0x2c1: {  	s3 =	sadd.s32 @!p1 s4, s3;
	s4 =	simm.s32 @!p1 $0x1;
	p3 =	por !p3, p1  }
0x2c2: {  	s4 =	simm.s32 @p2 $0x0;
	s3 =	sshra.s32 @!p1 s3, $0x4;
	s2 =	simm.s32 @p3 $0x0  }
0x2c3: {  	s4 =	ssub.s32 @!p1 s1, s4;
	s30 =	ssub.s32 @!p1 s3, s2  }
0x2c4: {  	p2 =	sge.s32 @!p1 s4, s30  }
0x2c5: {  	p2 =	por p1, p2  }
.Ltmp38:
0x2c6: {  	_ = 	snop;
	(pc) =	sbr.rel @p2 .LBB2_61-.Ltmp38, $1  }
0x2c7: {  	_ =	sdelay $0x3  }
.Ltmp39:
0x2c8: {  	(pc) =	sbr.rel .LBB2_56-.Ltmp39, $2  }
0x2c9: {  	_ =	sdelay $0x2  }
0x2ca: {  	v21 =	vmov @!p1 s0  }
.LBB2_59:
0x2cb: {  	_ =	sdelay $0x3  }
0x2cc: {  	[tilespmem:v3+s22+$0x0] =	vst.idx.msk $0x1, v23  }
.LBB2_60:
0x2cd: {  	s4 =	sadd.s32 $0x1, s4  }
0x2ce: {  	p1 =	slt.s32 s4, s30  }
.Ltmp40:
0x2cf: {  	_ = 	snop;
	(pc) =	sbr.rel @!p1 .LBB2_61-.Ltmp40, $1  }
0x2d0: {  	_ =	sdelay $0x3  }
.LBB2_56:
0x2d1: {  	s1 =	sshll.u32 s4, $0x4  }
0x2d2: {  	v22 =	vld [tilespmem:s1+$0x0];
	_ =	sdelay $0x3  }
0x2d3: {  	v23 =	vor.u32 s1, v5  }
0x2d4: {  	vm1 =	vge.s32 v23, v19;
	vm3 =	vlt.s32 v23, v20;
	v22 =	vshra.s32 v22, $0x16  }
0x2d5: {  	vm1 =	vmand vm1, vm3;
	vm3 =	veq.s32 v22, v21  }
0x2d6: {  	vm1 =	vmand vm1, vm3  }
0x2d7: {  	v22 =	vmpcnt.ones.xlane vm1;
	_ =	sdelay $0x1  }
0x2d8: {  	(v2sf) =	vpush v22, $0x0;
	_ =	sdelay $0xe  }
0x2d9: {  	s0 =	spop (v2sf)  }
0x2da: {  	p1 =	slt.s32 s0, $0x1  }
.Ltmp41:
0x2db: {  	_ = 	snop;
	(pc) =	sbr.rel @p1 .LBB2_60-.Ltmp41, $1  }
0x2dc: {  	_ =	sdelay $0x3  }
0x2dd: {  	v22 =	vld.msk [tilespmem:s22+$0x0], $0xffff;
	_ =	sdelay $0x4  }
0x2de: {  	(v2sf) =	vpush v22, $0x0  }
0x2df: {  	v23 =	vmctz.xlane vm1  }
0x2e0: {  	v22 =	vmov s1  }
0x2e1: {  	v24 =	vadd.s32 v22, v23;
	_ =	sdelay $0x4  }
0x2e2: {  	v24 =	vld.idx.msk [tilespmem:v24+s5+$0x0], $0xffff;
	_ =	sdelay $0x4  }
0x2e3: {  	v25 =	vshrl.u32 v24, $0xE;
	v26 =	vshrl.u32 v24, $0xB  }
0x2e4: {  	v25 =	vand.u32 $0x7F, v25;
	v26 =	vand.u32 $0x400, v26  }
0x2e5: {  	v25 =	vor.u32 v26, v25;
	s25 =	spop (v2sf)  }
0x2e6: {  	v26 =	vor.u32 v15, v25;
	p1 =	slt.s32 s25, $0x20  }
0x2e7: {  	(v2sf) =	vpush v24, $0x0;
	s2 =	simm.s32 @!p1 $0x6  }
0x2e8: {  	_ =	swait.ge @!p1 [sflag:s2], $0x80  }
0x2e9: {  	[sflag:s2] =	ssyncset.done @!p1 $0x0  }
0x2ea: {  	[sflag:s2] =	ssyncadd.s32 @!p1 $0xFFFFFF80  }
0x2eb: {  	v61 =	vld.idx.msk [tilespmem:v26+s19+$0x0], $0xffff  }
0x2ec: {  	v62 =	vor.u32 v16, v25;
	_ =	sdelay $0x1  }
0x2ed: {  	s26 =	sshll.u32 s25, $0x7  }
0x2ee: {  	s2 =	sand.u32 $0xF80, s26  }
0x2ef: {  	[tilespmem:s2+$0x1E100] =	vst v61  }
0x2f0: {  	v24 =	vld.idx.msk [tilespmem:v62+s19+$0x0], $0xffff  }
0x2f1: {  	v63 =	vor.u32 v17, v25;
	_ =	sdelay $0x3  }
0x2f2: {  	[tilespmem:s2+$0x1E110] =	vst v24  }
0x2f3: {  	v24 =	vld.idx.msk [tilespmem:v63+s19+$0x0], $0xffff  }
0x2f4: {  	v25 =	vor.u32 v18, v25;
	_ =	sdelay $0x3  }
0x2f5: {  	[tilespmem:s2+$0x1E120] =	vst v24  }
0x2f6: {  	s0 =	sadd.s32 $0xFFFFFFFF, s0;
	v24 =	vld.idx.msk [tilespmem:v25+s19+$0x0], $0xffff  }
0x2f7: {  	p1 =	sne.s32 s0, $0x0  }
.Ltmp42:
0x2f8: {  	s3 =	spop (v2sf);
	(pc) =	sbr.rel @!p1 .LBB2_59-.Ltmp42, $4  }
0x2f9: {  	s3 =	sshll.u32 s3, $0x4  }
0x2fa: {  	s3 =	sand.u32 $0x3FFF0, s3  }
0x2fb: {  	vm3 =	vne.s32 v23, v5;
	s1 =	sadd.s32 $0x1, s25;
	s7 =	sadd.s32 $0x1E100, s2;
	s31 =	sadd.s32 s6, s3;
	[tilespmem:s2+$0x1E130] =	vst v24  }
0x2fc: {  	vm1 =	vmand vm1, vm3;
	v23 =	vmov s1;
	[hbm4b:s31+s5] =	stream.linear.scatter [tilespmem:s7], [sflag:$0x6], $0x80, $0x38;
	[tilespmem:$0x1F200] =	vst v63  }
.LBB2_58:
0x2fd: {  	s0 =	sadd.s32 $0xFFFFFFFF, s0;
	[tilespmem:v3+s22+$0x0] =	vst.idx.msk $0x1, v23  }
0x2fe: {  	v23 =	vld.msk [tilespmem:s22+$0x0], $0xffff;
	p1 =	sne.s32 s0, $0x0;
	_ =	sdelay $0x4  }
0x2ff: {  	v24 =	vmctz.xlane vm1;
	(v2sf) =	vpush v23, $0x0;
	_ =	sdelay $0x1  }
0x300: {  	vm3 =	vne.s32 v24, v5;
	v23 =	vadd.s32 v22, v24  }
0x301: {  	vm1 =	vmand vm1, vm3;
	_ =	sdelay $0x3  }
0x302: {  	v23 =	vld.idx.msk [tilespmem:v23+s5+$0x0], $0xffff;
	_ =	sdelay $0x5  }
0x303: {  	v24 =	vshrl.u32 v23, $0xE;
	v25 =	vshrl.u32 v23, $0xB;
	(v2sf) =	vpush v23, $0x0  }
0x304: {  	v23 =	vand.u32 $0x7F, v24;
	v24 =	vand.u32 $0x400, v25  }
0x305: {  	v23 =	vor.u32 v24, v23;
	s1 =	spop (v2sf)  }
0x306: {  	v24 =	vor.u32 v15, v23;
	p2 =	slt.s32 s1, $0x20;
	s2 =	sshll.u32 s1, $0x7;
	s1 =	sadd.s32 $0x1, s1  }
0x307: {  	s3 =	simm.s32 @!p2 $0x6  }
0x308: {  	_ =	swait.ge @!p2 [sflag:s3], $0x80  }
0x309: {  	[sflag:s3] =	ssyncset.done @!p2 $0x0  }
0x30a: {  	[sflag:s3] =	ssyncadd.s32 @!p2 $0xFFFFFF80  }
0x30b: {  	v24 =	vld.idx.msk [tilespmem:v24+s19+$0x0], $0xffff;
	_ =	sdelay $0x1  }
0x30c: {  	v25 =	vor.u32 v16, v23;
	_ =	sdelay $0x2  }
0x30d: {  	s2 =	sand.u32 $0xF80, s2  }
0x30e: {  	[tilespmem:s2+$0x1E100] =	vst v24  }
0x30f: {  	v24 =	vld.idx.msk [tilespmem:v25+s19+$0x0], $0xffff;
	s3 =	spop (v2sf)  }
0x310: {  	s3 =	sshll.u32 s3, $0x4  }
0x311: {  	v25 =	vor.u32 v17, v23;
	s3 =	sand.u32 $0x3FFF0, s3;
	_ =	sdelay $0x3  }
0x312: {  	[tilespmem:s2+$0x1E110] =	vst v24  }
0x313: {  	v24 =	vld.idx.msk [tilespmem:v25+s19+$0x0], $0xffff;
	_ =	sdelay $0x1  }
0x314: {  	v23 =	vor.u32 v18, v23;
	_ =	sdelay $0x3  }
0x315: {  	[tilespmem:s2+$0x1E120] =	vst v24  }
0x316: {  	v23 =	vld.idx.msk [tilespmem:v23+s19+$0x0], $0xffff;
	_ =	sdelay $0x2  }
.Ltmp43:
0x317: {  	(pc) =	sbr.rel @p1 .LBB2_58-.Ltmp43, $3  }
0x318: {  	_ =	sdelay $0x1  }
0x319: {  	s7 =	sadd.s32 $0x1E100, s2;
	[tilespmem:s2+$0x1E130] =	vst v23;
	s2 =	sadd.s32 s6, s3  }
0x31a: {  	v23 =	vmov s1;
	[hbm4b:s2+s5] =	stream.linear.scatter [tilespmem:s7], [sflag:$0x6], $0x80, $0x38;
	[tilespmem:$0x1F200] =	vst v63  }
.Ltmp44:
0x31b: {  	_ = 	snop;
	(pc) =	sbr.rel .LBB2_59-.Ltmp44, $1  }
0x31c: {  	_ =	sdelay $0x3  }
.LBB2_61:
0x31d: {  	s0 =	sadd.s32 $0x2, s29  }
0x31e: {  	p1 =	sge.u32 s0, s12  }
0x31f: {  	s1 =	sadd.s32 @!p1 $0x6, s29  }
0x320: {  	p2 =	sge.u32 @!p1 s1, s12  }
0x321: {  	p2 =	por p2, p1  }
0x322: {  	s1 =	sadd.s32 @!p2 s10, s1  }
0x323: {  	s1 =	sshll.u32 @!p2 s1, $0x8  }
0x324: {  	s7 =	sshrl.u32 @!p1 s0, $0x4;
	s2 =	simm.s32 @!p2 $0x800;
	s1 =	sand.u32 @!p2 $0x1FFFFF00, s1  }
0x325: {  	s3 =	simm.s32 @!p2 $0x7A1400;
	s4 =	simm.s32 @!p2 $0xC100;
	s1 =	sadd.s32 @!p2 s11, s1  }
0x326: {  	[tilespmem:s4], [sflag:$0x2] =	stream.strided.gather @!p2 [hbm4b:s1+s2], $0x4000, s3, s2, $0x38;
	[tilespmem:$0x1F200] =	vst v63  }
0x327: {  	v19 =	vmov @!p1 s7;
	s2 =	sadd.s32 @!p1 $0x1, s7  }
0x328: {  	s1 =	simm.s32 @!p1 $0x3;
	v20 =	vmov @!p1 s2  }
0x329: {  	_ =	swait.ge @!p1 [sflag:s1], $0x4000  }
0x32a: {  	[sflag:s1] =	ssyncset.done @!p1 $0x0  }
0x32b: {  	[sflag:s1] =	ssyncadd.s32 @!p1 $0xFFFFC000;
	s1 =	simm.s32 @!p1 $0x1F180  }
0x32c: {  	v19 =	vld.idx.msk @!p1 [tilespmem:v19+s1+$0x0], $0xffff  }
0x32d: {  	v20 =	vld.idx.msk @!p1 [tilespmem:v20+s1+$0x0], $0xffff;
	_ =	sdelay $0x3  }
0x32e: {  	(v2sf) =	vpush @!p1 v19, $0x0  }
0x32f: {  	(v2sf) =	vpush @!p1 v20, $0x0;
	_ =	sdelay $0xd  }
0x330: {  	s1 =	spop @!p1 (v2sf)  }
0x331: {  	s2 =	sshra.s32 @!p1 s1, $0x1F;
	s3 =	spop @!p1 (v2sf)  }
0x332: {  	p2 =	slt.s32 @!p1 s1, $0x1;
	s2 =	sshrl.u32 @!p1 s2, $0x1C;
	s3 =	sadd.s32 @!p1 $0xF, s3  }
0x333: {  	s2 =	sadd.s32 @!p1 s2, s1;
	s1 =	sand.u32 @!p1 $0xF, s1;
	s4 =	sand.u32 @!p1 $0xF, s3  }
0x334: {  	p3 =	sne.s32 @!p1 s1, $0x0;
	p4 =	slt.s32 @!p1 s3, $0x1;
	s1 =	sshra.s32 @!p1 s2, $0x4  }
0x335: {  	s2 =	simm.s32 @!p1 $0x1;
	p5 =	sne.s32 @!p1 s4, $0x0;
	p2 =	por @!p1 !p2, !p3  }
0x336: {  	s4 =	sshra.s32 @!p1 s3, $0x1F;
	p3 =	por @!p1 !p4, !p5;
	p2 =	por @!p1 !p2, !p2  }
0x337: {  	s4 =	sshrl.u32 @!p1 s4, $0x1C;
	p2 =	por !p2, p1;
	p3 =	por @!p1 !p3, !p3  }
0x338: {  	s3 =	sadd.s32 @!p1 s4, s3;
	s4 =	simm.s32 @!p1 $0x1;
	p3 =	por !p3, p1  }
0x339: {  	s4 =	simm.s32 @p2 $0x0;
	s3 =	sshra.s32 @!p1 s3, $0x4;
	s2 =	simm.s32 @p3 $0x0  }
0x33a: {  	s4 =	ssub.s32 @!p1 s1, s4;
	s30 =	ssub.s32 @!p1 s3, s2  }
0x33b: {  	p2 =	sge.s32 @!p1 s4, s30  }
0x33c: {  	p2 =	por p1, p2  }
.Ltmp45:
0x33d: {  	_ = 	snop;
	(pc) =	sbr.rel @p2 .LBB2_68-.Ltmp45, $1  }
0x33e: {  	_ =	sdelay $0x3  }
.Ltmp46:
0x33f: {  	(pc) =	sbr.rel .LBB2_63-.Ltmp46, $2  }
0x340: {  	_ =	sdelay $0x2  }
0x341: {  	v21 =	vmov @!p1 s0  }
.LBB2_66:
0x342: {  	_ =	sdelay $0x3  }
0x343: {  	[tilespmem:v3+s22+$0x0] =	vst.idx.msk $0x1, v23  }
.LBB2_67:
0x344: {  	s4 =	sadd.s32 $0x1, s4  }
0x345: {  	p1 =	slt.s32 s4, s30  }
.Ltmp47:
0x346: {  	_ = 	snop;
	(pc) =	sbr.rel @!p1 .LBB2_68-.Ltmp47, $1  }
0x347: {  	_ =	sdelay $0x3  }
.LBB2_63:
0x348: {  	s1 =	sshll.u32 s4, $0x4  }
0x349: {  	v22 =	vld [tilespmem:s1+$0x0];
	_ =	sdelay $0x3  }
0x34a: {  	v23 =	vor.u32 s1, v5  }
0x34b: {  	vm1 =	vge.s32 v23, v19;
	vm3 =	vlt.s32 v23, v20;
	v22 =	vshra.s32 v22, $0x16  }
0x34c: {  	vm1 =	vmand vm1, vm3;
	vm3 =	veq.s32 v22, v21  }
0x34d: {  	vm1 =	vmand vm1, vm3  }
0x34e: {  	v22 =	vmpcnt.ones.xlane vm1;
	_ =	sdelay $0x1  }
0x34f: {  	(v2sf) =	vpush v22, $0x0;
	_ =	sdelay $0xe  }
0x350: {  	s0 =	spop (v2sf)  }
0x351: {  	p1 =	slt.s32 s0, $0x1  }
.Ltmp48:
0x352: {  	_ = 	snop;
	(pc) =	sbr.rel @p1 .LBB2_67-.Ltmp48, $1  }
0x353: {  	_ =	sdelay $0x3  }
0x354: {  	v22 =	vld.msk [tilespmem:s22+$0x0], $0xffff;
	_ =	sdelay $0x4  }
0x355: {  	(v2sf) =	vpush v22, $0x0  }
0x356: {  	v23 =	vmctz.xlane vm1  }
0x357: {  	v22 =	vmov s1  }
0x358: {  	v24 =	vadd.s32 v22, v23;
	_ =	sdelay $0x4  }
0x359: {  	v24 =	vld.idx.msk [tilespmem:v24+s5+$0x0], $0xffff;
	_ =	sdelay $0x4  }
0x35a: {  	v25 =	vshrl.u32 v24, $0xE;
	v26 =	vshrl.u32 v24, $0xB  }
0x35b: {  	v25 =	vand.u32 $0x7F, v25;
	v26 =	vand.u32 $0x400, v26  }
0x35c: {  	v25 =	vor.u32 v26, v25;
	s25 =	spop (v2sf)  }
0x35d: {  	v26 =	vor.u32 v15, v25;
	p1 =	slt.s32 s25, $0x20  }
0x35e: {  	(v2sf) =	vpush v24, $0x0;
	s2 =	simm.s32 @!p1 $0x6  }
0x35f: {  	_ =	swait.ge @!p1 [sflag:s2], $0x80  }
0x360: {  	[sflag:s2] =	ssyncset.done @!p1 $0x0  }
0x361: {  	[sflag:s2] =	ssyncadd.s32 @!p1 $0xFFFFFF80  }
0x362: {  	v61 =	vld.idx.msk [tilespmem:v26+s20+$0x0], $0xffff  }
0x363: {  	v62 =	vor.u32 v16, v25;
	_ =	sdelay $0x1  }
0x364: {  	s26 =	sshll.u32 s25, $0x7  }
0x365: {  	s2 =	sand.u32 $0xF80, s26  }
0x366: {  	[tilespmem:s2+$0x1E100] =	vst v61  }
0x367: {  	v24 =	vld.idx.msk [tilespmem:v62+s20+$0x0], $0xffff  }
0x368: {  	v63 =	vor.u32 v17, v25;
	_ =	sdelay $0x3  }
0x369: {  	[tilespmem:s2+$0x1E110] =	vst v24  }
0x36a: {  	v24 =	vld.idx.msk [tilespmem:v63+s20+$0x0], $0xffff  }
0x36b: {  	v25 =	vor.u32 v18, v25;
	_ =	sdelay $0x3  }
0x36c: {  	[tilespmem:s2+$0x1E120] =	vst v24  }
0x36d: {  	s0 =	sadd.s32 $0xFFFFFFFF, s0;
	v24 =	vld.idx.msk [tilespmem:v25+s20+$0x0], $0xffff  }
0x36e: {  	p1 =	sne.s32 s0, $0x0  }
.Ltmp49:
0x36f: {  	s3 =	spop (v2sf);
	(pc) =	sbr.rel @!p1 .LBB2_66-.Ltmp49, $4  }
0x370: {  	s3 =	sshll.u32 s3, $0x4  }
0x371: {  	s3 =	sand.u32 $0x3FFF0, s3  }
0x372: {  	vm3 =	vne.s32 v23, v5;
	s1 =	sadd.s32 $0x1, s25;
	s7 =	sadd.s32 $0x1E100, s2;
	s31 =	sadd.s32 s6, s3;
	[tilespmem:s2+$0x1E130] =	vst v24  }
0x373: {  	vm1 =	vmand vm1, vm3;
	v23 =	vmov s1;
	[hbm4b:s31+s5] =	stream.linear.scatter [tilespmem:s7], [sflag:$0x6], $0x80, $0x38;
	[tilespmem:$0x1F200] =	vst v63  }
.LBB2_65:
0x374: {  	s0 =	sadd.s32 $0xFFFFFFFF, s0;
	[tilespmem:v3+s22+$0x0] =	vst.idx.msk $0x1, v23  }
0x375: {  	v23 =	vld.msk [tilespmem:s22+$0x0], $0xffff;
	p1 =	sne.s32 s0, $0x0;
	_ =	sdelay $0x4  }
0x376: {  	v24 =	vmctz.xlane vm1;
	(v2sf) =	vpush v23, $0x0;
	_ =	sdelay $0x1  }
0x377: {  	vm3 =	vne.s32 v24, v5;
	v23 =	vadd.s32 v22, v24  }
0x378: {  	vm1 =	vmand vm1, vm3;
	_ =	sdelay $0x3  }
0x379: {  	v23 =	vld.idx.msk [tilespmem:v23+s5+$0x0], $0xffff;
	_ =	sdelay $0x5  }
0x37a: {  	v24 =	vshrl.u32 v23, $0xE;
	v25 =	vshrl.u32 v23, $0xB;
	(v2sf) =	vpush v23, $0x0  }
0x37b: {  	v23 =	vand.u32 $0x7F, v24;
	v24 =	vand.u32 $0x400, v25  }
0x37c: {  	v23 =	vor.u32 v24, v23;
	s1 =	spop (v2sf)  }
0x37d: {  	v24 =	vor.u32 v15, v23;
	p2 =	slt.s32 s1, $0x20;
	s2 =	sshll.u32 s1, $0x7;
	s1 =	sadd.s32 $0x1, s1  }
0x37e: {  	s3 =	simm.s32 @!p2 $0x6  }
0x37f: {  	_ =	swait.ge @!p2 [sflag:s3], $0x80  }
0x380: {  	[sflag:s3] =	ssyncset.done @!p2 $0x0  }
0x381: {  	[sflag:s3] =	ssyncadd.s32 @!p2 $0xFFFFFF80  }
0x382: {  	v24 =	vld.idx.msk [tilespmem:v24+s20+$0x0], $0xffff;
	_ =	sdelay $0x1  }
0x383: {  	v25 =	vor.u32 v16, v23;
	_ =	sdelay $0x2  }
0x384: {  	s2 =	sand.u32 $0xF80, s2  }
0x385: {  	[tilespmem:s2+$0x1E100] =	vst v24  }
0x386: {  	v24 =	vld.idx.msk [tilespmem:v25+s20+$0x0], $0xffff;
	s3 =	spop (v2sf)  }
0x387: {  	s3 =	sshll.u32 s3, $0x4  }
0x388: {  	v25 =	vor.u32 v17, v23;
	s3 =	sand.u32 $0x3FFF0, s3;
	_ =	sdelay $0x3  }
0x389: {  	[tilespmem:s2+$0x1E110] =	vst v24  }
0x38a: {  	v24 =	vld.idx.msk [tilespmem:v25+s20+$0x0], $0xffff;
	_ =	sdelay $0x1  }
0x38b: {  	v23 =	vor.u32 v18, v23;
	_ =	sdelay $0x3  }
0x38c: {  	[tilespmem:s2+$0x1E120] =	vst v24  }
0x38d: {  	v23 =	vld.idx.msk [tilespmem:v23+s20+$0x0], $0xffff;
	_ =	sdelay $0x2  }
.Ltmp50:
0x38e: {  	(pc) =	sbr.rel @p1 .LBB2_65-.Ltmp50, $3  }
0x38f: {  	_ =	sdelay $0x1  }
0x390: {  	s7 =	sadd.s32 $0x1E100, s2;
	[tilespmem:s2+$0x1E130] =	vst v23;
	s2 =	sadd.s32 s6, s3  }
0x391: {  	v23 =	vmov s1;
	[hbm4b:s2+s5] =	stream.linear.scatter [tilespmem:s7], [sflag:$0x6], $0x80, $0x38;
	[tilespmem:$0x1F200] =	vst v63  }
.Ltmp51:
0x392: {  	_ = 	snop;
	(pc) =	sbr.rel .LBB2_66-.Ltmp51, $1  }
0x393: {  	_ =	sdelay $0x3  }
.LBB2_68:
0x394: {  	s0 =	sadd.s32 $0x3, s29  }
0x395: {  	p1 =	sge.u32 s0, s12  }
0x396: {  	s1 =	sadd.s32 @!p1 $0x7, s29  }
0x397: {  	p2 =	sge.u32 @!p1 s1, s12  }
0x398: {  	p2 =	por p2, p1  }
0x399: {  	s1 =	sadd.s32 @!p2 s10, s1  }
0x39a: {  	s1 =	sshll.u32 @!p2 s1, $0x8  }
0x39b: {  	s7 =	sshrl.u32 @!p1 s0, $0x4;
	s2 =	simm.s32 @!p2 $0x800;
	s1 =	sand.u32 @!p2 $0x1FFFFF00, s1  }
0x39c: {  	s3 =	simm.s32 @!p2 $0x7A1400;
	s4 =	simm.s32 @!p2 $0x10100;
	s1 =	sadd.s32 @!p2 s11, s1  }
0x39d: {  	[tilespmem:s4], [sflag:$0x3] =	stream.strided.gather @!p2 [hbm4b:s1+s2], $0x4000, s3, s2, $0x38;
	[tilespmem:$0x1F200] =	vst v63  }
0x39e: {  	v19 =	vmov @!p1 s7;
	s2 =	sadd.s32 @!p1 $0x1, s7  }
0x39f: {  	s1 =	simm.s32 @!p1 $0x4;
	v20 =	vmov @!p1 s2  }
0x3a0: {  	_ =	swait.ge @!p1 [sflag:s1], $0x4000  }
0x3a1: {  	[sflag:s1] =	ssyncset.done @!p1 $0x0  }
0x3a2: {  	[sflag:s1] =	ssyncadd.s32 @!p1 $0xFFFFC000;
	s1 =	simm.s32 @!p1 $0x1F180  }
0x3a3: {  	v19 =	vld.idx.msk @!p1 [tilespmem:v19+s1+$0x0], $0xffff  }
0x3a4: {  	v20 =	vld.idx.msk @!p1 [tilespmem:v20+s1+$0x0], $0xffff;
	_ =	sdelay $0x3  }
0x3a5: {  	(v2sf) =	vpush @!p1 v19, $0x0  }
0x3a6: {  	(v2sf) =	vpush @!p1 v20, $0x0;
	_ =	sdelay $0xd  }
0x3a7: {  	s1 =	spop @!p1 (v2sf)  }
0x3a8: {  	s2 =	sshra.s32 @!p1 s1, $0x1F;
	s3 =	spop @!p1 (v2sf)  }
0x3a9: {  	p2 =	slt.s32 @!p1 s1, $0x1;
	s2 =	sshrl.u32 @!p1 s2, $0x1C;
	s3 =	sadd.s32 @!p1 $0xF, s3  }
0x3aa: {  	s2 =	sadd.s32 @!p1 s2, s1;
	s1 =	sand.u32 @!p1 $0xF, s1;
	s4 =	sand.u32 @!p1 $0xF, s3  }
0x3ab: {  	p3 =	sne.s32 @!p1 s1, $0x0;
	p4 =	slt.s32 @!p1 s3, $0x1;
	s1 =	sshra.s32 @!p1 s2, $0x4  }
0x3ac: {  	s2 =	simm.s32 @!p1 $0x1;
	p5 =	sne.s32 @!p1 s4, $0x0;
	p2 =	por @!p1 !p2, !p3  }
0x3ad: {  	s4 =	sshra.s32 @!p1 s3, $0x1F;
	p3 =	por @!p1 !p4, !p5;
	p2 =	por @!p1 !p2, !p2  }
0x3ae: {  	s4 =	sshrl.u32 @!p1 s4, $0x1C;
	p2 =	por !p2, p1;
	p3 =	por @!p1 !p3, !p3  }
0x3af: {  	s3 =	sadd.s32 @!p1 s4, s3;
	s4 =	simm.s32 @!p1 $0x1;
	p3 =	por !p3, p1  }
0x3b0: {  	s4 =	simm.s32 @p2 $0x0;
	s3 =	sshra.s32 @!p1 s3, $0x4;
	s2 =	simm.s32 @p3 $0x0  }
0x3b1: {  	s4 =	ssub.s32 @!p1 s1, s4;
	s30 =	ssub.s32 @!p1 s3, s2  }
0x3b2: {  	p2 =	sge.s32 @!p1 s4, s30  }
0x3b3: {  	p2 =	por p1, p2  }
.Ltmp52:
0x3b4: {  	_ = 	snop;
	(pc) =	sbr.rel @p2 .LBB2_75-.Ltmp52, $1  }
0x3b5: {  	_ =	sdelay $0x3  }
.Ltmp53:
0x3b6: {  	(pc) =	sbr.rel .LBB2_70-.Ltmp53, $2  }
0x3b7: {  	_ =	sdelay $0x2  }
0x3b8: {  	v21 =	vmov @!p1 s0  }
.LBB2_73:
0x3b9: {  	_ =	sdelay $0x3  }
0x3ba: {  	[tilespmem:v3+s22+$0x0] =	vst.idx.msk $0x1, v23  }
.LBB2_74:
0x3bb: {  	s4 =	sadd.s32 $0x1, s4  }
0x3bc: {  	p1 =	slt.s32 s4, s30  }
.Ltmp54:
0x3bd: {  	_ = 	snop;
	(pc) =	sbr.rel @!p1 .LBB2_75-.Ltmp54, $1  }
0x3be: {  	_ =	sdelay $0x3  }
.LBB2_70:
0x3bf: {  	s1 =	sshll.u32 s4, $0x4  }
0x3c0: {  	v22 =	vld [tilespmem:s1+$0x0];
	_ =	sdelay $0x3  }
0x3c1: {  	v23 =	vor.u32 s1, v5  }
0x3c2: {  	vm1 =	vge.s32 v23, v19;
	vm3 =	vlt.s32 v23, v20;
	v22 =	vshra.s32 v22, $0x16  }
0x3c3: {  	vm1 =	vmand vm1, vm3;
	vm3 =	veq.s32 v22, v21  }
0x3c4: {  	vm1 =	vmand vm1, vm3  }
0x3c5: {  	v22 =	vmpcnt.ones.xlane vm1;
	_ =	sdelay $0x1  }
0x3c6: {  	(v2sf) =	vpush v22, $0x0;
	_ =	sdelay $0xe  }
0x3c7: {  	s0 =	spop (v2sf)  }
0x3c8: {  	p1 =	slt.s32 s0, $0x1  }
.Ltmp55:
0x3c9: {  	_ = 	snop;
	(pc) =	sbr.rel @p1 .LBB2_74-.Ltmp55, $1  }
0x3ca: {  	_ =	sdelay $0x3  }
0x3cb: {  	v22 =	vld.msk [tilespmem:s22+$0x0], $0xffff;
	_ =	sdelay $0x4  }
0x3cc: {  	(v2sf) =	vpush v22, $0x0  }
0x3cd: {  	v23 =	vmctz.xlane vm1  }
0x3ce: {  	v22 =	vmov s1  }
0x3cf: {  	v24 =	vadd.s32 v22, v23;
	_ =	sdelay $0x4  }
0x3d0: {  	v24 =	vld.idx.msk [tilespmem:v24+s5+$0x0], $0xffff;
	_ =	sdelay $0x4  }
0x3d1: {  	v25 =	vshrl.u32 v24, $0xE;
	v26 =	vshrl.u32 v24, $0xB  }
0x3d2: {  	v25 =	vand.u32 $0x7F, v25;
	v26 =	vand.u32 $0x400, v26  }
0x3d3: {  	v25 =	vor.u32 v26, v25;
	s25 =	spop (v2sf)  }
0x3d4: {  	v26 =	vor.u32 v15, v25;
	p1 =	slt.s32 s25, $0x20  }
0x3d5: {  	(v2sf) =	vpush v24, $0x0;
	s2 =	simm.s32 @!p1 $0x6  }
0x3d6: {  	_ =	swait.ge @!p1 [sflag:s2], $0x80  }
0x3d7: {  	[sflag:s2] =	ssyncset.done @!p1 $0x0  }
0x3d8: {  	[sflag:s2] =	ssyncadd.s32 @!p1 $0xFFFFFF80  }
0x3d9: {  	v61 =	vld.idx.msk [tilespmem:v26+s21+$0x0], $0xffff  }
0x3da: {  	v62 =	vor.u32 v16, v25;
	_ =	sdelay $0x1  }
0x3db: {  	s26 =	sshll.u32 s25, $0x7  }
0x3dc: {  	s2 =	sand.u32 $0xF80, s26  }
0x3dd: {  	[tilespmem:s2+$0x1E100] =	vst v61  }
0x3de: {  	v24 =	vld.idx.msk [tilespmem:v62+s21+$0x0], $0xffff  }
0x3df: {  	v63 =	vor.u32 v17, v25;
	_ =	sdelay $0x3  }
0x3e0: {  	[tilespmem:s2+$0x1E110] =	vst v24  }
0x3e1: {  	v24 =	vld.idx.msk [tilespmem:v63+s21+$0x0], $0xffff  }
0x3e2: {  	v25 =	vor.u32 v18, v25;
	_ =	sdelay $0x3  }
0x3e3: {  	[tilespmem:s2+$0x1E120] =	vst v24  }
0x3e4: {  	s0 =	sadd.s32 $0xFFFFFFFF, s0;
	v24 =	vld.idx.msk [tilespmem:v25+s21+$0x0], $0xffff  }
0x3e5: {  	p1 =	sne.s32 s0, $0x0  }
.Ltmp56:
0x3e6: {  	s3 =	spop (v2sf);
	(pc) =	sbr.rel @!p1 .LBB2_73-.Ltmp56, $4  }
0x3e7: {  	s3 =	sshll.u32 s3, $0x4  }
0x3e8: {  	s3 =	sand.u32 $0x3FFF0, s3  }
0x3e9: {  	vm3 =	vne.s32 v23, v5;
	s1 =	sadd.s32 $0x1, s25;
	s7 =	sadd.s32 $0x1E100, s2;
	s31 =	sadd.s32 s6, s3;
	[tilespmem:s2+$0x1E130] =	vst v24  }
0x3ea: {  	vm1 =	vmand vm1, vm3;
	v23 =	vmov s1;
	[hbm4b:s31+s5] =	stream.linear.scatter [tilespmem:s7], [sflag:$0x6], $0x80, $0x38;
	[tilespmem:$0x1F200] =	vst v63  }
.LBB2_72:
0x3eb: {  	s0 =	sadd.s32 $0xFFFFFFFF, s0;
	[tilespmem:v3+s22+$0x0] =	vst.idx.msk $0x1, v23  }
0x3ec: {  	v23 =	vld.msk [tilespmem:s22+$0x0], $0xffff;
	p1 =	sne.s32 s0, $0x0;
	_ =	sdelay $0x4  }
0x3ed: {  	v24 =	vmctz.xlane vm1;
	(v2sf) =	vpush v23, $0x0;
	_ =	sdelay $0x1  }
0x3ee: {  	vm3 =	vne.s32 v24, v5;
	v23 =	vadd.s32 v22, v24  }
0x3ef: {  	vm1 =	vmand vm1, vm3;
	_ =	sdelay $0x3  }
0x3f0: {  	v23 =	vld.idx.msk [tilespmem:v23+s5+$0x0], $0xffff;
	_ =	sdelay $0x5  }
0x3f1: {  	v24 =	vshrl.u32 v23, $0xE;
	v25 =	vshrl.u32 v23, $0xB;
	(v2sf) =	vpush v23, $0x0  }
0x3f2: {  	v23 =	vand.u32 $0x7F, v24;
	v24 =	vand.u32 $0x400, v25  }
0x3f3: {  	v23 =	vor.u32 v24, v23;
	s1 =	spop (v2sf)  }
0x3f4: {  	v24 =	vor.u32 v15, v23;
	p2 =	slt.s32 s1, $0x20;
	s2 =	sshll.u32 s1, $0x7;
	s1 =	sadd.s32 $0x1, s1  }
0x3f5: {  	s3 =	simm.s32 @!p2 $0x6  }
0x3f6: {  	_ =	swait.ge @!p2 [sflag:s3], $0x80  }
0x3f7: {  	[sflag:s3] =	ssyncset.done @!p2 $0x0  }
0x3f8: {  	[sflag:s3] =	ssyncadd.s32 @!p2 $0xFFFFFF80  }
0x3f9: {  	v24 =	vld.idx.msk [tilespmem:v24+s21+$0x0], $0xffff;
	_ =	sdelay $0x1  }
0x3fa: {  	v25 =	vor.u32 v16, v23;
	_ =	sdelay $0x2  }
0x3fb: {  	s2 =	sand.u32 $0xF80, s2  }
0x3fc: {  	[tilespmem:s2+$0x1E100] =	vst v24  }
0x3fd: {  	v24 =	vld.idx.msk [tilespmem:v25+s21+$0x0], $0xffff;
	s3 =	spop (v2sf)  }
0x3fe: {  	s3 =	sshll.u32 s3, $0x4  }
0x3ff: {  	v25 =	vor.u32 v17, v23;
	s3 =	sand.u32 $0x3FFF0, s3;
	_ =	sdelay $0x3  }
0x400: {  	[tilespmem:s2+$0x1E110] =	vst v24  }
0x401: {  	v24 =	vld.idx.msk [tilespmem:v25+s21+$0x0], $0xffff;
	_ =	sdelay $0x1  }
0x402: {  	v23 =	vor.u32 v18, v23;
	_ =	sdelay $0x3  }
0x403: {  	[tilespmem:s2+$0x1E120] =	vst v24  }
0x404: {  	v23 =	vld.idx.msk [tilespmem:v23+s21+$0x0], $0xffff;
	_ =	sdelay $0x2  }
.Ltmp57:
0x405: {  	(pc) =	sbr.rel @p1 .LBB2_72-.Ltmp57, $3  }
0x406: {  	_ =	sdelay $0x1  }
0x407: {  	s7 =	sadd.s32 $0x1E100, s2;
	[tilespmem:s2+$0x1E130] =	vst v23;
	s2 =	sadd.s32 s6, s3  }
0x408: {  	v23 =	vmov s1;
	[hbm4b:s2+s5] =	stream.linear.scatter [tilespmem:s7], [sflag:$0x6], $0x80, $0x38;
	[tilespmem:$0x1F200] =	vst v63  }
.Ltmp58:
0x409: {  	_ = 	snop;
	(pc) =	sbr.rel .LBB2_73-.Ltmp58, $1  }
0x40a: {  	_ =	sdelay $0x3  }
.LBB2_75:
0x40b: {  	s0 =	sadd.s32 $0x4, s29  }
0x40c: {  	p1 =	sge.u32 s0, s12  }
0x40d: {  	s1 =	sadd.s32 @!p1 $0x8, s29  }
0x40e: {  	p2 =	sge.u32 @!p1 s1, s12  }
0x40f: {  	p2 =	por p2, p1  }
0x410: {  	s1 =	sadd.s32 @!p2 s10, s1  }
0x411: {  	s1 =	sshll.u32 @!p2 s1, $0x8  }
0x412: {  	s7 =	sshrl.u32 @!p1 s0, $0x4;
	s2 =	simm.s32 @!p2 $0x800;
	s1 =	sand.u32 @!p2 $0x1FFFFF00, s1  }
0x413: {  	s3 =	simm.s32 @!p2 $0x7A1400;
	s4 =	simm.s32 @!p2 $0x14100;
	s1 =	sadd.s32 @!p2 s11, s1  }
0x414: {  	[tilespmem:s4], [sflag:$0x4] =	stream.strided.gather @!p2 [hbm4b:s1+s2], $0x4000, s3, s2, $0x38;
	[tilespmem:$0x1F200] =	vst v63  }
0x415: {  	v19 =	vmov @!p1 s7;
	s2 =	sadd.s32 @!p1 $0x1, s7  }
0x416: {  	s1 =	simm.s32 @!p1 $0x5;
	v20 =	vmov @!p1 s2  }
0x417: {  	_ =	swait.ge @!p1 [sflag:s1], $0x4000  }
0x418: {  	[sflag:s1] =	ssyncset.done @!p1 $0x0  }
0x419: {  	[sflag:s1] =	ssyncadd.s32 @!p1 $0xFFFFC000;
	s1 =	simm.s32 @!p1 $0x1F180  }
0x41a: {  	v19 =	vld.idx.msk @!p1 [tilespmem:v19+s1+$0x0], $0xffff  }
0x41b: {  	v20 =	vld.idx.msk @!p1 [tilespmem:v20+s1+$0x0], $0xffff;
	_ =	sdelay $0x3  }
0x41c: {  	(v2sf) =	vpush @!p1 v19, $0x0  }
0x41d: {  	(v2sf) =	vpush @!p1 v20, $0x0;
	_ =	sdelay $0xd  }
0x41e: {  	s1 =	spop @!p1 (v2sf)  }
0x41f: {  	s2 =	sshra.s32 @!p1 s1, $0x1F;
	s3 =	spop @!p1 (v2sf)  }
0x420: {  	p2 =	slt.s32 @!p1 s1, $0x1;
	s2 =	sshrl.u32 @!p1 s2, $0x1C;
	s3 =	sadd.s32 @!p1 $0xF, s3  }
0x421: {  	s2 =	sadd.s32 @!p1 s2, s1;
	s1 =	sand.u32 @!p1 $0xF, s1;
	s4 =	sand.u32 @!p1 $0xF, s3  }
0x422: {  	p3 =	sne.s32 @!p1 s1, $0x0;
	p4 =	slt.s32 @!p1 s3, $0x1;
	s1 =	sshra.s32 @!p1 s2, $0x4  }
0x423: {  	s2 =	simm.s32 @!p1 $0x1;
	p5 =	sne.s32 @!p1 s4, $0x0;
	p2 =	por @!p1 !p2, !p3  }
0x424: {  	s4 =	sshra.s32 @!p1 s3, $0x1F;
	p3 =	por @!p1 !p4, !p5;
	p2 =	por @!p1 !p2, !p2  }
0x425: {  	s4 =	sshrl.u32 @!p1 s4, $0x1C;
	p2 =	por !p2, p1;
	p3 =	por @!p1 !p3, !p3  }
0x426: {  	s3 =	sadd.s32 @!p1 s4, s3;
	s4 =	simm.s32 @!p1 $0x1;
	p3 =	por !p3, p1  }
0x427: {  	s4 =	simm.s32 @p2 $0x0;
	s3 =	sshra.s32 @!p1 s3, $0x4;
	s2 =	simm.s32 @p3 $0x0  }
0x428: {  	s4 =	ssub.s32 @!p1 s1, s4;
	s29 =	ssub.s32 @!p1 s3, s2  }
0x429: {  	p2 =	sge.s32 @!p1 s4, s29  }
0x42a: {  	p2 =	por p1, p2  }
.Ltmp59:
0x42b: {  	_ = 	snop;
	(pc) =	sbr.rel @p2 .LBB2_82-.Ltmp59, $1  }
0x42c: {  	_ =	sdelay $0x3  }
.Ltmp60:
0x42d: {  	(pc) =	sbr.rel .LBB2_77-.Ltmp60, $2  }
0x42e: {  	_ =	sdelay $0x2  }
0x42f: {  	v21 =	vmov @!p1 s0  }
.LBB2_80:
0x430: {  	_ =	sdelay $0x3  }
0x431: {  	[tilespmem:v3+s22+$0x0] =	vst.idx.msk $0x1, v23  }
.LBB2_81:
0x432: {  	s4 =	sadd.s32 $0x1, s4  }
0x433: {  	p1 =	slt.s32 s4, s29  }
.Ltmp61:
0x434: {  	_ = 	snop;
	(pc) =	sbr.rel @!p1 .LBB2_82-.Ltmp61, $1  }
0x435: {  	_ =	sdelay $0x3  }
.LBB2_77:
0x436: {  	s1 =	sshll.u32 s4, $0x4  }
0x437: {  	v22 =	vld [tilespmem:s1+$0x0];
	_ =	sdelay $0x3  }
0x438: {  	v23 =	vor.u32 s1, v5  }
0x439: {  	vm1 =	vge.s32 v23, v19;
	vm3 =	vlt.s32 v23, v20;
	v22 =	vshra.s32 v22, $0x16  }
0x43a: {  	vm1 =	vmand vm1, vm3;
	vm3 =	veq.s32 v22, v21  }
0x43b: {  	vm1 =	vmand vm1, vm3  }
0x43c: {  	v22 =	vmpcnt.ones.xlane vm1;
	_ =	sdelay $0x1  }
0x43d: {  	(v2sf) =	vpush v22, $0x0;
	_ =	sdelay $0xe  }
0x43e: {  	s0 =	spop (v2sf)  }
0x43f: {  	p1 =	slt.s32 s0, $0x1  }
.Ltmp62:
0x440: {  	_ = 	snop;
	(pc) =	sbr.rel @p1 .LBB2_81-.Ltmp62, $1  }
0x441: {  	_ =	sdelay $0x3  }
0x442: {  	v22 =	vld.msk [tilespmem:s22+$0x0], $0xffff;
	_ =	sdelay $0x4  }
0x443: {  	(v2sf) =	vpush v22, $0x0  }
0x444: {  	v23 =	vmctz.xlane vm1  }
0x445: {  	v22 =	vmov s1  }
0x446: {  	v24 =	vadd.s32 v22, v23;
	_ =	sdelay $0x4  }
0x447: {  	v24 =	vld.idx.msk [tilespmem:v24+s5+$0x0], $0xffff;
	_ =	sdelay $0x4  }
0x448: {  	v25 =	vshrl.u32 v24, $0xE;
	v26 =	vshrl.u32 v24, $0xB  }
0x449: {  	v25 =	vand.u32 $0x7F, v25;
	v26 =	vand.u32 $0x400, v26  }
0x44a: {  	v25 =	vor.u32 v26, v25;
	s26 =	spop (v2sf)  }
0x44b: {  	v26 =	vor.u32 v15, v25;
	p1 =	slt.s32 s26, $0x20  }
0x44c: {  	(v2sf) =	vpush v24, $0x0;
	s2 =	simm.s32 @!p1 $0x6  }
0x44d: {  	_ =	swait.ge @!p1 [sflag:s2], $0x80  }
0x44e: {  	[sflag:s2] =	ssyncset.done @!p1 $0x0  }
0x44f: {  	[sflag:s2] =	ssyncadd.s32 @!p1 $0xFFFFFF80  }
0x450: {  	v61 =	vld.idx.msk [tilespmem:v26+s23+$0x0], $0xffff  }
0x451: {  	v62 =	vor.u32 v16, v25;
	_ =	sdelay $0x1  }
0x452: {  	s30 =	sshll.u32 s26, $0x7  }
0x453: {  	s2 =	sand.u32 $0xF80, s30  }
0x454: {  	[tilespmem:s2+$0x1E100] =	vst v61  }
0x455: {  	v24 =	vld.idx.msk [tilespmem:v62+s23+$0x0], $0xffff  }
0x456: {  	v63 =	vor.u32 v17, v25;
	_ =	sdelay $0x3  }
0x457: {  	[tilespmem:s2+$0x1E110] =	vst v24  }
0x458: {  	v24 =	vld.idx.msk [tilespmem:v63+s23+$0x0], $0xffff  }
0x459: {  	v25 =	vor.u32 v18, v25;
	_ =	sdelay $0x3  }
0x45a: {  	[tilespmem:s2+$0x1E120] =	vst v24  }
0x45b: {  	s0 =	sadd.s32 $0xFFFFFFFF, s0;
	v24 =	vld.idx.msk [tilespmem:v25+s23+$0x0], $0xffff  }
0x45c: {  	p1 =	sne.s32 s0, $0x0  }
.Ltmp63:
0x45d: {  	s3 =	spop (v2sf);
	(pc) =	sbr.rel @!p1 .LBB2_80-.Ltmp63, $4  }
0x45e: {  	s3 =	sshll.u32 s3, $0x4  }
0x45f: {  	s3 =	sand.u32 $0x3FFF0, s3  }
0x460: {  	vm3 =	vne.s32 v23, v5;
	s1 =	sadd.s32 $0x1, s26;
	s7 =	sadd.s32 $0x1E100, s2;
	s31 =	sadd.s32 s6, s3;
	[tilespmem:s2+$0x1E130] =	vst v24  }
0x461: {  	vm1 =	vmand vm1, vm3;
	v23 =	vmov s1;
	[hbm4b:s31+s5] =	stream.linear.scatter [tilespmem:s7], [sflag:$0x6], $0x80, $0x38;
	[tilespmem:$0x1F200] =	vst v63  }
.LBB2_79:
0x462: {  	s0 =	sadd.s32 $0xFFFFFFFF, s0;
	[tilespmem:v3+s22+$0x0] =	vst.idx.msk $0x1, v23  }
0x463: {  	v23 =	vld.msk [tilespmem:s22+$0x0], $0xffff;
	p1 =	sne.s32 s0, $0x0;
	_ =	sdelay $0x4  }
0x464: {  	v24 =	vmctz.xlane vm1;
	(v2sf) =	vpush v23, $0x0;
	_ =	sdelay $0x1  }
0x465: {  	vm3 =	vne.s32 v24, v5;
	v23 =	vadd.s32 v22, v24  }
0x466: {  	vm1 =	vmand vm1, vm3;
	_ =	sdelay $0x3  }
0x467: {  	v23 =	vld.idx.msk [tilespmem:v23+s5+$0x0], $0xffff;
	_ =	sdelay $0x5  }
0x468: {  	v24 =	vshrl.u32 v23, $0xE;
	v25 =	vshrl.u32 v23, $0xB;
	(v2sf) =	vpush v23, $0x0  }
0x469: {  	v23 =	vand.u32 $0x7F, v24;
	v24 =	vand.u32 $0x400, v25  }
0x46a: {  	v23 =	vor.u32 v24, v23;
	s1 =	spop (v2sf)  }
0x46b: {  	v24 =	vor.u32 v15, v23;
	p2 =	slt.s32 s1, $0x20;
	s2 =	sshll.u32 s1, $0x7;
	s1 =	sadd.s32 $0x1, s1  }
0x46c: {  	s3 =	simm.s32 @!p2 $0x6  }
0x46d: {  	_ =	swait.ge @!p2 [sflag:s3], $0x80  }
0x46e: {  	[sflag:s3] =	ssyncset.done @!p2 $0x0  }
0x46f: {  	[sflag:s3] =	ssyncadd.s32 @!p2 $0xFFFFFF80  }
0x470: {  	v24 =	vld.idx.msk [tilespmem:v24+s23+$0x0], $0xffff;
	_ =	sdelay $0x1  }
0x471: {  	v25 =	vor.u32 v16, v23;
	_ =	sdelay $0x2  }
0x472: {  	s2 =	sand.u32 $0xF80, s2  }
0x473: {  	[tilespmem:s2+$0x1E100] =	vst v24  }
0x474: {  	v24 =	vld.idx.msk [tilespmem:v25+s23+$0x0], $0xffff;
	s3 =	spop (v2sf)  }
0x475: {  	s3 =	sshll.u32 s3, $0x4  }
0x476: {  	v25 =	vor.u32 v17, v23;
	s3 =	sand.u32 $0x3FFF0, s3;
	_ =	sdelay $0x3  }
0x477: {  	[tilespmem:s2+$0x1E110] =	vst v24  }
0x478: {  	v24 =	vld.idx.msk [tilespmem:v25+s23+$0x0], $0xffff;
	_ =	sdelay $0x1  }
0x479: {  	v23 =	vor.u32 v18, v23;
	_ =	sdelay $0x3  }
0x47a: {  	[tilespmem:s2+$0x1E120] =	vst v24  }
0x47b: {  	v23 =	vld.idx.msk [tilespmem:v23+s23+$0x0], $0xffff;
	_ =	sdelay $0x2  }
.Ltmp64:
0x47c: {  	(pc) =	sbr.rel @p1 .LBB2_79-.Ltmp64, $3  }
0x47d: {  	_ =	sdelay $0x1  }
0x47e: {  	s7 =	sadd.s32 $0x1E100, s2;
	[tilespmem:s2+$0x1E130] =	vst v23;
	s2 =	sadd.s32 s6, s3  }
0x47f: {  	v23 =	vmov s1;
	[hbm4b:s2+s5] =	stream.linear.scatter [tilespmem:s7], [sflag:$0x6], $0x80, $0x38;
	[tilespmem:$0x1F200] =	vst v63  }
.Ltmp65:
0x480: {  	_ = 	snop;
	(pc) =	sbr.rel .LBB2_80-.Ltmp65, $1  }
0x481: {  	_ =	sdelay $0x3  }
.LBB2_83:
0x482: {  	s0 =	simm.s32 @!p0 $0x400  }
0x483: {  	s1 =	simm.s32 @!p0 $0x7A1400;
	s2 =	simm.s32 @!p0 $0x1C100;
	s3 =	rddreg [dreg:$0xa]  }
0x484: {  	v19 =	vimm.s32 @!p0 $0x5;
	[tilespmem:s2], [sflag:$0x1] =	stream.strided.gather @!p0 [hbm4b:s3+s0], $0x2000, s1, s0, $0x38;
	[tilespmem:$0x1F200] =	vst v63  }
0x485: {  	v20 =	vimm.s32 @!p0 $0x6;
	s0 =	simm.s32 @!p0 $0x1  }
0x486: {  	_ =	swait.ge @!p0 [sflag:s0], $0x2000  }
0x487: {  	[sflag:s0] =	ssyncset.done @!p0 $0x0  }
0x488: {  	s1 =	simm.s32 @!p0 $0x1F180;
	[sflag:s0] =	ssyncadd.s32 @!p0 $0xFFFFE000  }
0x489: {  	v19 =	vld.idx.msk @!p0 [tilespmem:v19+s1+$0x0], $0xffff  }
0x48a: {  	v20 =	vld.idx.msk @!p0 [tilespmem:v20+s1+$0x0], $0xffff;
	_ =	sdelay $0x3  }
0x48b: {  	(v2sf) =	vpush @!p0 v19, $0x0  }
0x48c: {  	(v2sf) =	vpush @!p0 v20, $0x0;
	_ =	sdelay $0xd  }
0x48d: {  	s1 =	spop @!p0 (v2sf)  }
0x48e: {  	s2 =	spop @!p0 (v2sf)  }
0x48f: {  	s3 =	sand.u32 @!p0 $0xF, s1;
	p3 =	slt.s32 @!p0 s1, $0x1;
	s2 =	sadd.s32 @!p0 $0xF, s2  }
0x490: {  	p1 =	sne.s32 @!p0 s3, $0x0;
	s3 =	sshra.s32 @!p0 s1, $0x1F;
	s4 =	sand.u32 @!p0 $0xF, s2  }
0x491: {  	s3 =	sshrl.u32 @!p0 s3, $0x1C;
	p4 =	slt.s32 @!p0 s2, $0x1;
	p1 =	por @!p0 !p3, !p1  }
0x492: {  	p2 =	sne.s32 @!p0 s4, $0x0;
	s1 =	sadd.s32 @!p0 s3, s1;
	p1 =	por @!p0 !p1, !p1  }
0x493: {  	s3 =	sshra.s32 @!p0 s2, $0x1F;
	p2 =	por @!p0 !p4, !p2;
	s1 =	sshra.s32 @!p0 s1, $0x4  }
0x494: {  	p1 =	por !p1, p0;
	s3 =	sshrl.u32 @!p0 s3, $0x1C;
	p2 =	por @!p0 !p2, !p2  }
0x495: {  	s2 =	sadd.s32 @!p0 s3, s2;
	s3 =	simm.s32 @!p0 $0x1;
	p2 =	por !p2, p0  }
0x496: {  	s3 =	simm.s32 @p1 $0x0;
	s2 =	sshra.s32 @!p0 s2, $0x4;
	s0 =	simm.s32 @p2 $0x0  }
0x497: {  	s4 =	ssub.s32 @!p0 s1, s3;
	s28 =	ssub.s32 @!p0 s2, s0  }
0x498: {  	p1 =	sge.s32 @!p0 s4, s28  }
0x499: {  	p1 =	por p0, p1  }
.Ltmp66:
0x49a: {  	_ = 	snop;
	(pc) =	sbr.rel @!p1 .LBB2_84-.Ltmp66, $1  }
0x49b: {  	_ =	sdelay $0x3  }
.LBB2_89:
0x49c: {  	v19 =	vld.msk [tilespmem:s22+$0x0], $0xffff;
	_ =	sdelay $0x4  }
0x49d: {  	(v2sf) =	vpush v19, $0x0;
	_ =	sdelay $0xe  }
0x49e: {  	s0 =	spop (v2sf)  }
0x49f: {  	p1 =	slt.s32 s0, $0x1  }
.Ltmp67:
0x4a0: {  	_ = 	snop;
	(pc) =	sbr.rel @p1 .LBB2_93-.Ltmp67, $2  }
0x4a1: {  	_ =	sdelay $0x2  }
0x4a2: {  	vm1 =	vcmask $0x2F2C;
	vm3 =	vcmask $0x3734  }
0x4a3: {  	p1 =	slt.s32 s0, $0x20  }
0x4a4: {  	s0 =	simm.s32 @!p1 $0x20  }
0x4a5: {  	p1 =	sne.s32 s0, $0x1  }
.Ltmp68:
0x4a6: {  	_ = 	snop;
	(pc) =	sbr.rel @!p1 .LBB2_92-.Ltmp68, $3  }
0x4a7: {  	_ =	sdelay $0x1  }
0x4a8: {  	_ =	swait.ge [sflag:s14], $0x80  }
0x4a9: {  	[sflag:s14] =	ssyncset.done $0x0;
	s0 =	sadd.s32 $0xFFFFFFFF, s0  }
.LBB2_91:
0x4aa: {  	p1 =	sne.s32 s0, $0x1;
	s0 =	sadd.s32 $0xFFFFFFFF, s0;
	[sflag:s14] =	ssyncadd.s32 $0xFFFFFF80  }
.Ltmp69:
0x4ab: {  	(pc) =	sbr.rel @p1 .LBB2_91-.Ltmp69, $3  }
0x4ac: {  	_ =	sdelay $0x1  }
0x4ad: {  	_ =	swait.ge [sflag:s14], $0x80  }
0x4ae: {  	[sflag:s14] =	ssyncset.done $0x0  }
.Ltmp70:
0x4af: {  	_ = 	snop;
	(pc) =	sbr.rel .LBB2_92-.Ltmp70, $1  }
0x4b0: {  	_ =	sdelay $0x3  }
.LBB2_87:
0x4b1: {  	_ =	sdelay $0x3  }
0x4b2: {  	[tilespmem:v3+s22+$0x0] =	vst.idx.msk $0x1, v26  }
.LBB2_88:
0x4b3: {  	s4 =	sadd.s32 $0x1, s4  }
0x4b4: {  	p1 =	slt.s32 s4, s28  }
.Ltmp71:
0x4b5: {  	_ = 	snop;
	(pc) =	sbr.rel @!p1 .LBB2_89-.Ltmp71, $1  }
0x4b6: {  	_ =	sdelay $0x3  }
.LBB2_84:
0x4b7: {  	s1 =	sshll.u32 s4, $0x4  }
0x4b8: {  	v21 =	vld [tilespmem:s1+$0x0];
	_ =	sdelay $0x3  }
0x4b9: {  	v22 =	vor.u32 s1, v5  }
0x4ba: {  	vm1 =	vge.s32 v22, v19;
	vm3 =	vlt.s32 v22, v20;
	v21 =	vshra.s32 v21, $0x16  }
0x4bb: {  	vm1 =	vmand vm1, vm3;
	vm3 =	veq.s32 v21, v2  }
0x4bc: {  	vm1 =	vmand vm1, vm3  }
0x4bd: {  	v21 =	vmpcnt.ones.xlane vm1;
	_ =	sdelay $0x1  }
0x4be: {  	(v2sf) =	vpush v21, $0x0;
	_ =	sdelay $0xe  }
0x4bf: {  	s0 =	spop (v2sf)  }
0x4c0: {  	p1 =	slt.s32 s0, $0x1  }
.Ltmp72:
0x4c1: {  	_ = 	snop;
	(pc) =	sbr.rel @p1 .LBB2_88-.Ltmp72, $1  }
0x4c2: {  	_ =	sdelay $0x3  }
0x4c3: {  	v21 =	vld.msk [tilespmem:s22+$0x0], $0xffff;
	_ =	sdelay $0x4  }
0x4c4: {  	(v2sf) =	vpush v21, $0x0;
	_ =	sdelay $0x1  }
0x4c5: {  	v26 =	vmctz.xlane vm1  }
0x4c6: {  	v21 =	vmov s1  }
0x4c7: {  	v22 =	vadd.s32 v21, v26;
	_ =	sdelay $0x4  }
0x4c8: {  	v23 =	vld.idx.msk [tilespmem:v22+s5+$0x0], $0xffff;
	_ =	sdelay $0x4  }
0x4c9: {  	v22 =	vmul.u32 $0x80, v5;
	v24 =	vshrl.u32 v23, $0xE  }
0x4ca: {  	v27 =	vand.u32 $0xFF, v24;
	s29 =	spop (v2sf)  }
0x4cb: {  	v24 =	vadd.s32 v22, v27;
	p1 =	slt.s32 s29, $0x20  }
0x4cc: {  	(v2sf) =	vpush v23, $0x0;
	s2 =	simm.s32 @!p1 $0x6  }
0x4cd: {  	_ =	swait.ge @!p1 [sflag:s2], $0x80  }
0x4ce: {  	[sflag:s2] =	ssyncset.done @!p1 $0x0  }
0x4cf: {  	[sflag:s2] =	ssyncadd.s32 @!p1 $0xFFFFFF80  }
0x4d0: {  	v23 =	vor.u32 $0x800, v22;
	v24 =	vld.idx.msk [tilespmem:v24+s24+$0x0], $0xffff  }
0x4d1: {  	v25 =	vadd.s32 v23, v27;
	_ =	sdelay $0x1  }
0x4d2: {  	s30 =	sshll.u32 s29, $0x7  }
0x4d3: {  	s2 =	sand.u32 $0xF80, s30  }
0x4d4: {  	[tilespmem:s2+$0x1E100] =	vst v24  }
0x4d5: {  	v24 =	vor.u32 $0x1000, v22;
	v25 =	vld.idx.msk [tilespmem:v25+s24+$0x0], $0xffff  }
0x4d6: {  	v28 =	vadd.s32 v24, v27;
	_ =	sdelay $0x3  }
0x4d7: {  	[tilespmem:s2+$0x1E110] =	vst v25  }
0x4d8: {  	v25 =	vor.u32 $0x1800, v22;
	v28 =	vld.idx.msk [tilespmem:v28+s24+$0x0], $0xffff  }
0x4d9: {  	v27 =	vadd.s32 v25, v27;
	_ =	sdelay $0x3  }
0x4da: {  	[tilespmem:s2+$0x1E120] =	vst v28  }
0x4db: {  	s0 =	sadd.s32 $0xFFFFFFFF, s0;
	v27 =	vld.idx.msk [tilespmem:v27+s24+$0x0], $0xffff  }
0x4dc: {  	p1 =	sne.s32 s0, $0x0  }
.Ltmp73:
0x4dd: {  	s3 =	spop (v2sf);
	(pc) =	sbr.rel @!p1 .LBB2_87-.Ltmp73, $4  }
0x4de: {  	s3 =	sshll.u32 s3, $0x4  }
0x4df: {  	s3 =	sand.u32 $0x3FFF0, s3  }
0x4e0: {  	vm3 =	vne.s32 v26, v5;
	s1 =	sadd.s32 $0x1, s29;
	s7 =	sadd.s32 $0x1E100, s2;
	s31 =	sadd.s32 s6, s3;
	[tilespmem:s2+$0x1E130] =	vst v27  }
0x4e1: {  	vm1 =	vmand vm1, vm3;
	v26 =	vmov s1;
	[hbm4b:s31+s5] =	stream.linear.scatter [tilespmem:s7], [sflag:$0x6], $0x80, $0x38;
	[tilespmem:$0x1F200] =	vst v63  }
.LBB2_86:
0x4e2: {  	s0 =	sadd.s32 $0xFFFFFFFF, s0;
	[tilespmem:v3+s22+$0x0] =	vst.idx.msk $0x1, v26  }
0x4e3: {  	v26 =	vld.msk [tilespmem:s22+$0x0], $0xffff;
	p1 =	sne.s32 s0, $0x0;
	_ =	sdelay $0x4  }
0x4e4: {  	(v2sf) =	vpush v26, $0x0  }
0x4e5: {  	v26 =	vmctz.xlane vm1;
	_ =	sdelay $0x1  }
0x4e6: {  	v27 =	vadd.s32 v21, v26;
	vm3 =	vne.s32 v26, v5  }
0x4e7: {  	vm1 =	vmand vm1, vm3;
	_ =	sdelay $0x3  }
0x4e8: {  	v26 =	vld.idx.msk [tilespmem:v27+s5+$0x0], $0xffff;
	_ =	sdelay $0x5  }
0x4e9: {  	v27 =	vshrl.u32 v26, $0xE;
	(v2sf) =	vpush v26, $0x0  }
0x4ea: {  	v26 =	vand.u32 $0xFF, v27;
	s1 =	spop (v2sf)  }
0x4eb: {  	v27 =	vadd.s32 v22, v26;
	p2 =	slt.s32 s1, $0x20;
	s2 =	sshll.u32 s1, $0x7;
	s1 =	sadd.s32 $0x1, s1  }
0x4ec: {  	s3 =	simm.s32 @!p2 $0x6  }
0x4ed: {  	_ =	swait.ge @!p2 [sflag:s3], $0x80  }
0x4ee: {  	[sflag:s3] =	ssyncset.done @!p2 $0x0  }
0x4ef: {  	[sflag:s3] =	ssyncadd.s32 @!p2 $0xFFFFFF80  }
0x4f0: {  	v27 =	vld.idx.msk [tilespmem:v27+s24+$0x0], $0xffff;
	_ =	sdelay $0x1  }
0x4f1: {  	v28 =	vadd.s32 v23, v26;
	_ =	sdelay $0x2  }
0x4f2: {  	s2 =	sand.u32 $0xF80, s2  }
0x4f3: {  	[tilespmem:s2+$0x1E100] =	vst v27  }
0x4f4: {  	v27 =	vld.idx.msk [tilespmem:v28+s24+$0x0], $0xffff  }
0x4f5: {  	s3 =	spop (v2sf)  }
0x4f6: {  	v28 =	vadd.s32 v24, v26;
	s3 =	sshll.u32 s3, $0x4;
	_ =	sdelay $0x3  }
0x4f7: {  	[tilespmem:s2+$0x1E110] =	vst v27  }
0x4f8: {  	v27 =	vld.idx.msk [tilespmem:v28+s24+$0x0], $0xffff;
	_ =	sdelay $0x1  }
0x4f9: {  	v26 =	vadd.s32 v25, v26;
	_ =	sdelay $0x3  }
0x4fa: {  	[tilespmem:s2+$0x1E120] =	vst v27  }
0x4fb: {  	v26 =	vld.idx.msk [tilespmem:v26+s24+$0x0], $0xffff;
	_ =	sdelay $0x2  }
.Ltmp74:
0x4fc: {  	(pc) =	sbr.rel @p1 .LBB2_86-.Ltmp74, $4  }
0x4fd: {  	_ = 	snop  }
0x4fe: {  	s3 =	sand.u32 $0x3FFF0, s3  }
0x4ff: {  	s7 =	sadd.s32 $0x1E100, s2;
	[tilespmem:s2+$0x1E130] =	vst v26;
	s2 =	sadd.s32 s6, s3  }
0x500: {  	v26 =	vmov s1;
	[hbm4b:s2+s5] =	stream.linear.scatter [tilespmem:s7], [sflag:$0x6], $0x80, $0x38;
	[tilespmem:$0x1F200] =	vst v63  }
.Ltmp75:
0x501: {  	_ = 	snop;
	(pc) =	sbr.rel .LBB2_87-.Ltmp75, $1  }
0x502: {  	_ =	sdelay $0x3  }
.LBB2_5:
.Ltmp76:
0x503: {  	(pc) =	sbr.rel .LBB2_10-.Ltmp76, $3  }
0x504: {  	_ =	sdelay $0x1  }
0x505: {  	s3 =	simm.s32 $0x0;
	s2 =	simm.s32 $0x0  }
0x506: {  	p3 =	por $0x0, $0x0;
	s14 =	simm.s32 $0x6;
	s15 =	rddreg [dreg:$0xc]  }
.LBB2_11:
.Ltmp77:
0x507: {  	(pc) =	sbr.rel .LBB2_15-.Ltmp77, $2  }
0x508: {  	_ =	sdelay $0x2  }
0x509: {  	s3 =	simm.s32 $0x0;
	s1 =	smov.u32 s2  }
.LBB2_16:
.Ltmp78:
0x50a: {  	(pc) =	sbr.rel .LBB2_20-.Ltmp78, $2  }
0x50b: {  	_ =	sdelay $0x2  }
0x50c: {  	s4 =	simm.s32 $0x0;
	s3 =	smov.u32 s1;
	p3 =	por $0x0, $0x0  }
.LBB2_21:
.Ltmp79:
0x50d: {  	(pc) =	sbr.rel .LBB2_25-.Ltmp79, $2  }
0x50e: {  	_ =	sdelay $0x2  }
0x50f: {  	s2 =	simm.s32 $0x0;
	s1 =	smov.u32 s3  }
.LBB2_26:
.Ltmp80:
0x510: {  	(pc) =	sbr.rel .LBB2_30-.Ltmp80, $2  }
0x511: {  	_ =	sdelay $0x2  }
0x512: {  	s4 =	simm.s32 $0x0;
	s3 =	smov.u32 s1;
	p3 =	por $0x0, $0x0  }
.LBB2_31:
.Ltmp81:
0x513: {  	(pc) =	sbr.rel .LBB2_35-.Ltmp81, $2  }
0x514: {  	_ =	sdelay $0x2  }
0x515: {  	s2 =	simm.s32 $0x0;
	s1 =	smov.u32 s3  }
.LBB2_36:
.Ltmp82:
0x516: {  	(pc) =	sbr.rel .LBB2_40-.Ltmp82, $2  }
0x517: {  	_ =	sdelay $0x2  }
0x518: {  	s3 =	simm.s32 $0x0;
	s2 =	smov.u32 s0  }
.LBB2_41:
.Ltmp83:
0x519: {  	(pc) =	sbr.rel .LBB2_45-.Ltmp83, $2  }
0x51a: {  	_ =	sdelay $0x2  }
0x51b: {  	s3 =	simm.s32 $0x0;
	s2 =	smov.u32 s0  }
.LBB2_7:
.Ltmp84:
0x51c: {  	(pc) =	sbr.rel .LBB2_10-.Ltmp84, $3  }
0x51d: {  	_ =	sdelay $0x1  }
0x51e: {  	s3 =	simm.s32 $0x0  }
0x51f: {  	s2 =	simm.s32 $0x0;
	s14 =	simm.s32 $0x6;
	s15 =	rddreg [dreg:$0xc]  }
.LBB2_13:
.Ltmp85:
0x520: {  	(pc) =	sbr.rel .LBB2_15-.Ltmp85, $2  }
0x521: {  	_ =	sdelay $0x2  }
0x522: {  	s3 =	simm.s32 $0x0;
	s1 =	smov.u32 s2  }
.LBB2_18:
.Ltmp86:
0x523: {  	(pc) =	sbr.rel .LBB2_20-.Ltmp86, $2  }
0x524: {  	_ =	sdelay $0x2  }
0x525: {  	s4 =	simm.s32 $0x0;
	s3 =	smov.u32 s1  }
.LBB2_23:
.Ltmp87:
0x526: {  	(pc) =	sbr.rel .LBB2_25-.Ltmp87, $2  }
0x527: {  	_ =	sdelay $0x2  }
0x528: {  	s2 =	simm.s32 $0x0;
	s1 =	smov.u32 s3  }
.LBB2_28:
.Ltmp88:
0x529: {  	(pc) =	sbr.rel .LBB2_30-.Ltmp88, $2  }
0x52a: {  	_ =	sdelay $0x2  }
0x52b: {  	s4 =	simm.s32 $0x0;
	s3 =	smov.u32 s1  }
.LBB2_33:
.Ltmp89:
0x52c: {  	(pc) =	sbr.rel .LBB2_35-.Ltmp89, $2  }
0x52d: {  	_ =	sdelay $0x2  }
0x52e: {  	s2 =	simm.s32 $0x0;
	s1 =	smov.u32 s3  }
.LBB2_38:
.Ltmp90:
0x52f: {  	(pc) =	sbr.rel .LBB2_40-.Ltmp90, $2  }
0x530: {  	_ =	sdelay $0x2  }
0x531: {  	s3 =	simm.s32 $0x0;
	s2 =	smov.u32 s0  }
.LBB2_43:
.Ltmp91:
0x532: {  	(pc) =	sbr.rel .LBB2_45-.Ltmp91, $2  }
0x533: {  	_ =	sdelay $0x2  }
0x534: {  	s3 =	simm.s32 $0x0;
	s2 =	smov.u32 s0  }
.LBB2_94:
0x535: {  	_ =	sfence.sel $0x180000  }
0x536: {  	[bflag:$0x0] =	sbarrier.arrive $0xFFFF  }
0x537: {  	_ =	strace $0x90000047  }
0x538: {  	s0 =	stileid.u32;
	[bflag:$0x2] =	sbarrier.arrive $0xFFFF  }
0x539: {  	p0 =	sne.s32 s0, $0x0;
	s0 =	rddreg [dreg:$0x3]  }
0x53a: {  	s0 =	sadd.s32 @!p0 $0x100000, s0  }
0x53b: {  	[sflag:s0] =	ssyncadd.tile.s32 @!p0 $0x1;
	_ =	shalt  }
.Lfunc_end2:
_tile_overlayer_lowered:
.L_overlay_start_2:
0x53c: {  	(tag) =	ssettag $0x2  }
0x53d: {  	s0 =	rddreg [dreg:$0x0];
	s2 =	stileid.u32  }
0x53e: {  	s1 =	rddreg [dreg:$0x1];
	p0 =	sne.s32 s2, $0x0  }
0x53f: {  	s3 =	rddreg [dreg:$0x2];
	[bflag:$0x3] =	sbarrier.arrive $0xFFFF;
	s2 =	simm.s32 @!p0 $0x1C07  }
0x540: {  	[timem:s3], [sflag:s2] =	dma.local @!p0 [hbm:s0], s1  }
0x541: {  	s0 =	simm.s32 @!p0 $0x7  }
0x542: {  	_ =	swait.ge @!p0 [sflag:s0], s1  }
0x543: {  	s1 =	ssub.s32 @!p0 $0x0, s1;
	[sflag:s0] =	ssyncset.done @!p0 $0x0  }
0x544: {  	[sflag:s0] =	ssyncadd.s32 @!p0 s1  }
0x545: {  	[bflag:$0x3] =	sbarrier.arrive $0xFFFF  }
0x546: {  	_ =	shalt  }

</sc_bundles>
